<compile_context>
chip_gen: v7x
topology: tpu7x:2x2x1
jax: 0.10.2.dev20260603
libtpu: 0.0.44.dev20260713+nightly
codegen_flags: <defaults>
</compile_context>

<pallas_src>
import jax
import jax.numpy as jnp
from jax import lax
from jax.experimental import pallas as pl
from jax.experimental.pallas import tpu as pltpu
from jax.experimental.pallas import tpu_sc as plsc

_EMBED_DIM = 32
_BATCH = 16384
_ROWS = 1000000

_info = plsc.get_sparse_core_info()
_NC, _NS, _L = _info.num_cores, _info.num_subcores, _info.num_lanes
_NW = _NC * _NS
_CH = 1024
_CH_SHIFT = 10
_NBUF = 2
_NFULL = 976
_TAIL0 = _NFULL * _CH
_TAIL1 = _TAIL0 + 512
_TAIL1_LEN = _ROWS - _TAIL1
_IDX_VREGS = _BATCH // _L


def _body(idx_hbm, tt_hbm, tail_hbm, out_hbm, idx_v, rlist, blist, buf,
          slab, rowstage, sem_s, sem_o):
    sid = lax.axis_index("s")
    w = lax.axis_index("s") * _NC + lax.axis_index("c")
    pltpu.sync_copy(idx_hbm, idx_v)

    lane_iota = lax.iota(jnp.int32, _L)
    sentinel = jnp.full((_L,), jnp.int32(2**30), jnp.int32)

    plsc.store_scatter(rlist, [lane_iota], sentinel)

    def filt(i, base):
        v = idx_v[pl.ds(i * _L, _L)]
        mask = jnp.bitwise_and(
            lax.shift_right_logical(v, _CH_SHIFT), jnp.int32(_NW - 1)
        ) == jnp.full((_L,), jnp.int32(0), jnp.int32) + w
        mi = jnp.where(mask, jnp.int32(1), jnp.int32(0))
        rank = plsc.cumsum(mi) - 1
        pos = base + rank
        plsc.store_scatter(rlist, [pos], v, mask=mask)
        plsc.store_scatter(blist, [pos], lane_iota + i * _L, mask=mask)
        cnt = plsc.all_reduce_population_count(mask)
        new_base = base + cnt
        plsc.store_scatter(rlist, [new_base + lane_iota], sentinel)
        return new_base

    base = lax.fori_loop(
        0, _IDX_VREGS, filt, jnp.zeros((_L,), jnp.int32)
    )
    count = jnp.max(base)
    nv = (count + jnp.int32(_L - 1)) // jnp.int32(_L)

    def process_chunk(lb, clen, cbuf):
        def scan_list(q, _):
            r16 = rlist[pl.ds(q * _L, _L)]
            b16 = blist[pl.ds(q * _L, _L)]
            inm = jnp.logical_and(r16 >= lb, r16 < lb + clen)

            @pl.when(jnp.any(inm))
            def _():
                local = jnp.where(inm, r16 - lb, jnp.int32(0))
                for s in range(_EMBED_DIM):
                    svec = jnp.full((_L,), jnp.int32(s), jnp.int32)
                    vals = plsc.load_gather(cbuf, [svec, local])
                    plsc.store_scatter(rowstage, [lane_iota, svec], vals)
                bm = jnp.where(inm, b16, jnp.int32(-1))
                pltpu.async_copy(
                    rowstage,
                    out_hbm.at[plsc.Indices(bm, ignored_value=-1)],
                    sem_o,
                ).wait()

            return 0

        lax.fori_loop(0, nv, scan_list, 0)

    def valid(t):
        return (w + t * _NW) <= (_NFULL - 1)

    def lbof(t):
        return pl.multiple_of((w + t * _NW) * _CH, _CH)

    def fire(t, p):
        for g in range(4):
            pltpu.async_copy(
                tt_hbm.at[pl.ds(8 * g, 8), pl.ds(lbof(t), _CH)],
                slab.at[sid].at[pl.ds(8 * g, 8)],
                sem_s,
            )

    def drain(p):
        for g in range(4):
            pltpu.make_async_copy(
                tt_hbm.at[pl.ds(0, 8), pl.ds(0, _CH)],
                slab.at[sid].at[pl.ds(8 * g, 8)],
                sem_s,
            ).wait()

    def step(t, p):
        @pl.when(valid(t))
        def _():
            drain(p)
            process_chunk(lbof(t), jnp.int32(_CH), buf.at[0])

            @pl.when(valid(t + _NBUF))
            def _():
                fire(t + _NBUF, p)

    for p in range(_NBUF):
        fire(p, p)

    n_rounds_max = (_NFULL + _NW - 1) // _NW

    def ring(q, _):
        for k in range(_NBUF):
            step(q * _NBUF + k, k)
        return 0

    lax.fori_loop(0, (n_rounds_max + _NBUF - 1) // _NBUF, ring, 0)

    @pl.when(w == 16)
    def _():
        pltpu.sync_copy(tt_hbm.at[:, pl.ds(_TAIL0, 512)],
                        buf.at[0].at[:, pl.ds(0, 512)])
        process_chunk(jnp.int32(_TAIL0), jnp.int32(512), buf.at[0])
        pltpu.sync_copy(tail_hbm, buf.at[0].at[:, pl.ds(0, 128)])
        process_chunk(jnp.int32(_TAIL1), jnp.int32(_TAIL1_LEN), buf.at[0])


def kernel(num_group, table):
    idx = num_group.astype(jnp.int32)
    tt = table.T
    tail = jnp.pad(table[_TAIL1:], ((0, 128 - _TAIL1_LEN), (0, 0))).T
    k = pl.kernel(
        _body,
        out_type=jax.ShapeDtypeStruct((_BATCH, 128), jnp.float32),
        mesh=plsc.VectorSubcoreMesh(core_axis_name="c", subcore_axis_name="s"),
        scratch_types=[
            pltpu.VMEM((_BATCH,), jnp.int32),
            pltpu.VMEM((_BATCH + _L,), jnp.int32),
            pltpu.VMEM((_BATCH,), jnp.int32),
            pltpu.VMEM((1, _EMBED_DIM, _CH), jnp.float32),
            pltpu.VMEM_SHARED((_NS, _EMBED_DIM, _CH), jnp.float32),
            pltpu.VMEM((_L, 128), jnp.float32),
            pltpu.SemaphoreType.DMA,
            pltpu.SemaphoreType.DMA,
        ],
        compiler_params=pltpu.CompilerParams(
            use_tc_tiling_on_sc=True, needs_layout_passes=False
        ),
    )
    return k(idx, tt, tail)[:, :_EMBED_DIM]

# --- scband reference (transcript-rebuilt; emitter-appended) ---
"""Pipeline reference for scband-group-embedding-layer-20091857010791 (READ-ONLY COPY).

The authoritative reference and input builder live on the scoring server;
editing this copy changes nothing except your own understanding.
"""

import jax, jax.numpy as jnp
import numpy as np

NUM_GROUP = 1000000
EMBED_DIM = 32
BATCH = 16384

def setup_inputs(seed: int = 0) -> dict:
    key = jax.random.key(seed)
    k_idx, k_tab = jax.random.split(key)
    num_group = jax.random.randint(k_idx, (BATCH,), 0, NUM_GROUP, dtype=jnp.int64 if jax.config.jax_enable_x64 else jnp.int32)
    # nn.Embedding default init: N(0, 1)
    table = jax.random.normal(k_tab, (NUM_GROUP, EMBED_DIM), dtype=jnp.float32)
    return {"num_group": num_group, "table": table}

def reference(num_group, table):
    # group_embeds = self.groupEmbedding(num_group)
    group_embeds = jnp.take(table, num_group, axis=0)
    return group_embeds

if __name__ == "__main__":
    import jax
    _d = setup_inputs()
    print(jax.jit(kernel)(*tuple(_d.values())))

</pallas_src>

<mosaic_0001>
#map = affine_map<(d0, d1) -> (0)>
#map1 = affine_map<(d0, d1) -> (0, 0)>
module attributes {stable_mosaic.version = 14 : i64} {
  func.func @_body(%arg0: i32, %arg1: i32, %arg2: memref<16384xi32, #tpu.memory_space<hbm>>, %arg3: memref<32x1000000xf32, #tpu.memory_space<hbm>>, %arg4: memref<32x128xf32, #tpu.memory_space<hbm>>, %arg5: memref<16384x128xf32, #tpu.memory_space<hbm>>, %arg6: memref<16384xi32, #tpu.memory_space<vmem>>, %arg7: memref<16400xi32, #tpu.memory_space<vmem>>, %arg8: memref<16384xi32, #tpu.memory_space<vmem>>, %arg9: memref<1x32x1024xf32, #tpu.memory_space<vmem>>, %arg10: memref<16x32x1024xf32, #tpu.memory_space<vmem_shared>>, %arg11: memref<16x128xf32, #tpu.memory_space<vmem>>, %arg12: memref<!tpu.dma_semaphore, #tpu.memory_space<semaphore_mem>>, %arg13: memref<!tpu.dma_semaphore, #tpu.memory_space<semaphore_mem>>) attributes {dimension_semantics = [#tpu.dimension_semantics<core_parallel>, #tpu.dimension_semantics<subcore_parallel>], iteration_bounds = array<i64: 2, 16>, scalar_prefetch = 0 : i64, scratch_operands = 8 : i64, tpu.core_type = #tpu.core_type<sc_vector_subcore>, window_params = [{transform_indices = #map}, {transform_indices = #map1}, {transform_indices = #map1}, {transform_indices = #map1}]} {
    %mul3A = arith.constant 2 : i32
    %mul3A_0 = arith.muli %arg1, %mul3A : i32
    %add3A = arith.addi %mul3A_0, %arg0 : i32
    "tpu.region"() ({
      %run_scoped3A = tpu.sem_alloc : memref<!tpu.dma_semaphore, #tpu.memory_space<semaphore_mem>>
      tpu.enqueue_dma source(%arg2 : memref<16384xi32, #tpu.memory_space<hbm>>) target(%arg6 : memref<16384xi32, #tpu.memory_space<vmem>>) target_semaphore(%run_scoped3A : memref<!tpu.dma_semaphore, #tpu.memory_space<semaphore_mem>>)
      tpu.wait_dma2 semaphore(%run_scoped3A : memref<!tpu.dma_semaphore, #tpu.memory_space<semaphore_mem>>) src(%arg2 : memref<16384xi32, #tpu.memory_space<hbm>>) dst(%arg6 : memref<16384xi32, #tpu.memory_space<vmem>>)
      tpu.yield
    }) : () -> ()
    %iota3A = tpu.iota {dimensions = array<i32: 0>} : vector<16xi32>
    %broadcast_in_dim3A = arith.constant 1073741824 : i32
    %broadcast_in_dim3A_1 = vector.broadcast %broadcast_in_dim3A : i32 to vector<16xi32>
    tpu.vector_store_idx %arg7[%iota3A], %broadcast_in_dim3A_1 : memref<16400xi32, #tpu.memory_space<vmem>>[vector<16xi32>], vector<16xi32>,
    %broadcast_in_dim3A_2 = arith.constant 0 : i32
    %broadcast_in_dim3A_3 = vector.broadcast %broadcast_in_dim3A_2 : i32 to vector<16xi32>
    %scan3A = arith.constant 0 : i32
    %scan3A_4 = arith.constant 1024 : i32
    %scan3A_5 = arith.addi %scan3A, %scan3A_4 : i32
    %scan3A_6 = arith.constant 1 : i32
    %scan3A_7 = scf.for %scan3A_153 = %scan3A to %scan3A_5 step %scan3A_6 iter_args(%scan3A_154 = %broadcast_in_dim3A_3) -> (vector<16xi32>)  : i32 {
      %mul3A_155 = arith.constant 16 : i32
      %mul3A_156 = arith.muli %scan3A_153, %mul3A_155 : i32
      %get3A = arith.index_cast %mul3A_156 : i32 to index
      %get3A_157 = tpu.vector_load %arg6[%get3A] {strides = array<i32>} : memref<16384xi32, #tpu.memory_space<vmem>>, vector<16xi32>,
      %shift_right_logical3A = arith.constant 10 : i32
      %shift_right_logical3A_158 = vector.broadcast %shift_right_logical3A : i32 to vector<16xi32>
      %shift_right_logical3A_159 = arith.shrui %get3A_157, %shift_right_logical3A_158 : vector<16xi32>
      %and3A_160 = arith.constant 31 : i32
      %and3A_161 = vector.broadcast %and3A_160 : i32 to vector<16xi32>
      %and3A_162 = arith.andi %shift_right_logical3A_159, %and3A_161 : vector<16xi32>
      %broadcast_in_dim3A_163 = arith.constant 0 : i32
      %broadcast_in_dim3A_164 = vector.broadcast %broadcast_in_dim3A_163 : i32 to vector<16xi32>
      %add3A_165 = vector.broadcast %add3A : i32 to vector<16xi32>
      %add3A_166 = arith.addi %broadcast_in_dim3A_164, %add3A_165 : vector<16xi32>
      %eq3A_167 = arith.cmpi eq, %and3A_162, %add3A_166 : vector<16xi32>
      %jit3A_168 = arith.constant 1 : i32
      %jit3A_169 = arith.constant 0 : i32
      %broadcast_in_dim3A_170 = vector.broadcast %jit3A_168 : i32 to vector<16xi32>
      %broadcast_in_dim3A_171 = vector.broadcast %jit3A_169 : i32 to vector<16xi32>
      %select_n3A_172 = arith.select %eq3A_167, %broadcast_in_dim3A_170, %broadcast_in_dim3A_171 : vector<16xi1>, vector<16xi32>
      %broadcast_in_dim3A_173 = arith.constant true
      %broadcast_in_dim3A_174 = vector.broadcast %broadcast_in_dim3A_173 : i1 to vector<16xi1>
      %masked_cumsum3A = tpu.scan <sum>, %select_n3A_172 masked %broadcast_in_dim3A_174 : vector<16xi32>, vector<16xi1> -> vector<16xi32>
      %sub3A_175 = arith.constant 1 : i32
      %sub3A_176 = vector.broadcast %sub3A_175 : i32 to vector<16xi32>
      %sub3A_177 = arith.subi %masked_cumsum3A, %sub3A_176 : vector<16xi32>
      %add3A_178 = arith.addi %scan3A_154, %sub3A_177 : vector<16xi32>
      tpu.vector_store_idx %arg7[%add3A_178], %get3A_157 masked %eq3A_167 : memref<16400xi32, #tpu.memory_space<vmem>>[vector<16xi32>], vector<16xi32>, vector<16xi1>
      %mul3A_179 = arith.constant 16 : i32
      %mul3A_180 = arith.muli %scan3A_153, %mul3A_179 : i32
      %add3A_181 = vector.broadcast %mul3A_180 : i32 to vector<16xi32>
      %add3A_182 = arith.addi %iota3A, %add3A_181 : vector<16xi32>
      tpu.vector_store_idx %arg8[%add3A_178], %add3A_182 masked %eq3A_167 : memref<16384xi32, #tpu.memory_space<vmem>>[vector<16xi32>], vector<16xi32>, vector<16xi1>
      %all_reduce_population_count3A = tpu.all_reduce %eq3A_167 {dim = 0 : i64, kind = #tpu.reduction_kind<sum>} : vector<16xi1> -> vector<16xi32>
      %add3A_183 = arith.addi %scan3A_154, %all_reduce_population_count3A : vector<16xi32>
      %add3A_184 = arith.addi %add3A_183, %iota3A : vector<16xi32>
      tpu.vector_store_idx %arg7[%add3A_184], %broadcast_in_dim3A_1 : memref<16400xi32, #tpu.memory_space<vmem>>[vector<16xi32>], vector<16xi32>,
      scf.yield %add3A_183 : vector<16xi32>
    }
    %scan3A_8 = arith.constant 1024 : i32
    %reduce_max3A = arith.constant true
    %reduce_max3A_9 = vector.broadcast %reduce_max3A : i1 to vector<16xi1>
    %reduce_max3A_10 = arith.constant -2147483648 : i32
    %reduce_max3A_11 = vector.broadcast %reduce_max3A_10 : i32 to vector<16xi32>
    %reduce_max3A_12 = arith.xori %scan3A_7, %reduce_max3A_11 : vector<16xi32>
    %reduce_max3A_13 = tpu.scan <max>, %reduce_max3A_12 masked %reduce_max3A_9 : vector<16xi32>, vector<16xi1> -> vector<16xi32>
    %reduce_max3A_14 = arith.xori %reduce_max3A_13, %reduce_max3A_11 : vector<16xi32>
    %reduce_max3A_15 = vector.extract %reduce_max3A_14[15] : i32 from vector<16xi32>
    %add3A_16 = arith.constant 15 : i32
    %add3A_17 = arith.addi %reduce_max3A_15, %add3A_16 : i32
    %jit3A = arith.constant 16 : i32
    %div3A = arith.divsi %add3A_17, %jit3A : i32
    %sign3A = arith.constant 0 : i32
    %sign3A_18 = arith.cmpi sgt, %add3A_17, %sign3A : i32
    %sign3A_19 = arith.extui %sign3A_18 : i1 to i32
    %sign3A_20 = arith.constant 0 : i32
    %sign3A_21 = arith.cmpi slt, %add3A_17, %sign3A_20 : i32
    %sign3A_22 = arith.extui %sign3A_21 : i1 to i32
    %sign3A_23 = arith.subi %sign3A_19, %sign3A_22 : i32
    %sign3A_24 = arith.constant 0 : i32
    %sign3A_25 = arith.cmpi sgt, %jit3A, %sign3A_24 : i32
    %sign3A_26 = arith.extui %sign3A_25 : i1 to i32
    %sign3A_27 = arith.constant 0 : i32
    %sign3A_28 = arith.cmpi slt, %jit3A, %sign3A_27 : i32
    %sign3A_29 = arith.extui %sign3A_28 : i1 to i32
    %sign3A_30 = arith.subi %sign3A_26, %sign3A_29 : i32
    %ne3A = arith.cmpi ne, %sign3A_23, %sign3A_30 : i32
    %rem3A = arith.remsi %add3A_17, %jit3A : i32
    %ne3A_31 = arith.constant 0 : i32
    %ne3A_32 = arith.cmpi ne, %rem3A, %ne3A_31 : i32
    %and3A = arith.andi %ne3A, %ne3A_32 : i1
    %sub3A = arith.constant 1 : i32
    %sub3A_33 = arith.subi %div3A, %sub3A : i32
    %select_n3A = arith.select %and3A, %sub3A_33, %div3A : i32
    %add3A_34 = arith.constant 0 : i32
    %add3A_35 = arith.addi %add3A, %add3A_34 : i32
    %mul3A_36 = arith.constant 1024 : i32
    %mul3A_37 = arith.muli %add3A_35, %mul3A_36 : i32
    %multiple_of3A = tpu.assume_multiple %mul3A_37, 1024 : i32
    %dma_start3A = arith.constant 0 : i32
    %dma_start3A_38 = arith.constant 0 : i32
    %dma_start3A_39 = tpu.memref_slice %arg10[%arg1, %dma_start3A, %dma_start3A_38] : memref<16x32x1024xf32, #tpu.memory_space<vmem_shared>> -> memref<1x32x1024xf32, #tpu.memory_space<vmem_shared>>
    %dma_start3A_40 = tpu.memref_squeeze %dma_start3A_39 : memref<1x32x1024xf32, #tpu.memory_space<vmem_shared>> -> memref<32x1024xf32, #tpu.memory_space<vmem_shared>>
    %dma_start3A_41 = arith.constant 0 : i32
    %dma_start3A_42 = arith.constant 0 : i32
    %dma_start3A_43 = tpu.memref_slice %dma_start3A_40[%dma_start3A_41, %dma_start3A_42] : memref<32x1024xf32, #tpu.memory_space<vmem_shared>> -> memref<8x1024xf32, #tpu.memory_space<vmem_shared>>
    %dma_start3A_44 = arith.constant 0 : i32
    %dma_start3A_45 = tpu.memref_slice %arg3[%dma_start3A_44, %multiple_of3A] : memref<32x1000000xf32, #tpu.memory_space<hbm>> -> memref<8x1024xf32, #tpu.memory_space<hbm>>
    tpu.enqueue_dma source(%dma_start3A_45 : memref<8x1024xf32, #tpu.memory_space<hbm>>) target(%dma_start3A_43 : memref<8x1024xf32, #tpu.memory_space<vmem_shared>>) target_semaphore(%arg12 : memref<!tpu.dma_semaphore, #tpu.memory_space<semaphore_mem>>)
    %add3A_46 = arith.constant 0 : i32
    %add3A_47 = arith.addi %add3A, %add3A_46 : i32
    %mul3A_48 = arith.constant 1024 : i32
    %mul3A_49 = arith.muli %add3A_47, %mul3A_48 : i32
    %multiple_of3A_50 = tpu.assume_multiple %mul3A_49, 1024 : i32
    %dma_start3A_51 = arith.constant 0 : i32
    %dma_start3A_52 = arith.constant 0 : i32
    %dma_start3A_53 = tpu.memref_slice %arg10[%arg1, %dma_start3A_51, %dma_start3A_52] : memref<16x32x1024xf32, #tpu.memory_space<vmem_shared>> -> memref<1x32x1024xf32, #tpu.memory_space<vmem_shared>>
    %dma_start3A_54 = tpu.memref_squeeze %dma_start3A_53 : memref<1x32x1024xf32, #tpu.memory_space<vmem_shared>> -> memref<32x1024xf32, #tpu.memory_space<vmem_shared>>
    %dma_start3A_55 = arith.constant 8 : i32
    %dma_start3A_56 = arith.constant 0 : i32
    %dma_start3A_57 = tpu.memref_slice %dma_start3A_54[%dma_start3A_55, %dma_start3A_56] : memref<32x1024xf32, #tpu.memory_space<vmem_shared>> -> memref<8x1024xf32, #tpu.memory_space<vmem_shared>>
    %dma_start3A_58 = arith.constant 8 : i32
    %dma_start3A_59 = tpu.memref_slice %arg3[%dma_start3A_58, %multiple_of3A_50] : memref<32x1000000xf32, #tpu.memory_space<hbm>> -> memref<8x1024xf32, #tpu.memory_space<hbm>>
    tpu.enqueue_dma source(%dma_start3A_59 : memref<8x1024xf32, #tpu.memory_space<hbm>>) target(%dma_start3A_57 : memref<8x1024xf32, #tpu.memory_space<vmem_shared>>) target_semaphore(%arg12 : memref<!tpu.dma_semaphore, #tpu.memory_space<semaphore_mem>>)
    %add3A_60 = arith.constant 0 : i32
    %add3A_61 = arith.addi %add3A, %add3A_60 : i32
    %mul3A_62 = arith.constant 1024 : i32
    %mul3A_63 = arith.muli %add3A_61, %mul3A_62 : i32
    %multiple_of3A_64 = tpu.assume_multiple %mul3A_63, 1024 : i32
    %dma_start3A_65 = arith.constant 0 : i32
    %dma_start3A_66 = arith.constant 0 : i32
    %dma_start3A_67 = tpu.memref_slice %arg10[%arg1, %dma_start3A_65, %dma_start3A_66] : memref<16x32x1024xf32, #tpu.memory_space<vmem_shared>> -> memref<1x32x1024xf32, #tpu.memory_space<vmem_shared>>
    %dma_start3A_68 = tpu.memref_squeeze %dma_start3A_67 : memref<1x32x1024xf32, #tpu.memory_space<vmem_shared>> -> memref<32x1024xf32, #tpu.memory_space<vmem_shared>>
    %dma_start3A_69 = arith.constant 16 : i32
    %dma_start3A_70 = arith.constant 0 : i32
    %dma_start3A_71 = tpu.memref_slice %dma_start3A_68[%dma_start3A_69, %dma_start3A_70] : memref<32x1024xf32, #tpu.memory_space<vmem_shared>> -> memref<8x1024xf32, #tpu.memory_space<vmem_shared>>
    %dma_start3A_72 = arith.constant 16 : i32
    %dma_start3A_73 = tpu.memref_slice %arg3[%dma_start3A_72, %multiple_of3A_64] : memref<32x1000000xf32, #tpu.memory_space<hbm>> -> memref<8x1024xf32, #tpu.memory_space<hbm>>
    tpu.enqueue_dma source(%dma_start3A_73 : memref<8x1024xf32, #tpu.memory_space<hbm>>) target(%dma_start3A_71 : memref<8x1024xf32, #tpu.memory_space<vmem_shared>>) target_semaphore(%arg12 : memref<!tpu.dma_semaphore, #tpu.memory_space<semaphore_mem>>)
    %add3A_74 = arith.constant 0 : i32
    %add3A_75 = arith.addi %add3A, %add3A_74 : i32
    %mul3A_76 = arith.constant 1024 : i32
    %mul3A_77 = arith.muli %add3A_75, %mul3A_76 : i32
    %multiple_of3A_78 = tpu.assume_multiple %mul3A_77, 1024 : i32
    %dma_start3A_79 = arith.constant 0 : i32
    %dma_start3A_80 = arith.constant 0 : i32
    %dma_start3A_81 = tpu.memref_slice %arg10[%arg1, %dma_start3A_79, %dma_start3A_80] : memref<16x32x1024xf32, #tpu.memory_space<vmem_shared>> -> memref<1x32x1024xf32, #tpu.memory_space<vmem_shared>>
    %dma_start3A_82 = tpu.memref_squeeze %dma_start3A_81 : memref<1x32x1024xf32, #tpu.memory_space<vmem_shared>> -> memref<32x1024xf32, #tpu.memory_space<vmem_shared>>
    %dma_start3A_83 = arith.constant 24 : i32
    %dma_start3A_84 = arith.constant 0 : i32
    %dma_start3A_85 = tpu.memref_slice %dma_start3A_82[%dma_start3A_83, %dma_start3A_84] : memref<32x1024xf32, #tpu.memory_space<vmem_shared>> -> memref<8x1024xf32, #tpu.memory_space<vmem_shared>>
    %dma_start3A_86 = arith.constant 24 : i32
    %dma_start3A_87 = tpu.memref_slice %arg3[%dma_start3A_86, %multiple_of3A_78] : memref<32x1000000xf32, #tpu.memory_space<hbm>> -> memref<8x1024xf32, #tpu.memory_space<hbm>>
    tpu.enqueue_dma source(%dma_start3A_87 : memref<8x1024xf32, #tpu.memory_space<hbm>>) target(%dma_start3A_85 : memref<8x1024xf32, #tpu.memory_space<vmem_shared>>) target_semaphore(%arg12 : memref<!tpu.dma_semaphore, #tpu.memory_space<semaphore_mem>>)
    %add3A_88 = arith.constant 32 : i32
    %add3A_89 = arith.addi %add3A, %add3A_88 : i32
    %mul3A_90 = arith.constant 1024 : i32
    %mul3A_91 = arith.muli %add3A_89, %mul3A_90 : i32
    %multiple_of3A_92 = tpu.assume_multiple %mul3A_91, 1024 : i32
    %dma_start3A_93 = arith.constant 0 : i32
    %dma_start3A_94 = arith.constant 0 : i32
    %dma_start3A_95 = tpu.memref_slice %arg10[%arg1, %dma_start3A_93, %dma_start3A_94] : memref<16x32x1024xf32, #tpu.memory_space<vmem_shared>> -> memref<1x32x1024xf32, #tpu.memory_space<vmem_shared>>
    %dma_start3A_96 = tpu.memref_squeeze %dma_start3A_95 : memref<1x32x1024xf32, #tpu.memory_space<vmem_shared>> -> memref<32x1024xf32, #tpu.memory_space<vmem_shared>>
    %dma_start3A_97 = arith.constant 0 : i32
    %dma_start3A_98 = arith.constant 0 : i32
    %dma_start3A_99 = tpu.memref_slice %dma_start3A_96[%dma_start3A_97, %dma_start3A_98] : memref<32x1024xf32, #tpu.memory_space<vmem_shared>> -> memref<8x1024xf32, #tpu.memory_space<vmem_shared>>
    %dma_start3A_100 = arith.constant 0 : i32
    %dma_start3A_101 = tpu.memref_slice %arg3[%dma_start3A_100, %multiple_of3A_92] : memref<32x1000000xf32, #tpu.memory_space<hbm>> -> memref<8x1024xf32, #tpu.memory_space<hbm>>
    tpu.enqueue_dma source(%dma_start3A_101 : memref<8x1024xf32, #tpu.memory_space<hbm>>) target(%dma_start3A_99 : memref<8x1024xf32, #tpu.memory_space<vmem_shared>>) target_semaphore(%arg12 : memref<!tpu.dma_semaphore, #tpu.memory_space<semaphore_mem>>)
    %add3A_102 = arith.constant 32 : i32
    %add3A_103 = arith.addi %add3A, %add3A_102 : i32
    %mul3A_104 = arith.constant 1024 : i32
    %mul3A_105 = arith.muli %add3A_103, %mul3A_104 : i32
    %multiple_of3A_106 = tpu.assume_multiple %mul3A_105, 1024 : i32
    %dma_start3A_107 = arith.constant 0 : i32
    %dma_start3A_108 = arith.constant 0 : i32
    %dma_start3A_109 = tpu.memref_slice %arg10[%arg1, %dma_start3A_107, %dma_start3A_108] : memref<16x32x1024xf32, #tpu.memory_space<vmem_shared>> -> memref<1x32x1024xf32, #tpu.memory_space<vmem_shared>>
    %dma_start3A_110 = tpu.memref_squeeze %dma_start3A_109 : memref<1x32x1024xf32, #tpu.memory_space<vmem_shared>> -> memref<32x1024xf32, #tpu.memory_space<vmem_shared>>
    %dma_start3A_111 = arith.constant 8 : i32
    %dma_start3A_112 = arith.constant 0 : i32
    %dma_start3A_113 = tpu.memref_slice %dma_start3A_110[%dma_start3A_111, %dma_start3A_112] : memref<32x1024xf32, #tpu.memory_space<vmem_shared>> -> memref<8x1024xf32, #tpu.memory_space<vmem_shared>>
    %dma_start3A_114 = arith.constant 8 : i32
    %dma_start3A_115 = tpu.memref_slice %arg3[%dma_start3A_114, %multiple_of3A_106] : memref<32x1000000xf32, #tpu.memory_space<hbm>> -> memref<8x1024xf32, #tpu.memory_space<hbm>>
    tpu.enqueue_dma source(%dma_start3A_115 : memref<8x1024xf32, #tpu.memory_space<hbm>>) target(%dma_start3A_113 : memref<8x1024xf32, #tpu.memory_space<vmem_shared>>) target_semaphore(%arg12 : memref<!tpu.dma_semaphore, #tpu.memory_space<semaphore_mem>>)
    %add3A_116 = arith.constant 32 : i32
    %add3A_117 = arith.addi %add3A, %add3A_116 : i32
    %mul3A_118 = arith.constant 1024 : i32
    %mul3A_119 = arith.muli %add3A_117, %mul3A_118 : i32
    %multiple_of3A_120 = tpu.assume_multiple %mul3A_119, 1024 : i32
    %dma_start3A_121 = arith.constant 0 : i32
    %dma_start3A_122 = arith.constant 0 : i32
    %dma_start3A_123 = tpu.memref_slice %arg10[%arg1, %dma_start3A_121, %dma_start3A_122] : memref<16x32x1024xf32, #tpu.memory_space<vmem_shared>> -> memref<1x32x1024xf32, #tpu.memory_space<vmem_shared>>
    %dma_start3A_124 = tpu.memref_squeeze %dma_start3A_123 : memref<1x32x1024xf32, #tpu.memory_space<vmem_shared>> -> memref<32x1024xf32, #tpu.memory_space<vmem_shared>>
    %dma_start3A_125 = arith.constant 16 : i32
    %dma_start3A_126 = arith.constant 0 : i32
    %dma_start3A_127 = tpu.memref_slice %dma_start3A_124[%dma_start3A_125, %dma_start3A_126] : memref<32x1024xf32, #tpu.memory_space<vmem_shared>> -> memref<8x1024xf32, #tpu.memory_space<vmem_shared>>
    %dma_start3A_128 = arith.constant 16 : i32
    %dma_start3A_129 = tpu.memref_slice %arg3[%dma_start3A_128, %multiple_of3A_120] : memref<32x1000000xf32, #tpu.memory_space<hbm>> -> memref<8x1024xf32, #tpu.memory_space<hbm>>
    tpu.enqueue_dma source(%dma_start3A_129 : memref<8x1024xf32, #tpu.memory_space<hbm>>) target(%dma_start3A_127 : memref<8x1024xf32, #tpu.memory_space<vmem_shared>>) target_semaphore(%arg12 : memref<!tpu.dma_semaphore, #tpu.memory_space<semaphore_mem>>)
    %add3A_130 = arith.constant 32 : i32
    %add3A_131 = arith.addi %add3A, %add3A_130 : i32
    %mul3A_132 = arith.constant 1024 : i32
    %mul3A_133 = arith.muli %add3A_131, %mul3A_132 : i32
    %multiple_of3A_134 = tpu.assume_multiple %mul3A_133, 1024 : i32
    %dma_start3A_135 = arith.constant 0 : i32
    %dma_start3A_136 = arith.constant 0 : i32
    %dma_start3A_137 = tpu.memref_slice %arg10[%arg1, %dma_start3A_135, %dma_start3A_136] : memref<16x32x1024xf32, #tpu.memory_space<vmem_shared>> -> memref<1x32x1024xf32, #tpu.memory_space<vmem_shared>>
    %dma_start3A_138 = tpu.memref_squeeze %dma_start3A_137 : memref<1x32x1024xf32, #tpu.memory_space<vmem_shared>> -> memref<32x1024xf32, #tpu.memory_space<vmem_shared>>
    %dma_start3A_139 = arith.constant 24 : i32
    %dma_start3A_140 = arith.constant 0 : i32
    %dma_start3A_141 = tpu.memref_slice %dma_start3A_138[%dma_start3A_139, %dma_start3A_140] : memref<32x1024xf32, #tpu.memory_space<vmem_shared>> -> memref<8x1024xf32, #tpu.memory_space<vmem_shared>>
    %dma_start3A_142 = arith.constant 24 : i32
    %dma_start3A_143 = tpu.memref_slice %arg3[%dma_start3A_142, %multiple_of3A_134] : memref<32x1000000xf32, #tpu.memory_space<hbm>> -> memref<8x1024xf32, #tpu.memory_space<hbm>>
    tpu.enqueue_dma source(%dma_start3A_143 : memref<8x1024xf32, #tpu.memory_space<hbm>>) target(%dma_start3A_141 : memref<8x1024xf32, #tpu.memory_space<vmem_shared>>) target_semaphore(%arg12 : memref<!tpu.dma_semaphore, #tpu.memory_space<semaphore_mem>>)
    %scan3A_144 = arith.constant 0 : i32
    %scan3A_145 = arith.constant 0 : i32
    %scan3A_146 = arith.constant 16 : i32
    %scan3A_147 = arith.addi %scan3A_145, %scan3A_146 : i32
    %scan3A_148 = arith.constant 1 : i32
    %scan3A_149 = scf.for %scan3A_153 = %scan3A_145 to %scan3A_147 step %scan3A_148 iter_args(%scan3A_154 = %scan3A_144) -> (i32)  : i32 {
      %mul3A_155 = arith.constant 2 : i32
      %mul3A_156 = arith.muli %scan3A_153, %mul3A_155 : i32
      %add3A_157 = arith.constant 0 : i32
      %add3A_158 = arith.addi %mul3A_156, %add3A_157 : i32
      %mul3A_159 = arith.constant 32 : i32
      %mul3A_160 = arith.muli %add3A_158, %mul3A_159 : i32
      %add3A_161 = arith.addi %add3A, %mul3A_160 : i32
      %le3A = arith.constant 975 : i32
      %le3A_162 = arith.cmpi sle, %add3A_161, %le3A : i32
      %convert_element_type3A_163 = arith.extui %le3A_162 : i1 to i32
      %cond3A_164 = arith.constant 0 : i32
      %cond3A_165 = arith.cmpi ne, %convert_element_type3A_163, %cond3A_164 : i32
      scf.if %cond3A_165 {
        %dma_wait3A = arith.constant 0 : i32
        %dma_wait3A_179 = arith.constant 0 : i32
        %dma_wait3A_180 = tpu.memref_slice %arg10[%arg1, %dma_wait3A, %dma_wait3A_179] : memref<16x32x1024xf32, #tpu.memory_space<vmem_shared>> -> memref<1x32x1024xf32, #tpu.memory_space<vmem_shared>>
        %dma_wait3A_181 = tpu.memref_squeeze %dma_wait3A_180 : memref<1x32x1024xf32, #tpu.memory_space<vmem_shared>> -> memref<32x1024xf32, #tpu.memory_space<vmem_shared>>
        %dma_wait3A_182 = arith.constant 0 : i32
        %dma_wait3A_183 = arith.constant 0 : i32
        %dma_wait3A_184 = tpu.memref_slice %dma_wait3A_181[%dma_wait3A_182, %dma_wait3A_183] : memref<32x1024xf32, #tpu.memory_space<vmem_shared>> -> memref<8x1024xf32, #tpu.memory_space<vmem_shared>>
        %dma_wait3A_185 = arith.constant 0 : i32
        %dma_wait3A_186 = arith.constant 0 : i32
        %dma_wait3A_187 = tpu.memref_slice %arg3[%dma_wait3A_185, %dma_wait3A_186] : memref<32x1000000xf32, #tpu.memory_space<hbm>> -> memref<8x1024xf32, #tpu.memory_space<hbm>>
        tpu.wait_dma2 semaphore(%arg12 : memref<!tpu.dma_semaphore, #tpu.memory_space<semaphore_mem>>) src(%dma_wait3A_187 : memref<8x1024xf32, #tpu.memory_space<hbm>>) dst(%dma_wait3A_184 : memref<8x1024xf32, #tpu.memory_space<vmem_shared>>)
        %dma_wait3A_188 = arith.constant 0 : i32
        %dma_wait3A_189 = arith.constant 0 : i32
        %dma_wait3A_190 = tpu.memref_slice %arg10[%arg1, %dma_wait3A_188, %dma_wait3A_189] : memref<16x32x1024xf32, #tpu.memory_space<vmem_shared>> -> memref<1x32x1024xf32, #tpu.memory_space<vmem_shared>>
        %dma_wait3A_191 = tpu.memref_squeeze %dma_wait3A_190 : memref<1x32x1024xf32, #tpu.memory_space<vmem_shared>> -> memref<32x1024xf32, #tpu.memory_space<vmem_shared>>
        %dma_wait3A_192 = arith.constant 8 : i32
        %dma_wait3A_193 = arith.constant 0 : i32
        %dma_wait3A_194 = tpu.memref_slice %dma_wait3A_191[%dma_wait3A_192, %dma_wait3A_193] : memref<32x1024xf32, #tpu.memory_space<vmem_shared>> -> memref<8x1024xf32, #tpu.memory_space<vmem_shared>>
        %dma_wait3A_195 = arith.constant 0 : i32
        %dma_wait3A_196 = arith.constant 0 : i32
        %dma_wait3A_197 = tpu.memref_slice %arg3[%dma_wait3A_195, %dma_wait3A_196] : memref<32x1000000xf32, #tpu.memory_space<hbm>> -> memref<8x1024xf32, #tpu.memory_space<hbm>>
        tpu.wait_dma2 semaphore(%arg12 : memref<!tpu.dma_semaphore, #tpu.memory_space<semaphore_mem>>) src(%dma_wait3A_197 : memref<8x1024xf32, #tpu.memory_space<hbm>>) dst(%dma_wait3A_194 : memref<8x1024xf32, #tpu.memory_space<vmem_shared>>)
        %dma_wait3A_198 = arith.constant 0 : i32
        %dma_wait3A_199 = arith.constant 0 : i32
        %dma_wait3A_200 = tpu.memref_slice %arg10[%arg1, %dma_wait3A_198, %dma_wait3A_199] : memref<16x32x1024xf32, #tpu.memory_space<vmem_shared>> -> memref<1x32x1024xf32, #tpu.memory_space<vmem_shared>>
        %dma_wait3A_201 = tpu.memref_squeeze %dma_wait3A_200 : memref<1x32x1024xf32, #tpu.memory_space<vmem_shared>> -> memref<32x1024xf32, #tpu.memory_space<vmem_shared>>
        %dma_wait3A_202 = arith.constant 16 : i32
        %dma_wait3A_203 = arith.constant 0 : i32
        %dma_wait3A_204 = tpu.memref_slice %dma_wait3A_201[%dma_wait3A_202, %dma_wait3A_203] : memref<32x1024xf32, #tpu.memory_space<vmem_shared>> -> memref<8x1024xf32, #tpu.memory_space<vmem_shared>>
        %dma_wait3A_205 = arith.constant 0 : i32
        %dma_wait3A_206 = arith.constant 0 : i32
        %dma_wait3A_207 = tpu.memref_slice %arg3[%dma_wait3A_205, %dma_wait3A_206] : memref<32x1000000xf32, #tpu.memory_space<hbm>> -> memref<8x1024xf32, #tpu.memory_space<hbm>>
        tpu.wait_dma2 semaphore(%arg12 : memref<!tpu.dma_semaphore, #tpu.memory_space<semaphore_mem>>) src(%dma_wait3A_207 : memref<8x1024xf32, #tpu.memory_space<hbm>>) dst(%dma_wait3A_204 : memref<8x1024xf32, #tpu.memory_space<vmem_shared>>)
        %dma_wait3A_208 = arith.constant 0 : i32
        %dma_wait3A_209 = arith.constant 0 : i32
        %dma_wait3A_210 = tpu.memref_slice %arg10[%arg1, %dma_wait3A_208, %dma_wait3A_209] : memref<16x32x1024xf32, #tpu.memory_space<vmem_shared>> -> memref<1x32x1024xf32, #tpu.memory_space<vmem_shared>>
        %dma_wait3A_211 = tpu.memref_squeeze %dma_wait3A_210 : memref<1x32x1024xf32, #tpu.memory_space<vmem_shared>> -> memref<32x1024xf32, #tpu.memory_space<vmem_shared>>
        %dma_wait3A_212 = arith.constant 24 : i32
        %dma_wait3A_213 = arith.constant 0 : i32
        %dma_wait3A_214 = tpu.memref_slice %dma_wait3A_211[%dma_wait3A_212, %dma_wait3A_213] : memref<32x1024xf32, #tpu.memory_space<vmem_shared>> -> memref<8x1024xf32, #tpu.memory_space<vmem_shared>>
        %dma_wait3A_215 = arith.constant 0 : i32
        %dma_wait3A_216 = arith.constant 0 : i32
        %dma_wait3A_217 = tpu.memref_slice %arg3[%dma_wait3A_215, %dma_wait3A_216] : memref<32x1000000xf32, #tpu.memory_space<hbm>> -> memref<8x1024xf32, #tpu.memory_space<hbm>>
        tpu.wait_dma2 semaphore(%arg12 : memref<!tpu.dma_semaphore, #tpu.memory_space<semaphore_mem>>) src(%dma_wait3A_217 : memref<8x1024xf32, #tpu.memory_space<hbm>>) dst(%dma_wait3A_214 : memref<8x1024xf32, #tpu.memory_space<vmem_shared>>)
        %mul3A_218 = arith.constant 32 : i32
        %mul3A_219 = arith.muli %add3A_158, %mul3A_218 : i32
        %add3A_220 = arith.addi %add3A, %mul3A_219 : i32
        %mul3A_221 = arith.constant 1024 : i32
        %mul3A_222 = arith.muli %add3A_220, %mul3A_221 : i32
        %multiple_of3A_223 = tpu.assume_multiple %mul3A_222, 1024 : i32
        %while3A = arith.constant 1024 : i32
        %while3A_224 = arith.constant 0 : i32
        %while3A_225 = arith.constant 0 : i32
        %while3A_226 = arith.constant 0 : i32
        %while3A_227 = arith.subi %select_n3A, %while3A_225 : i32
        %while3A_228 = arith.addi %while3A_225, %while3A_227 : i32
        %while3A_229 = arith.constant 1 : i32
        %while3A_230 = arith.divsi %while3A_227, %while3A_229 : i32
        %while3A_231 = arith.muli %while3A_230, %while3A_229 : i32
        %while3A_232 = arith.addi %while3A_225, %while3A_231 : i32
        %while3A_233 = arith.constant 1 : i32
        %while3A_234 = scf.for %while3A_247 = %while3A_225 to %while3A_232 step %while3A_233 iter_args(%while3A_248 = %while3A_226) -> (i32)  : i32 {
          %mul3A_249 = arith.constant 16 : i32
          %mul3A_250 = arith.muli %while3A_247, %mul3A_249 : i32
          %get3A = arith.index_cast %mul3A_250 : i32 to index
          %get3A_251 = tpu.vector_load %arg7[%get3A] {strides = array<i32>} : memref<16400xi32, #tpu.memory_space<vmem>>, vector<16xi32>,
          %mul3A_252 = arith.constant 16 : i32
          %mul3A_253 = arith.muli %while3A_247, %mul3A_252 : i32
          %get3A_254 = arith.index_cast %mul3A_253 : i32 to index
          %get3A_255 = tpu.vector_load %arg8[%get3A_254] {strides = array<i32>} : memref<16384xi32, #tpu.memory_space<vmem>>, vector<16xi32>,
          %ge3A = vector.broadcast %multiple_of3A_223 : i32 to vector<16xi32>
          %ge3A_256 = arith.cmpi sge, %get3A_251, %ge3A : vector<16xi32>
          %add3A_257 = arith.addi %multiple_of3A_223, %while3A : i32
          %lt3A = vector.broadcast %add3A_257 : i32 to vector<16xi32>
          %lt3A_258 = arith.cmpi slt, %get3A_251, %lt3A : vector<16xi32>
          %and3A_259 = arith.andi %ge3A_256, %lt3A_258 : vector<16xi1>
          %reduce_or3A = arith.constant 1.000000e+00 : f32
          %reduce_or3A_260 = arith.constant 0.000000e+00 : f32
          %reduce_or3A_261 = vector.broadcast %reduce_or3A : f32 to vector<16xf32>
          %reduce_or3A_262 = vector.broadcast %reduce_or3A_260 : f32 to vector<16xf32>
          %reduce_or3A_263 = arith.select %and3A_259, %reduce_or3A_261, %reduce_or3A_262 : vector<16xi1>, vector<16xf32>
          %reduce_or3A_264 = arith.constant true
          %reduce_or3A_265 = vector.broadcast %reduce_or3A_264 : i1 to vector<16xi1>
          %reduce_or3A_266 = tpu.scan <max>, %reduce_or3A_263 masked %reduce_or3A_265 : vector<16xf32>, vector<16xi1> -> vector<16xf32>
          %reduce_or3A_267 = vector.extract %reduce_or3A_266[15] : f32 from vector<16xf32>
          %reduce_or3A_268 = arith.constant 0.000000e+00 : f32
          %reduce_or3A_269 = arith.cmpf ogt, %reduce_or3A_267, %reduce_or3A_268 : f32
          %convert_element_type3A_270 = arith.extui %reduce_or3A_269 : i1 to i32
          %cond3A_271 = arith.constant 0 : i32
          %cond3A_272 = arith.cmpi ne, %convert_element_type3A_270, %cond3A_271 : i32
          scf.if %cond3A_272 {
            %sub3A_274 = vector.broadcast %multiple_of3A_223 : i32 to vector<16xi32>
            %sub3A_275 = arith.subi %get3A_251, %sub3A_274 : vector<16xi32>
            %jit3A_276 = arith.constant 0 : i32
            %broadcast_in_dim3A_277 = vector.broadcast %jit3A_276 : i32 to vector<16xi32>
            %select_n3A_278 = arith.select %and3A_259, %sub3A_275, %broadcast_in_dim3A_277 : vector<16xi1>, vector<16xi32>
            %broadcast_in_dim3A_279 = arith.constant 0 : i32
            %broadcast_in_dim3A_280 = vector.broadcast %broadcast_in_dim3A_279 : i32 to vector<16xi32>
            %gather3A = arith.constant 0 : i32
            %gather3A_281 = arith.constant 0 : i32
            %gather3A_282 = tpu.memref_slice %arg9[%while3A_224, %gather3A, %gather3A_281] : memref<1x32x1024xf32, #tpu.memory_space<vmem>> -> memref<1x32x1024xf32, #tpu.memory_space<vmem>>
            %gather3A_283 = tpu.memref_squeeze %gather3A_282 : memref<1x32x1024xf32, #tpu.memory_space<vmem>> -> memref<32x1024xf32, #tpu.memory_space<vmem>>
            %gather3A_284 = tpu.vector_load_idx %gather3A_283[%broadcast_in_dim3A_280, %select_n3A_278] : memref<32x1024xf32, #tpu.memory_space<vmem>>[vector<16xi32>, vector<16xi32>], vector<16xf32>,
            tpu.vector_store_idx %arg11[%iota3A, %broadcast_in_dim3A_280], %gather3A_284 : memref<16x128xf32, #tpu.memory_space<vmem>>[vector<16xi32>, vector<16xi32>], vector<16xf32>,
            %broadcast_in_dim3A_285 = arith.constant 1 : i32
            %broadcast_in_dim3A_286 = vector.broadcast %broadcast_in_dim3A_285 : i32 to vector<16xi32>
            %gather3A_287 = arith.constant 0 : i32
            %gather3A_288 = arith.constant 0 : i32
            %gather3A_289 = tpu.memref_slice %arg9[%while3A_224, %gather3A_287, %gather3A_288] : memref<1x32x1024xf32, #tpu.memory_space<vmem>> -> memref<1x32x1024xf32, #tpu.memory_space<vmem>>
            %gather3A_290 = tpu.memref_squeeze %gather3A_289 : memref<1x32x1024xf32, #tpu.memory_space<vmem>> -> memref<32x1024xf32, #tpu.memory_space<vmem>>
            %gather3A_291 = tpu.vector_load_idx %gather3A_290[%broadcast_in_dim3A_286, %select_n3A_278] : memref<32x1024xf32, #tpu.memory_space<vmem>>[vector<16xi32>, vector<16xi32>], vector<16xf32>,
            tpu.vector_store_idx %arg11[%iota3A, %broadcast_in_dim3A_286], %gather3A_291 : memref<16x128xf32, #tpu.memory_space<vmem>>[vector<16xi32>, vector<16xi32>], vector<16xf32>,
            %broadcast_in_dim3A_292 = arith.constant 2 : i32
            %broadcast_in_dim3A_293 = vector.broadcast %broadcast_in_dim3A_292 : i32 to vector<16xi32>
            %gather3A_294 = arith.constant 0 : i32
            %gather3A_295 = arith.constant 0 : i32
            %gather3A_296 = tpu.memref_slice %arg9[%while3A_224, %gather3A_294, %gather3A_295] : memref<1x32x1024xf32, #tpu.memory_space<vmem>> -> memref<1x32x1024xf32, #tpu.memory_space<vmem>>
            %gather3A_297 = tpu.memref_squeeze %gather3A_296 : memref<1x32x1024xf32, #tpu.memory_space<vmem>> -> memref<32x1024xf32, #tpu.memory_space<vmem>>
            %gather3A_298 = tpu.vector_load_idx %gather3A_297[%broadcast_in_dim3A_293, %select_n3A_278] : memref<32x1024xf32, #tpu.memory_space<vmem>>[vector<16xi32>, vector<16xi32>], vector<16xf32>,
            tpu.vector_store_idx %arg11[%iota3A, %broadcast_in_dim3A_293], %gather3A_298 : memref<16x128xf32, #tpu.memory_space<vmem>>[vector<16xi32>, vector<16xi32>], vector<16xf32>,
            %broadcast_in_dim3A_299 = arith.constant 3 : i32
            %broadcast_in_dim3A_300 = vector.broadcast %broadcast_in_dim3A_299 : i32 to vector<16xi32>
            %gather3A_301 = arith.constant 0 : i32
            %gather3A_302 = arith.constant 0 : i32
            %gather3A_303 = tpu.memref_slice %arg9[%while3A_224, %gather3A_301, %gather3A_302] : memref<1x32x1024xf32, #tpu.memory_space<vmem>> -> memref<1x32x1024xf32, #tpu.memory_space<vmem>>
            %gather3A_304 = tpu.memref_squeeze %gather3A_303 : memref<1x32x1024xf32, #tpu.memory_space<vmem>> -> memref<32x1024xf32, #tpu.memory_space<vmem>>
            %gather3A_305 = tpu.vector_load_idx %gather3A_304[%broadcast_in_dim3A_300, %select_n3A_278] : memref<32x1024xf32, #tpu.memory_space<vmem>>[vector<16xi32>, vector<16xi32>], vector<16xf32>,
            tpu.vector_store_idx %arg11[%iota3A, %broadcast_in_dim3A_300], %gather3A_305 : memref<16x128xf32, #tpu.memory_space<vmem>>[vector<16xi32>, vector<16xi32>], vector<16xf32>,
            %broadcast_in_dim3A_306 = arith.constant 4 : i32
            %broadcast_in_dim3A_307 = vector.broadcast %broadcast_in_dim3A_306 : i32 to vector<16xi32>
            %gather3A_308 = arith.constant 0 : i32
            %gather3A_309 = arith.constant 0 : i32
            %gather3A_310 = tpu.memref_slice %arg9[%while3A_224, %gather3A_308, %gather3A_309] : memref<1x32x1024xf32, #tpu.memory_space<vmem>> -> memref<1x32x1024xf32, #tpu.memory_space<vmem>>
            %gather3A_311 = tpu.memref_squeeze %gather3A_310 : memref<1x32x1024xf32, #tpu.memory_space<vmem>> -> memref<32x1024xf32, #tpu.memory_space<vmem>>
            %gather3A_312 = tpu.vector_load_idx %gather3A_311[%broadcast_in_dim3A_307, %select_n3A_278] : memref<32x1024xf32, #tpu.memory_space<vmem>>[vector<16xi32>, vector<16xi32>], vector<16xf32>,
            tpu.vector_store_idx %arg11[%iota3A, %broadcast_in_dim3A_307], %gather3A_312 : memref<16x128xf32, #tpu.memory_space<vmem>>[vector<16xi32>, vector<16xi32>], vector<16xf32>,
            %broadcast_in_dim3A_313 = arith.constant 5 : i32
            %broadcast_in_dim3A_314 = vector.broadcast %broadcast_in_dim3A_313 : i32 to vector<16xi32>
            %gather3A_315 = arith.constant 0 : i32
            %gather3A_316 = arith.constant 0 : i32
            %gather3A_317 = tpu.memref_slice %arg9[%while3A_224, %gather3A_315, %gather3A_316] : memref<1x32x1024xf32, #tpu.memory_space<vmem>> -> memref<1x32x1024xf32, #tpu.memory_space<vmem>>
            %gather3A_318 = tpu.memref_squeeze %gather3A_317 : memref<1x32x1024xf32, #tpu.memory_space<vmem>> -> memref<32x1024xf32, #tpu.memory_space<vmem>>
            %gather3A_319 = tpu.vector_load_idx %gather3A_318[%broadcast_in_dim3A_314, %select_n3A_278] : memref<32x1024xf32, #tpu.memory_space<vmem>>[vector<16xi32>, vector<16xi32>], vector<16xf32>,
            tpu.vector_store_idx %arg11[%iota3A, %broadcast_in_dim3A_314], %gather3A_319 : memref<16x128xf32, #tpu.memory_space<vmem>>[vector<16xi32>, vector<16xi32>], vector<16xf32>,
            %broadcast_in_dim3A_320 = arith.constant 6 : i32
            %broadcast_in_dim3A_321 = vector.broadcast %broadcast_in_dim3A_320 : i32 to vector<16xi32>
            %gather3A_322 = arith.constant 0 : i32
            %gather3A_323 = arith.constant 0 : i32
            %gather3A_324 = tpu.memref_slice %arg9[%while3A_224, %gather3A_322, %gather3A_323] : memref<1x32x1024xf32, #tpu.memory_space<vmem>> -> memref<1x32x1024xf32, #tpu.memory_space<vmem>>
            %gather3A_325 = tpu.memref_squeeze %gather3A_324 : memref<1x32x1024xf32, #tpu.memory_space<vmem>> -> memref<32x1024xf32, #tpu.memory_space<vmem>>
            %gather3A_326 = tpu.vector_load_idx %gather3A_325[%broadcast_in_dim3A_321, %select_n3A_278] : memref<32x1024xf32, #tpu.memory_space<vmem>>[vector<16xi32>, vector<16xi32>], vector<16xf32>,
            tpu.vector_store_idx %arg11[%iota3A, %broadcast_in_dim3A_321], %gather3A_326 : memref<16x128xf32, #tpu.memory_space<vmem>>[vector<16xi32>, vector<16xi32>], vector<16xf32>,
            %broadcast_in_dim3A_327 = arith.constant 7 : i32
            %broadcast_in_dim3A_328 = vector.broadcast %broadcast_in_dim3A_327 : i32 to vector<16xi32>
            %gather3A_329 = arith.constant 0 : i32
            %gather3A_330 = arith.constant 0 : i32
            %gather3A_331 = tpu.memref_slice %arg9[%while3A_224, %gather3A_329, %gather3A_330] : memref<1x32x1024xf32, #tpu.memory_space<vmem>> -> memref<1x32x1024xf32, #tpu.memory_space<vmem>>
            %gather3A_332 = tpu.memref_squeeze %gather3A_331 : memref<1x32x1024xf32, #tpu.memory_space<vmem>> -> memref<32x1024xf32, #tpu.memory_space<vmem>>
            %gather3A_333 = tpu.vector_load_idx %gather3A_332[%broadcast_in_dim3A_328, %select_n3A_278] : memref<32x1024xf32, #tpu.memory_space<vmem>>[vector<16xi32>, vector<16xi32>], vector<16xf32>,
            tpu.vector_store_idx %arg11[%iota3A, %broadcast_in_dim3A_328], %gather3A_333 : memref<16x128xf32, #tpu.memory_space<vmem>>[vector<16xi32>, vector<16xi32>], vector<16xf32>,
            %broadcast_in_dim3A_334 = arith.constant 8 : i32
            %broadcast_in_dim3A_335 = vector.broadcast %broadcast_in_dim3A_334 : i32 to vector<16xi32>
            %gather3A_336 = arith.constant 0 : i32
            %gather3A_337 = arith.constant 0 : i32
            %gather3A_338 = tpu.memref_slice %arg9[%while3A_224, %gather3A_336, %gather3A_337] : memref<1x32x1024xf32, #tpu.memory_space<vmem>> -> memref<1x32x1024xf32, #tpu.memory_space<vmem>>
            %gather3A_339 = tpu.memref_squeeze %gather3A_338 : memref<1x32x1024xf32, #tpu.memory_space<vmem>> -> memref<32x1024xf32, #tpu.memory_space<vmem>>
            %gather3A_340 = tpu.vector_load_idx %gather3A_339[%broadcast_in_dim3A_335, %select_n3A_278] : memref<32x1024xf32, #tpu.memory_space<vmem>>[vector<16xi32>, vector<16xi32>], vector<16xf32>,
            tpu.vector_store_idx %arg11[%iota3A, %broadcast_in_dim3A_335], %gather3A_340 : memref<16x128xf32, #tpu.memory_space<vmem>>[vector<16xi32>, vector<16xi32>], vector<16xf32>,
            %broadcast_in_dim3A_341 = arith.constant 9 : i32
            %broadcast_in_dim3A_342 = vector.broadcast %broadcast_in_dim3A_341 : i32 to vector<16xi32>
            %gather3A_343 = arith.constant 0 : i32
            %gather3A_344 = arith.constant 0 : i32
            %gather3A_345 = tpu.memref_slice %arg9[%while3A_224, %gather3A_343, %gather3A_344] : memref<1x32x1024xf32, #tpu.memory_space<vmem>> -> memref<1x32x1024xf32, #tpu.memory_space<vmem>>
            %gather3A_346 = tpu.memref_squeeze %gather3A_345 : memref<1x32x1024xf32, #tpu.memory_space<vmem>> -> memref<32x1024xf32, #tpu.memory_space<vmem>>
            %gather3A_347 = tpu.vector_load_idx %gather3A_346[%broadcast_in_dim3A_342, %select_n3A_278] : memref<32x1024xf32, #tpu.memory_space<vmem>>[vector<16xi32>, vector<16xi32>], vector<16xf32>,
            tpu.vector_store_idx %arg11[%iota3A, %broadcast_in_dim3A_342], %gather3A_347 : memref<16x128xf32, #tpu.memory_space<vmem>>[vector<16xi32>, vector<16xi32>], vector<16xf32>,
            %broadcast_in_dim3A_348 = arith.constant 10 : i32
            %broadcast_in_dim3A_349 = vector.broadcast %broadcast_in_dim3A_348 : i32 to vector<16xi32>
            %gather3A_350 = arith.constant 0 : i32
            %gather3A_351 = arith.constant 0 : i32
            %gather3A_352 = tpu.memref_slice %arg9[%while3A_224, %gather3A_350, %gather3A_351] : memref<1x32x1024xf32, #tpu.memory_space<vmem>> -> memref<1x32x1024xf32, #tpu.memory_space<vmem>>
            %gather3A_353 = tpu.memref_squeeze %gather3A_352 : memref<1x32x1024xf32, #tpu.memory_space<vmem>> -> memref<32x1024xf32, #tpu.memory_space<vmem>>
            %gather3A_354 = tpu.vector_load_idx %gather3A_353[%broadcast_in_dim3A_349, %select_n3A_278] : memref<32x1024xf32, #tpu.memory_space<vmem>>[vector<16xi32>, vector<16xi32>], vector<16xf32>,
            tpu.vector_store_idx %arg11[%iota3A, %broadcast_in_dim3A_349], %gather3A_354 : memref<16x128xf32, #tpu.memory_space<vmem>>[vector<16xi32>, vector<16xi32>], vector<16xf32>,
            %broadcast_in_dim3A_355 = arith.constant 11 : i32
            %broadcast_in_dim3A_356 = vector.broadcast %broadcast_in_dim3A_355 : i32 to vector<16xi32>
            %gather3A_357 = arith.constant 0 : i32
            %gather3A_358 = arith.constant 0 : i32
            %gather3A_359 = tpu.memref_slice %arg9[%while3A_224, %gather3A_357, %gather3A_358] : memref<1x32x1024xf32, #tpu.memory_space<vmem>> -> memref<1x32x1024xf32, #tpu.memory_space<vmem>>
            %gather3A_360 = tpu.memref_squeeze %gather3A_359 : memref<1x32x1024xf32, #tpu.memory_space<vmem>> -> memref<32x1024xf32, #tpu.memory_space<vmem>>
            %gather3A_361 = tpu.vector_load_idx %gather3A_360[%broadcast_in_dim3A_356, %select_n3A_278] : memref<32x1024xf32, #tpu.memory_space<vmem>>[vector<16xi32>, vector<16xi32>], vector<16xf32>,
            tpu.vector_store_idx %arg11[%iota3A, %broadcast_in_dim3A_356], %gather3A_361 : memref<16x128xf32, #tpu.memory_space<vmem>>[vector<16xi32>, vector<16xi32>], vector<16xf32>,
            %broadcast_in_dim3A_362 = arith.constant 12 : i32
            %broadcast_in_dim3A_363 = vector.broadcast %broadcast_in_dim3A_362 : i32 to vector<16xi32>
            %gather3A_364 = arith.constant 0 : i32
            %gather3A_365 = arith.constant 0 : i32
            %gather3A_366 = tpu.memref_slice %arg9[%while3A_224, %gather3A_364, %gather3A_365] : memref<1x32x1024xf32, #tpu.memory_space<vmem>> -> memref<1x32x1024xf32, #tpu.memory_space<vmem>>
            %gather3A_367 = tpu.memref_squeeze %gather3A_366 : memref<1x32x1024xf32, #tpu.memory_space<vmem>> -> memref<32x1024xf32, #tpu.memory_space<vmem>>
            %gather3A_368 = tpu.vector_load_idx %gather3A_367[%broadcast_in_dim3A_363, %select_n3A_278] : memref<32x1024xf32, #tpu.memory_space<vmem>>[vector<16xi32>, vector<16xi32>], vector<16xf32>,
            tpu.vector_store_idx %arg11[%iota3A, %broadcast_in_dim3A_363], %gather3A_368 : memref<16x128xf32, #tpu.memory_space<vmem>>[vector<16xi32>, vector<16xi32>], vector<16xf32>,
            %broadcast_in_dim3A_369 = arith.constant 13 : i32
            %broadcast_in_dim3A_370 = vector.broadcast %broadcast_in_dim3A_369 : i32 to vector<16xi32>
            %gather3A_371 = arith.constant 0 : i32
            %gather3A_372 = arith.constant 0 : i32
            %gather3A_373 = tpu.memref_slice %arg9[%while3A_224, %gather3A_371, %gather3A_372] : memref<1x32x1024xf32, #tpu.memory_space<vmem>> -> memref<1x32x1024xf32, #tpu.memory_space<vmem>>
            %gather3A_374 = tpu.memref_squeeze %gather3A_373 : memref<1x32x1024xf32, #tpu.memory_space<vmem>> -> memref<32x1024xf32, #tpu.memory_space<vmem>>
            %gather3A_375 = tpu.vector_load_idx %gather3A_374[%broadcast_in_dim3A_370, %select_n3A_278] : memref<32x1024xf32, #tpu.memory_space<vmem>>[vector<16xi32>, vector<16xi32>], vector<16xf32>,
            tpu.vector_store_idx %arg11[%iota3A, %broadcast_in_dim3A_370], %gather3A_375 : memref<16x128xf32, #tpu.memory_space<vmem>>[vector<16xi32>, vector<16xi32>], vector<16xf32>,
            %broadcast_in_dim3A_376 = arith.constant 14 : i32
            %broadcast_in_dim3A_377 = vector.broadcast %broadcast_in_dim3A_376 : i32 to vector<16xi32>
            %gather3A_378 = arith.constant 0 : i32
            %gather3A_379 = arith.constant 0 : i32
            %gather3A_380 = tpu.memref_slice %arg9[%while3A_224, %gather3A_378, %gather3A_379] : memref<1x32x1024xf32, #tpu.memory_space<vmem>> -> memref<1x32x1024xf32, #tpu.memory_space<vmem>>
            %gather3A_381 = tpu.memref_squeeze %gather3A_380 : memref<1x32x1024xf32, #tpu.memory_space<vmem>> -> memref<32x1024xf32, #tpu.memory_space<vmem>>
            %gather3A_382 = tpu.vector_load_idx %gather3A_381[%broadcast_in_dim3A_377, %select_n3A_278] : memref<32x1024xf32, #tpu.memory_space<vmem>>[vector<16xi32>, vector<16xi32>], vector<16xf32>,
            tpu.vector_store_idx %arg11[%iota3A, %broadcast_in_dim3A_377], %gather3A_382 : memref<16x128xf32, #tpu.memory_space<vmem>>[vector<16xi32>, vector<16xi32>], vector<16xf32>,
            %broadcast_in_dim3A_383 = arith.constant 15 : i32
            %broadcast_in_dim3A_384 = vector.broadcast %broadcast_in_dim3A_383 : i32 to vector<16xi32>
            %gather3A_385 = arith.constant 0 : i32
            %gather3A_386 = arith.constant 0 : i32
            %gather3A_387 = tpu.memref_slice %arg9[%while3A_224, %gather3A_385, %gather3A_386] : memref<1x32x1024xf32, #tpu.memory_space<vmem>> -> memref<1x32x1024xf32, #tpu.memory_space<vmem>>
            %gather3A_388 = tpu.memref_squeeze %gather3A_387 : memref<1x32x1024xf32, #tpu.memory_space<vmem>> -> memref<32x1024xf32, #tpu.memory_space<vmem>>
            %gather3A_389 = tpu.vector_load_idx %gather3A_388[%broadcast_in_dim3A_384, %select_n3A_278] : memref<32x1024xf32, #tpu.memory_space<vmem>>[vector<16xi32>, vector<16xi32>], vector<16xf32>,
            tpu.vector_store_idx %arg11[%iota3A, %broadcast_in_dim3A_384], %gather3A_389 : memref<16x128xf32, #tpu.memory_space<vmem>>[vector<16xi32>, vector<16xi32>], vector<16xf32>,
            %broadcast_in_dim3A_390 = arith.constant 16 : i32
            %broadcast_in_dim3A_391 = vector.broadcast %broadcast_in_dim3A_390 : i32 to vector<16xi32>
            %gather3A_392 = arith.constant 0 : i32
            %gather3A_393 = arith.constant 0 : i32
            %gather3A_394 = tpu.memref_slice %arg9[%while3A_224, %gather3A_392, %gather3A_393] : memref<1x32x1024xf32, #tpu.memory_space<vmem>> -> memref<1x32x1024xf32, #tpu.memory_space<vmem>>
            %gather3A_395 = tpu.memref_squeeze %gather3A_394 : memref<1x32x1024xf32, #tpu.memory_space<vmem>> -> memref<32x1024xf32, #tpu.memory_space<vmem>>
            %gather3A_396 = tpu.vector_load_idx %gather3A_395[%broadcast_in_dim3A_391, %select_n3A_278] : memref<32x1024xf32, #tpu.memory_space<vmem>>[vector<16xi32>, vector<16xi32>], vector<16xf32>,
            tpu.vector_store_idx %arg11[%iota3A, %broadcast_in_dim3A_391], %gather3A_396 : memref<16x128xf32, #tpu.memory_space<vmem>>[vector<16xi32>, vector<16xi32>], vector<16xf32>,
            %broadcast_in_dim3A_397 = arith.constant 17 : i32
            %broadcast_in_dim3A_398 = vector.broadcast %broadcast_in_dim3A_397 : i32 to vector<16xi32>
            %gather3A_399 = arith.constant 0 : i32
            %gather3A_400 = arith.constant 0 : i32
            %gather3A_401 = tpu.memref_slice %arg9[%while3A_224, %gather3A_399, %gather3A_400] : memref<1x32x1024xf32, #tpu.memory_space<vmem>> -> memref<1x32x1024xf32, #tpu.memory_space<vmem>>
            %gather3A_402 = tpu.memref_squeeze %gather3A_401 : memref<1x32x1024xf32, #tpu.memory_space<vmem>> -> memref<32x1024xf32, #tpu.memory_space<vmem>>
            %gather3A_403 = tpu.vector_load_idx %gather3A_402[%broadcast_in_dim3A_398, %select_n3A_278] : memref<32x1024xf32, #tpu.memory_space<vmem>>[vector<16xi32>, vector<16xi32>], vector<16xf32>,
            tpu.vector_store_idx %arg11[%iota3A, %broadcast_in_dim3A_398], %gather3A_403 : memref<16x128xf32, #tpu.memory_space<vmem>>[vector<16xi32>, vector<16xi32>], vector<16xf32>,
            %broadcast_in_dim3A_404 = arith.constant 18 : i32
            %broadcast_in_dim3A_405 = vector.broadcast %broadcast_in_dim3A_404 : i32 to vector<16xi32>
            %gather3A_406 = arith.constant 0 : i32
            %gather3A_407 = arith.constant 0 : i32
            %gather3A_408 = tpu.memref_slice %arg9[%while3A_224, %gather3A_406, %gather3A_407] : memref<1x32x1024xf32, #tpu.memory_space<vmem>> -> memref<1x32x1024xf32, #tpu.memory_space<vmem>>
            %gather3A_409 = tpu.memref_squeeze %gather3A_408 : memref<1x32x1024xf32, #tpu.memory_space<vmem>> -> memref<32x1024xf32, #tpu.memory_space<vmem>>
            %gather3A_410 = tpu.vector_load_idx %gather3A_409[%broadcast_in_dim3A_405, %select_n3A_278] : memref<32x1024xf32, #tpu.memory_space<vmem>>[vector<16xi32>, vector<16xi32>], vector<16xf32>,
            tpu.vector_store_idx %arg11[%iota3A, %broadcast_in_dim3A_405], %gather3A_410 : memref<16x128xf32, #tpu.memory_space<vmem>>[vector<16xi32>, vector<16xi32>], vector<16xf32>,
            %broadcast_in_dim3A_411 = arith.constant 19 : i32
            %broadcast_in_dim3A_412 = vector.broadcast %broadcast_in_dim3A_411 : i32 to vector<16xi32>
            %gather3A_413 = arith.constant 0 : i32
            %gather3A_414 = arith.constant 0 : i32
            %gather3A_415 = tpu.memref_slice %arg9[%while3A_224, %gather3A_413, %gather3A_414] : memref<1x32x1024xf32, #tpu.memory_space<vmem>> -> memref<1x32x1024xf32, #tpu.memory_space<vmem>>
            %gather3A_416 = tpu.memref_squeeze %gather3A_415 : memref<1x32x1024xf32, #tpu.memory_space<vmem>> -> memref<32x1024xf32, #tpu.memory_space<vmem>>
            %gather3A_417 = tpu.vector_load_idx %gather3A_416[%broadcast_in_dim3A_412, %select_n3A_278] : memref<32x1024xf32, #tpu.memory_space<vmem>>[vector<16xi32>, vector<16xi32>], vector<16xf32>,
            tpu.vector_store_idx %arg11[%iota3A, %broadcast_in_dim3A_412], %gather3A_417 : memref<16x128xf32, #tpu.memory_space<vmem>>[vector<16xi32>, vector<16xi32>], vector<16xf32>,
            %broadcast_in_dim3A_418 = arith.constant 20 : i32
            %broadcast_in_dim3A_419 = vector.broadcast %broadcast_in_dim3A_418 : i32 to vector<16xi32>
            %gather3A_420 = arith.constant 0 : i32
            %gather3A_421 = arith.constant 0 : i32
            %gather3A_422 = tpu.memref_slice %arg9[%while3A_224, %gather3A_420, %gather3A_421] : memref<1x32x1024xf32, #tpu.memory_space<vmem>> -> memref<1x32x1024xf32, #tpu.memory_space<vmem>>
            %gather3A_423 = tpu.memref_squeeze %gather3A_422 : memref<1x32x1024xf32, #tpu.memory_space<vmem>> -> memref<32x1024xf32, #tpu.memory_space<vmem>>
            %gather3A_424 = tpu.vector_load_idx %gather3A_423[%broadcast_in_dim3A_419, %select_n3A_278] : memref<32x1024xf32, #tpu.memory_space<vmem>>[vector<16xi32>, vector<16xi32>], vector<16xf32>,
            tpu.vector_store_idx %arg11[%iota3A, %broadcast_in_dim3A_419], %gather3A_424 : memref<16x128xf32, #tpu.memory_space<vmem>>[vector<16xi32>, vector<16xi32>], vector<16xf32>,
            %broadcast_in_dim3A_425 = arith.constant 21 : i32
            %broadcast_in_dim3A_426 = vector.broadcast %broadcast_in_dim3A_425 : i32 to vector<16xi32>
            %gather3A_427 = arith.constant 0 : i32
            %gather3A_428 = arith.constant 0 : i32
            %gather3A_429 = tpu.memref_slice %arg9[%while3A_224, %gather3A_427, %gather3A_428] : memref<1x32x1024xf32, #tpu.memory_space<vmem>> -> memref<1x32x1024xf32, #tpu.memory_space<vmem>>
            %gather3A_430 = tpu.memref_squeeze %gather3A_429 : memref<1x32x1024xf32, #tpu.memory_space<vmem>> -> memref<32x1024xf32, #tpu.memory_space<vmem>>
            %gather3A_431 = tpu.vector_load_idx %gather3A_430[%broadcast_in_dim3A_426, %select_n3A_278] : memref<32x1024xf32, #tpu.memory_space<vmem>>[vector<16xi32>, vector<16xi32>], vector<16xf32>,
            tpu.vector_store_idx %arg11[%iota3A, %broadcast_in_dim3A_426], %gather3A_431 : memref<16x128xf32, #tpu.memory_space<vmem>>[vector<16xi32>, vector<16xi32>], vector<16xf32>,
            %broadcast_in_dim3A_432 = arith.constant 22 : i32
            %broadcast_in_dim3A_433 = vector.broadcast %broadcast_in_dim3A_432 : i32 to vector<16xi32>
            %gather3A_434 = arith.constant 0 : i32
            %gather3A_435 = arith.constant 0 : i32
            %gather3A_436 = tpu.memref_slice %arg9[%while3A_224, %gather3A_434, %gather3A_435] : memref<1x32x1024xf32, #tpu.memory_space<vmem>> -> memref<1x32x1024xf32, #tpu.memory_space<vmem>>
            %gather3A_437 = tpu.memref_squeeze %gather3A_436 : memref<1x32x1024xf32, #tpu.memory_space<vmem>> -> memref<32x1024xf32, #tpu.memory_space<vmem>>
            %gather3A_438 = tpu.vector_load_idx %gather3A_437[%broadcast_in_dim3A_433, %select_n3A_278] : memref<32x1024xf32, #tpu.memory_space<vmem>>[vector<16xi32>, vector<16xi32>], vector<16xf32>,
            tpu.vector_store_idx %arg11[%iota3A, %broadcast_in_dim3A_433], %gather3A_438 : memref<16x128xf32, #tpu.memory_space<vmem>>[vector<16xi32>, vector<16xi32>], vector<16xf32>,
            %broadcast_in_dim3A_439 = arith.constant 23 : i32
            %broadcast_in_dim3A_440 = vector.broadcast %broadcast_in_dim3A_439 : i32 to vector<16xi32>
            %gather3A_441 = arith.constant 0 : i32
            %gather3A_442 = arith.constant 0 : i32
            %gather3A_443 = tpu.memref_slice %arg9[%while3A_224, %gather3A_441, %gather3A_442] : memref<1x32x1024xf32, #tpu.memory_space<vmem>> -> memref<1x32x1024xf32, #tpu.memory_space<vmem>>
            %gather3A_444 = tpu.memref_squeeze %gather3A_443 : memref<1x32x1024xf32, #tpu.memory_space<vmem>> -> memref<32x1024xf32, #tpu.memory_space<vmem>>
            %gather3A_445 = tpu.vector_load_idx %gather3A_444[%broadcast_in_dim3A_440, %select_n3A_278] : memref<32x1024xf32, #tpu.memory_space<vmem>>[vector<16xi32>, vector<16xi32>], vector<16xf32>,
            tpu.vector_store_idx %arg11[%iota3A, %broadcast_in_dim3A_440], %gather3A_445 : memref<16x128xf32, #tpu.memory_space<vmem>>[vector<16xi32>, vector<16xi32>], vector<16xf32>,
            %broadcast_in_dim3A_446 = arith.constant 24 : i32
            %broadcast_in_dim3A_447 = vector.broadcast %broadcast_in_dim3A_446 : i32 to vector<16xi32>
            %gather3A_448 = arith.constant 0 : i32
            %gather3A_449 = arith.constant 0 : i32
            %gather3A_450 = tpu.memref_slice %arg9[%while3A_224, %gather3A_448, %gather3A_449] : memref<1x32x1024xf32, #tpu.memory_space<vmem>> -> memref<1x32x1024xf32, #tpu.memory_space<vmem>>
            %gather3A_451 = tpu.memref_squeeze %gather3A_450 : memref<1x32x1024xf32, #tpu.memory_space<vmem>> -> memref<32x1024xf32, #tpu.memory_space<vmem>>
            %gather3A_452 = tpu.vector_load_idx %gather3A_451[%broadcast_in_dim3A_447, %select_n3A_278] : memref<32x1024xf32, #tpu.memory_space<vmem>>[vector<16xi32>, vector<16xi32>], vector<16xf32>,
            tpu.vector_store_idx %arg11[%iota3A, %broadcast_in_dim3A_447], %gather3A_452 : memref<16x128xf32, #tpu.memory_space<vmem>>[vector<16xi32>, vector<16xi32>], vector<16xf32>,
            %broadcast_in_dim3A_453 = arith.constant 25 : i32
            %broadcast_in_dim3A_454 = vector.broadcast %broadcast_in_dim3A_453 : i32 to vector<16xi32>
            %gather3A_455 = arith.constant 0 : i32
            %gather3A_456 = arith.constant 0 : i32
            %gather3A_457 = tpu.memref_slice %arg9[%while3A_224, %gather3A_455, %gather3A_456] : memref<1x32x1024xf32, #tpu.memory_space<vmem>> -> memref<1x32x1024xf32, #tpu.memory_space<vmem>>
            %gather3A_458 = tpu.memref_squeeze %gather3A_457 : memref<1x32x1024xf32, #tpu.memory_space<vmem>> -> memref<32x1024xf32, #tpu.memory_space<vmem>>
            %gather3A_459 = tpu.vector_load_idx %gather3A_458[%broadcast_in_dim3A_454, %select_n3A_278] : memref<32x1024xf32, #tpu.memory_space<vmem>>[vector<16xi32>, vector<16xi32>], vector<16xf32>,
            tpu.vector_store_idx %arg11[%iota3A, %broadcast_in_dim3A_454], %gather3A_459 : memref<16x128xf32, #tpu.memory_space<vmem>>[vector<16xi32>, vector<16xi32>], vector<16xf32>,
            %broadcast_in_dim3A_460 = arith.constant 26 : i32
            %broadcast_in_dim3A_461 = vector.broadcast %broadcast_in_dim3A_460 : i32 to vector<16xi32>
            %gather3A_462 = arith.constant 0 : i32
            %gather3A_463 = arith.constant 0 : i32
            %gather3A_464 = tpu.memref_slice %arg9[%while3A_224, %gather3A_462, %gather3A_463] : memref<1x32x1024xf32, #tpu.memory_space<vmem>> -> memref<1x32x1024xf32, #tpu.memory_space<vmem>>
            %gather3A_465 = tpu.memref_squeeze %gather3A_464 : memref<1x32x1024xf32, #tpu.memory_space<vmem>> -> memref<32x1024xf32, #tpu.memory_space<vmem>>
            %gather3A_466 = tpu.vector_load_idx %gather3A_465[%broadcast_in_dim3A_461, %select_n3A_278] : memref<32x1024xf32, #tpu.memory_space<vmem>>[vector<16xi32>, vector<16xi32>], vector<16xf32>,
            tpu.vector_store_idx %arg11[%iota3A, %broadcast_in_dim3A_461], %gather3A_466 : memref<16x128xf32, #tpu.memory_space<vmem>>[vector<16xi32>, vector<16xi32>], vector<16xf32>,
            %broadcast_in_dim3A_467 = arith.constant 27 : i32
            %broadcast_in_dim3A_468 = vector.broadcast %broadcast_in_dim3A_467 : i32 to vector<16xi32>
            %gather3A_469 = arith.constant 0 : i32
            %gather3A_470 = arith.constant 0 : i32
            %gather3A_471 = tpu.memref_slice %arg9[%while3A_224, %gather3A_469, %gather3A_470] : memref<1x32x1024xf32, #tpu.memory_space<vmem>> -> memref<1x32x1024xf32, #tpu.memory_space<vmem>>
            %gather3A_472 = tpu.memref_squeeze %gather3A_471 : memref<1x32x1024xf32, #tpu.memory_space<vmem>> -> memref<32x1024xf32, #tpu.memory_space<vmem>>
            %gather3A_473 = tpu.vector_load_idx %gather3A_472[%broadcast_in_dim3A_468, %select_n3A_278] : memref<32x1024xf32, #tpu.memory_space<vmem>>[vector<16xi32>, vector<16xi32>], vector<16xf32>,
            tpu.vector_store_idx %arg11[%iota3A, %broadcast_in_dim3A_468], %gather3A_473 : memref<16x128xf32, #tpu.memory_space<vmem>>[vector<16xi32>, vector<16xi32>], vector<16xf32>,
            %broadcast_in_dim3A_474 = arith.constant 28 : i32
            %broadcast_in_dim3A_475 = vector.broadcast %broadcast_in_dim3A_474 : i32 to vector<16xi32>
            %gather3A_476 = arith.constant 0 : i32
            %gather3A_477 = arith.constant 0 : i32
            %gather3A_478 = tpu.memref_slice %arg9[%while3A_224, %gather3A_476, %gather3A_477] : memref<1x32x1024xf32, #tpu.memory_space<vmem>> -> memref<1x32x1024xf32, #tpu.memory_space<vmem>>
            %gather3A_479 = tpu.memref_squeeze %gather3A_478 : memref<1x32x1024xf32, #tpu.memory_space<vmem>> -> memref<32x1024xf32, #tpu.memory_space<vmem>>
            %gather3A_480 = tpu.vector_load_idx %gather3A_479[%broadcast_in_dim3A_475, %select_n3A_278] : memref<32x1024xf32, #tpu.memory_space<vmem>>[vector<16xi32>, vector<16xi32>], vector<16xf32>,
            tpu.vector_store_idx %arg11[%iota3A, %broadcast_in_dim3A_475], %gather3A_480 : memref<16x128xf32, #tpu.memory_space<vmem>>[vector<16xi32>, vector<16xi32>], vector<16xf32>,
            %broadcast_in_dim3A_481 = arith.constant 29 : i32
            %broadcast_in_dim3A_482 = vector.broadcast %broadcast_in_dim3A_481 : i32 to vector<16xi32>
            %gather3A_483 = arith.constant 0 : i32
            %gather3A_484 = arith.constant 0 : i32
            %gather3A_485 = tpu.memref_slice %arg9[%while3A_224, %gather3A_483, %gather3A_484] : memref<1x32x1024xf32, #tpu.memory_space<vmem>> -> memref<1x32x1024xf32, #tpu.memory_space<vmem>>
            %gather3A_486 = tpu.memref_squeeze %gather3A_485 : memref<1x32x1024xf32, #tpu.memory_space<vmem>> -> memref<32x1024xf32, #tpu.memory_space<vmem>>
            %gather3A_487 = tpu.vector_load_idx %gather3A_486[%broadcast_in_dim3A_482, %select_n3A_278] : memref<32x1024xf32, #tpu.memory_space<vmem>>[vector<16xi32>, vector<16xi32>], vector<16xf32>,
            tpu.vector_store_idx %arg11[%iota3A, %broadcast_in_dim3A_482], %gather3A_487 : memref<16x128xf32, #tpu.memory_space<vmem>>[vector<16xi32>, vector<16xi32>], vector<16xf32>,
            %broadcast_in_dim3A_488 = arith.constant 30 : i32
            %broadcast_in_dim3A_489 = vector.broadcast %broadcast_in_dim3A_488 : i32 to vector<16xi32>
            %gather3A_490 = arith.constant 0 : i32
            %gather3A_491 = arith.constant 0 : i32
            %gather3A_492 = tpu.memref_slice %arg9[%while3A_224, %gather3A_490, %gather3A_491] : memref<1x32x1024xf32, #tpu.memory_space<vmem>> -> memref<1x32x1024xf32, #tpu.memory_space<vmem>>
            %gather3A_493 = tpu.memref_squeeze %gather3A_492 : memref<1x32x1024xf32, #tpu.memory_space<vmem>> -> memref<32x1024xf32, #tpu.memory_space<vmem>>
            %gather3A_494 = tpu.vector_load_idx %gather3A_493[%broadcast_in_dim3A_489, %select_n3A_278] : memref<32x1024xf32, #tpu.memory_space<vmem>>[vector<16xi32>, vector<16xi32>], vector<16xf32>,
            tpu.vector_store_idx %arg11[%iota3A, %broadcast_in_dim3A_489], %gather3A_494 : memref<16x128xf32, #tpu.memory_space<vmem>>[vector<16xi32>, vector<16xi32>], vector<16xf32>,
            %broadcast_in_dim3A_495 = arith.constant 31 : i32
            %broadcast_in_dim3A_496 = vector.broadcast %broadcast_in_dim3A_495 : i32 to vector<16xi32>
            %gather3A_497 = arith.constant 0 : i32
            %gather3A_498 = arith.constant 0 : i32
            %gather3A_499 = tpu.memref_slice %arg9[%while3A_224, %gather3A_497, %gather3A_498] : memref<1x32x1024xf32, #tpu.memory_space<vmem>> -> memref<1x32x1024xf32, #tpu.memory_space<vmem>>
            %gather3A_500 = tpu.memref_squeeze %gather3A_499 : memref<1x32x1024xf32, #tpu.memory_space<vmem>> -> memref<32x1024xf32, #tpu.memory_space<vmem>>
            %gather3A_501 = tpu.vector_load_idx %gather3A_500[%broadcast_in_dim3A_496, %select_n3A_278] : memref<32x1024xf32, #tpu.memory_space<vmem>>[vector<16xi32>, vector<16xi32>], vector<16xf32>,
            tpu.vector_store_idx %arg11[%iota3A, %broadcast_in_dim3A_496], %gather3A_501 : memref<16x128xf32, #tpu.memory_space<vmem>>[vector<16xi32>, vector<16xi32>], vector<16xf32>,
            %jit3A_502 = arith.constant -1 : i32
            %broadcast_in_dim3A_503 = vector.broadcast %jit3A_502 : i32 to vector<16xi32>
            %select_n3A_504 = arith.select %and3A_259, %get3A_255, %broadcast_in_dim3A_503 : vector<16xi1>, vector<16xi32>
            %dma_start3A_505 = arith.constant 0 : i32
            %dma_start3A_506 = arith.constant 0 : i32
            %dma_start3A_507 = tpu.memref_slice %arg5[%dma_start3A_505, %dma_start3A_506] : memref<16384x128xf32, #tpu.memory_space<hbm>> -> memref<16384x128xf32, #tpu.memory_space<hbm>>
            %dma_start3A_508 = arith.constant -1 : i32
            tpu.enqueue_indirect_dma source(%arg11 : memref<16x128xf32, #tpu.memory_space<vmem>>) target(%dma_start3A_507 : memref<16384x128xf32, #tpu.memory_space<hbm>>) offsets(%select_n3A_504 : vector<16xi32>) offset_filter(%dma_start3A_508) semaphore(%arg13 : memref<!tpu.dma_semaphore, #tpu.memory_space<semaphore_mem>>)
            %dma_wait3A_509 = arith.constant 0 : i32
            %dma_wait3A_510 = arith.constant 0 : i32
            %dma_wait3A_511 = tpu.memref_slice %arg5[%dma_wait3A_509, %dma_wait3A_510] : memref<16384x128xf32, #tpu.memory_space<hbm>> -> memref<16384x128xf32, #tpu.memory_space<hbm>>
            tpu.wait_indirect_dma semaphore(%arg13 : memref<!tpu.dma_semaphore, #tpu.memory_space<semaphore_mem>>) src(%arg11 : memref<16x128xf32, #tpu.memory_space<vmem>>) dst(%dma_wait3A_511 : memref<16384x128xf32, #tpu.memory_space<hbm>>)
          } else {
          }
          %while3A_273 = arith.constant 0 : i32
          scf.yield %while3A_273 : i32
        }
        %while3A_235 = arith.constant 1 : i32
        %while3A_236 = scf.for %while3A_247 = %while3A_232 to %while3A_228 step %while3A_235 iter_args(%while3A_248 = %while3A_234) -> (i32)  : i32 {
          %mul3A_249 = arith.constant 16 : i32
          %mul3A_250 = arith.muli %while3A_247, %mul3A_249 : i32
          %get3A = arith.index_cast %mul3A_250 : i32 to index
          %get3A_251 = tpu.vector_load %arg7[%get3A] {strides = array<i32>} : memref<16400xi32, #tpu.memory_space<vmem>>, vector<16xi32>,
          %mul3A_252 = arith.constant 16 : i32
          %mul3A_253 = arith.muli %while3A_247, %mul3A_252 : i32
          %get3A_254 = arith.index_cast %mul3A_253 : i32 to index
          %get3A_255 = tpu.vector_load %arg8[%get3A_254] {strides = array<i32>} : memref<16384xi32, #tpu.memory_space<vmem>>, vector<16xi32>,
          %ge3A = vector.broadcast %multiple_of3A_223 : i32 to vector<16xi32>
          %ge3A_256 = arith.cmpi sge, %get3A_251, %ge3A : vector<16xi32>
          %add3A_257 = arith.addi %multiple_of3A_223, %while3A : i32
          %lt3A = vector.broadcast %add3A_257 : i32 to vector<16xi32>
          %lt3A_258 = arith.cmpi slt, %get3A_251, %lt3A : vector<16xi32>
          %and3A_259 = arith.andi %ge3A_256, %lt3A_258 : vector<16xi1>
          %reduce_or3A = arith.constant 1.000000e+00 : f32
          %reduce_or3A_260 = arith.constant 0.000000e+00 : f32
          %reduce_or3A_261 = vector.broadcast %reduce_or3A : f32 to vector<16xf32>
          %reduce_or3A_262 = vector.broadcast %reduce_or3A_260 : f32 to vector<16xf32>
          %reduce_or3A_263 = arith.select %and3A_259, %reduce_or3A_261, %reduce_or3A_262 : vector<16xi1>, vector<16xf32>
          %reduce_or3A_264 = arith.constant true
          %reduce_or3A_265 = vector.broadcast %reduce_or3A_264 : i1 to vector<16xi1>
          %reduce_or3A_266 = tpu.scan <max>, %reduce_or3A_263 masked %reduce_or3A_265 : vector<16xf32>, vector<16xi1> -> vector<16xf32>
          %reduce_or3A_267 = vector.extract %reduce_or3A_266[15] : f32 from vector<16xf32>
          %reduce_or3A_268 = arith.constant 0.000000e+00 : f32
          %reduce_or3A_269 = arith.cmpf ogt, %reduce_or3A_267, %reduce_or3A_268 : f32
          %convert_element_type3A_270 = arith.extui %reduce_or3A_269 : i1 to i32
          %cond3A_271 = arith.constant 0 : i32
          %cond3A_272 = arith.cmpi ne, %convert_element_type3A_270, %cond3A_271 : i32
          scf.if %cond3A_272 {
            %sub3A_274 = vector.broadcast %multiple_of3A_223 : i32 to vector<16xi32>
            %sub3A_275 = arith.subi %get3A_251, %sub3A_274 : vector<16xi32>
            %jit3A_276 = arith.constant 0 : i32
            %broadcast_in_dim3A_277 = vector.broadcast %jit3A_276 : i32 to vector<16xi32>
            %select_n3A_278 = arith.select %and3A_259, %sub3A_275, %broadcast_in_dim3A_277 : vector<16xi1>, vector<16xi32>
            %broadcast_in_dim3A_279 = arith.constant 0 : i32
            %broadcast_in_dim3A_280 = vector.broadcast %broadcast_in_dim3A_279 : i32 to vector<16xi32>
            %gather3A = arith.constant 0 : i32
            %gather3A_281 = arith.constant 0 : i32
            %gather3A_282 = tpu.memref_slice %arg9[%while3A_224, %gather3A, %gather3A_281] : memref<1x32x1024xf32, #tpu.memory_space<vmem>> -> memref<1x32x1024xf32, #tpu.memory_space<vmem>>
            %gather3A_283 = tpu.memref_squeeze %gather3A_282 : memref<1x32x1024xf32, #tpu.memory_space<vmem>> -> memref<32x1024xf32, #tpu.memory_space<vmem>>
            %gather3A_284 = tpu.vector_load_idx %gather3A_283[%broadcast_in_dim3A_280, %select_n3A_278] : memref<32x1024xf32, #tpu.memory_space<vmem>>[vector<16xi32>, vector<16xi32>], vector<16xf32>,
            tpu.vector_store_idx %arg11[%iota3A, %broadcast_in_dim3A_280], %gather3A_284 : memref<16x128xf32, #tpu.memory_space<vmem>>[vector<16xi32>, vector<16xi32>], vector<16xf32>,
            %broadcast_in_dim3A_285 = arith.constant 1 : i32
            %broadcast_in_dim3A_286 = vector.broadcast %broadcast_in_dim3A_285 : i32 to vector<16xi32>
            %gather3A_287 = arith.constant 0 : i32
            %gather3A_288 = arith.constant 0 : i32
            %gather3A_289 = tpu.memref_slice %arg9[%while3A_224, %gather3A_287, %gather3A_288] : memref<1x32x1024xf32, #tpu.memory_space<vmem>> -> memref<1x32x1024xf32, #tpu.memory_space<vmem>>
            %gather3A_290 = tpu.memref_squeeze %gather3A_289 : memref<1x32x1024xf32, #tpu.memory_space<vmem>> -> memref<32x1024xf32, #tpu.memory_space<vmem>>
            %gather3A_291 = tpu.vector_load_idx %gather3A_290[%broadcast_in_dim3A_286, %select_n3A_278] : memref<32x1024xf32, #tpu.memory_space<vmem>>[vector<16xi32>, vector<16xi32>], vector<16xf32>,
            tpu.vector_store_idx %arg11[%iota3A, %broadcast_in_dim3A_286], %gather3A_291 : memref<16x128xf32, #tpu.memory_space<vmem>>[vector<16xi32>, vector<16xi32>], vector<16xf32>,
            %broadcast_in_dim3A_292 = arith.constant 2 : i32
            %broadcast_in_dim3A_293 = vector.broadcast %broadcast_in_dim3A_292 : i32 to vector<16xi32>
            %gather3A_294 = arith.constant 0 : i32
            %gather3A_295 = arith.constant 0 : i32
            %gather3A_296 = tpu.memref_slice %arg9[%while3A_224, %gather3A_294, %gather3A_295] : memref<1x32x1024xf32, #tpu.memory_space<vmem>> -> memref<1x32x1024xf32, #tpu.memory_space<vmem>>
            %gather3A_297 = tpu.memref_squeeze %gather3A_296 : memref<1x32x1024xf32, #tpu.memory_space<vmem>> -> memref<32x1024xf32, #tpu.memory_space<vmem>>
            %gather3A_298 = tpu.vector_load_idx %gather3A_297[%broadcast_in_dim3A_293, %select_n3A_278] : memref<32x1024xf32, #tpu.memory_space<vmem>>[vector<16xi32>, vector<16xi32>], vector<16xf32>,
            tpu.vector_store_idx %arg11[%iota3A, %broadcast_in_dim3A_293], %gather3A_298 : memref<16x128xf32, #tpu.memory_space<vmem>>[vector<16xi32>, vector<16xi32>], vector<16xf32>,
            %broadcast_in_dim3A_299 = arith.constant 3 : i32
            %broadcast_in_dim3A_300 = vector.broadcast %broadcast_in_dim3A_299 : i32 to vector<16xi32>
            %gather3A_301 = arith.constant 0 : i32
            %gather3A_302 = arith.constant 0 : i32
            %gather3A_303 = tpu.memref_slice %arg9[%while3A_224, %gather3A_301, %gather3A_302] : memref<1x32x1024xf32, #tpu.memory_space<vmem>> -> memref<1x32x1024xf32, #tpu.memory_space<vmem>>
            %gather3A_304 = tpu.memref_squeeze %gather3A_303 : memref<1x32x1024xf32, #tpu.memory_space<vmem>> -> memref<32x1024xf32, #tpu.memory_space<vmem>>
            %gather3A_305 = tpu.vector_load_idx %gather3A_304[%broadcast_in_dim3A_300, %select_n3A_278] : memref<32x1024xf32, #tpu.memory_space<vmem>>[vector<16xi32>, vector<16xi32>], vector<16xf32>,
            tpu.vector_store_idx %arg11[%iota3A, %broadcast_in_dim3A_300], %gather3A_305 : memref<16x128xf32, #tpu.memory_space<vmem>>[vector<16xi32>, vector<16xi32>], vector<16xf32>,
            %broadcast_in_dim3A_306 = arith.constant 4 : i32
            %broadcast_in_dim3A_307 = vector.broadcast %broadcast_in_dim3A_306 : i32 to vector<16xi32>
            %gather3A_308 = arith.constant 0 : i32
            %gather3A_309 = arith.constant 0 : i32
            %gather3A_310 = tpu.memref_slice %arg9[%while3A_224, %gather3A_308, %gather3A_309] : memref<1x32x1024xf32, #tpu.memory_space<vmem>> -> memref<1x32x1024xf32, #tpu.memory_space<vmem>>
            %gather3A_311 = tpu.memref_squeeze %gather3A_310 : memref<1x32x1024xf32, #tpu.memory_space<vmem>> -> memref<32x1024xf32, #tpu.memory_space<vmem>>
            %gather3A_312 = tpu.vector_load_idx %gather3A_311[%broadcast_in_dim3A_307, %select_n3A_278] : memref<32x1024xf32, #tpu.memory_space<vmem>>[vector<16xi32>, vector<16xi32>], vector<16xf32>,
            tpu.vector_store_idx %arg11[%iota3A, %broadcast_in_dim3A_307], %gather3A_312 : memref<16x128xf32, #tpu.memory_space<vmem>>[vector<16xi32>, vector<16xi32>], vector<16xf32>,
            %broadcast_in_dim3A_313 = arith.constant 5 : i32
            %broadcast_in_dim3A_314 = vector.broadcast %broadcast_in_dim3A_313 : i32 to vector<16xi32>
            %gather3A_315 = arith.constant 0 : i32
            %gather3A_316 = arith.constant 0 : i32
            %gather3A_317 = tpu.memref_slice %arg9[%while3A_224, %gather3A_315, %gather3A_316] : memref<1x32x1024xf32, #tpu.memory_space<vmem>> -> memref<1x32x1024xf32, #tpu.memory_space<vmem>>
            %gather3A_318 = tpu.memref_squeeze %gather3A_317 : memref<1x32x1024xf32, #tpu.memory_space<vmem>> -> memref<32x1024xf32, #tpu.memory_space<vmem>>
            %gather3A_319 = tpu.vector_load_idx %gather3A_318[%broadcast_in_dim3A_314, %select_n3A_278] : memref<32x1024xf32, #tpu.memory_space<vmem>>[vector<16xi32>, vector<16xi32>], vector<16xf32>,
            tpu.vector_store_idx %arg11[%iota3A, %broadcast_in_dim3A_314], %gather3A_319 : memref<16x128xf32, #tpu.memory_space<vmem>>[vector<16xi32>, vector<16xi32>], vector<16xf32>,
            %broadcast_in_dim3A_320 = arith.constant 6 : i32
            %broadcast_in_dim3A_321 = vector.broadcast %broadcast_in_dim3A_320 : i32 to vector<16xi32>
            %gather3A_322 = arith.constant 0 : i32
            %gather3A_323 = arith.constant 0 : i32
            %gather3A_324 = tpu.memref_slice %arg9[%while3A_224, %gather3A_322, %gather3A_323] : memref<1x32x1024xf32, #tpu.memory_space<vmem>> -> memref<1x32x1024xf32, #tpu.memory_space<vmem>>
            %gather3A_325 = tpu.memref_squeeze %gather3A_324 : memref<1x32x1024xf32, #tpu.memory_space<vmem>> -> memref<32x1024xf32, #tpu.memory_space<vmem>>
            %gather3A_326 = tpu.vector_load_idx %gather3A_325[%broadcast_in_dim3A_321, %select_n3A_278] : memref<32x1024xf32, #tpu.memory_space<vmem>>[vector<16xi32>, vector<16xi32>], vector<16xf32>,
            tpu.vector_store_idx %arg11[%iota3A, %broadcast_in_dim3A_321], %gather3A_326 : memref<16x128xf32, #tpu.memory_space<vmem>>[vector<16xi32>, vector<16xi32>], vector<16xf32>,
            %broadcast_in_dim3A_327 = arith.constant 7 : i32
            %broadcast_in_dim3A_328 = vector.broadcast %broadcast_in_dim3A_327 : i32 to vector<16xi32>
            %gather3A_329 = arith.constant 0 : i32
            %gather3A_330 = arith.constant 0 : i32
            %gather3A_331 = tpu.memref_slice %arg9[%while3A_224, %gather3A_329, %gather3A_330] : memref<1x32x1024xf32, #tpu.memory_space<vmem>> -> memref<1x32x1024xf32, #tpu.memory_space<vmem>>
            %gather3A_332 = tpu.memref_squeeze %gather3A_331 : memref<1x32x1024xf32, #tpu.memory_space<vmem>> -> memref<32x1024xf32, #tpu.memory_space<vmem>>
            %gather3A_333 = tpu.vector_load_idx %gather3A_332[%broadcast_in_dim3A_328, %select_n3A_278] : memref<32x1024xf32, #tpu.memory_space<vmem>>[vector<16xi32>, vector<16xi32>], vector<16xf32>,
            tpu.vector_store_idx %arg11[%iota3A, %broadcast_in_dim3A_328], %gather3A_333 : memref<16x128xf32, #tpu.memory_space<vmem>>[vector<16xi32>, vector<16xi32>], vector<16xf32>,
            %broadcast_in_dim3A_334 = arith.constant 8 : i32
            %broadcast_in_dim3A_335 = vector.broadcast %broadcast_in_dim3A_334 : i32 to vector<16xi32>
            %gather3A_336 = arith.constant 0 : i32
            %gather3A_337 = arith.constant 0 : i32
            %gather3A_338 = tpu.memref_slice %arg9[%while3A_224, %gather3A_336, %gather3A_337] : memref<1x32x1024xf32, #tpu.memory_space<vmem>> -> memref<1x32x1024xf32, #tpu.memory_space<vmem>>
            %gather3A_339 = tpu.memref_squeeze %gather3A_338 : memref<1x32x1024xf32, #tpu.memory_space<vmem>> -> memref<32x1024xf32, #tpu.memory_space<vmem>>
            %gather3A_340 = tpu.vector_load_idx %gather3A_339[%broadcast_in_dim3A_335, %select_n3A_278] : memref<32x1024xf32, #tpu.memory_space<vmem>>[vector<16xi32>, vector<16xi32>], vector<16xf32>,
            tpu.vector_store_idx %arg11[%iota3A, %broadcast_in_dim3A_335], %gather3A_340 : memref<16x128xf32, #tpu.memory_space<vmem>>[vector<16xi32>, vector<16xi32>], vector<16xf32>,
            %broadcast_in_dim3A_341 = arith.constant 9 : i32
            %broadcast_in_dim3A_342 = vector.broadcast %broadcast_in_dim3A_341 : i32 to vector<16xi32>
            %gather3A_343 = arith.constant 0 : i32
            %gather3A_344 = arith.constant 0 : i32
            %gather3A_345 = tpu.memref_slice %arg9[%while3A_224, %gather3A_343, %gather3A_344] : memref<1x32x1024xf32, #tpu.memory_space<vmem>> -> memref<1x32x1024xf32, #tpu.memory_space<vmem>>
            %gather3A_346 = tpu.memref_squeeze %gather3A_345 : memref<1x32x1024xf32, #tpu.memory_space<vmem>> -> memref<32x1024xf32, #tpu.memory_space<vmem>>
            %gather3A_347 = tpu.vector_load_idx %gather3A_346[%broadcast_in_dim3A_342, %select_n3A_278] : memref<32x1024xf32, #tpu.memory_space<vmem>>[vector<16xi32>, vector<16xi32>], vector<16xf32>,
            tpu.vector_store_idx %arg11[%iota3A, %broadcast_in_dim3A_342], %gather3A_347 : memref<16x128xf32, #tpu.memory_space<vmem>>[vector<16xi32>, vector<16xi32>], vector<16xf32>,
            %broadcast_in_dim3A_348 = arith.constant 10 : i32
            %broadcast_in_dim3A_349 = vector.broadcast %broadcast_in_dim3A_348 : i32 to vector<16xi32>
            %gather3A_350 = arith.constant 0 : i32
            %gather3A_351 = arith.constant 0 : i32
            %gather3A_352 = tpu.memref_slice %arg9[%while3A_224, %gather3A_350, %gather3A_351] : memref<1x32x1024xf32, #tpu.memory_space<vmem>> -> memref<1x32x1024xf32, #tpu.memory_space<vmem>>
            %gather3A_353 = tpu.memref_squeeze %gather3A_352 : memref<1x32x1024xf32, #tpu.memory_space<vmem>> -> memref<32x1024xf32, #tpu.memory_space<vmem>>
            %gather3A_354 = tpu.vector_load_idx %gather3A_353[%broadcast_in_dim3A_349, %select_n3A_278] : memref<32x1024xf32, #tpu.memory_space<vmem>>[vector<16xi32>, vector<16xi32>], vector<16xf32>,
            tpu.vector_store_idx %arg11[%iota3A, %broadcast_in_dim3A_349], %gather3A_354 : memref<16x128xf32, #tpu.memory_space<vmem>>[vector<16xi32>, vector<16xi32>], vector<16xf32>,
            %broadcast_in_dim3A_355 = arith.constant 11 : i32
            %broadcast_in_dim3A_356 = vector.broadcast %broadcast_in_dim3A_355 : i32 to vector<16xi32>
            %gather3A_357 = arith.constant 0 : i32
            %gather3A_358 = arith.constant 0 : i32
            %gather3A_359 = tpu.memref_slice %arg9[%while3A_224, %gather3A_357, %gather3A_358] : memref<1x32x1024xf32, #tpu.memory_space<vmem>> -> memref<1x32x1024xf32, #tpu.memory_space<vmem>>
            %gather3A_360 = tpu.memref_squeeze %gather3A_359 : memref<1x32x1024xf32, #tpu.memory_space<vmem>> -> memref<32x1024xf32, #tpu.memory_space<vmem>>
            %gather3A_361 = tpu.vector_load_idx %gather3A_360[%broadcast_in_dim3A_356, %select_n3A_278] : memref<32x1024xf32, #tpu.memory_space<vmem>>[vector<16xi32>, vector<16xi32>], vector<16xf32>,
            tpu.vector_store_idx %arg11[%iota3A, %broadcast_in_dim3A_356], %gather3A_361 : memref<16x128xf32, #tpu.memory_space<vmem>>[vector<16xi32>, vector<16xi32>], vector<16xf32>,
            %broadcast_in_dim3A_362 = arith.constant 12 : i32
            %broadcast_in_dim3A_363 = vector.broadcast %broadcast_in_dim3A_362 : i32 to vector<16xi32>
            %gather3A_364 = arith.constant 0 : i32
            %gather3A_365 = arith.constant 0 : i32
            %gather3A_366 = tpu.memref_slice %arg9[%while3A_224, %gather3A_364, %gather3A_365] : memref<1x32x1024xf32, #tpu.memory_space<vmem>> -> memref<1x32x1024xf32, #tpu.memory_space<vmem>>
            %gather3A_367 = tpu.memref_squeeze %gather3A_366 : memref<1x32x1024xf32, #tpu.memory_space<vmem>> -> memref<32x1024xf32, #tpu.memory_space<vmem>>
            %gather3A_368 = tpu.vector_load_idx %gather3A_367[%broadcast_in_dim3A_363, %select_n3A_278] : memref<32x1024xf32, #tpu.memory_space<vmem>>[vector<16xi32>, vector<16xi32>], vector<16xf32>,
            tpu.vector_store_idx %arg11[%iota3A, %broadcast_in_dim3A_363], %gather3A_368 : memref<16x128xf32, #tpu.memory_space<vmem>>[vector<16xi32>, vector<16xi32>], vector<16xf32>,
            %broadcast_in_dim3A_369 = arith.constant 13 : i32
            %broadcast_in_dim3A_370 = vector.broadcast %broadcast_in_dim3A_369 : i32 to vector<16xi32>
            %gather3A_371 = arith.constant 0 : i32
            %gather3A_372 = arith.constant 0 : i32
            %gather3A_373 = tpu.memref_slice %arg9[%while3A_224, %gather3A_371, %gather3A_372] : memref<1x32x1024xf32, #tpu.memory_space<vmem>> -> memref<1x32x1024xf32, #tpu.memory_space<vmem>>
            %gather3A_374 = tpu.memref_squeeze %gather3A_373 : memref<1x32x1024xf32, #tpu.memory_space<vmem>> -> memref<32x1024xf32, #tpu.memory_space<vmem>>
            %gather3A_375 = tpu.vector_load_idx %gather3A_374[%broadcast_in_dim3A_370, %select_n3A_278] : memref<32x1024xf32, #tpu.memory_space<vmem>>[vector<16xi32>, vector<16xi32>], vector<16xf32>,
            tpu.vector_store_idx %arg11[%iota3A, %broadcast_in_dim3A_370], %gather3A_375 : memref<16x128xf32, #tpu.memory_space<vmem>>[vector<16xi32>, vector<16xi32>], vector<16xf32>,
            %broadcast_in_dim3A_376 = arith.constant 14 : i32
            %broadcast_in_dim3A_377 = vector.broadcast %broadcast_in_dim3A_376 : i32 to vector<16xi32>
            %gather3A_378 = arith.constant 0 : i32
            %gather3A_379 = arith.constant 0 : i32
            %gather3A_380 = tpu.memref_slice %arg9[%while3A_224, %gather3A_378, %gather3A_379] : memref<1x32x1024xf32, #tpu.memory_space<vmem>> -> memref<1x32x1024xf32, #tpu.memory_space<vmem>>
            %gather3A_381 = tpu.memref_squeeze %gather3A_380 : memref<1x32x1024xf32, #tpu.memory_space<vmem>> -> memref<32x1024xf32, #tpu.memory_space<vmem>>
            %gather3A_382 = tpu.vector_load_idx %gather3A_381[%broadcast_in_dim3A_377, %select_n3A_278] : memref<32x1024xf32, #tpu.memory_space<vmem>>[vector<16xi32>, vector<16xi32>], vector<16xf32>,
            tpu.vector_store_idx %arg11[%iota3A, %broadcast_in_dim3A_377], %gather3A_382 : memref<16x128xf32, #tpu.memory_space<vmem>>[vector<16xi32>, vector<16xi32>], vector<16xf32>,
            %broadcast_in_dim3A_383 = arith.constant 15 : i32
            %broadcast_in_dim3A_384 = vector.broadcast %broadcast_in_dim3A_383 : i32 to vector<16xi32>
            %gather3A_385 = arith.constant 0 : i32
            %gather3A_386 = arith.constant 0 : i32
            %gather3A_387 = tpu.memref_slice %arg9[%while3A_224, %gather3A_385, %gather3A_386] : memref<1x32x1024xf32, #tpu.memory_space<vmem>> -> memref<1x32x1024xf32, #tpu.memory_space<vmem>>
            %gather3A_388 = tpu.memref_squeeze %gather3A_387 : memref<1x32x1024xf32, #tpu.memory_space<vmem>> -> memref<32x1024xf32, #tpu.memory_space<vmem>>
            %gather3A_389 = tpu.vector_load_idx %gather3A_388[%broadcast_in_dim3A_384, %select_n3A_278] : memref<32x1024xf32, #tpu.memory_space<vmem>>[vector<16xi32>, vector<16xi32>], vector<16xf32>,
            tpu.vector_store_idx %arg11[%iota3A, %broadcast_in_dim3A_384], %gather3A_389 : memref<16x128xf32, #tpu.memory_space<vmem>>[vector<16xi32>, vector<16xi32>], vector<16xf32>,
            %broadcast_in_dim3A_390 = arith.constant 16 : i32
            %broadcast_in_dim3A_391 = vector.broadcast %broadcast_in_dim3A_390 : i32 to vector<16xi32>
            %gather3A_392 = arith.constant 0 : i32
            %gather3A_393 = arith.constant 0 : i32
            %gather3A_394 = tpu.memref_slice %arg9[%while3A_224, %gather3A_392, %gather3A_393] : memref<1x32x1024xf32, #tpu.memory_space<vmem>> -> memref<1x32x1024xf32, #tpu.memory_space<vmem>>
            %gather3A_395 = tpu.memref_squeeze %gather3A_394 : memref<1x32x1024xf32, #tpu.memory_space<vmem>> -> memref<32x1024xf32, #tpu.memory_space<vmem>>
            %gather3A_396 = tpu.vector_load_idx %gather3A_395[%broadcast_in_dim3A_391, %select_n3A_278] : memref<32x1024xf32, #tpu.memory_space<vmem>>[vector<16xi32>, vector<16xi32>], vector<16xf32>,
            tpu.vector_store_idx %arg11[%iota3A, %broadcast_in_dim3A_391], %gather3A_396 : memref<16x128xf32, #tpu.memory_space<vmem>>[vector<16xi32>, vector<16xi32>], vector<16xf32>,
            %broadcast_in_dim3A_397 = arith.constant 17 : i32
            %broadcast_in_dim3A_398 = vector.broadcast %broadcast_in_dim3A_397 : i32 to vector<16xi32>
            %gather3A_399 = arith.constant 0 : i32
            %gather3A_400 = arith.constant 0 : i32
            %gather3A_401 = tpu.memref_slice %arg9[%while3A_224, %gather3A_399, %gather3A_400] : memref<1x32x1024xf32, #tpu.memory_space<vmem>> -> memref<1x32x1024xf32, #tpu.memory_space<vmem>>
            %gather3A_402 = tpu.memref_squeeze %gather3A_401 : memref<1x32x1024xf32, #tpu.memory_space<vmem>> -> memref<32x1024xf32, #tpu.memory_space<vmem>>
            %gather3A_403 = tpu.vector_load_idx %gather3A_402[%broadcast_in_dim3A_398, %select_n3A_278] : memref<32x1024xf32, #tpu.memory_space<vmem>>[vector<16xi32>, vector<16xi32>], vector<16xf32>,
            tpu.vector_store_idx %arg11[%iota3A, %broadcast_in_dim3A_398], %gather3A_403 : memref<16x128xf32, #tpu.memory_space<vmem>>[vector<16xi32>, vector<16xi32>], vector<16xf32>,
            %broadcast_in_dim3A_404 = arith.constant 18 : i32
            %broadcast_in_dim3A_405 = vector.broadcast %broadcast_in_dim3A_404 : i32 to vector<16xi32>
            %gather3A_406 = arith.constant 0 : i32
            %gather3A_407 = arith.constant 0 : i32
            %gather3A_408 = tpu.memref_slice %arg9[%while3A_224, %gather3A_406, %gather3A_407] : memref<1x32x1024xf32, #tpu.memory_space<vmem>> -> memref<1x32x1024xf32, #tpu.memory_space<vmem>>
            %gather3A_409 = tpu.memref_squeeze %gather3A_408 : memref<1x32x1024xf32, #tpu.memory_space<vmem>> -> memref<32x1024xf32, #tpu.memory_space<vmem>>
            %gather3A_410 = tpu.vector_load_idx %gather3A_409[%broadcast_in_dim3A_405, %select_n3A_278] : memref<32x1024xf32, #tpu.memory_space<vmem>>[vector<16xi32>, vector<16xi32>], vector<16xf32>,
            tpu.vector_store_idx %arg11[%iota3A, %broadcast_in_dim3A_405], %gather3A_410 : memref<16x128xf32, #tpu.memory_space<vmem>>[vector<16xi32>, vector<16xi32>], vector<16xf32>,
            %broadcast_in_dim3A_411 = arith.constant 19 : i32
            %broadcast_in_dim3A_412 = vector.broadcast %broadcast_in_dim3A_411 : i32 to vector<16xi32>
            %gather3A_413 = arith.constant 0 : i32
            %gather3A_414 = arith.constant 0 : i32
            %gather3A_415 = tpu.memref_slice %arg9[%while3A_224, %gather3A_413, %gather3A_414] : memref<1x32x1024xf32, #tpu.memory_space<vmem>> -> memref<1x32x1024xf32, #tpu.memory_space<vmem>>
            %gather3A_416 = tpu.memref_squeeze %gather3A_415 : memref<1x32x1024xf32, #tpu.memory_space<vmem>> -> memref<32x1024xf32, #tpu.memory_space<vmem>>
            %gather3A_417 = tpu.vector_load_idx %gather3A_416[%broadcast_in_dim3A_412, %select_n3A_278] : memref<32x1024xf32, #tpu.memory_space<vmem>>[vector<16xi32>, vector<16xi32>], vector<16xf32>,
            tpu.vector_store_idx %arg11[%iota3A, %broadcast_in_dim3A_412], %gather3A_417 : memref<16x128xf32, #tpu.memory_space<vmem>>[vector<16xi32>, vector<16xi32>], vector<16xf32>,
            %broadcast_in_dim3A_418 = arith.constant 20 : i32
            %broadcast_in_dim3A_419 = vector.broadcast %broadcast_in_dim3A_418 : i32 to vector<16xi32>
            %gather3A_420 = arith.constant 0 : i32
            %gather3A_421 = arith.constant 0 : i32
            %gather3A_422 = tpu.memref_slice %arg9[%while3A_224, %gather3A_420, %gather3A_421] : memref<1x32x1024xf32, #tpu.memory_space<vmem>> -> memref<1x32x1024xf32, #tpu.memory_space<vmem>>
            %gather3A_423 = tpu.memref_squeeze %gather3A_422 : memref<1x32x1024xf32, #tpu.memory_space<vmem>> -> memref<32x1024xf32, #tpu.memory_space<vmem>>
            %gather3A_424 = tpu.vector_load_idx %gather3A_423[%broadcast_in_dim3A_419, %select_n3A_278] : memref<32x1024xf32, #tpu.memory_space<vmem>>[vector<16xi32>, vector<16xi32>], vector<16xf32>,
            tpu.vector_store_idx %arg11[%iota3A, %broadcast_in_dim3A_419], %gather3A_424 : memref<16x128xf32, #tpu.memory_space<vmem>>[vector<16xi32>, vector<16xi32>], vector<16xf32>,
            %broadcast_in_dim3A_425 = arith.constant 21 : i32
            %broadcast_in_dim3A_426 = vector.broadcast %broadcast_in_dim3A_425 : i32 to vector<16xi32>
            %gather3A_427 = arith.constant 0 : i32
            %gather3A_428 = arith.constant 0 : i32
            %gather3A_429 = tpu.memref_slice %arg9[%while3A_224, %gather3A_427, %gather3A_428] : memref<1x32x1024xf32, #tpu.memory_space<vmem>> -> memref<1x32x1024xf32, #tpu.memory_space<vmem>>
            %gather3A_430 = tpu.memref_squeeze %gather3A_429 : memref<1x32x1024xf32, #tpu.memory_space<vmem>> -> memref<32x1024xf32, #tpu.memory_space<vmem>>
            %gather3A_431 = tpu.vector_load_idx %gather3A_430[%broadcast_in_dim3A_426, %select_n3A_278] : memref<32x1024xf32, #tpu.memory_space<vmem>>[vector<16xi32>, vector<16xi32>], vector<16xf32>,
            tpu.vector_store_idx %arg11[%iota3A, %broadcast_in_dim3A_426], %gather3A_431 : memref<16x128xf32, #tpu.memory_space<vmem>>[vector<16xi32>, vector<16xi32>], vector<16xf32>,
            %broadcast_in_dim3A_432 = arith.constant 22 : i32
            %broadcast_in_dim3A_433 = vector.broadcast %broadcast_in_dim3A_432 : i32 to vector<16xi32>
            %gather3A_434 = arith.constant 0 : i32
            %gather3A_435 = arith.constant 0 : i32
            %gather3A_436 = tpu.memref_slice %arg9[%while3A_224, %gather3A_434, %gather3A_435] : memref<1x32x1024xf32, #tpu.memory_space<vmem>> -> memref<1x32x1024xf32, #tpu.memory_space<vmem>>
            %gather3A_437 = tpu.memref_squeeze %gather3A_436 : memref<1x32x1024xf32, #tpu.memory_space<vmem>> -> memref<32x1024xf32, #tpu.memory_space<vmem>>
            %gather3A_438 = tpu.vector_load_idx %gather3A_437[%broadcast_in_dim3A_433, %select_n3A_278] : memref<32x1024xf32, #tpu.memory_space<vmem>>[vector<16xi32>, vector<16xi32>], vector<16xf32>,
            tpu.vector_store_idx %arg11[%iota3A, %broadcast_in_dim3A_433], %gather3A_438 : memref<16x128xf32, #tpu.memory_space<vmem>>[vector<16xi32>, vector<16xi32>], vector<16xf32>,
            %broadcast_in_dim3A_439 = arith.constant 23 : i32
            %broadcast_in_dim3A_440 = vector.broadcast %broadcast_in_dim3A_439 : i32 to vector<16xi32>
            %gather3A_441 = arith.constant 0 : i32
            %gather3A_442 = arith.constant 0 : i32
            %gather3A_443 = tpu.memref_slice %arg9[%while3A_224, %gather3A_441, %gather3A_442] : memref<1x32x1024xf32, #tpu.memory_space<vmem>> -> memref<1x32x1024xf32, #tpu.memory_space<vmem>>
            %gather3A_444 = tpu.memref_squeeze %gather3A_443 : memref<1x32x1024xf32, #tpu.memory_space<vmem>> -> memref<32x1024xf32, #tpu.memory_space<vmem>>
            %gather3A_445 = tpu.vector_load_idx %gather3A_444[%broadcast_in_dim3A_440, %select_n3A_278] : memref<32x1024xf32, #tpu.memory_space<vmem>>[vector<16xi32>, vector<16xi32>], vector<16xf32>,
            tpu.vector_store_idx %arg11[%iota3A, %broadcast_in_dim3A_440], %gather3A_445 : memref<16x128xf32, #tpu.memory_space<vmem>>[vector<16xi32>, vector<16xi32>], vector<16xf32>,
            %broadcast_in_dim3A_446 = arith.constant 24 : i32
            %broadcast_in_dim3A_447 = vector.broadcast %broadcast_in_dim3A_446 : i32 to vector<16xi32>
            %gather3A_448 = arith.constant 0 : i32
            %gather3A_449 = arith.constant 0 : i32
            %gather3A_450 = tpu.memref_slice %arg9[%while3A_224, %gather3A_448, %gather3A_449] : memref<1x32x1024xf32, #tpu.memory_space<vmem>> -> memref<1x32x1024xf32, #tpu.memory_space<vmem>>
            %gather3A_451 = tpu.memref_squeeze %gather3A_450 : memref<1x32x1024xf32, #tpu.memory_space<vmem>> -> memref<32x1024xf32, #tpu.memory_space<vmem>>
            %gather3A_452 = tpu.vector_load_idx %gather3A_451[%broadcast_in_dim3A_447, %select_n3A_278] : memref<32x1024xf32, #tpu.memory_space<vmem>>[vector<16xi32>, vector<16xi32>], vector<16xf32>,
            tpu.vector_store_idx %arg11[%iota3A, %broadcast_in_dim3A_447], %gather3A_452 : memref<16x128xf32, #tpu.memory_space<vmem>>[vector<16xi32>, vector<16xi32>], vector<16xf32>,
            %broadcast_in_dim3A_453 = arith.constant 25 : i32
            %broadcast_in_dim3A_454 = vector.broadcast %broadcast_in_dim3A_453 : i32 to vector<16xi32>
            %gather3A_455 = arith.constant 0 : i32
            %gather3A_456 = arith.constant 0 : i32
            %gather3A_457 = tpu.memref_slice %arg9[%while3A_224, %gather3A_455, %gather3A_456] : memref<1x32x1024xf32, #tpu.memory_space<vmem>> -> memref<1x32x1024xf32, #tpu.memory_space<vmem>>
            %gather3A_458 = tpu.memref_squeeze %gather3A_457 : memref<1x32x1024xf32, #tpu.memory_space<vmem>> -> memref<32x1024xf32, #tpu.memory_space<vmem>>
            %gather3A_459 = tpu.vector_load_idx %gather3A_458[%broadcast_in_dim3A_454, %select_n3A_278] : memref<32x1024xf32, #tpu.memory_space<vmem>>[vector<16xi32>, vector<16xi32>], vector<16xf32>,
            tpu.vector_store_idx %arg11[%iota3A, %broadcast_in_dim3A_454], %gather3A_459 : memref<16x128xf32, #tpu.memory_space<vmem>>[vector<16xi32>, vector<16xi32>], vector<16xf32>,
            %broadcast_in_dim3A_460 = arith.constant 26 : i32
            %broadcast_in_dim3A_461 = vector.broadcast %broadcast_in_dim3A_460 : i32 to vector<16xi32>
            %gather3A_462 = arith.constant 0 : i32
            %gather3A_463 = arith.constant 0 : i32
            %gather3A_464 = tpu.memref_slice %arg9[%while3A_224, %gather3A_462, %gather3A_463] : memref<1x32x1024xf32, #tpu.memory_space<vmem>> -> memref<1x32x1024xf32, #tpu.memory_space<vmem>>
            %gather3A_465 = tpu.memref_squeeze %gather3A_464 : memref<1x32x1024xf32, #tpu.memory_space<vmem>> -> memref<32x1024xf32, #tpu.memory_space<vmem>>
            %gather3A_466 = tpu.vector_load_idx %gather3A_465[%broadcast_in_dim3A_461, %select_n3A_278] : memref<32x1024xf32, #tpu.memory_space<vmem>>[vector<16xi32>, vector<16xi32>], vector<16xf32>,
            tpu.vector_store_idx %arg11[%iota3A, %broadcast_in_dim3A_461], %gather3A_466 : memref<16x128xf32, #tpu.memory_space<vmem>>[vector<16xi32>, vector<16xi32>], vector<16xf32>,
            %broadcast_in_dim3A_467 = arith.constant 27 : i32
            %broadcast_in_dim3A_468 = vector.broadcast %broadcast_in_dim3A_467 : i32 to vector<16xi32>
            %gather3A_469 = arith.constant 0 : i32
            %gather3A_470 = arith.constant 0 : i32
            %gather3A_471 = tpu.memref_slice %arg9[%while3A_224, %gather3A_469, %gather3A_470] : memref<1x32x1024xf32, #tpu.memory_space<vmem>> -> memref<1x32x1024xf32, #tpu.memory_space<vmem>>
            %gather3A_472 = tpu.memref_squeeze %gather3A_471 : memref<1x32x1024xf32, #tpu.memory_space<vmem>> -> memref<32x1024xf32, #tpu.memory_space<vmem>>
            %gather3A_473 = tpu.vector_load_idx %gather3A_472[%broadcast_in_dim3A_468, %select_n3A_278] : memref<32x1024xf32, #tpu.memory_space<vmem>>[vector<16xi32>, vector<16xi32>], vector<16xf32>,
            tpu.vector_store_idx %arg11[%iota3A, %broadcast_in_dim3A_468], %gather3A_473 : memref<16x128xf32, #tpu.memory_space<vmem>>[vector<16xi32>, vector<16xi32>], vector<16xf32>,
            %broadcast_in_dim3A_474 = arith.constant 28 : i32
            %broadcast_in_dim3A_475 = vector.broadcast %broadcast_in_dim3A_474 : i32 to vector<16xi32>
            %gather3A_476 = arith.constant 0 : i32
            %gather3A_477 = arith.constant 0 : i32
            %gather3A_478 = tpu.memref_slice %arg9[%while3A_224, %gather3A_476, %gather3A_477] : memref<1x32x1024xf32, #tpu.memory_space<vmem>> -> memref<1x32x1024xf32, #tpu.memory_space<vmem>>
            %gather3A_479 = tpu.memref_squeeze %gather3A_478 : memref<1x32x1024xf32, #tpu.memory_space<vmem>> -> memref<32x1024xf32, #tpu.memory_space<vmem>>
            %gather3A_480 = tpu.vector_load_idx %gather3A_479[%broadcast_in_dim3A_475, %select_n3A_278] : memref<32x1024xf32, #tpu.memory_space<vmem>>[vector<16xi32>, vector<16xi32>], vector<16xf32>,
            tpu.vector_store_idx %arg11[%iota3A, %broadcast_in_dim3A_475], %gather3A_480 : memref<16x128xf32, #tpu.memory_space<vmem>>[vector<16xi32>, vector<16xi32>], vector<16xf32>,
            %broadcast_in_dim3A_481 = arith.constant 29 : i32
            %broadcast_in_dim3A_482 = vector.broadcast %broadcast_in_dim3A_481 : i32 to vector<16xi32>
            %gather3A_483 = arith.constant 0 : i32
            %gather3A_484 = arith.constant 0 : i32
            %gather3A_485 = tpu.memref_slice %arg9[%while3A_224, %gather3A_483, %gather3A_484] : memref<1x32x1024xf32, #tpu.memory_space<vmem>> -> memref<1x32x1024xf32, #tpu.memory_space<vmem>>
            %gather3A_486 = tpu.memref_squeeze %gather3A_485 : memref<1x32x1024xf32, #tpu.memory_space<vmem>> -> memref<32x1024xf32, #tpu.memory_space<vmem>>
            %gather3A_487 = tpu.vector_load_idx %gather3A_486[%broadcast_in_dim3A_482, %select_n3A_278] : memref<32x1024xf32, #tpu.memory_space<vmem>>[vector<16xi32>, vector<16xi32>], vector<16xf32>,
            tpu.vector_store_idx %arg11[%iota3A, %broadcast_in_dim3A_482], %gather3A_487 : memref<16x128xf32, #tpu.memory_space<vmem>>[vector<16xi32>, vector<16xi32>], vector<16xf32>,
            %broadcast_in_dim3A_488 = arith.constant 30 : i32
            %broadcast_in_dim3A_489 = vector.broadcast %broadcast_in_dim3A_488 : i32 to vector<16xi32>
            %gather3A_490 = arith.constant 0 : i32
            %gather3A_491 = arith.constant 0 : i32
            %gather3A_492 = tpu.memref_slice %arg9[%while3A_224, %gather3A_490, %gather3A_491] : memref<1x32x1024xf32, #tpu.memory_space<vmem>> -> memref<1x32x1024xf32, #tpu.memory_space<vmem>>
            %gather3A_493 = tpu.memref_squeeze %gather3A_492 : memref<1x32x1024xf32, #tpu.memory_space<vmem>> -> memref<32x1024xf32, #tpu.memory_space<vmem>>
            %gather3A_494 = tpu.vector_load_idx %gather3A_493[%broadcast_in_dim3A_489, %select_n3A_278] : memref<32x1024xf32, #tpu.memory_space<vmem>>[vector<16xi32>, vector<16xi32>], vector<16xf32>,
            tpu.vector_store_idx %arg11[%iota3A, %broadcast_in_dim3A_489], %gather3A_494 : memref<16x128xf32, #tpu.memory_space<vmem>>[vector<16xi32>, vector<16xi32>], vector<16xf32>,
            %broadcast_in_dim3A_495 = arith.constant 31 : i32
            %broadcast_in_dim3A_496 = vector.broadcast %broadcast_in_dim3A_495 : i32 to vector<16xi32>
            %gather3A_497 = arith.constant 0 : i32
            %gather3A_498 = arith.constant 0 : i32
            %gather3A_499 = tpu.memref_slice %arg9[%while3A_224, %gather3A_497, %gather3A_498] : memref<1x32x1024xf32, #tpu.memory_space<vmem>> -> memref<1x32x1024xf32, #tpu.memory_space<vmem>>
            %gather3A_500 = tpu.memref_squeeze %gather3A_499 : memref<1x32x1024xf32, #tpu.memory_space<vmem>> -> memref<32x1024xf32, #tpu.memory_space<vmem>>
            %gather3A_501 = tpu.vector_load_idx %gather3A_500[%broadcast_in_dim3A_496, %select_n3A_278] : memref<32x1024xf32, #tpu.memory_space<vmem>>[vector<16xi32>, vector<16xi32>], vector<16xf32>,
            tpu.vector_store_idx %arg11[%iota3A, %broadcast_in_dim3A_496], %gather3A_501 : memref<16x128xf32, #tpu.memory_space<vmem>>[vector<16xi32>, vector<16xi32>], vector<16xf32>,
            %jit3A_502 = arith.constant -1 : i32
            %broadcast_in_dim3A_503 = vector.broadcast %jit3A_502 : i32 to vector<16xi32>
            %select_n3A_504 = arith.select %and3A_259, %get3A_255, %broadcast_in_dim3A_503 : vector<16xi1>, vector<16xi32>
            %dma_start3A_505 = arith.constant 0 : i32
            %dma_start3A_506 = arith.constant 0 : i32
            %dma_start3A_507 = tpu.memref_slice %arg5[%dma_start3A_505, %dma_start3A_506] : memref<16384x128xf32, #tpu.memory_space<hbm>> -> memref<16384x128xf32, #tpu.memory_space<hbm>>
            %dma_start3A_508 = arith.constant -1 : i32
            tpu.enqueue_indirect_dma source(%arg11 : memref<16x128xf32, #tpu.memory_space<vmem>>) target(%dma_start3A_507 : memref<16384x128xf32, #tpu.memory_space<hbm>>) offsets(%select_n3A_504 : vector<16xi32>) offset_filter(%dma_start3A_508) semaphore(%arg13 : memref<!tpu.dma_semaphore, #tpu.memory_space<semaphore_mem>>)
            %dma_wait3A_509 = arith.constant 0 : i32
            %dma_wait3A_510 = arith.constant 0 : i32
            %dma_wait3A_511 = tpu.memref_slice %arg5[%dma_wait3A_509, %dma_wait3A_510] : memref<16384x128xf32, #tpu.memory_space<hbm>> -> memref<16384x128xf32, #tpu.memory_space<hbm>>
            tpu.wait_indirect_dma semaphore(%arg13 : memref<!tpu.dma_semaphore, #tpu.memory_space<semaphore_mem>>) src(%arg11 : memref<16x128xf32, #tpu.memory_space<vmem>>) dst(%dma_wait3A_511 : memref<16384x128xf32, #tpu.memory_space<hbm>>)
          } else {
          }
          %while3A_273 = arith.constant 0 : i32
          scf.yield %while3A_273 : i32
        }
        %add3A_237 = arith.constant 2 : i32
        %add3A_238 = arith.addi %add3A_158, %add3A_237 : i32
        %mul3A_239 = arith.constant 32 : i32
        %mul3A_240 = arith.muli %add3A_238, %mul3A_239 : i32
        %add3A_241 = arith.addi %add3A, %mul3A_240 : i32
        %le3A_242 = arith.constant 975 : i32
        %le3A_243 = arith.cmpi sle, %add3A_241, %le3A_242 : i32
        %convert_element_type3A_244 = arith.extui %le3A_243 : i1 to i32
        %cond3A_245 = arith.constant 0 : i32
        %cond3A_246 = arith.cmpi ne, %convert_element_type3A_244, %cond3A_245 : i32
        scf.if %cond3A_246 {
          %add3A_247 = arith.constant 2 : i32
          %add3A_248 = arith.addi %add3A_158, %add3A_247 : i32
          %mul3A_249 = arith.constant 32 : i32
          %mul3A_250 = arith.muli %add3A_248, %mul3A_249 : i32
          %add3A_251 = arith.addi %add3A, %mul3A_250 : i32
          %mul3A_252 = arith.constant 1024 : i32
          %mul3A_253 = arith.muli %add3A_251, %mul3A_252 : i32
          %multiple_of3A_254 = tpu.assume_multiple %mul3A_253, 1024 : i32
          %dma_start3A_255 = arith.constant 0 : i32
          %dma_start3A_256 = arith.constant 0 : i32
          %dma_start3A_257 = tpu.memref_slice %arg10[%arg1, %dma_start3A_255, %dma_start3A_256] : memref<16x32x1024xf32, #tpu.memory_space<vmem_shared>> -> memref<1x32x1024xf32, #tpu.memory_space<vmem_shared>>
          %dma_start3A_258 = tpu.memref_squeeze %dma_start3A_257 : memref<1x32x1024xf32, #tpu.memory_space<vmem_shared>> -> memref<32x1024xf32, #tpu.memory_space<vmem_shared>>
          %dma_start3A_259 = arith.constant 0 : i32
          %dma_start3A_260 = arith.constant 0 : i32
          %dma_start3A_261 = tpu.memref_slice %dma_start3A_258[%dma_start3A_259, %dma_start3A_260] : memref<32x1024xf32, #tpu.memory_space<vmem_shared>> -> memref<8x1024xf32, #tpu.memory_space<vmem_shared>>
          %dma_start3A_262 = arith.constant 0 : i32
          %dma_start3A_263 = tpu.memref_slice %arg3[%dma_start3A_262, %multiple_of3A_254] : memref<32x1000000xf32, #tpu.memory_space<hbm>> -> memref<8x1024xf32, #tpu.memory_space<hbm>>
          tpu.enqueue_dma source(%dma_start3A_263 : memref<8x1024xf32, #tpu.memory_space<hbm>>) target(%dma_start3A_261 : memref<8x1024xf32, #tpu.memory_space<vmem_shared>>) target_semaphore(%arg12 : memref<!tpu.dma_semaphore, #tpu.memory_space<semaphore_mem>>)
          %mul3A_264 = arith.constant 32 : i32
          %mul3A_265 = arith.muli %add3A_248, %mul3A_264 : i32
          %add3A_266 = arith.addi %add3A, %mul3A_265 : i32
          %mul3A_267 = arith.constant 1024 : i32
          %mul3A_268 = arith.muli %add3A_266, %mul3A_267 : i32
          %multiple_of3A_269 = tpu.assume_multiple %mul3A_268, 1024 : i32
          %dma_start3A_270 = arith.constant 0 : i32
          %dma_start3A_271 = arith.constant 0 : i32
          %dma_start3A_272 = tpu.memref_slice %arg10[%arg1, %dma_start3A_270, %dma_start3A_271] : memref<16x32x1024xf32, #tpu.memory_space<vmem_shared>> -> memref<1x32x1024xf32, #tpu.memory_space<vmem_shared>>
          %dma_start3A_273 = tpu.memref_squeeze %dma_start3A_272 : memref<1x32x1024xf32, #tpu.memory_space<vmem_shared>> -> memref<32x1024xf32, #tpu.memory_space<vmem_shared>>
          %dma_start3A_274 = arith.constant 8 : i32
          %dma_start3A_275 = arith.constant 0 : i32
          %dma_start3A_276 = tpu.memref_slice %dma_start3A_273[%dma_start3A_274, %dma_start3A_275] : memref<32x1024xf32, #tpu.memory_space<vmem_shared>> -> memref<8x1024xf32, #tpu.memory_space<vmem_shared>>
          %dma_start3A_277 = arith.constant 8 : i32
          %dma_start3A_278 = tpu.memref_slice %arg3[%dma_start3A_277, %multiple_of3A_269] : memref<32x1000000xf32, #tpu.memory_space<hbm>> -> memref<8x1024xf32, #tpu.memory_space<hbm>>
          tpu.enqueue_dma source(%dma_start3A_278 : memref<8x1024xf32, #tpu.memory_space<hbm>>) target(%dma_start3A_276 : memref<8x1024xf32, #tpu.memory_space<vmem_shared>>) target_semaphore(%arg12 : memref<!tpu.dma_semaphore, #tpu.memory_space<semaphore_mem>>)
          %mul3A_279 = arith.constant 32 : i32
          %mul3A_280 = arith.muli %add3A_248, %mul3A_279 : i32
          %add3A_281 = arith.addi %add3A, %mul3A_280 : i32
          %mul3A_282 = arith.constant 1024 : i32
          %mul3A_283 = arith.muli %add3A_281, %mul3A_282 : i32
          %multiple_of3A_284 = tpu.assume_multiple %mul3A_283, 1024 : i32
          %dma_start3A_285 = arith.constant 0 : i32
          %dma_start3A_286 = arith.constant 0 : i32
          %dma_start3A_287 = tpu.memref_slice %arg10[%arg1, %dma_start3A_285, %dma_start3A_286] : memref<16x32x1024xf32, #tpu.memory_space<vmem_shared>> -> memref<1x32x1024xf32, #tpu.memory_space<vmem_shared>>
          %dma_start3A_288 = tpu.memref_squeeze %dma_start3A_287 : memref<1x32x1024xf32, #tpu.memory_space<vmem_shared>> -> memref<32x1024xf32, #tpu.memory_space<vmem_shared>>
          %dma_start3A_289 = arith.constant 16 : i32
          %dma_start3A_290 = arith.constant 0 : i32
          %dma_start3A_291 = tpu.memref_slice %dma_start3A_288[%dma_start3A_289, %dma_start3A_290] : memref<32x1024xf32, #tpu.memory_space<vmem_shared>> -> memref<8x1024xf32, #tpu.memory_space<vmem_shared>>
          %dma_start3A_292 = arith.constant 16 : i32
          %dma_start3A_293 = tpu.memref_slice %arg3[%dma_start3A_292, %multiple_of3A_284] : memref<32x1000000xf32, #tpu.memory_space<hbm>> -> memref<8x1024xf32, #tpu.memory_space<hbm>>
          tpu.enqueue_dma source(%dma_start3A_293 : memref<8x1024xf32, #tpu.memory_space<hbm>>) target(%dma_start3A_291 : memref<8x1024xf32, #tpu.memory_space<vmem_shared>>) target_semaphore(%arg12 : memref<!tpu.dma_semaphore, #tpu.memory_space<semaphore_mem>>)
          %mul3A_294 = arith.constant 32 : i32
          %mul3A_295 = arith.muli %add3A_248, %mul3A_294 : i32
          %add3A_296 = arith.addi %add3A, %mul3A_295 : i32
          %mul3A_297 = arith.constant 1024 : i32
          %mul3A_298 = arith.muli %add3A_296, %mul3A_297 : i32
          %multiple_of3A_299 = tpu.assume_multiple %mul3A_298, 1024 : i32
          %dma_start3A_300 = arith.constant 0 : i32
          %dma_start3A_301 = arith.constant 0 : i32
          %dma_start3A_302 = tpu.memref_slice %arg10[%arg1, %dma_start3A_300, %dma_start3A_301] : memref<16x32x1024xf32, #tpu.memory_space<vmem_shared>> -> memref<1x32x1024xf32, #tpu.memory_space<vmem_shared>>
          %dma_start3A_303 = tpu.memref_squeeze %dma_start3A_302 : memref<1x32x1024xf32, #tpu.memory_space<vmem_shared>> -> memref<32x1024xf32, #tpu.memory_space<vmem_shared>>
          %dma_start3A_304 = arith.constant 24 : i32
          %dma_start3A_305 = arith.constant 0 : i32
          %dma_start3A_306 = tpu.memref_slice %dma_start3A_303[%dma_start3A_304, %dma_start3A_305] : memref<32x1024xf32, #tpu.memory_space<vmem_shared>> -> memref<8x1024xf32, #tpu.memory_space<vmem_shared>>
          %dma_start3A_307 = arith.constant 24 : i32
          %dma_start3A_308 = tpu.memref_slice %arg3[%dma_start3A_307, %multiple_of3A_299] : memref<32x1000000xf32, #tpu.memory_space<hbm>> -> memref<8x1024xf32, #tpu.memory_space<hbm>>
          tpu.enqueue_dma source(%dma_start3A_308 : memref<8x1024xf32, #tpu.memory_space<hbm>>) target(%dma_start3A_306 : memref<8x1024xf32, #tpu.memory_space<vmem_shared>>) target_semaphore(%arg12 : memref<!tpu.dma_semaphore, #tpu.memory_space<semaphore_mem>>)
        } else {
        }
      } else {
      }
      %mul3A_166 = arith.constant 2 : i32
      %mul3A_167 = arith.muli %scan3A_153, %mul3A_166 : i32
      %add3A_168 = arith.constant 1 : i32
      %add3A_169 = arith.addi %mul3A_167, %add3A_168 : i32
      %mul3A_170 = arith.constant 32 : i32
      %mul3A_171 = arith.muli %add3A_169, %mul3A_170 : i32
      %add3A_172 = arith.addi %add3A, %mul3A_171 : i32
      %le3A_173 = arith.constant 975 : i32
      %le3A_174 = arith.cmpi sle, %add3A_172, %le3A_173 : i32
      %convert_element_type3A_175 = arith.extui %le3A_174 : i1 to i32
      %cond3A_176 = arith.constant 0 : i32
      %cond3A_177 = arith.cmpi ne, %convert_element_type3A_175, %cond3A_176 : i32
      scf.if %cond3A_177 {
        %dma_wait3A = arith.constant 0 : i32
        %dma_wait3A_179 = arith.constant 0 : i32
        %dma_wait3A_180 = tpu.memref_slice %arg10[%arg1, %dma_wait3A, %dma_wait3A_179] : memref<16x32x1024xf32, #tpu.memory_space<vmem_shared>> -> memref<1x32x1024xf32, #tpu.memory_space<vmem_shared>>
        %dma_wait3A_181 = tpu.memref_squeeze %dma_wait3A_180 : memref<1x32x1024xf32, #tpu.memory_space<vmem_shared>> -> memref<32x1024xf32, #tpu.memory_space<vmem_shared>>
        %dma_wait3A_182 = arith.constant 0 : i32
        %dma_wait3A_183 = arith.constant 0 : i32
        %dma_wait3A_184 = tpu.memref_slice %dma_wait3A_181[%dma_wait3A_182, %dma_wait3A_183] : memref<32x1024xf32, #tpu.memory_space<vmem_shared>> -> memref<8x1024xf32, #tpu.memory_space<vmem_shared>>
        %dma_wait3A_185 = arith.constant 0 : i32
        %dma_wait3A_186 = arith.constant 0 : i32
        %dma_wait3A_187 = tpu.memref_slice %arg3[%dma_wait3A_185, %dma_wait3A_186] : memref<32x1000000xf32, #tpu.memory_space<hbm>> -> memref<8x1024xf32, #tpu.memory_space<hbm>>
        tpu.wait_dma2 semaphore(%arg12 : memref<!tpu.dma_semaphore, #tpu.memory_space<semaphore_mem>>) src(%dma_wait3A_187 : memref<8x1024xf32, #tpu.memory_space<hbm>>) dst(%dma_wait3A_184 : memref<8x1024xf32, #tpu.memory_space<vmem_shared>>)
        %dma_wait3A_188 = arith.constant 0 : i32
        %dma_wait3A_189 = arith.constant 0 : i32
        %dma_wait3A_190 = tpu.memref_slice %arg10[%arg1, %dma_wait3A_188, %dma_wait3A_189] : memref<16x32x1024xf32, #tpu.memory_space<vmem_shared>> -> memref<1x32x1024xf32, #tpu.memory_space<vmem_shared>>
        %dma_wait3A_191 = tpu.memref_squeeze %dma_wait3A_190 : memref<1x32x1024xf32, #tpu.memory_space<vmem_shared>> -> memref<32x1024xf32, #tpu.memory_space<vmem_shared>>
        %dma_wait3A_192 = arith.constant 8 : i32
        %dma_wait3A_193 = arith.constant 0 : i32
        %dma_wait3A_194 = tpu.memref_slice %dma_wait3A_191[%dma_wait3A_192, %dma_wait3A_193] : memref<32x1024xf32, #tpu.memory_space<vmem_shared>> -> memref<8x1024xf32, #tpu.memory_space<vmem_shared>>
        %dma_wait3A_195 = arith.constant 0 : i32
        %dma_wait3A_196 = arith.constant 0 : i32
        %dma_wait3A_197 = tpu.memref_slice %arg3[%dma_wait3A_195, %dma_wait3A_196] : memref<32x1000000xf32, #tpu.memory_space<hbm>> -> memref<8x1024xf32, #tpu.memory_space<hbm>>
        tpu.wait_dma2 semaphore(%arg12 : memref<!tpu.dma_semaphore, #tpu.memory_space<semaphore_mem>>) src(%dma_wait3A_197 : memref<8x1024xf32, #tpu.memory_space<hbm>>) dst(%dma_wait3A_194 : memref<8x1024xf32, #tpu.memory_space<vmem_shared>>)
        %dma_wait3A_198 = arith.constant 0 : i32
        %dma_wait3A_199 = arith.constant 0 : i32
        %dma_wait3A_200 = tpu.memref_slice %arg10[%arg1, %dma_wait3A_198, %dma_wait3A_199] : memref<16x32x1024xf32, #tpu.memory_space<vmem_shared>> -> memref<1x32x1024xf32, #tpu.memory_space<vmem_shared>>
        %dma_wait3A_201 = tpu.memref_squeeze %dma_wait3A_200 : memref<1x32x1024xf32, #tpu.memory_space<vmem_shared>> -> memref<32x1024xf32, #tpu.memory_space<vmem_shared>>
        %dma_wait3A_202 = arith.constant 16 : i32
        %dma_wait3A_203 = arith.constant 0 : i32
        %dma_wait3A_204 = tpu.memref_slice %dma_wait3A_201[%dma_wait3A_202, %dma_wait3A_203] : memref<32x1024xf32, #tpu.memory_space<vmem_shared>> -> memref<8x1024xf32, #tpu.memory_space<vmem_shared>>
        %dma_wait3A_205 = arith.constant 0 : i32
        %dma_wait3A_206 = arith.constant 0 : i32
        %dma_wait3A_207 = tpu.memref_slice %arg3[%dma_wait3A_205, %dma_wait3A_206] : memref<32x1000000xf32, #tpu.memory_space<hbm>> -> memref<8x1024xf32, #tpu.memory_space<hbm>>
        tpu.wait_dma2 semaphore(%arg12 : memref<!tpu.dma_semaphore, #tpu.memory_space<semaphore_mem>>) src(%dma_wait3A_207 : memref<8x1024xf32, #tpu.memory_space<hbm>>) dst(%dma_wait3A_204 : memref<8x1024xf32, #tpu.memory_space<vmem_shared>>)
        %dma_wait3A_208 = arith.constant 0 : i32
        %dma_wait3A_209 = arith.constant 0 : i32
        %dma_wait3A_210 = tpu.memref_slice %arg10[%arg1, %dma_wait3A_208, %dma_wait3A_209] : memref<16x32x1024xf32, #tpu.memory_space<vmem_shared>> -> memref<1x32x1024xf32, #tpu.memory_space<vmem_shared>>
        %dma_wait3A_211 = tpu.memref_squeeze %dma_wait3A_210 : memref<1x32x1024xf32, #tpu.memory_space<vmem_shared>> -> memref<32x1024xf32, #tpu.memory_space<vmem_shared>>
        %dma_wait3A_212 = arith.constant 24 : i32
        %dma_wait3A_213 = arith.constant 0 : i32
        %dma_wait3A_214 = tpu.memref_slice %dma_wait3A_211[%dma_wait3A_212, %dma_wait3A_213] : memref<32x1024xf32, #tpu.memory_space<vmem_shared>> -> memref<8x1024xf32, #tpu.memory_space<vmem_shared>>
        %dma_wait3A_215 = arith.constant 0 : i32
        %dma_wait3A_216 = arith.constant 0 : i32
        %dma_wait3A_217 = tpu.memref_slice %arg3[%dma_wait3A_215, %dma_wait3A_216] : memref<32x1000000xf32, #tpu.memory_space<hbm>> -> memref<8x1024xf32, #tpu.memory_space<hbm>>
        tpu.wait_dma2 semaphore(%arg12 : memref<!tpu.dma_semaphore, #tpu.memory_space<semaphore_mem>>) src(%dma_wait3A_217 : memref<8x1024xf32, #tpu.memory_space<hbm>>) dst(%dma_wait3A_214 : memref<8x1024xf32, #tpu.memory_space<vmem_shared>>)
        %mul3A_218 = arith.constant 32 : i32
        %mul3A_219 = arith.muli %add3A_169, %mul3A_218 : i32
        %add3A_220 = arith.addi %add3A, %mul3A_219 : i32
        %mul3A_221 = arith.constant 1024 : i32
        %mul3A_222 = arith.muli %add3A_220, %mul3A_221 : i32
        %multiple_of3A_223 = tpu.assume_multiple %mul3A_222, 1024 : i32
        %while3A = arith.constant 1024 : i32
        %while3A_224 = arith.constant 0 : i32
        %while3A_225 = arith.constant 0 : i32
        %while3A_226 = arith.constant 0 : i32
        %while3A_227 = arith.subi %select_n3A, %while3A_225 : i32
        %while3A_228 = arith.addi %while3A_225, %while3A_227 : i32
        %while3A_229 = arith.constant 1 : i32
        %while3A_230 = arith.divsi %while3A_227, %while3A_229 : i32
        %while3A_231 = arith.muli %while3A_230, %while3A_229 : i32
        %while3A_232 = arith.addi %while3A_225, %while3A_231 : i32
        %while3A_233 = arith.constant 1 : i32
        %while3A_234 = scf.for %while3A_247 = %while3A_225 to %while3A_232 step %while3A_233 iter_args(%while3A_248 = %while3A_226) -> (i32)  : i32 {
          %mul3A_249 = arith.constant 16 : i32
          %mul3A_250 = arith.muli %while3A_247, %mul3A_249 : i32
          %get3A = arith.index_cast %mul3A_250 : i32 to index
          %get3A_251 = tpu.vector_load %arg7[%get3A] {strides = array<i32>} : memref<16400xi32, #tpu.memory_space<vmem>>, vector<16xi32>,
          %mul3A_252 = arith.constant 16 : i32
          %mul3A_253 = arith.muli %while3A_247, %mul3A_252 : i32
          %get3A_254 = arith.index_cast %mul3A_253 : i32 to index
          %get3A_255 = tpu.vector_load %arg8[%get3A_254] {strides = array<i32>} : memref<16384xi32, #tpu.memory_space<vmem>>, vector<16xi32>,
          %ge3A = vector.broadcast %multiple_of3A_223 : i32 to vector<16xi32>
          %ge3A_256 = arith.cmpi sge, %get3A_251, %ge3A : vector<16xi32>
          %add3A_257 = arith.addi %multiple_of3A_223, %while3A : i32
          %lt3A = vector.broadcast %add3A_257 : i32 to vector<16xi32>
          %lt3A_258 = arith.cmpi slt, %get3A_251, %lt3A : vector<16xi32>
          %and3A_259 = arith.andi %ge3A_256, %lt3A_258 : vector<16xi1>
          %reduce_or3A = arith.constant 1.000000e+00 : f32
          %reduce_or3A_260 = arith.constant 0.000000e+00 : f32
          %reduce_or3A_261 = vector.broadcast %reduce_or3A : f32 to vector<16xf32>
          %reduce_or3A_262 = vector.broadcast %reduce_or3A_260 : f32 to vector<16xf32>
          %reduce_or3A_263 = arith.select %and3A_259, %reduce_or3A_261, %reduce_or3A_262 : vector<16xi1>, vector<16xf32>
          %reduce_or3A_264 = arith.constant true
          %reduce_or3A_265 = vector.broadcast %reduce_or3A_264 : i1 to vector<16xi1>
          %reduce_or3A_266 = tpu.scan <max>, %reduce_or3A_263 masked %reduce_or3A_265 : vector<16xf32>, vector<16xi1> -> vector<16xf32>
          %reduce_or3A_267 = vector.extract %reduce_or3A_266[15] : f32 from vector<16xf32>
          %reduce_or3A_268 = arith.constant 0.000000e+00 : f32
          %reduce_or3A_269 = arith.cmpf ogt, %reduce_or3A_267, %reduce_or3A_268 : f32
          %convert_element_type3A_270 = arith.extui %reduce_or3A_269 : i1 to i32
          %cond3A_271 = arith.constant 0 : i32
          %cond3A_272 = arith.cmpi ne, %convert_element_type3A_270, %cond3A_271 : i32
          scf.if %cond3A_272 {
            %sub3A_274 = vector.broadcast %multiple_of3A_223 : i32 to vector<16xi32>
            %sub3A_275 = arith.subi %get3A_251, %sub3A_274 : vector<16xi32>
            %jit3A_276 = arith.constant 0 : i32
            %broadcast_in_dim3A_277 = vector.broadcast %jit3A_276 : i32 to vector<16xi32>
            %select_n3A_278 = arith.select %and3A_259, %sub3A_275, %broadcast_in_dim3A_277 : vector<16xi1>, vector<16xi32>
            %broadcast_in_dim3A_279 = arith.constant 0 : i32
            %broadcast_in_dim3A_280 = vector.broadcast %broadcast_in_dim3A_279 : i32 to vector<16xi32>
            %gather3A = arith.constant 0 : i32
            %gather3A_281 = arith.constant 0 : i32
            %gather3A_282 = tpu.memref_slice %arg9[%while3A_224, %gather3A, %gather3A_281] : memref<1x32x1024xf32, #tpu.memory_space<vmem>> -> memref<1x32x1024xf32, #tpu.memory_space<vmem>>
            %gather3A_283 = tpu.memref_squeeze %gather3A_282 : memref<1x32x1024xf32, #tpu.memory_space<vmem>> -> memref<32x1024xf32, #tpu.memory_space<vmem>>
            %gather3A_284 = tpu.vector_load_idx %gather3A_283[%broadcast_in_dim3A_280, %select_n3A_278] : memref<32x1024xf32, #tpu.memory_space<vmem>>[vector<16xi32>, vector<16xi32>], vector<16xf32>,
            tpu.vector_store_idx %arg11[%iota3A, %broadcast_in_dim3A_280], %gather3A_284 : memref<16x128xf32, #tpu.memory_space<vmem>>[vector<16xi32>, vector<16xi32>], vector<16xf32>,
            %broadcast_in_dim3A_285 = arith.constant 1 : i32
            %broadcast_in_dim3A_286 = vector.broadcast %broadcast_in_dim3A_285 : i32 to vector<16xi32>
            %gather3A_287 = arith.constant 0 : i32
            %gather3A_288 = arith.constant 0 : i32
            %gather3A_289 = tpu.memref_slice %arg9[%while3A_224, %gather3A_287, %gather3A_288] : memref<1x32x1024xf32, #tpu.memory_space<vmem>> -> memref<1x32x1024xf32, #tpu.memory_space<vmem>>
            %gather3A_290 = tpu.memref_squeeze %gather3A_289 : memref<1x32x1024xf32, #tpu.memory_space<vmem>> -> memref<32x1024xf32, #tpu.memory_space<vmem>>
            %gather3A_291 = tpu.vector_load_idx %gather3A_290[%broadcast_in_dim3A_286, %select_n3A_278] : memref<32x1024xf32, #tpu.memory_space<vmem>>[vector<16xi32>, vector<16xi32>], vector<16xf32>,
            tpu.vector_store_idx %arg11[%iota3A, %broadcast_in_dim3A_286], %gather3A_291 : memref<16x128xf32, #tpu.memory_space<vmem>>[vector<16xi32>, vector<16xi32>], vector<16xf32>,
            %broadcast_in_dim3A_292 = arith.constant 2 : i32
            %broadcast_in_dim3A_293 = vector.broadcast %broadcast_in_dim3A_292 : i32 to vector<16xi32>
            %gather3A_294 = arith.constant 0 : i32
            %gather3A_295 = arith.constant 0 : i32
            %gather3A_296 = tpu.memref_slice %arg9[%while3A_224, %gather3A_294, %gather3A_295] : memref<1x32x1024xf32, #tpu.memory_space<vmem>> -> memref<1x32x1024xf32, #tpu.memory_space<vmem>>
            %gather3A_297 = tpu.memref_squeeze %gather3A_296 : memref<1x32x1024xf32, #tpu.memory_space<vmem>> -> memref<32x1024xf32, #tpu.memory_space<vmem>>
            %gather3A_298 = tpu.vector_load_idx %gather3A_297[%broadcast_in_dim3A_293, %select_n3A_278] : memref<32x1024xf32, #tpu.memory_space<vmem>>[vector<16xi32>, vector<16xi32>], vector<16xf32>,
            tpu.vector_store_idx %arg11[%iota3A, %broadcast_in_dim3A_293], %gather3A_298 : memref<16x128xf32, #tpu.memory_space<vmem>>[vector<16xi32>, vector<16xi32>], vector<16xf32>,
            %broadcast_in_dim3A_299 = arith.constant 3 : i32
            %broadcast_in_dim3A_300 = vector.broadcast %broadcast_in_dim3A_299 : i32 to vector<16xi32>
            %gather3A_301 = arith.constant 0 : i32
            %gather3A_302 = arith.constant 0 : i32
            %gather3A_303 = tpu.memref_slice %arg9[%while3A_224, %gather3A_301, %gather3A_302] : memref<1x32x1024xf32, #tpu.memory_space<vmem>> -> memref<1x32x1024xf32, #tpu.memory_space<vmem>>
            %gather3A_304 = tpu.memref_squeeze %gather3A_303 : memref<1x32x1024xf32, #tpu.memory_space<vmem>> -> memref<32x1024xf32, #tpu.memory_space<vmem>>
            %gather3A_305 = tpu.vector_load_idx %gather3A_304[%broadcast_in_dim3A_300, %select_n3A_278] : memref<32x1024xf32, #tpu.memory_space<vmem>>[vector<16xi32>, vector<16xi32>], vector<16xf32>,
            tpu.vector_store_idx %arg11[%iota3A, %broadcast_in_dim3A_300], %gather3A_305 : memref<16x128xf32, #tpu.memory_space<vmem>>[vector<16xi32>, vector<16xi32>], vector<16xf32>,
            %broadcast_in_dim3A_306 = arith.constant 4 : i32
            %broadcast_in_dim3A_307 = vector.broadcast %broadcast_in_dim3A_306 : i32 to vector<16xi32>
            %gather3A_308 = arith.constant 0 : i32
            %gather3A_309 = arith.constant 0 : i32
            %gather3A_310 = tpu.memref_slice %arg9[%while3A_224, %gather3A_308, %gather3A_309] : memref<1x32x1024xf32, #tpu.memory_space<vmem>> -> memref<1x32x1024xf32, #tpu.memory_space<vmem>>
            %gather3A_311 = tpu.memref_squeeze %gather3A_310 : memref<1x32x1024xf32, #tpu.memory_space<vmem>> -> memref<32x1024xf32, #tpu.memory_space<vmem>>
            %gather3A_312 = tpu.vector_load_idx %gather3A_311[%broadcast_in_dim3A_307, %select_n3A_278] : memref<32x1024xf32, #tpu.memory_space<vmem>>[vector<16xi32>, vector<16xi32>], vector<16xf32>,
            tpu.vector_store_idx %arg11[%iota3A, %broadcast_in_dim3A_307], %gather3A_312 : memref<16x128xf32, #tpu.memory_space<vmem>>[vector<16xi32>, vector<16xi32>], vector<16xf32>,
            %broadcast_in_dim3A_313 = arith.constant 5 : i32
            %broadcast_in_dim3A_314 = vector.broadcast %broadcast_in_dim3A_313 : i32 to vector<16xi32>
            %gather3A_315 = arith.constant 0 : i32
            %gather3A_316 = arith.constant 0 : i32
            %gather3A_317 = tpu.memref_slice %arg9[%while3A_224, %gather3A_315, %gather3A_316] : memref<1x32x1024xf32, #tpu.memory_space<vmem>> -> memref<1x32x1024xf32, #tpu.memory_space<vmem>>
            %gather3A_318 = tpu.memref_squeeze %gather3A_317 : memref<1x32x1024xf32, #tpu.memory_space<vmem>> -> memref<32x1024xf32, #tpu.memory_space<vmem>>
            %gather3A_319 = tpu.vector_load_idx %gather3A_318[%broadcast_in_dim3A_314, %select_n3A_278] : memref<32x1024xf32, #tpu.memory_space<vmem>>[vector<16xi32>, vector<16xi32>], vector<16xf32>,
            tpu.vector_store_idx %arg11[%iota3A, %broadcast_in_dim3A_314], %gather3A_319 : memref<16x128xf32, #tpu.memory_space<vmem>>[vector<16xi32>, vector<16xi32>], vector<16xf32>,
            %broadcast_in_dim3A_320 = arith.constant 6 : i32
            %broadcast_in_dim3A_321 = vector.broadcast %broadcast_in_dim3A_320 : i32 to vector<16xi32>
            %gather3A_322 = arith.constant 0 : i32
            %gather3A_323 = arith.constant 0 : i32
            %gather3A_324 = tpu.memref_slice %arg9[%while3A_224, %gather3A_322, %gather3A_323] : memref<1x32x1024xf32, #tpu.memory_space<vmem>> -> memref<1x32x1024xf32, #tpu.memory_space<vmem>>
            %gather3A_325 = tpu.memref_squeeze %gather3A_324 : memref<1x32x1024xf32, #tpu.memory_space<vmem>> -> memref<32x1024xf32, #tpu.memory_space<vmem>>
            %gather3A_326 = tpu.vector_load_idx %gather3A_325[%broadcast_in_dim3A_321, %select_n3A_278] : memref<32x1024xf32, #tpu.memory_space<vmem>>[vector<16xi32>, vector<16xi32>], vector<16xf32>,
            tpu.vector_store_idx %arg11[%iota3A, %broadcast_in_dim3A_321], %gather3A_326 : memref<16x128xf32, #tpu.memory_space<vmem>>[vector<16xi32>, vector<16xi32>], vector<16xf32>,
            %broadcast_in_dim3A_327 = arith.constant 7 : i32
            %broadcast_in_dim3A_328 = vector.broadcast %broadcast_in_dim3A_327 : i32 to vector<16xi32>
            %gather3A_329 = arith.constant 0 : i32
            %gather3A_330 = arith.constant 0 : i32
            %gather3A_331 = tpu.memref_slice %arg9[%while3A_224, %gather3A_329, %gather3A_330] : memref<1x32x1024xf32, #tpu.memory_space<vmem>> -> memref<1x32x1024xf32, #tpu.memory_space<vmem>>
            %gather3A_332 = tpu.memref_squeeze %gather3A_331 : memref<1x32x1024xf32, #tpu.memory_space<vmem>> -> memref<32x1024xf32, #tpu.memory_space<vmem>>
            %gather3A_333 = tpu.vector_load_idx %gather3A_332[%broadcast_in_dim3A_328, %select_n3A_278] : memref<32x1024xf32, #tpu.memory_space<vmem>>[vector<16xi32>, vector<16xi32>], vector<16xf32>,
            tpu.vector_store_idx %arg11[%iota3A, %broadcast_in_dim3A_328], %gather3A_333 : memref<16x128xf32, #tpu.memory_space<vmem>>[vector<16xi32>, vector<16xi32>], vector<16xf32>,
            %broadcast_in_dim3A_334 = arith.constant 8 : i32
            %broadcast_in_dim3A_335 = vector.broadcast %broadcast_in_dim3A_334 : i32 to vector<16xi32>
            %gather3A_336 = arith.constant 0 : i32
            %gather3A_337 = arith.constant 0 : i32
            %gather3A_338 = tpu.memref_slice %arg9[%while3A_224, %gather3A_336, %gather3A_337] : memref<1x32x1024xf32, #tpu.memory_space<vmem>> -> memref<1x32x1024xf32, #tpu.memory_space<vmem>>
            %gather3A_339 = tpu.memref_squeeze %gather3A_338 : memref<1x32x1024xf32, #tpu.memory_space<vmem>> -> memref<32x1024xf32, #tpu.memory_space<vmem>>
            %gather3A_340 = tpu.vector_load_idx %gather3A_339[%broadcast_in_dim3A_335, %select_n3A_278] : memref<32x1024xf32, #tpu.memory_space<vmem>>[vector<16xi32>, vector<16xi32>], vector<16xf32>,
            tpu.vector_store_idx %arg11[%iota3A, %broadcast_in_dim3A_335], %gather3A_340 : memref<16x128xf32, #tpu.memory_space<vmem>>[vector<16xi32>, vector<16xi32>], vector<16xf32>,
            %broadcast_in_dim3A_341 = arith.constant 9 : i32
            %broadcast_in_dim3A_342 = vector.broadcast %broadcast_in_dim3A_341 : i32 to vector<16xi32>
            %gather3A_343 = arith.constant 0 : i32
            %gather3A_344 = arith.constant 0 : i32
            %gather3A_345 = tpu.memref_slice %arg9[%while3A_224, %gather3A_343, %gather3A_344] : memref<1x32x1024xf32, #tpu.memory_space<vmem>> -> memref<1x32x1024xf32, #tpu.memory_space<vmem>>
            %gather3A_346 = tpu.memref_squeeze %gather3A_345 : memref<1x32x1024xf32, #tpu.memory_space<vmem>> -> memref<32x1024xf32, #tpu.memory_space<vmem>>
            %gather3A_347 = tpu.vector_load_idx %gather3A_346[%broadcast_in_dim3A_342, %select_n3A_278] : memref<32x1024xf32, #tpu.memory_space<vmem>>[vector<16xi32>, vector<16xi32>], vector<16xf32>,
            tpu.vector_store_idx %arg11[%iota3A, %broadcast_in_dim3A_342], %gather3A_347 : memref<16x128xf32, #tpu.memory_space<vmem>>[vector<16xi32>, vector<16xi32>], vector<16xf32>,
            %broadcast_in_dim3A_348 = arith.constant 10 : i32
            %broadcast_in_dim3A_349 = vector.broadcast %broadcast_in_dim3A_348 : i32 to vector<16xi32>
            %gather3A_350 = arith.constant 0 : i32
            %gather3A_351 = arith.constant 0 : i32
            %gather3A_352 = tpu.memref_slice %arg9[%while3A_224, %gather3A_350, %gather3A_351] : memref<1x32x1024xf32, #tpu.memory_space<vmem>> -> memref<1x32x1024xf32, #tpu.memory_space<vmem>>
            %gather3A_353 = tpu.memref_squeeze %gather3A_352 : memref<1x32x1024xf32, #tpu.memory_space<vmem>> -> memref<32x1024xf32, #tpu.memory_space<vmem>>
            %gather3A_354 = tpu.vector_load_idx %gather3A_353[%broadcast_in_dim3A_349, %select_n3A_278] : memref<32x1024xf32, #tpu.memory_space<vmem>>[vector<16xi32>, vector<16xi32>], vector<16xf32>,
            tpu.vector_store_idx %arg11[%iota3A, %broadcast_in_dim3A_349], %gather3A_354 : memref<16x128xf32, #tpu.memory_space<vmem>>[vector<16xi32>, vector<16xi32>], vector<16xf32>,
            %broadcast_in_dim3A_355 = arith.constant 11 : i32
            %broadcast_in_dim3A_356 = vector.broadcast %broadcast_in_dim3A_355 : i32 to vector<16xi32>
            %gather3A_357 = arith.constant 0 : i32
            %gather3A_358 = arith.constant 0 : i32
            %gather3A_359 = tpu.memref_slice %arg9[%while3A_224, %gather3A_357, %gather3A_358] : memref<1x32x1024xf32, #tpu.memory_space<vmem>> -> memref<1x32x1024xf32, #tpu.memory_space<vmem>>
            %gather3A_360 = tpu.memref_squeeze %gather3A_359 : memref<1x32x1024xf32, #tpu.memory_space<vmem>> -> memref<32x1024xf32, #tpu.memory_space<vmem>>
            %gather3A_361 = tpu.vector_load_idx %gather3A_360[%broadcast_in_dim3A_356, %select_n3A_278] : memref<32x1024xf32, #tpu.memory_space<vmem>>[vector<16xi32>, vector<16xi32>], vector<16xf32>,
            tpu.vector_store_idx %arg11[%iota3A, %broadcast_in_dim3A_356], %gather3A_361 : memref<16x128xf32, #tpu.memory_space<vmem>>[vector<16xi32>, vector<16xi32>], vector<16xf32>,
            %broadcast_in_dim3A_362 = arith.constant 12 : i32
            %broadcast_in_dim3A_363 = vector.broadcast %broadcast_in_dim3A_362 : i32 to vector<16xi32>
            %gather3A_364 = arith.constant 0 : i32
            %gather3A_365 = arith.constant 0 : i32
            %gather3A_366 = tpu.memref_slice %arg9[%while3A_224, %gather3A_364, %gather3A_365] : memref<1x32x1024xf32, #tpu.memory_space<vmem>> -> memref<1x32x1024xf32, #tpu.memory_space<vmem>>
            %gather3A_367 = tpu.memref_squeeze %gather3A_366 : memref<1x32x1024xf32, #tpu.memory_space<vmem>> -> memref<32x1024xf32, #tpu.memory_space<vmem>>
            %gather3A_368 = tpu.vector_load_idx %gather3A_367[%broadcast_in_dim3A_363, %select_n3A_278] : memref<32x1024xf32, #tpu.memory_space<vmem>>[vector<16xi32>, vector<16xi32>], vector<16xf32>,
            tpu.vector_store_idx %arg11[%iota3A, %broadcast_in_dim3A_363], %gather3A_368 : memref<16x128xf32, #tpu.memory_space<vmem>>[vector<16xi32>, vector<16xi32>], vector<16xf32>,
            %broadcast_in_dim3A_369 = arith.constant 13 : i32
            %broadcast_in_dim3A_370 = vector.broadcast %broadcast_in_dim3A_369 : i32 to vector<16xi32>
            %gather3A_371 = arith.constant 0 : i32
            %gather3A_372 = arith.constant 0 : i32
            %gather3A_373 = tpu.memref_slice %arg9[%while3A_224, %gather3A_371, %gather3A_372] : memref<1x32x1024xf32, #tpu.memory_space<vmem>> -> memref<1x32x1024xf32, #tpu.memory_space<vmem>>
            %gather3A_374 = tpu.memref_squeeze %gather3A_373 : memref<1x32x1024xf32, #tpu.memory_space<vmem>> -> memref<32x1024xf32, #tpu.memory_space<vmem>>
            %gather3A_375 = tpu.vector_load_idx %gather3A_374[%broadcast_in_dim3A_370, %select_n3A_278] : memref<32x1024xf32, #tpu.memory_space<vmem>>[vector<16xi32>, vector<16xi32>], vector<16xf32>,
            tpu.vector_store_idx %arg11[%iota3A, %broadcast_in_dim3A_370], %gather3A_375 : memref<16x128xf32, #tpu.memory_space<vmem>>[vector<16xi32>, vector<16xi32>], vector<16xf32>,
            %broadcast_in_dim3A_376 = arith.constant 14 : i32
            %broadcast_in_dim3A_377 = vector.broadcast %broadcast_in_dim3A_376 : i32 to vector<16xi32>
            %gather3A_378 = arith.constant 0 : i32
            %gather3A_379 = arith.constant 0 : i32
            %gather3A_380 = tpu.memref_slice %arg9[%while3A_224, %gather3A_378, %gather3A_379] : memref<1x32x1024xf32, #tpu.memory_space<vmem>> -> memref<1x32x1024xf32, #tpu.memory_space<vmem>>
            %gather3A_381 = tpu.memref_squeeze %gather3A_380 : memref<1x32x1024xf32, #tpu.memory_space<vmem>> -> memref<32x1024xf32, #tpu.memory_space<vmem>>
            %gather3A_382 = tpu.vector_load_idx %gather3A_381[%broadcast_in_dim3A_377, %select_n3A_278] : memref<32x1024xf32, #tpu.memory_space<vmem>>[vector<16xi32>, vector<16xi32>], vector<16xf32>,
            tpu.vector_store_idx %arg11[%iota3A, %broadcast_in_dim3A_377], %gather3A_382 : memref<16x128xf32, #tpu.memory_space<vmem>>[vector<16xi32>, vector<16xi32>], vector<16xf32>,
            %broadcast_in_dim3A_383 = arith.constant 15 : i32
            %broadcast_in_dim3A_384 = vector.broadcast %broadcast_in_dim3A_383 : i32 to vector<16xi32>
            %gather3A_385 = arith.constant 0 : i32
            %gather3A_386 = arith.constant 0 : i32
            %gather3A_387 = tpu.memref_slice %arg9[%while3A_224, %gather3A_385, %gather3A_386] : memref<1x32x1024xf32, #tpu.memory_space<vmem>> -> memref<1x32x1024xf32, #tpu.memory_space<vmem>>
            %gather3A_388 = tpu.memref_squeeze %gather3A_387 : memref<1x32x1024xf32, #tpu.memory_space<vmem>> -> memref<32x1024xf32, #tpu.memory_space<vmem>>
            %gather3A_389 = tpu.vector_load_idx %gather3A_388[%broadcast_in_dim3A_384, %select_n3A_278] : memref<32x1024xf32, #tpu.memory_space<vmem>>[vector<16xi32>, vector<16xi32>], vector<16xf32>,
            tpu.vector_store_idx %arg11[%iota3A, %broadcast_in_dim3A_384], %gather3A_389 : memref<16x128xf32, #tpu.memory_space<vmem>>[vector<16xi32>, vector<16xi32>], vector<16xf32>,
            %broadcast_in_dim3A_390 = arith.constant 16 : i32
            %broadcast_in_dim3A_391 = vector.broadcast %broadcast_in_dim3A_390 : i32 to vector<16xi32>
            %gather3A_392 = arith.constant 0 : i32
            %gather3A_393 = arith.constant 0 : i32
            %gather3A_394 = tpu.memref_slice %arg9[%while3A_224, %gather3A_392, %gather3A_393] : memref<1x32x1024xf32, #tpu.memory_space<vmem>> -> memref<1x32x1024xf32, #tpu.memory_space<vmem>>
            %gather3A_395 = tpu.memref_squeeze %gather3A_394 : memref<1x32x1024xf32, #tpu.memory_space<vmem>> -> memref<32x1024xf32, #tpu.memory_space<vmem>>
            %gather3A_396 = tpu.vector_load_idx %gather3A_395[%broadcast_in_dim3A_391, %select_n3A_278] : memref<32x1024xf32, #tpu.memory_space<vmem>>[vector<16xi32>, vector<16xi32>], vector<16xf32>,
            tpu.vector_store_idx %arg11[%iota3A, %broadcast_in_dim3A_391], %gather3A_396 : memref<16x128xf32, #tpu.memory_space<vmem>>[vector<16xi32>, vector<16xi32>], vector<16xf32>,
            %broadcast_in_dim3A_397 = arith.constant 17 : i32
            %broadcast_in_dim3A_398 = vector.broadcast %broadcast_in_dim3A_397 : i32 to vector<16xi32>
            %gather3A_399 = arith.constant 0 : i32
            %gather3A_400 = arith.constant 0 : i32
            %gather3A_401 = tpu.memref_slice %arg9[%while3A_224, %gather3A_399, %gather3A_400] : memref<1x32x1024xf32, #tpu.memory_space<vmem>> -> memref<1x32x1024xf32, #tpu.memory_space<vmem>>
            %gather3A_402 = tpu.memref_squeeze %gather3A_401 : memref<1x32x1024xf32, #tpu.memory_space<vmem>> -> memref<32x1024xf32, #tpu.memory_space<vmem>>
            %gather3A_403 = tpu.vector_load_idx %gather3A_402[%broadcast_in_dim3A_398, %select_n3A_278] : memref<32x1024xf32, #tpu.memory_space<vmem>>[vector<16xi32>, vector<16xi32>], vector<16xf32>,
            tpu.vector_store_idx %arg11[%iota3A, %broadcast_in_dim3A_398], %gather3A_403 : memref<16x128xf32, #tpu.memory_space<vmem>>[vector<16xi32>, vector<16xi32>], vector<16xf32>,
            %broadcast_in_dim3A_404 = arith.constant 18 : i32
            %broadcast_in_dim3A_405 = vector.broadcast %broadcast_in_dim3A_404 : i32 to vector<16xi32>
            %gather3A_406 = arith.constant 0 : i32
            %gather3A_407 = arith.constant 0 : i32
            %gather3A_408 = tpu.memref_slice %arg9[%while3A_224, %gather3A_406, %gather3A_407] : memref<1x32x1024xf32, #tpu.memory_space<vmem>> -> memref<1x32x1024xf32, #tpu.memory_space<vmem>>
            %gather3A_409 = tpu.memref_squeeze %gather3A_408 : memref<1x32x1024xf32, #tpu.memory_space<vmem>> -> memref<32x1024xf32, #tpu.memory_space<vmem>>
            %gather3A_410 = tpu.vector_load_idx %gather3A_409[%broadcast_in_dim3A_405, %select_n3A_278] : memref<32x1024xf32, #tpu.memory_space<vmem>>[vector<16xi32>, vector<16xi32>], vector<16xf32>,
            tpu.vector_store_idx %arg11[%iota3A, %broadcast_in_dim3A_405], %gather3A_410 : memref<16x128xf32, #tpu.memory_space<vmem>>[vector<16xi32>, vector<16xi32>], vector<16xf32>,
            %broadcast_in_dim3A_411 = arith.constant 19 : i32
            %broadcast_in_dim3A_412 = vector.broadcast %broadcast_in_dim3A_411 : i32 to vector<16xi32>
            %gather3A_413 = arith.constant 0 : i32
            %gather3A_414 = arith.constant 0 : i32
            %gather3A_415 = tpu.memref_slice %arg9[%while3A_224, %gather3A_413, %gather3A_414] : memref<1x32x1024xf32, #tpu.memory_space<vmem>> -> memref<1x32x1024xf32, #tpu.memory_space<vmem>>
            %gather3A_416 = tpu.memref_squeeze %gather3A_415 : memref<1x32x1024xf32, #tpu.memory_space<vmem>> -> memref<32x1024xf32, #tpu.memory_space<vmem>>
            %gather3A_417 = tpu.vector_load_idx %gather3A_416[%broadcast_in_dim3A_412, %select_n3A_278] : memref<32x1024xf32, #tpu.memory_space<vmem>>[vector<16xi32>, vector<16xi32>], vector<16xf32>,
            tpu.vector_store_idx %arg11[%iota3A, %broadcast_in_dim3A_412], %gather3A_417 : memref<16x128xf32, #tpu.memory_space<vmem>>[vector<16xi32>, vector<16xi32>], vector<16xf32>,
            %broadcast_in_dim3A_418 = arith.constant 20 : i32
            %broadcast_in_dim3A_419 = vector.broadcast %broadcast_in_dim3A_418 : i32 to vector<16xi32>
            %gather3A_420 = arith.constant 0 : i32
            %gather3A_421 = arith.constant 0 : i32
            %gather3A_422 = tpu.memref_slice %arg9[%while3A_224, %gather3A_420, %gather3A_421] : memref<1x32x1024xf32, #tpu.memory_space<vmem>> -> memref<1x32x1024xf32, #tpu.memory_space<vmem>>
            %gather3A_423 = tpu.memref_squeeze %gather3A_422 : memref<1x32x1024xf32, #tpu.memory_space<vmem>> -> memref<32x1024xf32, #tpu.memory_space<vmem>>
            %gather3A_424 = tpu.vector_load_idx %gather3A_423[%broadcast_in_dim3A_419, %select_n3A_278] : memref<32x1024xf32, #tpu.memory_space<vmem>>[vector<16xi32>, vector<16xi32>], vector<16xf32>,
            tpu.vector_store_idx %arg11[%iota3A, %broadcast_in_dim3A_419], %gather3A_424 : memref<16x128xf32, #tpu.memory_space<vmem>>[vector<16xi32>, vector<16xi32>], vector<16xf32>,
            %broadcast_in_dim3A_425 = arith.constant 21 : i32
            %broadcast_in_dim3A_426 = vector.broadcast %broadcast_in_dim3A_425 : i32 to vector<16xi32>
            %gather3A_427 = arith.constant 0 : i32
            %gather3A_428 = arith.constant 0 : i32
            %gather3A_429 = tpu.memref_slice %arg9[%while3A_224, %gather3A_427, %gather3A_428] : memref<1x32x1024xf32, #tpu.memory_space<vmem>> -> memref<1x32x1024xf32, #tpu.memory_space<vmem>>
            %gather3A_430 = tpu.memref_squeeze %gather3A_429 : memref<1x32x1024xf32, #tpu.memory_space<vmem>> -> memref<32x1024xf32, #tpu.memory_space<vmem>>
            %gather3A_431 = tpu.vector_load_idx %gather3A_430[%broadcast_in_dim3A_426, %select_n3A_278] : memref<32x1024xf32, #tpu.memory_space<vmem>>[vector<16xi32>, vector<16xi32>], vector<16xf32>,
            tpu.vector_store_idx %arg11[%iota3A, %broadcast_in_dim3A_426], %gather3A_431 : memref<16x128xf32, #tpu.memory_space<vmem>>[vector<16xi32>, vector<16xi32>], vector<16xf32>,
            %broadcast_in_dim3A_432 = arith.constant 22 : i32
            %broadcast_in_dim3A_433 = vector.broadcast %broadcast_in_dim3A_432 : i32 to vector<16xi32>
            %gather3A_434 = arith.constant 0 : i32
            %gather3A_435 = arith.constant 0 : i32
            %gather3A_436 = tpu.memref_slice %arg9[%while3A_224, %gather3A_434, %gather3A_435] : memref<1x32x1024xf32, #tpu.memory_space<vmem>> -> memref<1x32x1024xf32, #tpu.memory_space<vmem>>
            %gather3A_437 = tpu.memref_squeeze %gather3A_436 : memref<1x32x1024xf32, #tpu.memory_space<vmem>> -> memref<32x1024xf32, #tpu.memory_space<vmem>>
            %gather3A_438 = tpu.vector_load_idx %gather3A_437[%broadcast_in_dim3A_433, %select_n3A_278] : memref<32x1024xf32, #tpu.memory_space<vmem>>[vector<16xi32>, vector<16xi32>], vector<16xf32>,
            tpu.vector_store_idx %arg11[%iota3A, %broadcast_in_dim3A_433], %gather3A_438 : memref<16x128xf32, #tpu.memory_space<vmem>>[vector<16xi32>, vector<16xi32>], vector<16xf32>,
            %broadcast_in_dim3A_439 = arith.constant 23 : i32
            %broadcast_in_dim3A_440 = vector.broadcast %broadcast_in_dim3A_439 : i32 to vector<16xi32>
            %gather3A_441 = arith.constant 0 : i32
            %gather3A_442 = arith.constant 0 : i32
            %gather3A_443 = tpu.memref_slice %arg9[%while3A_224, %gather3A_441, %gather3A_442] : memref<1x32x1024xf32, #tpu.memory_space<vmem>> -> memref<1x32x1024xf32, #tpu.memory_space<vmem>>
            %gather3A_444 = tpu.memref_squeeze %gather3A_443 : memref<1x32x1024xf32, #tpu.memory_space<vmem>> -> memref<32x1024xf32, #tpu.memory_space<vmem>>
            %gather3A_445 = tpu.vector_load_idx %gather3A_444[%broadcast_in_dim3A_440, %select_n3A_278] : memref<32x1024xf32, #tpu.memory_space<vmem>>[vector<16xi32>, vector<16xi32>], vector<16xf32>,
            tpu.vector_store_idx %arg11[%iota3A, %broadcast_in_dim3A_440], %gather3A_445 : memref<16x128xf32, #tpu.memory_space<vmem>>[vector<16xi32>, vector<16xi32>], vector<16xf32>,
            %broadcast_in_dim3A_446 = arith.constant 24 : i32
            %broadcast_in_dim3A_447 = vector.broadcast %broadcast_in_dim3A_446 : i32 to vector<16xi32>
            %gather3A_448 = arith.constant 0 : i32
            %gather3A_449 = arith.constant 0 : i32
            %gather3A_450 = tpu.memref_slice %arg9[%while3A_224, %gather3A_448, %gather3A_449] : memref<1x32x1024xf32, #tpu.memory_space<vmem>> -> memref<1x32x1024xf32, #tpu.memory_space<vmem>>
            %gather3A_451 = tpu.memref_squeeze %gather3A_450 : memref<1x32x1024xf32, #tpu.memory_space<vmem>> -> memref<32x1024xf32, #tpu.memory_space<vmem>>
            %gather3A_452 = tpu.vector_load_idx %gather3A_451[%broadcast_in_dim3A_447, %select_n3A_278] : memref<32x1024xf32, #tpu.memory_space<vmem>>[vector<16xi32>, vector<16xi32>], vector<16xf32>,
            tpu.vector_store_idx %arg11[%iota3A, %broadcast_in_dim3A_447], %gather3A_452 : memref<16x128xf32, #tpu.memory_space<vmem>>[vector<16xi32>, vector<16xi32>], vector<16xf32>,
            %broadcast_in_dim3A_453 = arith.constant 25 : i32
            %broadcast_in_dim3A_454 = vector.broadcast %broadcast_in_dim3A_453 : i32 to vector<16xi32>
            %gather3A_455 = arith.constant 0 : i32
            %gather3A_456 = arith.constant 0 : i32
            %gather3A_457 = tpu.memref_slice %arg9[%while3A_224, %gather3A_455, %gather3A_456] : memref<1x32x1024xf32, #tpu.memory_space<vmem>> -> memref<1x32x1024xf32, #tpu.memory_space<vmem>>
            %gather3A_458 = tpu.memref_squeeze %gather3A_457 : memref<1x32x1024xf32, #tpu.memory_space<vmem>> -> memref<32x1024xf32, #tpu.memory_space<vmem>>
            %gather3A_459 = tpu.vector_load_idx %gather3A_458[%broadcast_in_dim3A_454, %select_n3A_278] : memref<32x1024xf32, #tpu.memory_space<vmem>>[vector<16xi32>, vector<16xi32>], vector<16xf32>,
            tpu.vector_store_idx %arg11[%iota3A, %broadcast_in_dim3A_454], %gather3A_459 : memref<16x128xf32, #tpu.memory_space<vmem>>[vector<16xi32>, vector<16xi32>], vector<16xf32>,
            %broadcast_in_dim3A_460 = arith.constant 26 : i32
            %broadcast_in_dim3A_461 = vector.broadcast %broadcast_in_dim3A_460 : i32 to vector<16xi32>
            %gather3A_462 = arith.constant 0 : i32
            %gather3A_463 = arith.constant 0 : i32
            %gather3A_464 = tpu.memref_slice %arg9[%while3A_224, %gather3A_462, %gather3A_463] : memref<1x32x1024xf32, #tpu.memory_space<vmem>> -> memref<1x32x1024xf32, #tpu.memory_space<vmem>>
            %gather3A_465 = tpu.memref_squeeze %gather3A_464 : memref<1x32x1024xf32, #tpu.memory_space<vmem>> -> memref<32x1024xf32, #tpu.memory_space<vmem>>
            %gather3A_466 = tpu.vector_load_idx %gather3A_465[%broadcast_in_dim3A_461, %select_n3A_278] : memref<32x1024xf32, #tpu.memory_space<vmem>>[vector<16xi32>, vector<16xi32>], vector<16xf32>,
            tpu.vector_store_idx %arg11[%iota3A, %broadcast_in_dim3A_461], %gather3A_466 : memref<16x128xf32, #tpu.memory_space<vmem>>[vector<16xi32>, vector<16xi32>], vector<16xf32>,
            %broadcast_in_dim3A_467 = arith.constant 27 : i32
            %broadcast_in_dim3A_468 = vector.broadcast %broadcast_in_dim3A_467 : i32 to vector<16xi32>
            %gather3A_469 = arith.constant 0 : i32
            %gather3A_470 = arith.constant 0 : i32
            %gather3A_471 = tpu.memref_slice %arg9[%while3A_224, %gather3A_469, %gather3A_470] : memref<1x32x1024xf32, #tpu.memory_space<vmem>> -> memref<1x32x1024xf32, #tpu.memory_space<vmem>>
            %gather3A_472 = tpu.memref_squeeze %gather3A_471 : memref<1x32x1024xf32, #tpu.memory_space<vmem>> -> memref<32x1024xf32, #tpu.memory_space<vmem>>
            %gather3A_473 = tpu.vector_load_idx %gather3A_472[%broadcast_in_dim3A_468, %select_n3A_278] : memref<32x1024xf32, #tpu.memory_space<vmem>>[vector<16xi32>, vector<16xi32>], vector<16xf32>,
            tpu.vector_store_idx %arg11[%iota3A, %broadcast_in_dim3A_468], %gather3A_473 : memref<16x128xf32, #tpu.memory_space<vmem>>[vector<16xi32>, vector<16xi32>], vector<16xf32>,
            %broadcast_in_dim3A_474 = arith.constant 28 : i32
            %broadcast_in_dim3A_475 = vector.broadcast %broadcast_in_dim3A_474 : i32 to vector<16xi32>
            %gather3A_476 = arith.constant 0 : i32
            %gather3A_477 = arith.constant 0 : i32
            %gather3A_478 = tpu.memref_slice %arg9[%while3A_224, %gather3A_476, %gather3A_477] : memref<1x32x1024xf32, #tpu.memory_space<vmem>> -> memref<1x32x1024xf32, #tpu.memory_space<vmem>>
            %gather3A_479 = tpu.memref_squeeze %gather3A_478 : memref<1x32x1024xf32, #tpu.memory_space<vmem>> -> memref<32x1024xf32, #tpu.memory_space<vmem>>
            %gather3A_480 = tpu.vector_load_idx %gather3A_479[%broadcast_in_dim3A_475, %select_n3A_278] : memref<32x1024xf32, #tpu.memory_space<vmem>>[vector<16xi32>, vector<16xi32>], vector<16xf32>,
            tpu.vector_store_idx %arg11[%iota3A, %broadcast_in_dim3A_475], %gather3A_480 : memref<16x128xf32, #tpu.memory_space<vmem>>[vector<16xi32>, vector<16xi32>], vector<16xf32>,
            %broadcast_in_dim3A_481 = arith.constant 29 : i32
            %broadcast_in_dim3A_482 = vector.broadcast %broadcast_in_dim3A_481 : i32 to vector<16xi32>
            %gather3A_483 = arith.constant 0 : i32
            %gather3A_484 = arith.constant 0 : i32
            %gather3A_485 = tpu.memref_slice %arg9[%while3A_224, %gather3A_483, %gather3A_484] : memref<1x32x1024xf32, #tpu.memory_space<vmem>> -> memref<1x32x1024xf32, #tpu.memory_space<vmem>>
            %gather3A_486 = tpu.memref_squeeze %gather3A_485 : memref<1x32x1024xf32, #tpu.memory_space<vmem>> -> memref<32x1024xf32, #tpu.memory_space<vmem>>
            %gather3A_487 = tpu.vector_load_idx %gather3A_486[%broadcast_in_dim3A_482, %select_n3A_278] : memref<32x1024xf32, #tpu.memory_space<vmem>>[vector<16xi32>, vector<16xi32>], vector<16xf32>,
            tpu.vector_store_idx %arg11[%iota3A, %broadcast_in_dim3A_482], %gather3A_487 : memref<16x128xf32, #tpu.memory_space<vmem>>[vector<16xi32>, vector<16xi32>], vector<16xf32>,
            %broadcast_in_dim3A_488 = arith.constant 30 : i32
            %broadcast_in_dim3A_489 = vector.broadcast %broadcast_in_dim3A_488 : i32 to vector<16xi32>
            %gather3A_490 = arith.constant 0 : i32
            %gather3A_491 = arith.constant 0 : i32
            %gather3A_492 = tpu.memref_slice %arg9[%while3A_224, %gather3A_490, %gather3A_491] : memref<1x32x1024xf32, #tpu.memory_space<vmem>> -> memref<1x32x1024xf32, #tpu.memory_space<vmem>>
            %gather3A_493 = tpu.memref_squeeze %gather3A_492 : memref<1x32x1024xf32, #tpu.memory_space<vmem>> -> memref<32x1024xf32, #tpu.memory_space<vmem>>
            %gather3A_494 = tpu.vector_load_idx %gather3A_493[%broadcast_in_dim3A_489, %select_n3A_278] : memref<32x1024xf32, #tpu.memory_space<vmem>>[vector<16xi32>, vector<16xi32>], vector<16xf32>,
            tpu.vector_store_idx %arg11[%iota3A, %broadcast_in_dim3A_489], %gather3A_494 : memref<16x128xf32, #tpu.memory_space<vmem>>[vector<16xi32>, vector<16xi32>], vector<16xf32>,
            %broadcast_in_dim3A_495 = arith.constant 31 : i32
            %broadcast_in_dim3A_496 = vector.broadcast %broadcast_in_dim3A_495 : i32 to vector<16xi32>
            %gather3A_497 = arith.constant 0 : i32
            %gather3A_498 = arith.constant 0 : i32
            %gather3A_499 = tpu.memref_slice %arg9[%while3A_224, %gather3A_497, %gather3A_498] : memref<1x32x1024xf32, #tpu.memory_space<vmem>> -> memref<1x32x1024xf32, #tpu.memory_space<vmem>>
            %gather3A_500 = tpu.memref_squeeze %gather3A_499 : memref<1x32x1024xf32, #tpu.memory_space<vmem>> -> memref<32x1024xf32, #tpu.memory_space<vmem>>
            %gather3A_501 = tpu.vector_load_idx %gather3A_500[%broadcast_in_dim3A_496, %select_n3A_278] : memref<32x1024xf32, #tpu.memory_space<vmem>>[vector<16xi32>, vector<16xi32>], vector<16xf32>,
            tpu.vector_store_idx %arg11[%iota3A, %broadcast_in_dim3A_496], %gather3A_501 : memref<16x128xf32, #tpu.memory_space<vmem>>[vector<16xi32>, vector<16xi32>], vector<16xf32>,
            %jit3A_502 = arith.constant -1 : i32
            %broadcast_in_dim3A_503 = vector.broadcast %jit3A_502 : i32 to vector<16xi32>
            %select_n3A_504 = arith.select %and3A_259, %get3A_255, %broadcast_in_dim3A_503 : vector<16xi1>, vector<16xi32>
            %dma_start3A_505 = arith.constant 0 : i32
            %dma_start3A_506 = arith.constant 0 : i32
            %dma_start3A_507 = tpu.memref_slice %arg5[%dma_start3A_505, %dma_start3A_506] : memref<16384x128xf32, #tpu.memory_space<hbm>> -> memref<16384x128xf32, #tpu.memory_space<hbm>>
            %dma_start3A_508 = arith.constant -1 : i32
            tpu.enqueue_indirect_dma source(%arg11 : memref<16x128xf32, #tpu.memory_space<vmem>>) target(%dma_start3A_507 : memref<16384x128xf32, #tpu.memory_space<hbm>>) offsets(%select_n3A_504 : vector<16xi32>) offset_filter(%dma_start3A_508) semaphore(%arg13 : memref<!tpu.dma_semaphore, #tpu.memory_space<semaphore_mem>>)
            %dma_wait3A_509 = arith.constant 0 : i32
            %dma_wait3A_510 = arith.constant 0 : i32
            %dma_wait3A_511 = tpu.memref_slice %arg5[%dma_wait3A_509, %dma_wait3A_510] : memref<16384x128xf32, #tpu.memory_space<hbm>> -> memref<16384x128xf32, #tpu.memory_space<hbm>>
            tpu.wait_indirect_dma semaphore(%arg13 : memref<!tpu.dma_semaphore, #tpu.memory_space<semaphore_mem>>) src(%arg11 : memref<16x128xf32, #tpu.memory_space<vmem>>) dst(%dma_wait3A_511 : memref<16384x128xf32, #tpu.memory_space<hbm>>)
          } else {
          }
          %while3A_273 = arith.constant 0 : i32
          scf.yield %while3A_273 : i32
        }
        %while3A_235 = arith.constant 1 : i32
        %while3A_236 = scf.for %while3A_247 = %while3A_232 to %while3A_228 step %while3A_235 iter_args(%while3A_248 = %while3A_234) -> (i32)  : i32 {
          %mul3A_249 = arith.constant 16 : i32
          %mul3A_250 = arith.muli %while3A_247, %mul3A_249 : i32
          %get3A = arith.index_cast %mul3A_250 : i32 to index
          %get3A_251 = tpu.vector_load %arg7[%get3A] {strides = array<i32>} : memref<16400xi32, #tpu.memory_space<vmem>>, vector<16xi32>,
          %mul3A_252 = arith.constant 16 : i32
          %mul3A_253 = arith.muli %while3A_247, %mul3A_252 : i32
          %get3A_254 = arith.index_cast %mul3A_253 : i32 to index
          %get3A_255 = tpu.vector_load %arg8[%get3A_254] {strides = array<i32>} : memref<16384xi32, #tpu.memory_space<vmem>>, vector<16xi32>,
          %ge3A = vector.broadcast %multiple_of3A_223 : i32 to vector<16xi32>
          %ge3A_256 = arith.cmpi sge, %get3A_251, %ge3A : vector<16xi32>
          %add3A_257 = arith.addi %multiple_of3A_223, %while3A : i32
          %lt3A = vector.broadcast %add3A_257 : i32 to vector<16xi32>
          %lt3A_258 = arith.cmpi slt, %get3A_251, %lt3A : vector<16xi32>
          %and3A_259 = arith.andi %ge3A_256, %lt3A_258 : vector<16xi1>
          %reduce_or3A = arith.constant 1.000000e+00 : f32
          %reduce_or3A_260 = arith.constant 0.000000e+00 : f32
          %reduce_or3A_261 = vector.broadcast %reduce_or3A : f32 to vector<16xf32>
          %reduce_or3A_262 = vector.broadcast %reduce_or3A_260 : f32 to vector<16xf32>
          %reduce_or3A_263 = arith.select %and3A_259, %reduce_or3A_261, %reduce_or3A_262 : vector<16xi1>, vector<16xf32>
          %reduce_or3A_264 = arith.constant true
          %reduce_or3A_265 = vector.broadcast %reduce_or3A_264 : i1 to vector<16xi1>
          %reduce_or3A_266 = tpu.scan <max>, %reduce_or3A_263 masked %reduce_or3A_265 : vector<16xf32>, vector<16xi1> -> vector<16xf32>
          %reduce_or3A_267 = vector.extract %reduce_or3A_266[15] : f32 from vector<16xf32>
          %reduce_or3A_268 = arith.constant 0.000000e+00 : f32
          %reduce_or3A_269 = arith.cmpf ogt, %reduce_or3A_267, %reduce_or3A_268 : f32
          %convert_element_type3A_270 = arith.extui %reduce_or3A_269 : i1 to i32
          %cond3A_271 = arith.constant 0 : i32
          %cond3A_272 = arith.cmpi ne, %convert_element_type3A_270, %cond3A_271 : i32
          scf.if %cond3A_272 {
            %sub3A_274 = vector.broadcast %multiple_of3A_223 : i32 to vector<16xi32>
            %sub3A_275 = arith.subi %get3A_251, %sub3A_274 : vector<16xi32>
            %jit3A_276 = arith.constant 0 : i32
            %broadcast_in_dim3A_277 = vector.broadcast %jit3A_276 : i32 to vector<16xi32>
            %select_n3A_278 = arith.select %and3A_259, %sub3A_275, %broadcast_in_dim3A_277 : vector<16xi1>, vector<16xi32>
            %broadcast_in_dim3A_279 = arith.constant 0 : i32
            %broadcast_in_dim3A_280 = vector.broadcast %broadcast_in_dim3A_279 : i32 to vector<16xi32>
            %gather3A = arith.constant 0 : i32
            %gather3A_281 = arith.constant 0 : i32
            %gather3A_282 = tpu.memref_slice %arg9[%while3A_224, %gather3A, %gather3A_281] : memref<1x32x1024xf32, #tpu.memory_space<vmem>> -> memref<1x32x1024xf32, #tpu.memory_space<vmem>>
            %gather3A_283 = tpu.memref_squeeze %gather3A_282 : memref<1x32x1024xf32, #tpu.memory_space<vmem>> -> memref<32x1024xf32, #tpu.memory_space<vmem>>
            %gather3A_284 = tpu.vector_load_idx %gather3A_283[%broadcast_in_dim3A_280, %select_n3A_278] : memref<32x1024xf32, #tpu.memory_space<vmem>>[vector<16xi32>, vector<16xi32>], vector<16xf32>,
            tpu.vector_store_idx %arg11[%iota3A, %broadcast_in_dim3A_280], %gather3A_284 : memref<16x128xf32, #tpu.memory_space<vmem>>[vector<16xi32>, vector<16xi32>], vector<16xf32>,
            %broadcast_in_dim3A_285 = arith.constant 1 : i32
            %broadcast_in_dim3A_286 = vector.broadcast %broadcast_in_dim3A_285 : i32 to vector<16xi32>
            %gather3A_287 = arith.constant 0 : i32
            %gather3A_288 = arith.constant 0 : i32
            %gather3A_289 = tpu.memref_slice %arg9[%while3A_224, %gather3A_287, %gather3A_288] : memref<1x32x1024xf32, #tpu.memory_space<vmem>> -> memref<1x32x1024xf32, #tpu.memory_space<vmem>>
            %gather3A_290 = tpu.memref_squeeze %gather3A_289 : memref<1x32x1024xf32, #tpu.memory_space<vmem>> -> memref<32x1024xf32, #tpu.memory_space<vmem>>
            %gather3A_291 = tpu.vector_load_idx %gather3A_290[%broadcast_in_dim3A_286, %select_n3A_278] : memref<32x1024xf32, #tpu.memory_space<vmem>>[vector<16xi32>, vector<16xi32>], vector<16xf32>,
            tpu.vector_store_idx %arg11[%iota3A, %broadcast_in_dim3A_286], %gather3A_291 : memref<16x128xf32, #tpu.memory_space<vmem>>[vector<16xi32>, vector<16xi32>], vector<16xf32>,
            %broadcast_in_dim3A_292 = arith.constant 2 : i32
            %broadcast_in_dim3A_293 = vector.broadcast %broadcast_in_dim3A_292 : i32 to vector<16xi32>
            %gather3A_294 = arith.constant 0 : i32
            %gather3A_295 = arith.constant 0 : i32
            %gather3A_296 = tpu.memref_slice %arg9[%while3A_224, %gather3A_294, %gather3A_295] : memref<1x32x1024xf32, #tpu.memory_space<vmem>> -> memref<1x32x1024xf32, #tpu.memory_space<vmem>>
            %gather3A_297 = tpu.memref_squeeze %gather3A_296 : memref<1x32x1024xf32, #tpu.memory_space<vmem>> -> memref<32x1024xf32, #tpu.memory_space<vmem>>
            %gather3A_298 = tpu.vector_load_idx %gather3A_297[%broadcast_in_dim3A_293, %select_n3A_278] : memref<32x1024xf32, #tpu.memory_space<vmem>>[vector<16xi32>, vector<16xi32>], vector<16xf32>,
            tpu.vector_store_idx %arg11[%iota3A, %broadcast_in_dim3A_293], %gather3A_298 : memref<16x128xf32, #tpu.memory_space<vmem>>[vector<16xi32>, vector<16xi32>], vector<16xf32>,
            %broadcast_in_dim3A_299 = arith.constant 3 : i32
            %broadcast_in_dim3A_300 = vector.broadcast %broadcast_in_dim3A_299 : i32 to vector<16xi32>
            %gather3A_301 = arith.constant 0 : i32
            %gather3A_302 = arith.constant 0 : i32
            %gather3A_303 = tpu.memref_slice %arg9[%while3A_224, %gather3A_301, %gather3A_302] : memref<1x32x1024xf32, #tpu.memory_space<vmem>> -> memref<1x32x1024xf32, #tpu.memory_space<vmem>>
            %gather3A_304 = tpu.memref_squeeze %gather3A_303 : memref<1x32x1024xf32, #tpu.memory_space<vmem>> -> memref<32x1024xf32, #tpu.memory_space<vmem>>
            %gather3A_305 = tpu.vector_load_idx %gather3A_304[%broadcast_in_dim3A_300, %select_n3A_278] : memref<32x1024xf32, #tpu.memory_space<vmem>>[vector<16xi32>, vector<16xi32>], vector<16xf32>,
            tpu.vector_store_idx %arg11[%iota3A, %broadcast_in_dim3A_300], %gather3A_305 : memref<16x128xf32, #tpu.memory_space<vmem>>[vector<16xi32>, vector<16xi32>], vector<16xf32>,
            %broadcast_in_dim3A_306 = arith.constant 4 : i32
            %broadcast_in_dim3A_307 = vector.broadcast %broadcast_in_dim3A_306 : i32 to vector<16xi32>
            %gather3A_308 = arith.constant 0 : i32
            %gather3A_309 = arith.constant 0 : i32
            %gather3A_310 = tpu.memref_slice %arg9[%while3A_224, %gather3A_308, %gather3A_309] : memref<1x32x1024xf32, #tpu.memory_space<vmem>> -> memref<1x32x1024xf32, #tpu.memory_space<vmem>>
            %gather3A_311 = tpu.memref_squeeze %gather3A_310 : memref<1x32x1024xf32, #tpu.memory_space<vmem>> -> memref<32x1024xf32, #tpu.memory_space<vmem>>
            %gather3A_312 = tpu.vector_load_idx %gather3A_311[%broadcast_in_dim3A_307, %select_n3A_278] : memref<32x1024xf32, #tpu.memory_space<vmem>>[vector<16xi32>, vector<16xi32>], vector<16xf32>,
            tpu.vector_store_idx %arg11[%iota3A, %broadcast_in_dim3A_307], %gather3A_312 : memref<16x128xf32, #tpu.memory_space<vmem>>[vector<16xi32>, vector<16xi32>], vector<16xf32>,
            %broadcast_in_dim3A_313 = arith.constant 5 : i32
            %broadcast_in_dim3A_314 = vector.broadcast %broadcast_in_dim3A_313 : i32 to vector<16xi32>
            %gather3A_315 = arith.constant 0 : i32
            %gather3A_316 = arith.constant 0 : i32
            %gather3A_317 = tpu.memref_slice %arg9[%while3A_224, %gather3A_315, %gather3A_316] : memref<1x32x1024xf32, #tpu.memory_space<vmem>> -> memref<1x32x1024xf32, #tpu.memory_space<vmem>>
            %gather3A_318 = tpu.memref_squeeze %gather3A_317 : memref<1x32x1024xf32, #tpu.memory_space<vmem>> -> memref<32x1024xf32, #tpu.memory_space<vmem>>
            %gather3A_319 = tpu.vector_load_idx %gather3A_318[%broadcast_in_dim3A_314, %select_n3A_278] : memref<32x1024xf32, #tpu.memory_space<vmem>>[vector<16xi32>, vector<16xi32>], vector<16xf32>,
            tpu.vector_store_idx %arg11[%iota3A, %broadcast_in_dim3A_314], %gather3A_319 : memref<16x128xf32, #tpu.memory_space<vmem>>[vector<16xi32>, vector<16xi32>], vector<16xf32>,
            %broadcast_in_dim3A_320 = arith.constant 6 : i32
            %broadcast_in_dim3A_321 = vector.broadcast %broadcast_in_dim3A_320 : i32 to vector<16xi32>
            %gather3A_322 = arith.constant 0 : i32
            %gather3A_323 = arith.constant 0 : i32
            %gather3A_324 = tpu.memref_slice %arg9[%while3A_224, %gather3A_322, %gather3A_323] : memref<1x32x1024xf32, #tpu.memory_space<vmem>> -> memref<1x32x1024xf32, #tpu.memory_space<vmem>>
            %gather3A_325 = tpu.memref_squeeze %gather3A_324 : memref<1x32x1024xf32, #tpu.memory_space<vmem>> -> memref<32x1024xf32, #tpu.memory_space<vmem>>
            %gather3A_326 = tpu.vector_load_idx %gather3A_325[%broadcast_in_dim3A_321, %select_n3A_278] : memref<32x1024xf32, #tpu.memory_space<vmem>>[vector<16xi32>, vector<16xi32>], vector<16xf32>,
            tpu.vector_store_idx %arg11[%iota3A, %broadcast_in_dim3A_321], %gather3A_326 : memref<16x128xf32, #tpu.memory_space<vmem>>[vector<16xi32>, vector<16xi32>], vector<16xf32>,
            %broadcast_in_dim3A_327 = arith.constant 7 : i32
            %broadcast_in_dim3A_328 = vector.broadcast %broadcast_in_dim3A_327 : i32 to vector<16xi32>
            %gather3A_329 = arith.constant 0 : i32
            %gather3A_330 = arith.constant 0 : i32
            %gather3A_331 = tpu.memref_slice %arg9[%while3A_224, %gather3A_329, %gather3A_330] : memref<1x32x1024xf32, #tpu.memory_space<vmem>> -> memref<1x32x1024xf32, #tpu.memory_space<vmem>>
            %gather3A_332 = tpu.memref_squeeze %gather3A_331 : memref<1x32x1024xf32, #tpu.memory_space<vmem>> -> memref<32x1024xf32, #tpu.memory_space<vmem>>
            %gather3A_333 = tpu.vector_load_idx %gather3A_332[%broadcast_in_dim3A_328, %select_n3A_278] : memref<32x1024xf32, #tpu.memory_space<vmem>>[vector<16xi32>, vector<16xi32>], vector<16xf32>,
            tpu.vector_store_idx %arg11[%iota3A, %broadcast_in_dim3A_328], %gather3A_333 : memref<16x128xf32, #tpu.memory_space<vmem>>[vector<16xi32>, vector<16xi32>], vector<16xf32>,
            %broadcast_in_dim3A_334 = arith.constant 8 : i32
            %broadcast_in_dim3A_335 = vector.broadcast %broadcast_in_dim3A_334 : i32 to vector<16xi32>
            %gather3A_336 = arith.constant 0 : i32
            %gather3A_337 = arith.constant 0 : i32
            %gather3A_338 = tpu.memref_slice %arg9[%while3A_224, %gather3A_336, %gather3A_337] : memref<1x32x1024xf32, #tpu.memory_space<vmem>> -> memref<1x32x1024xf32, #tpu.memory_space<vmem>>
            %gather3A_339 = tpu.memref_squeeze %gather3A_338 : memref<1x32x1024xf32, #tpu.memory_space<vmem>> -> memref<32x1024xf32, #tpu.memory_space<vmem>>
            %gather3A_340 = tpu.vector_load_idx %gather3A_339[%broadcast_in_dim3A_335, %select_n3A_278] : memref<32x1024xf32, #tpu.memory_space<vmem>>[vector<16xi32>, vector<16xi32>], vector<16xf32>,
            tpu.vector_store_idx %arg11[%iota3A, %broadcast_in_dim3A_335], %gather3A_340 : memref<16x128xf32, #tpu.memory_space<vmem>>[vector<16xi32>, vector<16xi32>], vector<16xf32>,
            %broadcast_in_dim3A_341 = arith.constant 9 : i32
            %broadcast_in_dim3A_342 = vector.broadcast %broadcast_in_dim3A_341 : i32 to vector<16xi32>
            %gather3A_343 = arith.constant 0 : i32
            %gather3A_344 = arith.constant 0 : i32
            %gather3A_345 = tpu.memref_slice %arg9[%while3A_224, %gather3A_343, %gather3A_344] : memref<1x32x1024xf32, #tpu.memory_space<vmem>> -> memref<1x32x1024xf32, #tpu.memory_space<vmem>>
            %gather3A_346 = tpu.memref_squeeze %gather3A_345 : memref<1x32x1024xf32, #tpu.memory_space<vmem>> -> memref<32x1024xf32, #tpu.memory_space<vmem>>
            %gather3A_347 = tpu.vector_load_idx %gather3A_346[%broadcast_in_dim3A_342, %select_n3A_278] : memref<32x1024xf32, #tpu.memory_space<vmem>>[vector<16xi32>, vector<16xi32>], vector<16xf32>,
            tpu.vector_store_idx %arg11[%iota3A, %broadcast_in_dim3A_342], %gather3A_347 : memref<16x128xf32, #tpu.memory_space<vmem>>[vector<16xi32>, vector<16xi32>], vector<16xf32>,
            %broadcast_in_dim3A_348 = arith.constant 10 : i32
            %broadcast_in_dim3A_349 = vector.broadcast %broadcast_in_dim3A_348 : i32 to vector<16xi32>
            %gather3A_350 = arith.constant 0 : i32
            %gather3A_351 = arith.constant 0 : i32
            %gather3A_352 = tpu.memref_slice %arg9[%while3A_224, %gather3A_350, %gather3A_351] : memref<1x32x1024xf32, #tpu.memory_space<vmem>> -> memref<1x32x1024xf32, #tpu.memory_space<vmem>>
            %gather3A_353 = tpu.memref_squeeze %gather3A_352 : memref<1x32x1024xf32, #tpu.memory_space<vmem>> -> memref<32x1024xf32, #tpu.memory_space<vmem>>
            %gather3A_354 = tpu.vector_load_idx %gather3A_353[%broadcast_in_dim3A_349, %select_n3A_278] : memref<32x1024xf32, #tpu.memory_space<vmem>>[vector<16xi32>, vector<16xi32>], vector<16xf32>,
            tpu.vector_store_idx %arg11[%iota3A, %broadcast_in_dim3A_349], %gather3A_354 : memref<16x128xf32, #tpu.memory_space<vmem>>[vector<16xi32>, vector<16xi32>], vector<16xf32>,
            %broadcast_in_dim3A_355 = arith.constant 11 : i32
            %broadcast_in_dim3A_356 = vector.broadcast %broadcast_in_dim3A_355 : i32 to vector<16xi32>
            %gather3A_357 = arith.constant 0 : i32
            %gather3A_358 = arith.constant 0 : i32
            %gather3A_359 = tpu.memref_slice %arg9[%while3A_224, %gather3A_357, %gather3A_358] : memref<1x32x1024xf32, #tpu.memory_space<vmem>> -> memref<1x32x1024xf32, #tpu.memory_space<vmem>>
            %gather3A_360 = tpu.memref_squeeze %gather3A_359 : memref<1x32x1024xf32, #tpu.memory_space<vmem>> -> memref<32x1024xf32, #tpu.memory_space<vmem>>
            %gather3A_361 = tpu.vector_load_idx %gather3A_360[%broadcast_in_dim3A_356, %select_n3A_278] : memref<32x1024xf32, #tpu.memory_space<vmem>>[vector<16xi32>, vector<16xi32>], vector<16xf32>,
            tpu.vector_store_idx %arg11[%iota3A, %broadcast_in_dim3A_356], %gather3A_361 : memref<16x128xf32, #tpu.memory_space<vmem>>[vector<16xi32>, vector<16xi32>], vector<16xf32>,
            %broadcast_in_dim3A_362 = arith.constant 12 : i32
            %broadcast_in_dim3A_363 = vector.broadcast %broadcast_in_dim3A_362 : i32 to vector<16xi32>
            %gather3A_364 = arith.constant 0 : i32
            %gather3A_365 = arith.constant 0 : i32
            %gather3A_366 = tpu.memref_slice %arg9[%while3A_224, %gather3A_364, %gather3A_365] : memref<1x32x1024xf32, #tpu.memory_space<vmem>> -> memref<1x32x1024xf32, #tpu.memory_space<vmem>>
            %gather3A_367 = tpu.memref_squeeze %gather3A_366 : memref<1x32x1024xf32, #tpu.memory_space<vmem>> -> memref<32x1024xf32, #tpu.memory_space<vmem>>
            %gather3A_368 = tpu.vector_load_idx %gather3A_367[%broadcast_in_dim3A_363, %select_n3A_278] : memref<32x1024xf32, #tpu.memory_space<vmem>>[vector<16xi32>, vector<16xi32>], vector<16xf32>,
            tpu.vector_store_idx %arg11[%iota3A, %broadcast_in_dim3A_363], %gather3A_368 : memref<16x128xf32, #tpu.memory_space<vmem>>[vector<16xi32>, vector<16xi32>], vector<16xf32>,
            %broadcast_in_dim3A_369 = arith.constant 13 : i32
            %broadcast_in_dim3A_370 = vector.broadcast %broadcast_in_dim3A_369 : i32 to vector<16xi32>
            %gather3A_371 = arith.constant 0 : i32
            %gather3A_372 = arith.constant 0 : i32
            %gather3A_373 = tpu.memref_slice %arg9[%while3A_224, %gather3A_371, %gather3A_372] : memref<1x32x1024xf32, #tpu.memory_space<vmem>> -> memref<1x32x1024xf32, #tpu.memory_space<vmem>>
            %gather3A_374 = tpu.memref_squeeze %gather3A_373 : memref<1x32x1024xf32, #tpu.memory_space<vmem>> -> memref<32x1024xf32, #tpu.memory_space<vmem>>
            %gather3A_375 = tpu.vector_load_idx %gather3A_374[%broadcast_in_dim3A_370, %select_n3A_278] : memref<32x1024xf32, #tpu.memory_space<vmem>>[vector<16xi32>, vector<16xi32>], vector<16xf32>,
            tpu.vector_store_idx %arg11[%iota3A, %broadcast_in_dim3A_370], %gather3A_375 : memref<16x128xf32, #tpu.memory_space<vmem>>[vector<16xi32>, vector<16xi32>], vector<16xf32>,
            %broadcast_in_dim3A_376 = arith.constant 14 : i32
            %broadcast_in_dim3A_377 = vector.broadcast %broadcast_in_dim3A_376 : i32 to vector<16xi32>
            %gather3A_378 = arith.constant 0 : i32
            %gather3A_379 = arith.constant 0 : i32
            %gather3A_380 = tpu.memref_slice %arg9[%while3A_224, %gather3A_378, %gather3A_379] : memref<1x32x1024xf32, #tpu.memory_space<vmem>> -> memref<1x32x1024xf32, #tpu.memory_space<vmem>>
            %gather3A_381 = tpu.memref_squeeze %gather3A_380 : memref<1x32x1024xf32, #tpu.memory_space<vmem>> -> memref<32x1024xf32, #tpu.memory_space<vmem>>
            %gather3A_382 = tpu.vector_load_idx %gather3A_381[%broadcast_in_dim3A_377, %select_n3A_278] : memref<32x1024xf32, #tpu.memory_space<vmem>>[vector<16xi32>, vector<16xi32>], vector<16xf32>,
            tpu.vector_store_idx %arg11[%iota3A, %broadcast_in_dim3A_377], %gather3A_382 : memref<16x128xf32, #tpu.memory_space<vmem>>[vector<16xi32>, vector<16xi32>], vector<16xf32>,
            %broadcast_in_dim3A_383 = arith.constant 15 : i32
            %broadcast_in_dim3A_384 = vector.broadcast %broadcast_in_dim3A_383 : i32 to vector<16xi32>
            %gather3A_385 = arith.constant 0 : i32
            %gather3A_386 = arith.constant 0 : i32
            %gather3A_387 = tpu.memref_slice %arg9[%while3A_224, %gather3A_385, %gather3A_386] : memref<1x32x1024xf32, #tpu.memory_space<vmem>> -> memref<1x32x1024xf32, #tpu.memory_space<vmem>>
            %gather3A_388 = tpu.memref_squeeze %gather3A_387 : memref<1x32x1024xf32, #tpu.memory_space<vmem>> -> memref<32x1024xf32, #tpu.memory_space<vmem>>
            %gather3A_389 = tpu.vector_load_idx %gather3A_388[%broadcast_in_dim3A_384, %select_n3A_278] : memref<32x1024xf32, #tpu.memory_space<vmem>>[vector<16xi32>, vector<16xi32>], vector<16xf32>,
            tpu.vector_store_idx %arg11[%iota3A, %broadcast_in_dim3A_384], %gather3A_389 : memref<16x128xf32, #tpu.memory_space<vmem>>[vector<16xi32>, vector<16xi32>], vector<16xf32>,
            %broadcast_in_dim3A_390 = arith.constant 16 : i32
            %broadcast_in_dim3A_391 = vector.broadcast %broadcast_in_dim3A_390 : i32 to vector<16xi32>
            %gather3A_392 = arith.constant 0 : i32
            %gather3A_393 = arith.constant 0 : i32
            %gather3A_394 = tpu.memref_slice %arg9[%while3A_224, %gather3A_392, %gather3A_393] : memref<1x32x1024xf32, #tpu.memory_space<vmem>> -> memref<1x32x1024xf32, #tpu.memory_space<vmem>>
            %gather3A_395 = tpu.memref_squeeze %gather3A_394 : memref<1x32x1024xf32, #tpu.memory_space<vmem>> -> memref<32x1024xf32, #tpu.memory_space<vmem>>
            %gather3A_396 = tpu.vector_load_idx %gather3A_395[%broadcast_in_dim3A_391, %select_n3A_278] : memref<32x1024xf32, #tpu.memory_space<vmem>>[vector<16xi32>, vector<16xi32>], vector<16xf32>,
            tpu.vector_store_idx %arg11[%iota3A, %broadcast_in_dim3A_391], %gather3A_396 : memref<16x128xf32, #tpu.memory_space<vmem>>[vector<16xi32>, vector<16xi32>], vector<16xf32>,
            %broadcast_in_dim3A_397 = arith.constant 17 : i32
            %broadcast_in_dim3A_398 = vector.broadcast %broadcast_in_dim3A_397 : i32 to vector<16xi32>
            %gather3A_399 = arith.constant 0 : i32
            %gather3A_400 = arith.constant 0 : i32
            %gather3A_401 = tpu.memref_slice %arg9[%while3A_224, %gather3A_399, %gather3A_400] : memref<1x32x1024xf32, #tpu.memory_space<vmem>> -> memref<1x32x1024xf32, #tpu.memory_space<vmem>>
            %gather3A_402 = tpu.memref_squeeze %gather3A_401 : memref<1x32x1024xf32, #tpu.memory_space<vmem>> -> memref<32x1024xf32, #tpu.memory_space<vmem>>
            %gather3A_403 = tpu.vector_load_idx %gather3A_402[%broadcast_in_dim3A_398, %select_n3A_278] : memref<32x1024xf32, #tpu.memory_space<vmem>>[vector<16xi32>, vector<16xi32>], vector<16xf32>,
            tpu.vector_store_idx %arg11[%iota3A, %broadcast_in_dim3A_398], %gather3A_403 : memref<16x128xf32, #tpu.memory_space<vmem>>[vector<16xi32>, vector<16xi32>], vector<16xf32>,
            %broadcast_in_dim3A_404 = arith.constant 18 : i32
            %broadcast_in_dim3A_405 = vector.broadcast %broadcast_in_dim3A_404 : i32 to vector<16xi32>
            %gather3A_406 = arith.constant 0 : i32
            %gather3A_407 = arith.constant 0 : i32
            %gather3A_408 = tpu.memref_slice %arg9[%while3A_224, %gather3A_406, %gather3A_407] : memref<1x32x1024xf32, #tpu.memory_space<vmem>> -> memref<1x32x1024xf32, #tpu.memory_space<vmem>>
            %gather3A_409 = tpu.memref_squeeze %gather3A_408 : memref<1x32x1024xf32, #tpu.memory_space<vmem>> -> memref<32x1024xf32, #tpu.memory_space<vmem>>
            %gather3A_410 = tpu.vector_load_idx %gather3A_409[%broadcast_in_dim3A_405, %select_n3A_278] : memref<32x1024xf32, #tpu.memory_space<vmem>>[vector<16xi32>, vector<16xi32>], vector<16xf32>,
            tpu.vector_store_idx %arg11[%iota3A, %broadcast_in_dim3A_405], %gather3A_410 : memref<16x128xf32, #tpu.memory_space<vmem>>[vector<16xi32>, vector<16xi32>], vector<16xf32>,
            %broadcast_in_dim3A_411 = arith.constant 19 : i32
            %broadcast_in_dim3A_412 = vector.broadcast %broadcast_in_dim3A_411 : i32 to vector<16xi32>
            %gather3A_413 = arith.constant 0 : i32
            %gather3A_414 = arith.constant 0 : i32
            %gather3A_415 = tpu.memref_slice %arg9[%while3A_224, %gather3A_413, %gather3A_414] : memref<1x32x1024xf32, #tpu.memory_space<vmem>> -> memref<1x32x1024xf32, #tpu.memory_space<vmem>>
            %gather3A_416 = tpu.memref_squeeze %gather3A_415 : memref<1x32x1024xf32, #tpu.memory_space<vmem>> -> memref<32x1024xf32, #tpu.memory_space<vmem>>
            %gather3A_417 = tpu.vector_load_idx %gather3A_416[%broadcast_in_dim3A_412, %select_n3A_278] : memref<32x1024xf32, #tpu.memory_space<vmem>>[vector<16xi32>, vector<16xi32>], vector<16xf32>,
            tpu.vector_store_idx %arg11[%iota3A, %broadcast_in_dim3A_412], %gather3A_417 : memref<16x128xf32, #tpu.memory_space<vmem>>[vector<16xi32>, vector<16xi32>], vector<16xf32>,
            %broadcast_in_dim3A_418 = arith.constant 20 : i32
            %broadcast_in_dim3A_419 = vector.broadcast %broadcast_in_dim3A_418 : i32 to vector<16xi32>
            %gather3A_420 = arith.constant 0 : i32
            %gather3A_421 = arith.constant 0 : i32
            %gather3A_422 = tpu.memref_slice %arg9[%while3A_224, %gather3A_420, %gather3A_421] : memref<1x32x1024xf32, #tpu.memory_space<vmem>> -> memref<1x32x1024xf32, #tpu.memory_space<vmem>>
            %gather3A_423 = tpu.memref_squeeze %gather3A_422 : memref<1x32x1024xf32, #tpu.memory_space<vmem>> -> memref<32x1024xf32, #tpu.memory_space<vmem>>
            %gather3A_424 = tpu.vector_load_idx %gather3A_423[%broadcast_in_dim3A_419, %select_n3A_278] : memref<32x1024xf32, #tpu.memory_space<vmem>>[vector<16xi32>, vector<16xi32>], vector<16xf32>,
            tpu.vector_store_idx %arg11[%iota3A, %broadcast_in_dim3A_419], %gather3A_424 : memref<16x128xf32, #tpu.memory_space<vmem>>[vector<16xi32>, vector<16xi32>], vector<16xf32>,
            %broadcast_in_dim3A_425 = arith.constant 21 : i32
            %broadcast_in_dim3A_426 = vector.broadcast %broadcast_in_dim3A_425 : i32 to vector<16xi32>
            %gather3A_427 = arith.constant 0 : i32
            %gather3A_428 = arith.constant 0 : i32
            %gather3A_429 = tpu.memref_slice %arg9[%while3A_224, %gather3A_427, %gather3A_428] : memref<1x32x1024xf32, #tpu.memory_space<vmem>> -> memref<1x32x1024xf32, #tpu.memory_space<vmem>>
            %gather3A_430 = tpu.memref_squeeze %gather3A_429 : memref<1x32x1024xf32, #tpu.memory_space<vmem>> -> memref<32x1024xf32, #tpu.memory_space<vmem>>
            %gather3A_431 = tpu.vector_load_idx %gather3A_430[%broadcast_in_dim3A_426, %select_n3A_278] : memref<32x1024xf32, #tpu.memory_space<vmem>>[vector<16xi32>, vector<16xi32>], vector<16xf32>,
            tpu.vector_store_idx %arg11[%iota3A, %broadcast_in_dim3A_426], %gather3A_431 : memref<16x128xf32, #tpu.memory_space<vmem>>[vector<16xi32>, vector<16xi32>], vector<16xf32>,
            %broadcast_in_dim3A_432 = arith.constant 22 : i32
            %broadcast_in_dim3A_433 = vector.broadcast %broadcast_in_dim3A_432 : i32 to vector<16xi32>
            %gather3A_434 = arith.constant 0 : i32
            %gather3A_435 = arith.constant 0 : i32
            %gather3A_436 = tpu.memref_slice %arg9[%while3A_224, %gather3A_434, %gather3A_435] : memref<1x32x1024xf32, #tpu.memory_space<vmem>> -> memref<1x32x1024xf32, #tpu.memory_space<vmem>>
            %gather3A_437 = tpu.memref_squeeze %gather3A_436 : memref<1x32x1024xf32, #tpu.memory_space<vmem>> -> memref<32x1024xf32, #tpu.memory_space<vmem>>
            %gather3A_438 = tpu.vector_load_idx %gather3A_437[%broadcast_in_dim3A_433, %select_n3A_278] : memref<32x1024xf32, #tpu.memory_space<vmem>>[vector<16xi32>, vector<16xi32>], vector<16xf32>,
            tpu.vector_store_idx %arg11[%iota3A, %broadcast_in_dim3A_433], %gather3A_438 : memref<16x128xf32, #tpu.memory_space<vmem>>[vector<16xi32>, vector<16xi32>], vector<16xf32>,
            %broadcast_in_dim3A_439 = arith.constant 23 : i32
            %broadcast_in_dim3A_440 = vector.broadcast %broadcast_in_dim3A_439 : i32 to vector<16xi32>
            %gather3A_441 = arith.constant 0 : i32
            %gather3A_442 = arith.constant 0 : i32
            %gather3A_443 = tpu.memref_slice %arg9[%while3A_224, %gather3A_441, %gather3A_442] : memref<1x32x1024xf32, #tpu.memory_space<vmem>> -> memref<1x32x1024xf32, #tpu.memory_space<vmem>>
            %gather3A_444 = tpu.memref_squeeze %gather3A_443 : memref<1x32x1024xf32, #tpu.memory_space<vmem>> -> memref<32x1024xf32, #tpu.memory_space<vmem>>
            %gather3A_445 = tpu.vector_load_idx %gather3A_444[%broadcast_in_dim3A_440, %select_n3A_278] : memref<32x1024xf32, #tpu.memory_space<vmem>>[vector<16xi32>, vector<16xi32>], vector<16xf32>,
            tpu.vector_store_idx %arg11[%iota3A, %broadcast_in_dim3A_440], %gather3A_445 : memref<16x128xf32, #tpu.memory_space<vmem>>[vector<16xi32>, vector<16xi32>], vector<16xf32>,
            %broadcast_in_dim3A_446 = arith.constant 24 : i32
            %broadcast_in_dim3A_447 = vector.broadcast %broadcast_in_dim3A_446 : i32 to vector<16xi32>
            %gather3A_448 = arith.constant 0 : i32
            %gather3A_449 = arith.constant 0 : i32
            %gather3A_450 = tpu.memref_slice %arg9[%while3A_224, %gather3A_448, %gather3A_449] : memref<1x32x1024xf32, #tpu.memory_space<vmem>> -> memref<1x32x1024xf32, #tpu.memory_space<vmem>>
            %gather3A_451 = tpu.memref_squeeze %gather3A_450 : memref<1x32x1024xf32, #tpu.memory_space<vmem>> -> memref<32x1024xf32, #tpu.memory_space<vmem>>
            %gather3A_452 = tpu.vector_load_idx %gather3A_451[%broadcast_in_dim3A_447, %select_n3A_278] : memref<32x1024xf32, #tpu.memory_space<vmem>>[vector<16xi32>, vector<16xi32>], vector<16xf32>,
            tpu.vector_store_idx %arg11[%iota3A, %broadcast_in_dim3A_447], %gather3A_452 : memref<16x128xf32, #tpu.memory_space<vmem>>[vector<16xi32>, vector<16xi32>], vector<16xf32>,
            %broadcast_in_dim3A_453 = arith.constant 25 : i32
            %broadcast_in_dim3A_454 = vector.broadcast %broadcast_in_dim3A_453 : i32 to vector<16xi32>
            %gather3A_455 = arith.constant 0 : i32
            %gather3A_456 = arith.constant 0 : i32
            %gather3A_457 = tpu.memref_slice %arg9[%while3A_224, %gather3A_455, %gather3A_456] : memref<1x32x1024xf32, #tpu.memory_space<vmem>> -> memref<1x32x1024xf32, #tpu.memory_space<vmem>>
            %gather3A_458 = tpu.memref_squeeze %gather3A_457 : memref<1x32x1024xf32, #tpu.memory_space<vmem>> -> memref<32x1024xf32, #tpu.memory_space<vmem>>
            %gather3A_459 = tpu.vector_load_idx %gather3A_458[%broadcast_in_dim3A_454, %select_n3A_278] : memref<32x1024xf32, #tpu.memory_space<vmem>>[vector<16xi32>, vector<16xi32>], vector<16xf32>,
            tpu.vector_store_idx %arg11[%iota3A, %broadcast_in_dim3A_454], %gather3A_459 : memref<16x128xf32, #tpu.memory_space<vmem>>[vector<16xi32>, vector<16xi32>], vector<16xf32>,
            %broadcast_in_dim3A_460 = arith.constant 26 : i32
            %broadcast_in_dim3A_461 = vector.broadcast %broadcast_in_dim3A_460 : i32 to vector<16xi32>
            %gather3A_462 = arith.constant 0 : i32
            %gather3A_463 = arith.constant 0 : i32
            %gather3A_464 = tpu.memref_slice %arg9[%while3A_224, %gather3A_462, %gather3A_463] : memref<1x32x1024xf32, #tpu.memory_space<vmem>> -> memref<1x32x1024xf32, #tpu.memory_space<vmem>>
            %gather3A_465 = tpu.memref_squeeze %gather3A_464 : memref<1x32x1024xf32, #tpu.memory_space<vmem>> -> memref<32x1024xf32, #tpu.memory_space<vmem>>
            %gather3A_466 = tpu.vector_load_idx %gather3A_465[%broadcast_in_dim3A_461, %select_n3A_278] : memref<32x1024xf32, #tpu.memory_space<vmem>>[vector<16xi32>, vector<16xi32>], vector<16xf32>,
            tpu.vector_store_idx %arg11[%iota3A, %broadcast_in_dim3A_461], %gather3A_466 : memref<16x128xf32, #tpu.memory_space<vmem>>[vector<16xi32>, vector<16xi32>], vector<16xf32>,
            %broadcast_in_dim3A_467 = arith.constant 27 : i32
            %broadcast_in_dim3A_468 = vector.broadcast %broadcast_in_dim3A_467 : i32 to vector<16xi32>
            %gather3A_469 = arith.constant 0 : i32
            %gather3A_470 = arith.constant 0 : i32
            %gather3A_471 = tpu.memref_slice %arg9[%while3A_224, %gather3A_469, %gather3A_470] : memref<1x32x1024xf32, #tpu.memory_space<vmem>> -> memref<1x32x1024xf32, #tpu.memory_space<vmem>>
            %gather3A_472 = tpu.memref_squeeze %gather3A_471 : memref<1x32x1024xf32, #tpu.memory_space<vmem>> -> memref<32x1024xf32, #tpu.memory_space<vmem>>
            %gather3A_473 = tpu.vector_load_idx %gather3A_472[%broadcast_in_dim3A_468, %select_n3A_278] : memref<32x1024xf32, #tpu.memory_space<vmem>>[vector<16xi32>, vector<16xi32>], vector<16xf32>,
            tpu.vector_store_idx %arg11[%iota3A, %broadcast_in_dim3A_468], %gather3A_473 : memref<16x128xf32, #tpu.memory_space<vmem>>[vector<16xi32>, vector<16xi32>], vector<16xf32>,
            %broadcast_in_dim3A_474 = arith.constant 28 : i32
            %broadcast_in_dim3A_475 = vector.broadcast %broadcast_in_dim3A_474 : i32 to vector<16xi32>
            %gather3A_476 = arith.constant 0 : i32
            %gather3A_477 = arith.constant 0 : i32
            %gather3A_478 = tpu.memref_slice %arg9[%while3A_224, %gather3A_476, %gather3A_477] : memref<1x32x1024xf32, #tpu.memory_space<vmem>> -> memref<1x32x1024xf32, #tpu.memory_space<vmem>>
            %gather3A_479 = tpu.memref_squeeze %gather3A_478 : memref<1x32x1024xf32, #tpu.memory_space<vmem>> -> memref<32x1024xf32, #tpu.memory_space<vmem>>
            %gather3A_480 = tpu.vector_load_idx %gather3A_479[%broadcast_in_dim3A_475, %select_n3A_278] : memref<32x1024xf32, #tpu.memory_space<vmem>>[vector<16xi32>, vector<16xi32>], vector<16xf32>,
            tpu.vector_store_idx %arg11[%iota3A, %broadcast_in_dim3A_475], %gather3A_480 : memref<16x128xf32, #tpu.memory_space<vmem>>[vector<16xi32>, vector<16xi32>], vector<16xf32>,
            %broadcast_in_dim3A_481 = arith.constant 29 : i32
            %broadcast_in_dim3A_482 = vector.broadcast %broadcast_in_dim3A_481 : i32 to vector<16xi32>
            %gather3A_483 = arith.constant 0 : i32
            %gather3A_484 = arith.constant 0 : i32
            %gather3A_485 = tpu.memref_slice %arg9[%while3A_224, %gather3A_483, %gather3A_484] : memref<1x32x1024xf32, #tpu.memory_space<vmem>> -> memref<1x32x1024xf32, #tpu.memory_space<vmem>>
            %gather3A_486 = tpu.memref_squeeze %gather3A_485 : memref<1x32x1024xf32, #tpu.memory_space<vmem>> -> memref<32x1024xf32, #tpu.memory_space<vmem>>
            %gather3A_487 = tpu.vector_load_idx %gather3A_486[%broadcast_in_dim3A_482, %select_n3A_278] : memref<32x1024xf32, #tpu.memory_space<vmem>>[vector<16xi32>, vector<16xi32>], vector<16xf32>,
            tpu.vector_store_idx %arg11[%iota3A, %broadcast_in_dim3A_482], %gather3A_487 : memref<16x128xf32, #tpu.memory_space<vmem>>[vector<16xi32>, vector<16xi32>], vector<16xf32>,
            %broadcast_in_dim3A_488 = arith.constant 30 : i32
            %broadcast_in_dim3A_489 = vector.broadcast %broadcast_in_dim3A_488 : i32 to vector<16xi32>
            %gather3A_490 = arith.constant 0 : i32
            %gather3A_491 = arith.constant 0 : i32
            %gather3A_492 = tpu.memref_slice %arg9[%while3A_224, %gather3A_490, %gather3A_491] : memref<1x32x1024xf32, #tpu.memory_space<vmem>> -> memref<1x32x1024xf32, #tpu.memory_space<vmem>>
            %gather3A_493 = tpu.memref_squeeze %gather3A_492 : memref<1x32x1024xf32, #tpu.memory_space<vmem>> -> memref<32x1024xf32, #tpu.memory_space<vmem>>
            %gather3A_494 = tpu.vector_load_idx %gather3A_493[%broadcast_in_dim3A_489, %select_n3A_278] : memref<32x1024xf32, #tpu.memory_space<vmem>>[vector<16xi32>, vector<16xi32>], vector<16xf32>,
            tpu.vector_store_idx %arg11[%iota3A, %broadcast_in_dim3A_489], %gather3A_494 : memref<16x128xf32, #tpu.memory_space<vmem>>[vector<16xi32>, vector<16xi32>], vector<16xf32>,
            %broadcast_in_dim3A_495 = arith.constant 31 : i32
            %broadcast_in_dim3A_496 = vector.broadcast %broadcast_in_dim3A_495 : i32 to vector<16xi32>
            %gather3A_497 = arith.constant 0 : i32
            %gather3A_498 = arith.constant 0 : i32
            %gather3A_499 = tpu.memref_slice %arg9[%while3A_224, %gather3A_497, %gather3A_498] : memref<1x32x1024xf32, #tpu.memory_space<vmem>> -> memref<1x32x1024xf32, #tpu.memory_space<vmem>>
            %gather3A_500 = tpu.memref_squeeze %gather3A_499 : memref<1x32x1024xf32, #tpu.memory_space<vmem>> -> memref<32x1024xf32, #tpu.memory_space<vmem>>
            %gather3A_501 = tpu.vector_load_idx %gather3A_500[%broadcast_in_dim3A_496, %select_n3A_278] : memref<32x1024xf32, #tpu.memory_space<vmem>>[vector<16xi32>, vector<16xi32>], vector<16xf32>,
            tpu.vector_store_idx %arg11[%iota3A, %broadcast_in_dim3A_496], %gather3A_501 : memref<16x128xf32, #tpu.memory_space<vmem>>[vector<16xi32>, vector<16xi32>], vector<16xf32>,
            %jit3A_502 = arith.constant -1 : i32
            %broadcast_in_dim3A_503 = vector.broadcast %jit3A_502 : i32 to vector<16xi32>
            %select_n3A_504 = arith.select %and3A_259, %get3A_255, %broadcast_in_dim3A_503 : vector<16xi1>, vector<16xi32>
            %dma_start3A_505 = arith.constant 0 : i32
            %dma_start3A_506 = arith.constant 0 : i32
            %dma_start3A_507 = tpu.memref_slice %arg5[%dma_start3A_505, %dma_start3A_506] : memref<16384x128xf32, #tpu.memory_space<hbm>> -> memref<16384x128xf32, #tpu.memory_space<hbm>>
            %dma_start3A_508 = arith.constant -1 : i32
            tpu.enqueue_indirect_dma source(%arg11 : memref<16x128xf32, #tpu.memory_space<vmem>>) target(%dma_start3A_507 : memref<16384x128xf32, #tpu.memory_space<hbm>>) offsets(%select_n3A_504 : vector<16xi32>) offset_filter(%dma_start3A_508) semaphore(%arg13 : memref<!tpu.dma_semaphore, #tpu.memory_space<semaphore_mem>>)
            %dma_wait3A_509 = arith.constant 0 : i32
            %dma_wait3A_510 = arith.constant 0 : i32
            %dma_wait3A_511 = tpu.memref_slice %arg5[%dma_wait3A_509, %dma_wait3A_510] : memref<16384x128xf32, #tpu.memory_space<hbm>> -> memref<16384x128xf32, #tpu.memory_space<hbm>>
            tpu.wait_indirect_dma semaphore(%arg13 : memref<!tpu.dma_semaphore, #tpu.memory_space<semaphore_mem>>) src(%arg11 : memref<16x128xf32, #tpu.memory_space<vmem>>) dst(%dma_wait3A_511 : memref<16384x128xf32, #tpu.memory_space<hbm>>)
          } else {
          }
          %while3A_273 = arith.constant 0 : i32
          scf.yield %while3A_273 : i32
        }
        %add3A_237 = arith.constant 2 : i32
        %add3A_238 = arith.addi %add3A_169, %add3A_237 : i32
        %mul3A_239 = arith.constant 32 : i32
        %mul3A_240 = arith.muli %add3A_238, %mul3A_239 : i32
        %add3A_241 = arith.addi %add3A, %mul3A_240 : i32
        %le3A_242 = arith.constant 975 : i32
        %le3A_243 = arith.cmpi sle, %add3A_241, %le3A_242 : i32
        %convert_element_type3A_244 = arith.extui %le3A_243 : i1 to i32
        %cond3A_245 = arith.constant 0 : i32
        %cond3A_246 = arith.cmpi ne, %convert_element_type3A_244, %cond3A_245 : i32
        scf.if %cond3A_246 {
          %add3A_247 = arith.constant 2 : i32
          %add3A_248 = arith.addi %add3A_169, %add3A_247 : i32
          %mul3A_249 = arith.constant 32 : i32
          %mul3A_250 = arith.muli %add3A_248, %mul3A_249 : i32
          %add3A_251 = arith.addi %add3A, %mul3A_250 : i32
          %mul3A_252 = arith.constant 1024 : i32
          %mul3A_253 = arith.muli %add3A_251, %mul3A_252 : i32
          %multiple_of3A_254 = tpu.assume_multiple %mul3A_253, 1024 : i32
          %dma_start3A_255 = arith.constant 0 : i32
          %dma_start3A_256 = arith.constant 0 : i32
          %dma_start3A_257 = tpu.memref_slice %arg10[%arg1, %dma_start3A_255, %dma_start3A_256] : memref<16x32x1024xf32, #tpu.memory_space<vmem_shared>> -> memref<1x32x1024xf32, #tpu.memory_space<vmem_shared>>
          %dma_start3A_258 = tpu.memref_squeeze %dma_start3A_257 : memref<1x32x1024xf32, #tpu.memory_space<vmem_shared>> -> memref<32x1024xf32, #tpu.memory_space<vmem_shared>>
          %dma_start3A_259 = arith.constant 0 : i32
          %dma_start3A_260 = arith.constant 0 : i32
          %dma_start3A_261 = tpu.memref_slice %dma_start3A_258[%dma_start3A_259, %dma_start3A_260] : memref<32x1024xf32, #tpu.memory_space<vmem_shared>> -> memref<8x1024xf32, #tpu.memory_space<vmem_shared>>
          %dma_start3A_262 = arith.constant 0 : i32
          %dma_start3A_263 = tpu.memref_slice %arg3[%dma_start3A_262, %multiple_of3A_254] : memref<32x1000000xf32, #tpu.memory_space<hbm>> -> memref<8x1024xf32, #tpu.memory_space<hbm>>
          tpu.enqueue_dma source(%dma_start3A_263 : memref<8x1024xf32, #tpu.memory_space<hbm>>) target(%dma_start3A_261 : memref<8x1024xf32, #tpu.memory_space<vmem_shared>>) target_semaphore(%arg12 : memref<!tpu.dma_semaphore, #tpu.memory_space<semaphore_mem>>)
          %mul3A_264 = arith.constant 32 : i32
          %mul3A_265 = arith.muli %add3A_248, %mul3A_264 : i32
          %add3A_266 = arith.addi %add3A, %mul3A_265 : i32
          %mul3A_267 = arith.constant 1024 : i32
          %mul3A_268 = arith.muli %add3A_266, %mul3A_267 : i32
          %multiple_of3A_269 = tpu.assume_multiple %mul3A_268, 1024 : i32
          %dma_start3A_270 = arith.constant 0 : i32
          %dma_start3A_271 = arith.constant 0 : i32
          %dma_start3A_272 = tpu.memref_slice %arg10[%arg1, %dma_start3A_270, %dma_start3A_271] : memref<16x32x1024xf32, #tpu.memory_space<vmem_shared>> -> memref<1x32x1024xf32, #tpu.memory_space<vmem_shared>>
          %dma_start3A_273 = tpu.memref_squeeze %dma_start3A_272 : memref<1x32x1024xf32, #tpu.memory_space<vmem_shared>> -> memref<32x1024xf32, #tpu.memory_space<vmem_shared>>
          %dma_start3A_274 = arith.constant 8 : i32
          %dma_start3A_275 = arith.constant 0 : i32
          %dma_start3A_276 = tpu.memref_slice %dma_start3A_273[%dma_start3A_274, %dma_start3A_275] : memref<32x1024xf32, #tpu.memory_space<vmem_shared>> -> memref<8x1024xf32, #tpu.memory_space<vmem_shared>>
          %dma_start3A_277 = arith.constant 8 : i32
          %dma_start3A_278 = tpu.memref_slice %arg3[%dma_start3A_277, %multiple_of3A_269] : memref<32x1000000xf32, #tpu.memory_space<hbm>> -> memref<8x1024xf32, #tpu.memory_space<hbm>>
          tpu.enqueue_dma source(%dma_start3A_278 : memref<8x1024xf32, #tpu.memory_space<hbm>>) target(%dma_start3A_276 : memref<8x1024xf32, #tpu.memory_space<vmem_shared>>) target_semaphore(%arg12 : memref<!tpu.dma_semaphore, #tpu.memory_space<semaphore_mem>>)
          %mul3A_279 = arith.constant 32 : i32
          %mul3A_280 = arith.muli %add3A_248, %mul3A_279 : i32
          %add3A_281 = arith.addi %add3A, %mul3A_280 : i32
          %mul3A_282 = arith.constant 1024 : i32
          %mul3A_283 = arith.muli %add3A_281, %mul3A_282 : i32
          %multiple_of3A_284 = tpu.assume_multiple %mul3A_283, 1024 : i32
          %dma_start3A_285 = arith.constant 0 : i32
          %dma_start3A_286 = arith.constant 0 : i32
          %dma_start3A_287 = tpu.memref_slice %arg10[%arg1, %dma_start3A_285, %dma_start3A_286] : memref<16x32x1024xf32, #tpu.memory_space<vmem_shared>> -> memref<1x32x1024xf32, #tpu.memory_space<vmem_shared>>
          %dma_start3A_288 = tpu.memref_squeeze %dma_start3A_287 : memref<1x32x1024xf32, #tpu.memory_space<vmem_shared>> -> memref<32x1024xf32, #tpu.memory_space<vmem_shared>>
          %dma_start3A_289 = arith.constant 16 : i32
          %dma_start3A_290 = arith.constant 0 : i32
          %dma_start3A_291 = tpu.memref_slice %dma_start3A_288[%dma_start3A_289, %dma_start3A_290] : memref<32x1024xf32, #tpu.memory_space<vmem_shared>> -> memref<8x1024xf32, #tpu.memory_space<vmem_shared>>
          %dma_start3A_292 = arith.constant 16 : i32
          %dma_start3A_293 = tpu.memref_slice %arg3[%dma_start3A_292, %multiple_of3A_284] : memref<32x1000000xf32, #tpu.memory_space<hbm>> -> memref<8x1024xf32, #tpu.memory_space<hbm>>
          tpu.enqueue_dma source(%dma_start3A_293 : memref<8x1024xf32, #tpu.memory_space<hbm>>) target(%dma_start3A_291 : memref<8x1024xf32, #tpu.memory_space<vmem_shared>>) target_semaphore(%arg12 : memref<!tpu.dma_semaphore, #tpu.memory_space<semaphore_mem>>)
          %mul3A_294 = arith.constant 32 : i32
          %mul3A_295 = arith.muli %add3A_248, %mul3A_294 : i32
          %add3A_296 = arith.addi %add3A, %mul3A_295 : i32
          %mul3A_297 = arith.constant 1024 : i32
          %mul3A_298 = arith.muli %add3A_296, %mul3A_297 : i32
          %multiple_of3A_299 = tpu.assume_multiple %mul3A_298, 1024 : i32
          %dma_start3A_300 = arith.constant 0 : i32
          %dma_start3A_301 = arith.constant 0 : i32
          %dma_start3A_302 = tpu.memref_slice %arg10[%arg1, %dma_start3A_300, %dma_start3A_301] : memref<16x32x1024xf32, #tpu.memory_space<vmem_shared>> -> memref<1x32x1024xf32, #tpu.memory_space<vmem_shared>>
          %dma_start3A_303 = tpu.memref_squeeze %dma_start3A_302 : memref<1x32x1024xf32, #tpu.memory_space<vmem_shared>> -> memref<32x1024xf32, #tpu.memory_space<vmem_shared>>
          %dma_start3A_304 = arith.constant 24 : i32
          %dma_start3A_305 = arith.constant 0 : i32
          %dma_start3A_306 = tpu.memref_slice %dma_start3A_303[%dma_start3A_304, %dma_start3A_305] : memref<32x1024xf32, #tpu.memory_space<vmem_shared>> -> memref<8x1024xf32, #tpu.memory_space<vmem_shared>>
          %dma_start3A_307 = arith.constant 24 : i32
          %dma_start3A_308 = tpu.memref_slice %arg3[%dma_start3A_307, %multiple_of3A_299] : memref<32x1000000xf32, #tpu.memory_space<hbm>> -> memref<8x1024xf32, #tpu.memory_space<hbm>>
          tpu.enqueue_dma source(%dma_start3A_308 : memref<8x1024xf32, #tpu.memory_space<hbm>>) target(%dma_start3A_306 : memref<8x1024xf32, #tpu.memory_space<vmem_shared>>) target_semaphore(%arg12 : memref<!tpu.dma_semaphore, #tpu.memory_space<semaphore_mem>>)
        } else {
        }
      } else {
      }
      %scan3A_178 = arith.constant 0 : i32
      scf.yield %scan3A_178 : i32
    }
    %scan3A_150 = arith.constant 16 : i32
    %eq3A = arith.constant 16 : i32
    %eq3A_151 = arith.cmpi eq, %add3A, %eq3A : i32
    %convert_element_type3A = arith.extui %eq3A_151 : i1 to i32
    %cond3A = arith.constant 0 : i32
    %cond3A_152 = arith.cmpi ne, %convert_element_type3A, %cond3A : i32
    scf.if %cond3A_152 {
      %run_scoped3A = arith.constant 0 : i32
      "tpu.region"() ({
        %run_scoped3A_183 = tpu.sem_alloc : memref<!tpu.dma_semaphore, #tpu.memory_space<semaphore_mem>>
        %dma_start3A_184 = arith.constant 0 : i32
        %dma_start3A_185 = arith.constant 0 : i32
        %dma_start3A_186 = tpu.memref_slice %arg9[%run_scoped3A, %dma_start3A_184, %dma_start3A_185] : memref<1x32x1024xf32, #tpu.memory_space<vmem>> -> memref<1x32x1024xf32, #tpu.memory_space<vmem>>
        %dma_start3A_187 = tpu.memref_squeeze %dma_start3A_186 : memref<1x32x1024xf32, #tpu.memory_space<vmem>> -> memref<32x1024xf32, #tpu.memory_space<vmem>>
        %dma_start3A_188 = arith.constant 0 : i32
        %dma_start3A_189 = arith.constant 0 : i32
        %dma_start3A_190 = tpu.memref_slice %dma_start3A_187[%dma_start3A_188, %dma_start3A_189] : memref<32x1024xf32, #tpu.memory_space<vmem>> -> memref<32x512xf32, #tpu.memory_space<vmem>>
        %dma_start3A_191 = arith.constant 0 : i32
        %dma_start3A_192 = arith.constant 999424 : i32
        %dma_start3A_193 = tpu.memref_slice %arg3[%dma_start3A_191, %dma_start3A_192] : memref<32x1000000xf32, #tpu.memory_space<hbm>> -> memref<32x512xf32, #tpu.memory_space<hbm>>
        %dma_start3A_194 = arith.constant 0 : i32
        %dma_start3A_195 = arith.constant 0 : i32
        %dma_start3A_196 = tpu.memref_slice %arg9[%run_scoped3A, %dma_start3A_194, %dma_start3A_195] : memref<1x32x1024xf32, #tpu.memory_space<vmem>> -> memref<1x32x1024xf32, #tpu.memory_space<vmem>>
        %dma_start3A_197 = tpu.memref_squeeze %dma_start3A_196 : memref<1x32x1024xf32, #tpu.memory_space<vmem>> -> memref<32x1024xf32, #tpu.memory_space<vmem>>
        %dma_start3A_198 = arith.constant 0 : i32
        %dma_start3A_199 = arith.constant 0 : i32
        %dma_start3A_200 = tpu.memref_slice %dma_start3A_197[%dma_start3A_198, %dma_start3A_199] : memref<32x1024xf32, #tpu.memory_space<vmem>> -> memref<32x512xf32, #tpu.memory_space<vmem>>
        %dma_start3A_201 = arith.constant 0 : i32
        %dma_start3A_202 = arith.constant 999424 : i32
        %dma_start3A_203 = tpu.memref_slice %arg3[%dma_start3A_201, %dma_start3A_202] : memref<32x1000000xf32, #tpu.memory_space<hbm>> -> memref<32x512xf32, #tpu.memory_space<hbm>>
        tpu.enqueue_dma source(%dma_start3A_203 : memref<32x512xf32, #tpu.memory_space<hbm>>) target(%dma_start3A_200 : memref<32x512xf32, #tpu.memory_space<vmem>>) target_semaphore(%run_scoped3A_183 : memref<!tpu.dma_semaphore, #tpu.memory_space<semaphore_mem>>)
        %dma_wait3A = arith.constant 0 : i32
        %dma_wait3A_204 = arith.constant 0 : i32
        %dma_wait3A_205 = tpu.memref_slice %arg9[%run_scoped3A, %dma_wait3A, %dma_wait3A_204] : memref<1x32x1024xf32, #tpu.memory_space<vmem>> -> memref<1x32x1024xf32, #tpu.memory_space<vmem>>
        %dma_wait3A_206 = tpu.memref_squeeze %dma_wait3A_205 : memref<1x32x1024xf32, #tpu.memory_space<vmem>> -> memref<32x1024xf32, #tpu.memory_space<vmem>>
        %dma_wait3A_207 = arith.constant 0 : i32
        %dma_wait3A_208 = arith.constant 0 : i32
        %dma_wait3A_209 = tpu.memref_slice %dma_wait3A_206[%dma_wait3A_207, %dma_wait3A_208] : memref<32x1024xf32, #tpu.memory_space<vmem>> -> memref<32x512xf32, #tpu.memory_space<vmem>>
        %dma_wait3A_210 = arith.constant 0 : i32
        %dma_wait3A_211 = arith.constant 999424 : i32
        %dma_wait3A_212 = tpu.memref_slice %arg3[%dma_wait3A_210, %dma_wait3A_211] : memref<32x1000000xf32, #tpu.memory_space<hbm>> -> memref<32x512xf32, #tpu.memory_space<hbm>>
        %dma_wait3A_213 = arith.constant 0 : i32
        %dma_wait3A_214 = arith.constant 0 : i32
        %dma_wait3A_215 = tpu.memref_slice %arg9[%run_scoped3A, %dma_wait3A_213, %dma_wait3A_214] : memref<1x32x1024xf32, #tpu.memory_space<vmem>> -> memref<1x32x1024xf32, #tpu.memory_space<vmem>>
        %dma_wait3A_216 = tpu.memref_squeeze %dma_wait3A_215 : memref<1x32x1024xf32, #tpu.memory_space<vmem>> -> memref<32x1024xf32, #tpu.memory_space<vmem>>
        %dma_wait3A_217 = arith.constant 0 : i32
        %dma_wait3A_218 = arith.constant 0 : i32
        %dma_wait3A_219 = tpu.memref_slice %dma_wait3A_216[%dma_wait3A_217, %dma_wait3A_218] : memref<32x1024xf32, #tpu.memory_space<vmem>> -> memref<32x512xf32, #tpu.memory_space<vmem>>
        %dma_wait3A_220 = arith.constant 0 : i32
        %dma_wait3A_221 = arith.constant 999424 : i32
        %dma_wait3A_222 = tpu.memref_slice %arg3[%dma_wait3A_220, %dma_wait3A_221] : memref<32x1000000xf32, #tpu.memory_space<hbm>> -> memref<32x512xf32, #tpu.memory_space<hbm>>
        tpu.wait_dma2 semaphore(%run_scoped3A_183 : memref<!tpu.dma_semaphore, #tpu.memory_space<semaphore_mem>>) src(%dma_wait3A_222 : memref<32x512xf32, #tpu.memory_space<hbm>>) dst(%dma_wait3A_219 : memref<32x512xf32, #tpu.memory_space<vmem>>)
        tpu.yield
      }) : () -> ()
      %while3A = arith.constant 999424 : i32
      %while3A_153 = arith.constant 512 : i32
      %while3A_154 = arith.constant 0 : i32
      %while3A_155 = arith.constant 0 : i32
      %while3A_156 = arith.constant 0 : i32
      %while3A_157 = arith.subi %select_n3A, %while3A_155 : i32
      %while3A_158 = arith.addi %while3A_155, %while3A_157 : i32
      %while3A_159 = arith.constant 1 : i32
      %while3A_160 = arith.divsi %while3A_157, %while3A_159 : i32
      %while3A_161 = arith.muli %while3A_160, %while3A_159 : i32
      %while3A_162 = arith.addi %while3A_155, %while3A_161 : i32
      %while3A_163 = arith.constant 1 : i32
      %while3A_164 = scf.for %while3A_183 = %while3A_155 to %while3A_162 step %while3A_163 iter_args(%while3A_184 = %while3A_156) -> (i32)  : i32 {
        %mul3A_185 = arith.constant 16 : i32
        %mul3A_186 = arith.muli %while3A_183, %mul3A_185 : i32
        %get3A = arith.index_cast %mul3A_186 : i32 to index
        %get3A_187 = tpu.vector_load %arg7[%get3A] {strides = array<i32>} : memref<16400xi32, #tpu.memory_space<vmem>>, vector<16xi32>,
        %mul3A_188 = arith.constant 16 : i32
        %mul3A_189 = arith.muli %while3A_183, %mul3A_188 : i32
        %get3A_190 = arith.index_cast %mul3A_189 : i32 to index
        %get3A_191 = tpu.vector_load %arg8[%get3A_190] {strides = array<i32>} : memref<16384xi32, #tpu.memory_space<vmem>>, vector<16xi32>,
        %ge3A = vector.broadcast %while3A : i32 to vector<16xi32>
        %ge3A_192 = arith.cmpi sge, %get3A_187, %ge3A : vector<16xi32>
        %add3A_193 = arith.addi %while3A, %while3A_153 : i32
        %lt3A = vector.broadcast %add3A_193 : i32 to vector<16xi32>
        %lt3A_194 = arith.cmpi slt, %get3A_187, %lt3A : vector<16xi32>
        %and3A_195 = arith.andi %ge3A_192, %lt3A_194 : vector<16xi1>
        %reduce_or3A = arith.constant 1.000000e+00 : f32
        %reduce_or3A_196 = arith.constant 0.000000e+00 : f32
        %reduce_or3A_197 = vector.broadcast %reduce_or3A : f32 to vector<16xf32>
        %reduce_or3A_198 = vector.broadcast %reduce_or3A_196 : f32 to vector<16xf32>
        %reduce_or3A_199 = arith.select %and3A_195, %reduce_or3A_197, %reduce_or3A_198 : vector<16xi1>, vector<16xf32>
        %reduce_or3A_200 = arith.constant true
        %reduce_or3A_201 = vector.broadcast %reduce_or3A_200 : i1 to vector<16xi1>
        %reduce_or3A_202 = tpu.scan <max>, %reduce_or3A_199 masked %reduce_or3A_201 : vector<16xf32>, vector<16xi1> -> vector<16xf32>
        %reduce_or3A_203 = vector.extract %reduce_or3A_202[15] : f32 from vector<16xf32>
        %reduce_or3A_204 = arith.constant 0.000000e+00 : f32
        %reduce_or3A_205 = arith.cmpf ogt, %reduce_or3A_203, %reduce_or3A_204 : f32
        %convert_element_type3A_206 = arith.extui %reduce_or3A_205 : i1 to i32
        %cond3A_207 = arith.constant 0 : i32
        %cond3A_208 = arith.cmpi ne, %convert_element_type3A_206, %cond3A_207 : i32
        scf.if %cond3A_208 {
          %sub3A_210 = vector.broadcast %while3A : i32 to vector<16xi32>
          %sub3A_211 = arith.subi %get3A_187, %sub3A_210 : vector<16xi32>
          %jit3A_212 = arith.constant 0 : i32
          %broadcast_in_dim3A_213 = vector.broadcast %jit3A_212 : i32 to vector<16xi32>
          %select_n3A_214 = arith.select %and3A_195, %sub3A_211, %broadcast_in_dim3A_213 : vector<16xi1>, vector<16xi32>
          %broadcast_in_dim3A_215 = arith.constant 0 : i32
          %broadcast_in_dim3A_216 = vector.broadcast %broadcast_in_dim3A_215 : i32 to vector<16xi32>
          %gather3A = arith.constant 0 : i32
          %gather3A_217 = arith.constant 0 : i32
          %gather3A_218 = tpu.memref_slice %arg9[%while3A_154, %gather3A, %gather3A_217] : memref<1x32x1024xf32, #tpu.memory_space<vmem>> -> memref<1x32x1024xf32, #tpu.memory_space<vmem>>
          %gather3A_219 = tpu.memref_squeeze %gather3A_218 : memref<1x32x1024xf32, #tpu.memory_space<vmem>> -> memref<32x1024xf32, #tpu.memory_space<vmem>>
          %gather3A_220 = tpu.vector_load_idx %gather3A_219[%broadcast_in_dim3A_216, %select_n3A_214] : memref<32x1024xf32, #tpu.memory_space<vmem>>[vector<16xi32>, vector<16xi32>], vector<16xf32>,
          tpu.vector_store_idx %arg11[%iota3A, %broadcast_in_dim3A_216], %gather3A_220 : memref<16x128xf32, #tpu.memory_space<vmem>>[vector<16xi32>, vector<16xi32>], vector<16xf32>,
          %broadcast_in_dim3A_221 = arith.constant 1 : i32
          %broadcast_in_dim3A_222 = vector.broadcast %broadcast_in_dim3A_221 : i32 to vector<16xi32>
          %gather3A_223 = arith.constant 0 : i32
          %gather3A_224 = arith.constant 0 : i32
          %gather3A_225 = tpu.memref_slice %arg9[%while3A_154, %gather3A_223, %gather3A_224] : memref<1x32x1024xf32, #tpu.memory_space<vmem>> -> memref<1x32x1024xf32, #tpu.memory_space<vmem>>
          %gather3A_226 = tpu.memref_squeeze %gather3A_225 : memref<1x32x1024xf32, #tpu.memory_space<vmem>> -> memref<32x1024xf32, #tpu.memory_space<vmem>>
          %gather3A_227 = tpu.vector_load_idx %gather3A_226[%broadcast_in_dim3A_222, %select_n3A_214] : memref<32x1024xf32, #tpu.memory_space<vmem>>[vector<16xi32>, vector<16xi32>], vector<16xf32>,
          tpu.vector_store_idx %arg11[%iota3A, %broadcast_in_dim3A_222], %gather3A_227 : memref<16x128xf32, #tpu.memory_space<vmem>>[vector<16xi32>, vector<16xi32>], vector<16xf32>,
          %broadcast_in_dim3A_228 = arith.constant 2 : i32
          %broadcast_in_dim3A_229 = vector.broadcast %broadcast_in_dim3A_228 : i32 to vector<16xi32>
          %gather3A_230 = arith.constant 0 : i32
          %gather3A_231 = arith.constant 0 : i32
          %gather3A_232 = tpu.memref_slice %arg9[%while3A_154, %gather3A_230, %gather3A_231] : memref<1x32x1024xf32, #tpu.memory_space<vmem>> -> memref<1x32x1024xf32, #tpu.memory_space<vmem>>
          %gather3A_233 = tpu.memref_squeeze %gather3A_232 : memref<1x32x1024xf32, #tpu.memory_space<vmem>> -> memref<32x1024xf32, #tpu.memory_space<vmem>>
          %gather3A_234 = tpu.vector_load_idx %gather3A_233[%broadcast_in_dim3A_229, %select_n3A_214] : memref<32x1024xf32, #tpu.memory_space<vmem>>[vector<16xi32>, vector<16xi32>], vector<16xf32>,
          tpu.vector_store_idx %arg11[%iota3A, %broadcast_in_dim3A_229], %gather3A_234 : memref<16x128xf32, #tpu.memory_space<vmem>>[vector<16xi32>, vector<16xi32>], vector<16xf32>,
          %broadcast_in_dim3A_235 = arith.constant 3 : i32
          %broadcast_in_dim3A_236 = vector.broadcast %broadcast_in_dim3A_235 : i32 to vector<16xi32>
          %gather3A_237 = arith.constant 0 : i32
          %gather3A_238 = arith.constant 0 : i32
          %gather3A_239 = tpu.memref_slice %arg9[%while3A_154, %gather3A_237, %gather3A_238] : memref<1x32x1024xf32, #tpu.memory_space<vmem>> -> memref<1x32x1024xf32, #tpu.memory_space<vmem>>
          %gather3A_240 = tpu.memref_squeeze %gather3A_239 : memref<1x32x1024xf32, #tpu.memory_space<vmem>> -> memref<32x1024xf32, #tpu.memory_space<vmem>>
          %gather3A_241 = tpu.vector_load_idx %gather3A_240[%broadcast_in_dim3A_236, %select_n3A_214] : memref<32x1024xf32, #tpu.memory_space<vmem>>[vector<16xi32>, vector<16xi32>], vector<16xf32>,
          tpu.vector_store_idx %arg11[%iota3A, %broadcast_in_dim3A_236], %gather3A_241 : memref<16x128xf32, #tpu.memory_space<vmem>>[vector<16xi32>, vector<16xi32>], vector<16xf32>,
          %broadcast_in_dim3A_242 = arith.constant 4 : i32
          %broadcast_in_dim3A_243 = vector.broadcast %broadcast_in_dim3A_242 : i32 to vector<16xi32>
          %gather3A_244 = arith.constant 0 : i32
          %gather3A_245 = arith.constant 0 : i32
          %gather3A_246 = tpu.memref_slice %arg9[%while3A_154, %gather3A_244, %gather3A_245] : memref<1x32x1024xf32, #tpu.memory_space<vmem>> -> memref<1x32x1024xf32, #tpu.memory_space<vmem>>
          %gather3A_247 = tpu.memref_squeeze %gather3A_246 : memref<1x32x1024xf32, #tpu.memory_space<vmem>> -> memref<32x1024xf32, #tpu.memory_space<vmem>>
          %gather3A_248 = tpu.vector_load_idx %gather3A_247[%broadcast_in_dim3A_243, %select_n3A_214] : memref<32x1024xf32, #tpu.memory_space<vmem>>[vector<16xi32>, vector<16xi32>], vector<16xf32>,
          tpu.vector_store_idx %arg11[%iota3A, %broadcast_in_dim3A_243], %gather3A_248 : memref<16x128xf32, #tpu.memory_space<vmem>>[vector<16xi32>, vector<16xi32>], vector<16xf32>,
          %broadcast_in_dim3A_249 = arith.constant 5 : i32
          %broadcast_in_dim3A_250 = vector.broadcast %broadcast_in_dim3A_249 : i32 to vector<16xi32>
          %gather3A_251 = arith.constant 0 : i32
          %gather3A_252 = arith.constant 0 : i32
          %gather3A_253 = tpu.memref_slice %arg9[%while3A_154, %gather3A_251, %gather3A_252] : memref<1x32x1024xf32, #tpu.memory_space<vmem>> -> memref<1x32x1024xf32, #tpu.memory_space<vmem>>
          %gather3A_254 = tpu.memref_squeeze %gather3A_253 : memref<1x32x1024xf32, #tpu.memory_space<vmem>> -> memref<32x1024xf32, #tpu.memory_space<vmem>>
          %gather3A_255 = tpu.vector_load_idx %gather3A_254[%broadcast_in_dim3A_250, %select_n3A_214] : memref<32x1024xf32, #tpu.memory_space<vmem>>[vector<16xi32>, vector<16xi32>], vector<16xf32>,
          tpu.vector_store_idx %arg11[%iota3A, %broadcast_in_dim3A_250], %gather3A_255 : memref<16x128xf32, #tpu.memory_space<vmem>>[vector<16xi32>, vector<16xi32>], vector<16xf32>,
          %broadcast_in_dim3A_256 = arith.constant 6 : i32
          %broadcast_in_dim3A_257 = vector.broadcast %broadcast_in_dim3A_256 : i32 to vector<16xi32>
          %gather3A_258 = arith.constant 0 : i32
          %gather3A_259 = arith.constant 0 : i32
          %gather3A_260 = tpu.memref_slice %arg9[%while3A_154, %gather3A_258, %gather3A_259] : memref<1x32x1024xf32, #tpu.memory_space<vmem>> -> memref<1x32x1024xf32, #tpu.memory_space<vmem>>
          %gather3A_261 = tpu.memref_squeeze %gather3A_260 : memref<1x32x1024xf32, #tpu.memory_space<vmem>> -> memref<32x1024xf32, #tpu.memory_space<vmem>>
          %gather3A_262 = tpu.vector_load_idx %gather3A_261[%broadcast_in_dim3A_257, %select_n3A_214] : memref<32x1024xf32, #tpu.memory_space<vmem>>[vector<16xi32>, vector<16xi32>], vector<16xf32>,
          tpu.vector_store_idx %arg11[%iota3A, %broadcast_in_dim3A_257], %gather3A_262 : memref<16x128xf32, #tpu.memory_space<vmem>>[vector<16xi32>, vector<16xi32>], vector<16xf32>,
          %broadcast_in_dim3A_263 = arith.constant 7 : i32
          %broadcast_in_dim3A_264 = vector.broadcast %broadcast_in_dim3A_263 : i32 to vector<16xi32>
          %gather3A_265 = arith.constant 0 : i32
          %gather3A_266 = arith.constant 0 : i32
          %gather3A_267 = tpu.memref_slice %arg9[%while3A_154, %gather3A_265, %gather3A_266] : memref<1x32x1024xf32, #tpu.memory_space<vmem>> -> memref<1x32x1024xf32, #tpu.memory_space<vmem>>
          %gather3A_268 = tpu.memref_squeeze %gather3A_267 : memref<1x32x1024xf32, #tpu.memory_space<vmem>> -> memref<32x1024xf32, #tpu.memory_space<vmem>>
          %gather3A_269 = tpu.vector_load_idx %gather3A_268[%broadcast_in_dim3A_264, %select_n3A_214] : memref<32x1024xf32, #tpu.memory_space<vmem>>[vector<16xi32>, vector<16xi32>], vector<16xf32>,
          tpu.vector_store_idx %arg11[%iota3A, %broadcast_in_dim3A_264], %gather3A_269 : memref<16x128xf32, #tpu.memory_space<vmem>>[vector<16xi32>, vector<16xi32>], vector<16xf32>,
          %broadcast_in_dim3A_270 = arith.constant 8 : i32
          %broadcast_in_dim3A_271 = vector.broadcast %broadcast_in_dim3A_270 : i32 to vector<16xi32>
          %gather3A_272 = arith.constant 0 : i32
          %gather3A_273 = arith.constant 0 : i32
          %gather3A_274 = tpu.memref_slice %arg9[%while3A_154, %gather3A_272, %gather3A_273] : memref<1x32x1024xf32, #tpu.memory_space<vmem>> -> memref<1x32x1024xf32, #tpu.memory_space<vmem>>
          %gather3A_275 = tpu.memref_squeeze %gather3A_274 : memref<1x32x1024xf32, #tpu.memory_space<vmem>> -> memref<32x1024xf32, #tpu.memory_space<vmem>>
          %gather3A_276 = tpu.vector_load_idx %gather3A_275[%broadcast_in_dim3A_271, %select_n3A_214] : memref<32x1024xf32, #tpu.memory_space<vmem>>[vector<16xi32>, vector<16xi32>], vector<16xf32>,
          tpu.vector_store_idx %arg11[%iota3A, %broadcast_in_dim3A_271], %gather3A_276 : memref<16x128xf32, #tpu.memory_space<vmem>>[vector<16xi32>, vector<16xi32>], vector<16xf32>,
          %broadcast_in_dim3A_277 = arith.constant 9 : i32
          %broadcast_in_dim3A_278 = vector.broadcast %broadcast_in_dim3A_277 : i32 to vector<16xi32>
          %gather3A_279 = arith.constant 0 : i32
          %gather3A_280 = arith.constant 0 : i32
          %gather3A_281 = tpu.memref_slice %arg9[%while3A_154, %gather3A_279, %gather3A_280] : memref<1x32x1024xf32, #tpu.memory_space<vmem>> -> memref<1x32x1024xf32, #tpu.memory_space<vmem>>
          %gather3A_282 = tpu.memref_squeeze %gather3A_281 : memref<1x32x1024xf32, #tpu.memory_space<vmem>> -> memref<32x1024xf32, #tpu.memory_space<vmem>>
          %gather3A_283 = tpu.vector_load_idx %gather3A_282[%broadcast_in_dim3A_278, %select_n3A_214] : memref<32x1024xf32, #tpu.memory_space<vmem>>[vector<16xi32>, vector<16xi32>], vector<16xf32>,
          tpu.vector_store_idx %arg11[%iota3A, %broadcast_in_dim3A_278], %gather3A_283 : memref<16x128xf32, #tpu.memory_space<vmem>>[vector<16xi32>, vector<16xi32>], vector<16xf32>,
          %broadcast_in_dim3A_284 = arith.constant 10 : i32
          %broadcast_in_dim3A_285 = vector.broadcast %broadcast_in_dim3A_284 : i32 to vector<16xi32>
          %gather3A_286 = arith.constant 0 : i32
          %gather3A_287 = arith.constant 0 : i32
          %gather3A_288 = tpu.memref_slice %arg9[%while3A_154, %gather3A_286, %gather3A_287] : memref<1x32x1024xf32, #tpu.memory_space<vmem>> -> memref<1x32x1024xf32, #tpu.memory_space<vmem>>
          %gather3A_289 = tpu.memref_squeeze %gather3A_288 : memref<1x32x1024xf32, #tpu.memory_space<vmem>> -> memref<32x1024xf32, #tpu.memory_space<vmem>>
          %gather3A_290 = tpu.vector_load_idx %gather3A_289[%broadcast_in_dim3A_285, %select_n3A_214] : memref<32x1024xf32, #tpu.memory_space<vmem>>[vector<16xi32>, vector<16xi32>], vector<16xf32>,
          tpu.vector_store_idx %arg11[%iota3A, %broadcast_in_dim3A_285], %gather3A_290 : memref<16x128xf32, #tpu.memory_space<vmem>>[vector<16xi32>, vector<16xi32>], vector<16xf32>,
          %broadcast_in_dim3A_291 = arith.constant 11 : i32
          %broadcast_in_dim3A_292 = vector.broadcast %broadcast_in_dim3A_291 : i32 to vector<16xi32>
          %gather3A_293 = arith.constant 0 : i32
          %gather3A_294 = arith.constant 0 : i32
          %gather3A_295 = tpu.memref_slice %arg9[%while3A_154, %gather3A_293, %gather3A_294] : memref<1x32x1024xf32, #tpu.memory_space<vmem>> -> memref<1x32x1024xf32, #tpu.memory_space<vmem>>
          %gather3A_296 = tpu.memref_squeeze %gather3A_295 : memref<1x32x1024xf32, #tpu.memory_space<vmem>> -> memref<32x1024xf32, #tpu.memory_space<vmem>>
          %gather3A_297 = tpu.vector_load_idx %gather3A_296[%broadcast_in_dim3A_292, %select_n3A_214] : memref<32x1024xf32, #tpu.memory_space<vmem>>[vector<16xi32>, vector<16xi32>], vector<16xf32>,
          tpu.vector_store_idx %arg11[%iota3A, %broadcast_in_dim3A_292], %gather3A_297 : memref<16x128xf32, #tpu.memory_space<vmem>>[vector<16xi32>, vector<16xi32>], vector<16xf32>,
          %broadcast_in_dim3A_298 = arith.constant 12 : i32
          %broadcast_in_dim3A_299 = vector.broadcast %broadcast_in_dim3A_298 : i32 to vector<16xi32>
          %gather3A_300 = arith.constant 0 : i32
          %gather3A_301 = arith.constant 0 : i32
          %gather3A_302 = tpu.memref_slice %arg9[%while3A_154, %gather3A_300, %gather3A_301] : memref<1x32x1024xf32, #tpu.memory_space<vmem>> -> memref<1x32x1024xf32, #tpu.memory_space<vmem>>
          %gather3A_303 = tpu.memref_squeeze %gather3A_302 : memref<1x32x1024xf32, #tpu.memory_space<vmem>> -> memref<32x1024xf32, #tpu.memory_space<vmem>>
          %gather3A_304 = tpu.vector_load_idx %gather3A_303[%broadcast_in_dim3A_299, %select_n3A_214] : memref<32x1024xf32, #tpu.memory_space<vmem>>[vector<16xi32>, vector<16xi32>], vector<16xf32>,
          tpu.vector_store_idx %arg11[%iota3A, %broadcast_in_dim3A_299], %gather3A_304 : memref<16x128xf32, #tpu.memory_space<vmem>>[vector<16xi32>, vector<16xi32>], vector<16xf32>,
          %broadcast_in_dim3A_305 = arith.constant 13 : i32
          %broadcast_in_dim3A_306 = vector.broadcast %broadcast_in_dim3A_305 : i32 to vector<16xi32>
          %gather3A_307 = arith.constant 0 : i32
          %gather3A_308 = arith.constant 0 : i32
          %gather3A_309 = tpu.memref_slice %arg9[%while3A_154, %gather3A_307, %gather3A_308] : memref<1x32x1024xf32, #tpu.memory_space<vmem>> -> memref<1x32x1024xf32, #tpu.memory_space<vmem>>
          %gather3A_310 = tpu.memref_squeeze %gather3A_309 : memref<1x32x1024xf32, #tpu.memory_space<vmem>> -> memref<32x1024xf32, #tpu.memory_space<vmem>>
          %gather3A_311 = tpu.vector_load_idx %gather3A_310[%broadcast_in_dim3A_306, %select_n3A_214] : memref<32x1024xf32, #tpu.memory_space<vmem>>[vector<16xi32>, vector<16xi32>], vector<16xf32>,
          tpu.vector_store_idx %arg11[%iota3A, %broadcast_in_dim3A_306], %gather3A_311 : memref<16x128xf32, #tpu.memory_space<vmem>>[vector<16xi32>, vector<16xi32>], vector<16xf32>,
          %broadcast_in_dim3A_312 = arith.constant 14 : i32
          %broadcast_in_dim3A_313 = vector.broadcast %broadcast_in_dim3A_312 : i32 to vector<16xi32>
          %gather3A_314 = arith.constant 0 : i32
          %gather3A_315 = arith.constant 0 : i32
          %gather3A_316 = tpu.memref_slice %arg9[%while3A_154, %gather3A_314, %gather3A_315] : memref<1x32x1024xf32, #tpu.memory_space<vmem>> -> memref<1x32x1024xf32, #tpu.memory_space<vmem>>
          %gather3A_317 = tpu.memref_squeeze %gather3A_316 : memref<1x32x1024xf32, #tpu.memory_space<vmem>> -> memref<32x1024xf32, #tpu.memory_space<vmem>>
          %gather3A_318 = tpu.vector_load_idx %gather3A_317[%broadcast_in_dim3A_313, %select_n3A_214] : memref<32x1024xf32, #tpu.memory_space<vmem>>[vector<16xi32>, vector<16xi32>], vector<16xf32>,
          tpu.vector_store_idx %arg11[%iota3A, %broadcast_in_dim3A_313], %gather3A_318 : memref<16x128xf32, #tpu.memory_space<vmem>>[vector<16xi32>, vector<16xi32>], vector<16xf32>,
          %broadcast_in_dim3A_319 = arith.constant 15 : i32
          %broadcast_in_dim3A_320 = vector.broadcast %broadcast_in_dim3A_319 : i32 to vector<16xi32>
          %gather3A_321 = arith.constant 0 : i32
          %gather3A_322 = arith.constant 0 : i32
          %gather3A_323 = tpu.memref_slice %arg9[%while3A_154, %gather3A_321, %gather3A_322] : memref<1x32x1024xf32, #tpu.memory_space<vmem>> -> memref<1x32x1024xf32, #tpu.memory_space<vmem>>
          %gather3A_324 = tpu.memref_squeeze %gather3A_323 : memref<1x32x1024xf32, #tpu.memory_space<vmem>> -> memref<32x1024xf32, #tpu.memory_space<vmem>>
          %gather3A_325 = tpu.vector_load_idx %gather3A_324[%broadcast_in_dim3A_320, %select_n3A_214] : memref<32x1024xf32, #tpu.memory_space<vmem>>[vector<16xi32>, vector<16xi32>], vector<16xf32>,
          tpu.vector_store_idx %arg11[%iota3A, %broadcast_in_dim3A_320], %gather3A_325 : memref<16x128xf32, #tpu.memory_space<vmem>>[vector<16xi32>, vector<16xi32>], vector<16xf32>,
          %broadcast_in_dim3A_326 = arith.constant 16 : i32
          %broadcast_in_dim3A_327 = vector.broadcast %broadcast_in_dim3A_326 : i32 to vector<16xi32>
          %gather3A_328 = arith.constant 0 : i32
          %gather3A_329 = arith.constant 0 : i32
          %gather3A_330 = tpu.memref_slice %arg9[%while3A_154, %gather3A_328, %gather3A_329] : memref<1x32x1024xf32, #tpu.memory_space<vmem>> -> memref<1x32x1024xf32, #tpu.memory_space<vmem>>
          %gather3A_331 = tpu.memref_squeeze %gather3A_330 : memref<1x32x1024xf32, #tpu.memory_space<vmem>> -> memref<32x1024xf32, #tpu.memory_space<vmem>>
          %gather3A_332 = tpu.vector_load_idx %gather3A_331[%broadcast_in_dim3A_327, %select_n3A_214] : memref<32x1024xf32, #tpu.memory_space<vmem>>[vector<16xi32>, vector<16xi32>], vector<16xf32>,
          tpu.vector_store_idx %arg11[%iota3A, %broadcast_in_dim3A_327], %gather3A_332 : memref<16x128xf32, #tpu.memory_space<vmem>>[vector<16xi32>, vector<16xi32>], vector<16xf32>,
          %broadcast_in_dim3A_333 = arith.constant 17 : i32
          %broadcast_in_dim3A_334 = vector.broadcast %broadcast_in_dim3A_333 : i32 to vector<16xi32>
          %gather3A_335 = arith.constant 0 : i32
          %gather3A_336 = arith.constant 0 : i32
          %gather3A_337 = tpu.memref_slice %arg9[%while3A_154, %gather3A_335, %gather3A_336] : memref<1x32x1024xf32, #tpu.memory_space<vmem>> -> memref<1x32x1024xf32, #tpu.memory_space<vmem>>
          %gather3A_338 = tpu.memref_squeeze %gather3A_337 : memref<1x32x1024xf32, #tpu.memory_space<vmem>> -> memref<32x1024xf32, #tpu.memory_space<vmem>>
          %gather3A_339 = tpu.vector_load_idx %gather3A_338[%broadcast_in_dim3A_334, %select_n3A_214] : memref<32x1024xf32, #tpu.memory_space<vmem>>[vector<16xi32>, vector<16xi32>], vector<16xf32>,
          tpu.vector_store_idx %arg11[%iota3A, %broadcast_in_dim3A_334], %gather3A_339 : memref<16x128xf32, #tpu.memory_space<vmem>>[vector<16xi32>, vector<16xi32>], vector<16xf32>,
          %broadcast_in_dim3A_340 = arith.constant 18 : i32
          %broadcast_in_dim3A_341 = vector.broadcast %broadcast_in_dim3A_340 : i32 to vector<16xi32>
          %gather3A_342 = arith.constant 0 : i32
          %gather3A_343 = arith.constant 0 : i32
          %gather3A_344 = tpu.memref_slice %arg9[%while3A_154, %gather3A_342, %gather3A_343] : memref<1x32x1024xf32, #tpu.memory_space<vmem>> -> memref<1x32x1024xf32, #tpu.memory_space<vmem>>
          %gather3A_345 = tpu.memref_squeeze %gather3A_344 : memref<1x32x1024xf32, #tpu.memory_space<vmem>> -> memref<32x1024xf32, #tpu.memory_space<vmem>>
          %gather3A_346 = tpu.vector_load_idx %gather3A_345[%broadcast_in_dim3A_341, %select_n3A_214] : memref<32x1024xf32, #tpu.memory_space<vmem>>[vector<16xi32>, vector<16xi32>], vector<16xf32>,
          tpu.vector_store_idx %arg11[%iota3A, %broadcast_in_dim3A_341], %gather3A_346 : memref<16x128xf32, #tpu.memory_space<vmem>>[vector<16xi32>, vector<16xi32>], vector<16xf32>,
          %broadcast_in_dim3A_347 = arith.constant 19 : i32
          %broadcast_in_dim3A_348 = vector.broadcast %broadcast_in_dim3A_347 : i32 to vector<16xi32>
          %gather3A_349 = arith.constant 0 : i32
          %gather3A_350 = arith.constant 0 : i32
          %gather3A_351 = tpu.memref_slice %arg9[%while3A_154, %gather3A_349, %gather3A_350] : memref<1x32x1024xf32, #tpu.memory_space<vmem>> -> memref<1x32x1024xf32, #tpu.memory_space<vmem>>
          %gather3A_352 = tpu.memref_squeeze %gather3A_351 : memref<1x32x1024xf32, #tpu.memory_space<vmem>> -> memref<32x1024xf32, #tpu.memory_space<vmem>>
          %gather3A_353 = tpu.vector_load_idx %gather3A_352[%broadcast_in_dim3A_348, %select_n3A_214] : memref<32x1024xf32, #tpu.memory_space<vmem>>[vector<16xi32>, vector<16xi32>], vector<16xf32>,
          tpu.vector_store_idx %arg11[%iota3A, %broadcast_in_dim3A_348], %gather3A_353 : memref<16x128xf32, #tpu.memory_space<vmem>>[vector<16xi32>, vector<16xi32>], vector<16xf32>,
          %broadcast_in_dim3A_354 = arith.constant 20 : i32
          %broadcast_in_dim3A_355 = vector.broadcast %broadcast_in_dim3A_354 : i32 to vector<16xi32>
          %gather3A_356 = arith.constant 0 : i32
          %gather3A_357 = arith.constant 0 : i32
          %gather3A_358 = tpu.memref_slice %arg9[%while3A_154, %gather3A_356, %gather3A_357] : memref<1x32x1024xf32, #tpu.memory_space<vmem>> -> memref<1x32x1024xf32, #tpu.memory_space<vmem>>
          %gather3A_359 = tpu.memref_squeeze %gather3A_358 : memref<1x32x1024xf32, #tpu.memory_space<vmem>> -> memref<32x1024xf32, #tpu.memory_space<vmem>>
          %gather3A_360 = tpu.vector_load_idx %gather3A_359[%broadcast_in_dim3A_355, %select_n3A_214] : memref<32x1024xf32, #tpu.memory_space<vmem>>[vector<16xi32>, vector<16xi32>], vector<16xf32>,
          tpu.vector_store_idx %arg11[%iota3A, %broadcast_in_dim3A_355], %gather3A_360 : memref<16x128xf32, #tpu.memory_space<vmem>>[vector<16xi32>, vector<16xi32>], vector<16xf32>,
          %broadcast_in_dim3A_361 = arith.constant 21 : i32
          %broadcast_in_dim3A_362 = vector.broadcast %broadcast_in_dim3A_361 : i32 to vector<16xi32>
          %gather3A_363 = arith.constant 0 : i32
          %gather3A_364 = arith.constant 0 : i32
          %gather3A_365 = tpu.memref_slice %arg9[%while3A_154, %gather3A_363, %gather3A_364] : memref<1x32x1024xf32, #tpu.memory_space<vmem>> -> memref<1x32x1024xf32, #tpu.memory_space<vmem>>
          %gather3A_366 = tpu.memref_squeeze %gather3A_365 : memref<1x32x1024xf32, #tpu.memory_space<vmem>> -> memref<32x1024xf32, #tpu.memory_space<vmem>>
          %gather3A_367 = tpu.vector_load_idx %gather3A_366[%broadcast_in_dim3A_362, %select_n3A_214] : memref<32x1024xf32, #tpu.memory_space<vmem>>[vector<16xi32>, vector<16xi32>], vector<16xf32>,
          tpu.vector_store_idx %arg11[%iota3A, %broadcast_in_dim3A_362], %gather3A_367 : memref<16x128xf32, #tpu.memory_space<vmem>>[vector<16xi32>, vector<16xi32>], vector<16xf32>,
          %broadcast_in_dim3A_368 = arith.constant 22 : i32
          %broadcast_in_dim3A_369 = vector.broadcast %broadcast_in_dim3A_368 : i32 to vector<16xi32>
          %gather3A_370 = arith.constant 0 : i32
          %gather3A_371 = arith.constant 0 : i32
          %gather3A_372 = tpu.memref_slice %arg9[%while3A_154, %gather3A_370, %gather3A_371] : memref<1x32x1024xf32, #tpu.memory_space<vmem>> -> memref<1x32x1024xf32, #tpu.memory_space<vmem>>
          %gather3A_373 = tpu.memref_squeeze %gather3A_372 : memref<1x32x1024xf32, #tpu.memory_space<vmem>> -> memref<32x1024xf32, #tpu.memory_space<vmem>>
          %gather3A_374 = tpu.vector_load_idx %gather3A_373[%broadcast_in_dim3A_369, %select_n3A_214] : memref<32x1024xf32, #tpu.memory_space<vmem>>[vector<16xi32>, vector<16xi32>], vector<16xf32>,
          tpu.vector_store_idx %arg11[%iota3A, %broadcast_in_dim3A_369], %gather3A_374 : memref<16x128xf32, #tpu.memory_space<vmem>>[vector<16xi32>, vector<16xi32>], vector<16xf32>,
          %broadcast_in_dim3A_375 = arith.constant 23 : i32
          %broadcast_in_dim3A_376 = vector.broadcast %broadcast_in_dim3A_375 : i32 to vector<16xi32>
          %gather3A_377 = arith.constant 0 : i32
          %gather3A_378 = arith.constant 0 : i32
          %gather3A_379 = tpu.memref_slice %arg9[%while3A_154, %gather3A_377, %gather3A_378] : memref<1x32x1024xf32, #tpu.memory_space<vmem>> -> memref<1x32x1024xf32, #tpu.memory_space<vmem>>
          %gather3A_380 = tpu.memref_squeeze %gather3A_379 : memref<1x32x1024xf32, #tpu.memory_space<vmem>> -> memref<32x1024xf32, #tpu.memory_space<vmem>>
          %gather3A_381 = tpu.vector_load_idx %gather3A_380[%broadcast_in_dim3A_376, %select_n3A_214] : memref<32x1024xf32, #tpu.memory_space<vmem>>[vector<16xi32>, vector<16xi32>], vector<16xf32>,
          tpu.vector_store_idx %arg11[%iota3A, %broadcast_in_dim3A_376], %gather3A_381 : memref<16x128xf32, #tpu.memory_space<vmem>>[vector<16xi32>, vector<16xi32>], vector<16xf32>,
          %broadcast_in_dim3A_382 = arith.constant 24 : i32
          %broadcast_in_dim3A_383 = vector.broadcast %broadcast_in_dim3A_382 : i32 to vector<16xi32>
          %gather3A_384 = arith.constant 0 : i32
          %gather3A_385 = arith.constant 0 : i32
          %gather3A_386 = tpu.memref_slice %arg9[%while3A_154, %gather3A_384, %gather3A_385] : memref<1x32x1024xf32, #tpu.memory_space<vmem>> -> memref<1x32x1024xf32, #tpu.memory_space<vmem>>
          %gather3A_387 = tpu.memref_squeeze %gather3A_386 : memref<1x32x1024xf32, #tpu.memory_space<vmem>> -> memref<32x1024xf32, #tpu.memory_space<vmem>>
          %gather3A_388 = tpu.vector_load_idx %gather3A_387[%broadcast_in_dim3A_383, %select_n3A_214] : memref<32x1024xf32, #tpu.memory_space<vmem>>[vector<16xi32>, vector<16xi32>], vector<16xf32>,
          tpu.vector_store_idx %arg11[%iota3A, %broadcast_in_dim3A_383], %gather3A_388 : memref<16x128xf32, #tpu.memory_space<vmem>>[vector<16xi32>, vector<16xi32>], vector<16xf32>,
          %broadcast_in_dim3A_389 = arith.constant 25 : i32
          %broadcast_in_dim3A_390 = vector.broadcast %broadcast_in_dim3A_389 : i32 to vector<16xi32>
          %gather3A_391 = arith.constant 0 : i32
          %gather3A_392 = arith.constant 0 : i32
          %gather3A_393 = tpu.memref_slice %arg9[%while3A_154, %gather3A_391, %gather3A_392] : memref<1x32x1024xf32, #tpu.memory_space<vmem>> -> memref<1x32x1024xf32, #tpu.memory_space<vmem>>
          %gather3A_394 = tpu.memref_squeeze %gather3A_393 : memref<1x32x1024xf32, #tpu.memory_space<vmem>> -> memref<32x1024xf32, #tpu.memory_space<vmem>>
          %gather3A_395 = tpu.vector_load_idx %gather3A_394[%broadcast_in_dim3A_390, %select_n3A_214] : memref<32x1024xf32, #tpu.memory_space<vmem>>[vector<16xi32>, vector<16xi32>], vector<16xf32>,
          tpu.vector_store_idx %arg11[%iota3A, %broadcast_in_dim3A_390], %gather3A_395 : memref<16x128xf32, #tpu.memory_space<vmem>>[vector<16xi32>, vector<16xi32>], vector<16xf32>,
          %broadcast_in_dim3A_396 = arith.constant 26 : i32
          %broadcast_in_dim3A_397 = vector.broadcast %broadcast_in_dim3A_396 : i32 to vector<16xi32>
          %gather3A_398 = arith.constant 0 : i32
          %gather3A_399 = arith.constant 0 : i32
          %gather3A_400 = tpu.memref_slice %arg9[%while3A_154, %gather3A_398, %gather3A_399] : memref<1x32x1024xf32, #tpu.memory_space<vmem>> -> memref<1x32x1024xf32, #tpu.memory_space<vmem>>
          %gather3A_401 = tpu.memref_squeeze %gather3A_400 : memref<1x32x1024xf32, #tpu.memory_space<vmem>> -> memref<32x1024xf32, #tpu.memory_space<vmem>>
          %gather3A_402 = tpu.vector_load_idx %gather3A_401[%broadcast_in_dim3A_397, %select_n3A_214] : memref<32x1024xf32, #tpu.memory_space<vmem>>[vector<16xi32>, vector<16xi32>], vector<16xf32>,
          tpu.vector_store_idx %arg11[%iota3A, %broadcast_in_dim3A_397], %gather3A_402 : memref<16x128xf32, #tpu.memory_space<vmem>>[vector<16xi32>, vector<16xi32>], vector<16xf32>,
          %broadcast_in_dim3A_403 = arith.constant 27 : i32
          %broadcast_in_dim3A_404 = vector.broadcast %broadcast_in_dim3A_403 : i32 to vector<16xi32>
          %gather3A_405 = arith.constant 0 : i32
          %gather3A_406 = arith.constant 0 : i32
          %gather3A_407 = tpu.memref_slice %arg9[%while3A_154, %gather3A_405, %gather3A_406] : memref<1x32x1024xf32, #tpu.memory_space<vmem>> -> memref<1x32x1024xf32, #tpu.memory_space<vmem>>
          %gather3A_408 = tpu.memref_squeeze %gather3A_407 : memref<1x32x1024xf32, #tpu.memory_space<vmem>> -> memref<32x1024xf32, #tpu.memory_space<vmem>>
          %gather3A_409 = tpu.vector_load_idx %gather3A_408[%broadcast_in_dim3A_404, %select_n3A_214] : memref<32x1024xf32, #tpu.memory_space<vmem>>[vector<16xi32>, vector<16xi32>], vector<16xf32>,
          tpu.vector_store_idx %arg11[%iota3A, %broadcast_in_dim3A_404], %gather3A_409 : memref<16x128xf32, #tpu.memory_space<vmem>>[vector<16xi32>, vector<16xi32>], vector<16xf32>,
          %broadcast_in_dim3A_410 = arith.constant 28 : i32
          %broadcast_in_dim3A_411 = vector.broadcast %broadcast_in_dim3A_410 : i32 to vector<16xi32>
          %gather3A_412 = arith.constant 0 : i32
          %gather3A_413 = arith.constant 0 : i32
          %gather3A_414 = tpu.memref_slice %arg9[%while3A_154, %gather3A_412, %gather3A_413] : memref<1x32x1024xf32, #tpu.memory_space<vmem>> -> memref<1x32x1024xf32, #tpu.memory_space<vmem>>
          %gather3A_415 = tpu.memref_squeeze %gather3A_414 : memref<1x32x1024xf32, #tpu.memory_space<vmem>> -> memref<32x1024xf32, #tpu.memory_space<vmem>>
          %gather3A_416 = tpu.vector_load_idx %gather3A_415[%broadcast_in_dim3A_411, %select_n3A_214] : memref<32x1024xf32, #tpu.memory_space<vmem>>[vector<16xi32>, vector<16xi32>], vector<16xf32>,
          tpu.vector_store_idx %arg11[%iota3A, %broadcast_in_dim3A_411], %gather3A_416 : memref<16x128xf32, #tpu.memory_space<vmem>>[vector<16xi32>, vector<16xi32>], vector<16xf32>,
          %broadcast_in_dim3A_417 = arith.constant 29 : i32
          %broadcast_in_dim3A_418 = vector.broadcast %broadcast_in_dim3A_417 : i32 to vector<16xi32>
          %gather3A_419 = arith.constant 0 : i32
          %gather3A_420 = arith.constant 0 : i32
          %gather3A_421 = tpu.memref_slice %arg9[%while3A_154, %gather3A_419, %gather3A_420] : memref<1x32x1024xf32, #tpu.memory_space<vmem>> -> memref<1x32x1024xf32, #tpu.memory_space<vmem>>
          %gather3A_422 = tpu.memref_squeeze %gather3A_421 : memref<1x32x1024xf32, #tpu.memory_space<vmem>> -> memref<32x1024xf32, #tpu.memory_space<vmem>>
          %gather3A_423 = tpu.vector_load_idx %gather3A_422[%broadcast_in_dim3A_418, %select_n3A_214] : memref<32x1024xf32, #tpu.memory_space<vmem>>[vector<16xi32>, vector<16xi32>], vector<16xf32>,
          tpu.vector_store_idx %arg11[%iota3A, %broadcast_in_dim3A_418], %gather3A_423 : memref<16x128xf32, #tpu.memory_space<vmem>>[vector<16xi32>, vector<16xi32>], vector<16xf32>,
          %broadcast_in_dim3A_424 = arith.constant 30 : i32
          %broadcast_in_dim3A_425 = vector.broadcast %broadcast_in_dim3A_424 : i32 to vector<16xi32>
          %gather3A_426 = arith.constant 0 : i32
          %gather3A_427 = arith.constant 0 : i32
          %gather3A_428 = tpu.memref_slice %arg9[%while3A_154, %gather3A_426, %gather3A_427] : memref<1x32x1024xf32, #tpu.memory_space<vmem>> -> memref<1x32x1024xf32, #tpu.memory_space<vmem>>
          %gather3A_429 = tpu.memref_squeeze %gather3A_428 : memref<1x32x1024xf32, #tpu.memory_space<vmem>> -> memref<32x1024xf32, #tpu.memory_space<vmem>>
          %gather3A_430 = tpu.vector_load_idx %gather3A_429[%broadcast_in_dim3A_425, %select_n3A_214] : memref<32x1024xf32, #tpu.memory_space<vmem>>[vector<16xi32>, vector<16xi32>], vector<16xf32>,
          tpu.vector_store_idx %arg11[%iota3A, %broadcast_in_dim3A_425], %gather3A_430 : memref<16x128xf32, #tpu.memory_space<vmem>>[vector<16xi32>, vector<16xi32>], vector<16xf32>,
          %broadcast_in_dim3A_431 = arith.constant 31 : i32
          %broadcast_in_dim3A_432 = vector.broadcast %broadcast_in_dim3A_431 : i32 to vector<16xi32>
          %gather3A_433 = arith.constant 0 : i32
          %gather3A_434 = arith.constant 0 : i32
          %gather3A_435 = tpu.memref_slice %arg9[%while3A_154, %gather3A_433, %gather3A_434] : memref<1x32x1024xf32, #tpu.memory_space<vmem>> -> memref<1x32x1024xf32, #tpu.memory_space<vmem>>
          %gather3A_436 = tpu.memref_squeeze %gather3A_435 : memref<1x32x1024xf32, #tpu.memory_space<vmem>> -> memref<32x1024xf32, #tpu.memory_space<vmem>>
          %gather3A_437 = tpu.vector_load_idx %gather3A_436[%broadcast_in_dim3A_432, %select_n3A_214] : memref<32x1024xf32, #tpu.memory_space<vmem>>[vector<16xi32>, vector<16xi32>], vector<16xf32>,
          tpu.vector_store_idx %arg11[%iota3A, %broadcast_in_dim3A_432], %gather3A_437 : memref<16x128xf32, #tpu.memory_space<vmem>>[vector<16xi32>, vector<16xi32>], vector<16xf32>,
          %jit3A_438 = arith.constant -1 : i32
          %broadcast_in_dim3A_439 = vector.broadcast %jit3A_438 : i32 to vector<16xi32>
          %select_n3A_440 = arith.select %and3A_195, %get3A_191, %broadcast_in_dim3A_439 : vector<16xi1>, vector<16xi32>
          %dma_start3A_441 = arith.constant 0 : i32
          %dma_start3A_442 = arith.constant 0 : i32
          %dma_start3A_443 = tpu.memref_slice %arg5[%dma_start3A_441, %dma_start3A_442] : memref<16384x128xf32, #tpu.memory_space<hbm>> -> memref<16384x128xf32, #tpu.memory_space<hbm>>
          %dma_start3A_444 = arith.constant -1 : i32
          tpu.enqueue_indirect_dma source(%arg11 : memref<16x128xf32, #tpu.memory_space<vmem>>) target(%dma_start3A_443 : memref<16384x128xf32, #tpu.memory_space<hbm>>) offsets(%select_n3A_440 : vector<16xi32>) offset_filter(%dma_start3A_444) semaphore(%arg13 : memref<!tpu.dma_semaphore, #tpu.memory_space<semaphore_mem>>)
          %dma_wait3A = arith.constant 0 : i32
          %dma_wait3A_445 = arith.constant 0 : i32
          %dma_wait3A_446 = tpu.memref_slice %arg5[%dma_wait3A, %dma_wait3A_445] : memref<16384x128xf32, #tpu.memory_space<hbm>> -> memref<16384x128xf32, #tpu.memory_space<hbm>>
          tpu.wait_indirect_dma semaphore(%arg13 : memref<!tpu.dma_semaphore, #tpu.memory_space<semaphore_mem>>) src(%arg11 : memref<16x128xf32, #tpu.memory_space<vmem>>) dst(%dma_wait3A_446 : memref<16384x128xf32, #tpu.memory_space<hbm>>)
        } else {
        }
        %while3A_209 = arith.constant 0 : i32
        scf.yield %while3A_209 : i32
      }
      %while3A_165 = arith.constant 1 : i32
      %while3A_166 = scf.for %while3A_183 = %while3A_162 to %while3A_158 step %while3A_165 iter_args(%while3A_184 = %while3A_164) -> (i32)  : i32 {
        %mul3A_185 = arith.constant 16 : i32
        %mul3A_186 = arith.muli %while3A_183, %mul3A_185 : i32
        %get3A = arith.index_cast %mul3A_186 : i32 to index
        %get3A_187 = tpu.vector_load %arg7[%get3A] {strides = array<i32>} : memref<16400xi32, #tpu.memory_space<vmem>>, vector<16xi32>,
        %mul3A_188 = arith.constant 16 : i32
        %mul3A_189 = arith.muli %while3A_183, %mul3A_188 : i32
        %get3A_190 = arith.index_cast %mul3A_189 : i32 to index
        %get3A_191 = tpu.vector_load %arg8[%get3A_190] {strides = array<i32>} : memref<16384xi32, #tpu.memory_space<vmem>>, vector<16xi32>,
        %ge3A = vector.broadcast %while3A : i32 to vector<16xi32>
        %ge3A_192 = arith.cmpi sge, %get3A_187, %ge3A : vector<16xi32>
        %add3A_193 = arith.addi %while3A, %while3A_153 : i32
        %lt3A = vector.broadcast %add3A_193 : i32 to vector<16xi32>
        %lt3A_194 = arith.cmpi slt, %get3A_187, %lt3A : vector<16xi32>
        %and3A_195 = arith.andi %ge3A_192, %lt3A_194 : vector<16xi1>
        %reduce_or3A = arith.constant 1.000000e+00 : f32
        %reduce_or3A_196 = arith.constant 0.000000e+00 : f32
        %reduce_or3A_197 = vector.broadcast %reduce_or3A : f32 to vector<16xf32>
        %reduce_or3A_198 = vector.broadcast %reduce_or3A_196 : f32 to vector<16xf32>
        %reduce_or3A_199 = arith.select %and3A_195, %reduce_or3A_197, %reduce_or3A_198 : vector<16xi1>, vector<16xf32>
        %reduce_or3A_200 = arith.constant true
        %reduce_or3A_201 = vector.broadcast %reduce_or3A_200 : i1 to vector<16xi1>
        %reduce_or3A_202 = tpu.scan <max>, %reduce_or3A_199 masked %reduce_or3A_201 : vector<16xf32>, vector<16xi1> -> vector<16xf32>
        %reduce_or3A_203 = vector.extract %reduce_or3A_202[15] : f32 from vector<16xf32>
        %reduce_or3A_204 = arith.constant 0.000000e+00 : f32
        %reduce_or3A_205 = arith.cmpf ogt, %reduce_or3A_203, %reduce_or3A_204 : f32
        %convert_element_type3A_206 = arith.extui %reduce_or3A_205 : i1 to i32
        %cond3A_207 = arith.constant 0 : i32
        %cond3A_208 = arith.cmpi ne, %convert_element_type3A_206, %cond3A_207 : i32
        scf.if %cond3A_208 {
          %sub3A_210 = vector.broadcast %while3A : i32 to vector<16xi32>
          %sub3A_211 = arith.subi %get3A_187, %sub3A_210 : vector<16xi32>
          %jit3A_212 = arith.constant 0 : i32
          %broadcast_in_dim3A_213 = vector.broadcast %jit3A_212 : i32 to vector<16xi32>
          %select_n3A_214 = arith.select %and3A_195, %sub3A_211, %broadcast_in_dim3A_213 : vector<16xi1>, vector<16xi32>
          %broadcast_in_dim3A_215 = arith.constant 0 : i32
          %broadcast_in_dim3A_216 = vector.broadcast %broadcast_in_dim3A_215 : i32 to vector<16xi32>
          %gather3A = arith.constant 0 : i32
          %gather3A_217 = arith.constant 0 : i32
          %gather3A_218 = tpu.memref_slice %arg9[%while3A_154, %gather3A, %gather3A_217] : memref<1x32x1024xf32, #tpu.memory_space<vmem>> -> memref<1x32x1024xf32, #tpu.memory_space<vmem>>
          %gather3A_219 = tpu.memref_squeeze %gather3A_218 : memref<1x32x1024xf32, #tpu.memory_space<vmem>> -> memref<32x1024xf32, #tpu.memory_space<vmem>>
          %gather3A_220 = tpu.vector_load_idx %gather3A_219[%broadcast_in_dim3A_216, %select_n3A_214] : memref<32x1024xf32, #tpu.memory_space<vmem>>[vector<16xi32>, vector<16xi32>], vector<16xf32>,
          tpu.vector_store_idx %arg11[%iota3A, %broadcast_in_dim3A_216], %gather3A_220 : memref<16x128xf32, #tpu.memory_space<vmem>>[vector<16xi32>, vector<16xi32>], vector<16xf32>,
          %broadcast_in_dim3A_221 = arith.constant 1 : i32
          %broadcast_in_dim3A_222 = vector.broadcast %broadcast_in_dim3A_221 : i32 to vector<16xi32>
          %gather3A_223 = arith.constant 0 : i32
          %gather3A_224 = arith.constant 0 : i32
          %gather3A_225 = tpu.memref_slice %arg9[%while3A_154, %gather3A_223, %gather3A_224] : memref<1x32x1024xf32, #tpu.memory_space<vmem>> -> memref<1x32x1024xf32, #tpu.memory_space<vmem>>
          %gather3A_226 = tpu.memref_squeeze %gather3A_225 : memref<1x32x1024xf32, #tpu.memory_space<vmem>> -> memref<32x1024xf32, #tpu.memory_space<vmem>>
          %gather3A_227 = tpu.vector_load_idx %gather3A_226[%broadcast_in_dim3A_222, %select_n3A_214] : memref<32x1024xf32, #tpu.memory_space<vmem>>[vector<16xi32>, vector<16xi32>], vector<16xf32>,
          tpu.vector_store_idx %arg11[%iota3A, %broadcast_in_dim3A_222], %gather3A_227 : memref<16x128xf32, #tpu.memory_space<vmem>>[vector<16xi32>, vector<16xi32>], vector<16xf32>,
          %broadcast_in_dim3A_228 = arith.constant 2 : i32
          %broadcast_in_dim3A_229 = vector.broadcast %broadcast_in_dim3A_228 : i32 to vector<16xi32>
          %gather3A_230 = arith.constant 0 : i32
          %gather3A_231 = arith.constant 0 : i32
          %gather3A_232 = tpu.memref_slice %arg9[%while3A_154, %gather3A_230, %gather3A_231] : memref<1x32x1024xf32, #tpu.memory_space<vmem>> -> memref<1x32x1024xf32, #tpu.memory_space<vmem>>
          %gather3A_233 = tpu.memref_squeeze %gather3A_232 : memref<1x32x1024xf32, #tpu.memory_space<vmem>> -> memref<32x1024xf32, #tpu.memory_space<vmem>>
          %gather3A_234 = tpu.vector_load_idx %gather3A_233[%broadcast_in_dim3A_229, %select_n3A_214] : memref<32x1024xf32, #tpu.memory_space<vmem>>[vector<16xi32>, vector<16xi32>], vector<16xf32>,
          tpu.vector_store_idx %arg11[%iota3A, %broadcast_in_dim3A_229], %gather3A_234 : memref<16x128xf32, #tpu.memory_space<vmem>>[vector<16xi32>, vector<16xi32>], vector<16xf32>,
          %broadcast_in_dim3A_235 = arith.constant 3 : i32
          %broadcast_in_dim3A_236 = vector.broadcast %broadcast_in_dim3A_235 : i32 to vector<16xi32>
          %gather3A_237 = arith.constant 0 : i32
          %gather3A_238 = arith.constant 0 : i32
          %gather3A_239 = tpu.memref_slice %arg9[%while3A_154, %gather3A_237, %gather3A_238] : memref<1x32x1024xf32, #tpu.memory_space<vmem>> -> memref<1x32x1024xf32, #tpu.memory_space<vmem>>
          %gather3A_240 = tpu.memref_squeeze %gather3A_239 : memref<1x32x1024xf32, #tpu.memory_space<vmem>> -> memref<32x1024xf32, #tpu.memory_space<vmem>>
          %gather3A_241 = tpu.vector_load_idx %gather3A_240[%broadcast_in_dim3A_236, %select_n3A_214] : memref<32x1024xf32, #tpu.memory_space<vmem>>[vector<16xi32>, vector<16xi32>], vector<16xf32>,
          tpu.vector_store_idx %arg11[%iota3A, %broadcast_in_dim3A_236], %gather3A_241 : memref<16x128xf32, #tpu.memory_space<vmem>>[vector<16xi32>, vector<16xi32>], vector<16xf32>,
          %broadcast_in_dim3A_242 = arith.constant 4 : i32
          %broadcast_in_dim3A_243 = vector.broadcast %broadcast_in_dim3A_242 : i32 to vector<16xi32>
          %gather3A_244 = arith.constant 0 : i32
          %gather3A_245 = arith.constant 0 : i32
          %gather3A_246 = tpu.memref_slice %arg9[%while3A_154, %gather3A_244, %gather3A_245] : memref<1x32x1024xf32, #tpu.memory_space<vmem>> -> memref<1x32x1024xf32, #tpu.memory_space<vmem>>
          %gather3A_247 = tpu.memref_squeeze %gather3A_246 : memref<1x32x1024xf32, #tpu.memory_space<vmem>> -> memref<32x1024xf32, #tpu.memory_space<vmem>>
          %gather3A_248 = tpu.vector_load_idx %gather3A_247[%broadcast_in_dim3A_243, %select_n3A_214] : memref<32x1024xf32, #tpu.memory_space<vmem>>[vector<16xi32>, vector<16xi32>], vector<16xf32>,
          tpu.vector_store_idx %arg11[%iota3A, %broadcast_in_dim3A_243], %gather3A_248 : memref<16x128xf32, #tpu.memory_space<vmem>>[vector<16xi32>, vector<16xi32>], vector<16xf32>,
          %broadcast_in_dim3A_249 = arith.constant 5 : i32
          %broadcast_in_dim3A_250 = vector.broadcast %broadcast_in_dim3A_249 : i32 to vector<16xi32>
          %gather3A_251 = arith.constant 0 : i32
          %gather3A_252 = arith.constant 0 : i32
          %gather3A_253 = tpu.memref_slice %arg9[%while3A_154, %gather3A_251, %gather3A_252] : memref<1x32x1024xf32, #tpu.memory_space<vmem>> -> memref<1x32x1024xf32, #tpu.memory_space<vmem>>
          %gather3A_254 = tpu.memref_squeeze %gather3A_253 : memref<1x32x1024xf32, #tpu.memory_space<vmem>> -> memref<32x1024xf32, #tpu.memory_space<vmem>>
          %gather3A_255 = tpu.vector_load_idx %gather3A_254[%broadcast_in_dim3A_250, %select_n3A_214] : memref<32x1024xf32, #tpu.memory_space<vmem>>[vector<16xi32>, vector<16xi32>], vector<16xf32>,
          tpu.vector_store_idx %arg11[%iota3A, %broadcast_in_dim3A_250], %gather3A_255 : memref<16x128xf32, #tpu.memory_space<vmem>>[vector<16xi32>, vector<16xi32>], vector<16xf32>,
          %broadcast_in_dim3A_256 = arith.constant 6 : i32
          %broadcast_in_dim3A_257 = vector.broadcast %broadcast_in_dim3A_256 : i32 to vector<16xi32>
          %gather3A_258 = arith.constant 0 : i32
          %gather3A_259 = arith.constant 0 : i32
          %gather3A_260 = tpu.memref_slice %arg9[%while3A_154, %gather3A_258, %gather3A_259] : memref<1x32x1024xf32, #tpu.memory_space<vmem>> -> memref<1x32x1024xf32, #tpu.memory_space<vmem>>
          %gather3A_261 = tpu.memref_squeeze %gather3A_260 : memref<1x32x1024xf32, #tpu.memory_space<vmem>> -> memref<32x1024xf32, #tpu.memory_space<vmem>>
          %gather3A_262 = tpu.vector_load_idx %gather3A_261[%broadcast_in_dim3A_257, %select_n3A_214] : memref<32x1024xf32, #tpu.memory_space<vmem>>[vector<16xi32>, vector<16xi32>], vector<16xf32>,
          tpu.vector_store_idx %arg11[%iota3A, %broadcast_in_dim3A_257], %gather3A_262 : memref<16x128xf32, #tpu.memory_space<vmem>>[vector<16xi32>, vector<16xi32>], vector<16xf32>,
          %broadcast_in_dim3A_263 = arith.constant 7 : i32
          %broadcast_in_dim3A_264 = vector.broadcast %broadcast_in_dim3A_263 : i32 to vector<16xi32>
          %gather3A_265 = arith.constant 0 : i32
          %gather3A_266 = arith.constant 0 : i32
          %gather3A_267 = tpu.memref_slice %arg9[%while3A_154, %gather3A_265, %gather3A_266] : memref<1x32x1024xf32, #tpu.memory_space<vmem>> -> memref<1x32x1024xf32, #tpu.memory_space<vmem>>
          %gather3A_268 = tpu.memref_squeeze %gather3A_267 : memref<1x32x1024xf32, #tpu.memory_space<vmem>> -> memref<32x1024xf32, #tpu.memory_space<vmem>>
          %gather3A_269 = tpu.vector_load_idx %gather3A_268[%broadcast_in_dim3A_264, %select_n3A_214] : memref<32x1024xf32, #tpu.memory_space<vmem>>[vector<16xi32>, vector<16xi32>], vector<16xf32>,
          tpu.vector_store_idx %arg11[%iota3A, %broadcast_in_dim3A_264], %gather3A_269 : memref<16x128xf32, #tpu.memory_space<vmem>>[vector<16xi32>, vector<16xi32>], vector<16xf32>,
          %broadcast_in_dim3A_270 = arith.constant 8 : i32
          %broadcast_in_dim3A_271 = vector.broadcast %broadcast_in_dim3A_270 : i32 to vector<16xi32>
          %gather3A_272 = arith.constant 0 : i32
          %gather3A_273 = arith.constant 0 : i32
          %gather3A_274 = tpu.memref_slice %arg9[%while3A_154, %gather3A_272, %gather3A_273] : memref<1x32x1024xf32, #tpu.memory_space<vmem>> -> memref<1x32x1024xf32, #tpu.memory_space<vmem>>
          %gather3A_275 = tpu.memref_squeeze %gather3A_274 : memref<1x32x1024xf32, #tpu.memory_space<vmem>> -> memref<32x1024xf32, #tpu.memory_space<vmem>>
          %gather3A_276 = tpu.vector_load_idx %gather3A_275[%broadcast_in_dim3A_271, %select_n3A_214] : memref<32x1024xf32, #tpu.memory_space<vmem>>[vector<16xi32>, vector<16xi32>], vector<16xf32>,
          tpu.vector_store_idx %arg11[%iota3A, %broadcast_in_dim3A_271], %gather3A_276 : memref<16x128xf32, #tpu.memory_space<vmem>>[vector<16xi32>, vector<16xi32>], vector<16xf32>,
          %broadcast_in_dim3A_277 = arith.constant 9 : i32
          %broadcast_in_dim3A_278 = vector.broadcast %broadcast_in_dim3A_277 : i32 to vector<16xi32>
          %gather3A_279 = arith.constant 0 : i32
          %gather3A_280 = arith.constant 0 : i32
          %gather3A_281 = tpu.memref_slice %arg9[%while3A_154, %gather3A_279, %gather3A_280] : memref<1x32x1024xf32, #tpu.memory_space<vmem>> -> memref<1x32x1024xf32, #tpu.memory_space<vmem>>
          %gather3A_282 = tpu.memref_squeeze %gather3A_281 : memref<1x32x1024xf32, #tpu.memory_space<vmem>> -> memref<32x1024xf32, #tpu.memory_space<vmem>>
          %gather3A_283 = tpu.vector_load_idx %gather3A_282[%broadcast_in_dim3A_278, %select_n3A_214] : memref<32x1024xf32, #tpu.memory_space<vmem>>[vector<16xi32>, vector<16xi32>], vector<16xf32>,
          tpu.vector_store_idx %arg11[%iota3A, %broadcast_in_dim3A_278], %gather3A_283 : memref<16x128xf32, #tpu.memory_space<vmem>>[vector<16xi32>, vector<16xi32>], vector<16xf32>,
          %broadcast_in_dim3A_284 = arith.constant 10 : i32
          %broadcast_in_dim3A_285 = vector.broadcast %broadcast_in_dim3A_284 : i32 to vector<16xi32>
          %gather3A_286 = arith.constant 0 : i32
          %gather3A_287 = arith.constant 0 : i32
          %gather3A_288 = tpu.memref_slice %arg9[%while3A_154, %gather3A_286, %gather3A_287] : memref<1x32x1024xf32, #tpu.memory_space<vmem>> -> memref<1x32x1024xf32, #tpu.memory_space<vmem>>
          %gather3A_289 = tpu.memref_squeeze %gather3A_288 : memref<1x32x1024xf32, #tpu.memory_space<vmem>> -> memref<32x1024xf32, #tpu.memory_space<vmem>>
          %gather3A_290 = tpu.vector_load_idx %gather3A_289[%broadcast_in_dim3A_285, %select_n3A_214] : memref<32x1024xf32, #tpu.memory_space<vmem>>[vector<16xi32>, vector<16xi32>], vector<16xf32>,
          tpu.vector_store_idx %arg11[%iota3A, %broadcast_in_dim3A_285], %gather3A_290 : memref<16x128xf32, #tpu.memory_space<vmem>>[vector<16xi32>, vector<16xi32>], vector<16xf32>,
          %broadcast_in_dim3A_291 = arith.constant 11 : i32
          %broadcast_in_dim3A_292 = vector.broadcast %broadcast_in_dim3A_291 : i32 to vector<16xi32>
          %gather3A_293 = arith.constant 0 : i32
          %gather3A_294 = arith.constant 0 : i32
          %gather3A_295 = tpu.memref_slice %arg9[%while3A_154, %gather3A_293, %gather3A_294] : memref<1x32x1024xf32, #tpu.memory_space<vmem>> -> memref<1x32x1024xf32, #tpu.memory_space<vmem>>
          %gather3A_296 = tpu.memref_squeeze %gather3A_295 : memref<1x32x1024xf32, #tpu.memory_space<vmem>> -> memref<32x1024xf32, #tpu.memory_space<vmem>>
          %gather3A_297 = tpu.vector_load_idx %gather3A_296[%broadcast_in_dim3A_292, %select_n3A_214] : memref<32x1024xf32, #tpu.memory_space<vmem>>[vector<16xi32>, vector<16xi32>], vector<16xf32>,
          tpu.vector_store_idx %arg11[%iota3A, %broadcast_in_dim3A_292], %gather3A_297 : memref<16x128xf32, #tpu.memory_space<vmem>>[vector<16xi32>, vector<16xi32>], vector<16xf32>,
          %broadcast_in_dim3A_298 = arith.constant 12 : i32
          %broadcast_in_dim3A_299 = vector.broadcast %broadcast_in_dim3A_298 : i32 to vector<16xi32>
          %gather3A_300 = arith.constant 0 : i32
          %gather3A_301 = arith.constant 0 : i32
          %gather3A_302 = tpu.memref_slice %arg9[%while3A_154, %gather3A_300, %gather3A_301] : memref<1x32x1024xf32, #tpu.memory_space<vmem>> -> memref<1x32x1024xf32, #tpu.memory_space<vmem>>
          %gather3A_303 = tpu.memref_squeeze %gather3A_302 : memref<1x32x1024xf32, #tpu.memory_space<vmem>> -> memref<32x1024xf32, #tpu.memory_space<vmem>>
          %gather3A_304 = tpu.vector_load_idx %gather3A_303[%broadcast_in_dim3A_299, %select_n3A_214] : memref<32x1024xf32, #tpu.memory_space<vmem>>[vector<16xi32>, vector<16xi32>], vector<16xf32>,
          tpu.vector_store_idx %arg11[%iota3A, %broadcast_in_dim3A_299], %gather3A_304 : memref<16x128xf32, #tpu.memory_space<vmem>>[vector<16xi32>, vector<16xi32>], vector<16xf32>,
          %broadcast_in_dim3A_305 = arith.constant 13 : i32
          %broadcast_in_dim3A_306 = vector.broadcast %broadcast_in_dim3A_305 : i32 to vector<16xi32>
          %gather3A_307 = arith.constant 0 : i32
          %gather3A_308 = arith.constant 0 : i32
          %gather3A_309 = tpu.memref_slice %arg9[%while3A_154, %gather3A_307, %gather3A_308] : memref<1x32x1024xf32, #tpu.memory_space<vmem>> -> memref<1x32x1024xf32, #tpu.memory_space<vmem>>
          %gather3A_310 = tpu.memref_squeeze %gather3A_309 : memref<1x32x1024xf32, #tpu.memory_space<vmem>> -> memref<32x1024xf32, #tpu.memory_space<vmem>>
          %gather3A_311 = tpu.vector_load_idx %gather3A_310[%broadcast_in_dim3A_306, %select_n3A_214] : memref<32x1024xf32, #tpu.memory_space<vmem>>[vector<16xi32>, vector<16xi32>], vector<16xf32>,
          tpu.vector_store_idx %arg11[%iota3A, %broadcast_in_dim3A_306], %gather3A_311 : memref<16x128xf32, #tpu.memory_space<vmem>>[vector<16xi32>, vector<16xi32>], vector<16xf32>,
          %broadcast_in_dim3A_312 = arith.constant 14 : i32
          %broadcast_in_dim3A_313 = vector.broadcast %broadcast_in_dim3A_312 : i32 to vector<16xi32>
          %gather3A_314 = arith.constant 0 : i32
          %gather3A_315 = arith.constant 0 : i32
          %gather3A_316 = tpu.memref_slice %arg9[%while3A_154, %gather3A_314, %gather3A_315] : memref<1x32x1024xf32, #tpu.memory_space<vmem>> -> memref<1x32x1024xf32, #tpu.memory_space<vmem>>
          %gather3A_317 = tpu.memref_squeeze %gather3A_316 : memref<1x32x1024xf32, #tpu.memory_space<vmem>> -> memref<32x1024xf32, #tpu.memory_space<vmem>>
          %gather3A_318 = tpu.vector_load_idx %gather3A_317[%broadcast_in_dim3A_313, %select_n3A_214] : memref<32x1024xf32, #tpu.memory_space<vmem>>[vector<16xi32>, vector<16xi32>], vector<16xf32>,
          tpu.vector_store_idx %arg11[%iota3A, %broadcast_in_dim3A_313], %gather3A_318 : memref<16x128xf32, #tpu.memory_space<vmem>>[vector<16xi32>, vector<16xi32>], vector<16xf32>,
          %broadcast_in_dim3A_319 = arith.constant 15 : i32
          %broadcast_in_dim3A_320 = vector.broadcast %broadcast_in_dim3A_319 : i32 to vector<16xi32>
          %gather3A_321 = arith.constant 0 : i32
          %gather3A_322 = arith.constant 0 : i32
          %gather3A_323 = tpu.memref_slice %arg9[%while3A_154, %gather3A_321, %gather3A_322] : memref<1x32x1024xf32, #tpu.memory_space<vmem>> -> memref<1x32x1024xf32, #tpu.memory_space<vmem>>
          %gather3A_324 = tpu.memref_squeeze %gather3A_323 : memref<1x32x1024xf32, #tpu.memory_space<vmem>> -> memref<32x1024xf32, #tpu.memory_space<vmem>>
          %gather3A_325 = tpu.vector_load_idx %gather3A_324[%broadcast_in_dim3A_320, %select_n3A_214] : memref<32x1024xf32, #tpu.memory_space<vmem>>[vector<16xi32>, vector<16xi32>], vector<16xf32>,
          tpu.vector_store_idx %arg11[%iota3A, %broadcast_in_dim3A_320], %gather3A_325 : memref<16x128xf32, #tpu.memory_space<vmem>>[vector<16xi32>, vector<16xi32>], vector<16xf32>,
          %broadcast_in_dim3A_326 = arith.constant 16 : i32
          %broadcast_in_dim3A_327 = vector.broadcast %broadcast_in_dim3A_326 : i32 to vector<16xi32>
          %gather3A_328 = arith.constant 0 : i32
          %gather3A_329 = arith.constant 0 : i32
          %gather3A_330 = tpu.memref_slice %arg9[%while3A_154, %gather3A_328, %gather3A_329] : memref<1x32x1024xf32, #tpu.memory_space<vmem>> -> memref<1x32x1024xf32, #tpu.memory_space<vmem>>
          %gather3A_331 = tpu.memref_squeeze %gather3A_330 : memref<1x32x1024xf32, #tpu.memory_space<vmem>> -> memref<32x1024xf32, #tpu.memory_space<vmem>>
          %gather3A_332 = tpu.vector_load_idx %gather3A_331[%broadcast_in_dim3A_327, %select_n3A_214] : memref<32x1024xf32, #tpu.memory_space<vmem>>[vector<16xi32>, vector<16xi32>], vector<16xf32>,
          tpu.vector_store_idx %arg11[%iota3A, %broadcast_in_dim3A_327], %gather3A_332 : memref<16x128xf32, #tpu.memory_space<vmem>>[vector<16xi32>, vector<16xi32>], vector<16xf32>,
          %broadcast_in_dim3A_333 = arith.constant 17 : i32
          %broadcast_in_dim3A_334 = vector.broadcast %broadcast_in_dim3A_333 : i32 to vector<16xi32>
          %gather3A_335 = arith.constant 0 : i32
          %gather3A_336 = arith.constant 0 : i32
          %gather3A_337 = tpu.memref_slice %arg9[%while3A_154, %gather3A_335, %gather3A_336] : memref<1x32x1024xf32, #tpu.memory_space<vmem>> -> memref<1x32x1024xf32, #tpu.memory_space<vmem>>
          %gather3A_338 = tpu.memref_squeeze %gather3A_337 : memref<1x32x1024xf32, #tpu.memory_space<vmem>> -> memref<32x1024xf32, #tpu.memory_space<vmem>>
          %gather3A_339 = tpu.vector_load_idx %gather3A_338[%broadcast_in_dim3A_334, %select_n3A_214] : memref<32x1024xf32, #tpu.memory_space<vmem>>[vector<16xi32>, vector<16xi32>], vector<16xf32>,
          tpu.vector_store_idx %arg11[%iota3A, %broadcast_in_dim3A_334], %gather3A_339 : memref<16x128xf32, #tpu.memory_space<vmem>>[vector<16xi32>, vector<16xi32>], vector<16xf32>,
          %broadcast_in_dim3A_340 = arith.constant 18 : i32
          %broadcast_in_dim3A_341 = vector.broadcast %broadcast_in_dim3A_340 : i32 to vector<16xi32>
          %gather3A_342 = arith.constant 0 : i32
          %gather3A_343 = arith.constant 0 : i32
          %gather3A_344 = tpu.memref_slice %arg9[%while3A_154, %gather3A_342, %gather3A_343] : memref<1x32x1024xf32, #tpu.memory_space<vmem>> -> memref<1x32x1024xf32, #tpu.memory_space<vmem>>
          %gather3A_345 = tpu.memref_squeeze %gather3A_344 : memref<1x32x1024xf32, #tpu.memory_space<vmem>> -> memref<32x1024xf32, #tpu.memory_space<vmem>>
          %gather3A_346 = tpu.vector_load_idx %gather3A_345[%broadcast_in_dim3A_341, %select_n3A_214] : memref<32x1024xf32, #tpu.memory_space<vmem>>[vector<16xi32>, vector<16xi32>], vector<16xf32>,
          tpu.vector_store_idx %arg11[%iota3A, %broadcast_in_dim3A_341], %gather3A_346 : memref<16x128xf32, #tpu.memory_space<vmem>>[vector<16xi32>, vector<16xi32>], vector<16xf32>,
          %broadcast_in_dim3A_347 = arith.constant 19 : i32
          %broadcast_in_dim3A_348 = vector.broadcast %broadcast_in_dim3A_347 : i32 to vector<16xi32>
          %gather3A_349 = arith.constant 0 : i32
          %gather3A_350 = arith.constant 0 : i32
          %gather3A_351 = tpu.memref_slice %arg9[%while3A_154, %gather3A_349, %gather3A_350] : memref<1x32x1024xf32, #tpu.memory_space<vmem>> -> memref<1x32x1024xf32, #tpu.memory_space<vmem>>
          %gather3A_352 = tpu.memref_squeeze %gather3A_351 : memref<1x32x1024xf32, #tpu.memory_space<vmem>> -> memref<32x1024xf32, #tpu.memory_space<vmem>>
          %gather3A_353 = tpu.vector_load_idx %gather3A_352[%broadcast_in_dim3A_348, %select_n3A_214] : memref<32x1024xf32, #tpu.memory_space<vmem>>[vector<16xi32>, vector<16xi32>], vector<16xf32>,
          tpu.vector_store_idx %arg11[%iota3A, %broadcast_in_dim3A_348], %gather3A_353 : memref<16x128xf32, #tpu.memory_space<vmem>>[vector<16xi32>, vector<16xi32>], vector<16xf32>,
          %broadcast_in_dim3A_354 = arith.constant 20 : i32
          %broadcast_in_dim3A_355 = vector.broadcast %broadcast_in_dim3A_354 : i32 to vector<16xi32>
          %gather3A_356 = arith.constant 0 : i32
          %gather3A_357 = arith.constant 0 : i32
          %gather3A_358 = tpu.memref_slice %arg9[%while3A_154, %gather3A_356, %gather3A_357] : memref<1x32x1024xf32, #tpu.memory_space<vmem>> -> memref<1x32x1024xf32, #tpu.memory_space<vmem>>
          %gather3A_359 = tpu.memref_squeeze %gather3A_358 : memref<1x32x1024xf32, #tpu.memory_space<vmem>> -> memref<32x1024xf32, #tpu.memory_space<vmem>>
          %gather3A_360 = tpu.vector_load_idx %gather3A_359[%broadcast_in_dim3A_355, %select_n3A_214] : memref<32x1024xf32, #tpu.memory_space<vmem>>[vector<16xi32>, vector<16xi32>], vector<16xf32>,
          tpu.vector_store_idx %arg11[%iota3A, %broadcast_in_dim3A_355], %gather3A_360 : memref<16x128xf32, #tpu.memory_space<vmem>>[vector<16xi32>, vector<16xi32>], vector<16xf32>,
          %broadcast_in_dim3A_361 = arith.constant 21 : i32
          %broadcast_in_dim3A_362 = vector.broadcast %broadcast_in_dim3A_361 : i32 to vector<16xi32>
          %gather3A_363 = arith.constant 0 : i32
          %gather3A_364 = arith.constant 0 : i32
          %gather3A_365 = tpu.memref_slice %arg9[%while3A_154, %gather3A_363, %gather3A_364] : memref<1x32x1024xf32, #tpu.memory_space<vmem>> -> memref<1x32x1024xf32, #tpu.memory_space<vmem>>
          %gather3A_366 = tpu.memref_squeeze %gather3A_365 : memref<1x32x1024xf32, #tpu.memory_space<vmem>> -> memref<32x1024xf32, #tpu.memory_space<vmem>>
          %gather3A_367 = tpu.vector_load_idx %gather3A_366[%broadcast_in_dim3A_362, %select_n3A_214] : memref<32x1024xf32, #tpu.memory_space<vmem>>[vector<16xi32>, vector<16xi32>], vector<16xf32>,
          tpu.vector_store_idx %arg11[%iota3A, %broadcast_in_dim3A_362], %gather3A_367 : memref<16x128xf32, #tpu.memory_space<vmem>>[vector<16xi32>, vector<16xi32>], vector<16xf32>,
          %broadcast_in_dim3A_368 = arith.constant 22 : i32
          %broadcast_in_dim3A_369 = vector.broadcast %broadcast_in_dim3A_368 : i32 to vector<16xi32>
          %gather3A_370 = arith.constant 0 : i32
          %gather3A_371 = arith.constant 0 : i32
          %gather3A_372 = tpu.memref_slice %arg9[%while3A_154, %gather3A_370, %gather3A_371] : memref<1x32x1024xf32, #tpu.memory_space<vmem>> -> memref<1x32x1024xf32, #tpu.memory_space<vmem>>
          %gather3A_373 = tpu.memref_squeeze %gather3A_372 : memref<1x32x1024xf32, #tpu.memory_space<vmem>> -> memref<32x1024xf32, #tpu.memory_space<vmem>>
          %gather3A_374 = tpu.vector_load_idx %gather3A_373[%broadcast_in_dim3A_369, %select_n3A_214] : memref<32x1024xf32, #tpu.memory_space<vmem>>[vector<16xi32>, vector<16xi32>], vector<16xf32>,
          tpu.vector_store_idx %arg11[%iota3A, %broadcast_in_dim3A_369], %gather3A_374 : memref<16x128xf32, #tpu.memory_space<vmem>>[vector<16xi32>, vector<16xi32>], vector<16xf32>,
          %broadcast_in_dim3A_375 = arith.constant 23 : i32
          %broadcast_in_dim3A_376 = vector.broadcast %broadcast_in_dim3A_375 : i32 to vector<16xi32>
          %gather3A_377 = arith.constant 0 : i32
          %gather3A_378 = arith.constant 0 : i32
          %gather3A_379 = tpu.memref_slice %arg9[%while3A_154, %gather3A_377, %gather3A_378] : memref<1x32x1024xf32, #tpu.memory_space<vmem>> -> memref<1x32x1024xf32, #tpu.memory_space<vmem>>
          %gather3A_380 = tpu.memref_squeeze %gather3A_379 : memref<1x32x1024xf32, #tpu.memory_space<vmem>> -> memref<32x1024xf32, #tpu.memory_space<vmem>>
          %gather3A_381 = tpu.vector_load_idx %gather3A_380[%broadcast_in_dim3A_376, %select_n3A_214] : memref<32x1024xf32, #tpu.memory_space<vmem>>[vector<16xi32>, vector<16xi32>], vector<16xf32>,
          tpu.vector_store_idx %arg11[%iota3A, %broadcast_in_dim3A_376], %gather3A_381 : memref<16x128xf32, #tpu.memory_space<vmem>>[vector<16xi32>, vector<16xi32>], vector<16xf32>,
          %broadcast_in_dim3A_382 = arith.constant 24 : i32
          %broadcast_in_dim3A_383 = vector.broadcast %broadcast_in_dim3A_382 : i32 to vector<16xi32>
          %gather3A_384 = arith.constant 0 : i32
          %gather3A_385 = arith.constant 0 : i32
          %gather3A_386 = tpu.memref_slice %arg9[%while3A_154, %gather3A_384, %gather3A_385] : memref<1x32x1024xf32, #tpu.memory_space<vmem>> -> memref<1x32x1024xf32, #tpu.memory_space<vmem>>
          %gather3A_387 = tpu.memref_squeeze %gather3A_386 : memref<1x32x1024xf32, #tpu.memory_space<vmem>> -> memref<32x1024xf32, #tpu.memory_space<vmem>>
          %gather3A_388 = tpu.vector_load_idx %gather3A_387[%broadcast_in_dim3A_383, %select_n3A_214] : memref<32x1024xf32, #tpu.memory_space<vmem>>[vector<16xi32>, vector<16xi32>], vector<16xf32>,
          tpu.vector_store_idx %arg11[%iota3A, %broadcast_in_dim3A_383], %gather3A_388 : memref<16x128xf32, #tpu.memory_space<vmem>>[vector<16xi32>, vector<16xi32>], vector<16xf32>,
          %broadcast_in_dim3A_389 = arith.constant 25 : i32
          %broadcast_in_dim3A_390 = vector.broadcast %broadcast_in_dim3A_389 : i32 to vector<16xi32>
          %gather3A_391 = arith.constant 0 : i32
          %gather3A_392 = arith.constant 0 : i32
          %gather3A_393 = tpu.memref_slice %arg9[%while3A_154, %gather3A_391, %gather3A_392] : memref<1x32x1024xf32, #tpu.memory_space<vmem>> -> memref<1x32x1024xf32, #tpu.memory_space<vmem>>
          %gather3A_394 = tpu.memref_squeeze %gather3A_393 : memref<1x32x1024xf32, #tpu.memory_space<vmem>> -> memref<32x1024xf32, #tpu.memory_space<vmem>>
          %gather3A_395 = tpu.vector_load_idx %gather3A_394[%broadcast_in_dim3A_390, %select_n3A_214] : memref<32x1024xf32, #tpu.memory_space<vmem>>[vector<16xi32>, vector<16xi32>], vector<16xf32>,
          tpu.vector_store_idx %arg11[%iota3A, %broadcast_in_dim3A_390], %gather3A_395 : memref<16x128xf32, #tpu.memory_space<vmem>>[vector<16xi32>, vector<16xi32>], vector<16xf32>,
          %broadcast_in_dim3A_396 = arith.constant 26 : i32
          %broadcast_in_dim3A_397 = vector.broadcast %broadcast_in_dim3A_396 : i32 to vector<16xi32>
          %gather3A_398 = arith.constant 0 : i32
          %gather3A_399 = arith.constant 0 : i32
          %gather3A_400 = tpu.memref_slice %arg9[%while3A_154, %gather3A_398, %gather3A_399] : memref<1x32x1024xf32, #tpu.memory_space<vmem>> -> memref<1x32x1024xf32, #tpu.memory_space<vmem>>
          %gather3A_401 = tpu.memref_squeeze %gather3A_400 : memref<1x32x1024xf32, #tpu.memory_space<vmem>> -> memref<32x1024xf32, #tpu.memory_space<vmem>>
          %gather3A_402 = tpu.vector_load_idx %gather3A_401[%broadcast_in_dim3A_397, %select_n3A_214] : memref<32x1024xf32, #tpu.memory_space<vmem>>[vector<16xi32>, vector<16xi32>], vector<16xf32>,
          tpu.vector_store_idx %arg11[%iota3A, %broadcast_in_dim3A_397], %gather3A_402 : memref<16x128xf32, #tpu.memory_space<vmem>>[vector<16xi32>, vector<16xi32>], vector<16xf32>,
          %broadcast_in_dim3A_403 = arith.constant 27 : i32
          %broadcast_in_dim3A_404 = vector.broadcast %broadcast_in_dim3A_403 : i32 to vector<16xi32>
          %gather3A_405 = arith.constant 0 : i32
          %gather3A_406 = arith.constant 0 : i32
          %gather3A_407 = tpu.memref_slice %arg9[%while3A_154, %gather3A_405, %gather3A_406] : memref<1x32x1024xf32, #tpu.memory_space<vmem>> -> memref<1x32x1024xf32, #tpu.memory_space<vmem>>
          %gather3A_408 = tpu.memref_squeeze %gather3A_407 : memref<1x32x1024xf32, #tpu.memory_space<vmem>> -> memref<32x1024xf32, #tpu.memory_space<vmem>>
          %gather3A_409 = tpu.vector_load_idx %gather3A_408[%broadcast_in_dim3A_404, %select_n3A_214] : memref<32x1024xf32, #tpu.memory_space<vmem>>[vector<16xi32>, vector<16xi32>], vector<16xf32>,
          tpu.vector_store_idx %arg11[%iota3A, %broadcast_in_dim3A_404], %gather3A_409 : memref<16x128xf32, #tpu.memory_space<vmem>>[vector<16xi32>, vector<16xi32>], vector<16xf32>,
          %broadcast_in_dim3A_410 = arith.constant 28 : i32
          %broadcast_in_dim3A_411 = vector.broadcast %broadcast_in_dim3A_410 : i32 to vector<16xi32>
          %gather3A_412 = arith.constant 0 : i32
          %gather3A_413 = arith.constant 0 : i32
          %gather3A_414 = tpu.memref_slice %arg9[%while3A_154, %gather3A_412, %gather3A_413] : memref<1x32x1024xf32, #tpu.memory_space<vmem>> -> memref<1x32x1024xf32, #tpu.memory_space<vmem>>
          %gather3A_415 = tpu.memref_squeeze %gather3A_414 : memref<1x32x1024xf32, #tpu.memory_space<vmem>> -> memref<32x1024xf32, #tpu.memory_space<vmem>>
          %gather3A_416 = tpu.vector_load_idx %gather3A_415[%broadcast_in_dim3A_411, %select_n3A_214] : memref<32x1024xf32, #tpu.memory_space<vmem>>[vector<16xi32>, vector<16xi32>], vector<16xf32>,
          tpu.vector_store_idx %arg11[%iota3A, %broadcast_in_dim3A_411], %gather3A_416 : memref<16x128xf32, #tpu.memory_space<vmem>>[vector<16xi32>, vector<16xi32>], vector<16xf32>,
          %broadcast_in_dim3A_417 = arith.constant 29 : i32
          %broadcast_in_dim3A_418 = vector.broadcast %broadcast_in_dim3A_417 : i32 to vector<16xi32>
          %gather3A_419 = arith.constant 0 : i32
          %gather3A_420 = arith.constant 0 : i32
          %gather3A_421 = tpu.memref_slice %arg9[%while3A_154, %gather3A_419, %gather3A_420] : memref<1x32x1024xf32, #tpu.memory_space<vmem>> -> memref<1x32x1024xf32, #tpu.memory_space<vmem>>
          %gather3A_422 = tpu.memref_squeeze %gather3A_421 : memref<1x32x1024xf32, #tpu.memory_space<vmem>> -> memref<32x1024xf32, #tpu.memory_space<vmem>>
          %gather3A_423 = tpu.vector_load_idx %gather3A_422[%broadcast_in_dim3A_418, %select_n3A_214] : memref<32x1024xf32, #tpu.memory_space<vmem>>[vector<16xi32>, vector<16xi32>], vector<16xf32>,
          tpu.vector_store_idx %arg11[%iota3A, %broadcast_in_dim3A_418], %gather3A_423 : memref<16x128xf32, #tpu.memory_space<vmem>>[vector<16xi32>, vector<16xi32>], vector<16xf32>,
          %broadcast_in_dim3A_424 = arith.constant 30 : i32
          %broadcast_in_dim3A_425 = vector.broadcast %broadcast_in_dim3A_424 : i32 to vector<16xi32>
          %gather3A_426 = arith.constant 0 : i32
          %gather3A_427 = arith.constant 0 : i32
          %gather3A_428 = tpu.memref_slice %arg9[%while3A_154, %gather3A_426, %gather3A_427] : memref<1x32x1024xf32, #tpu.memory_space<vmem>> -> memref<1x32x1024xf32, #tpu.memory_space<vmem>>
          %gather3A_429 = tpu.memref_squeeze %gather3A_428 : memref<1x32x1024xf32, #tpu.memory_space<vmem>> -> memref<32x1024xf32, #tpu.memory_space<vmem>>
          %gather3A_430 = tpu.vector_load_idx %gather3A_429[%broadcast_in_dim3A_425, %select_n3A_214] : memref<32x1024xf32, #tpu.memory_space<vmem>>[vector<16xi32>, vector<16xi32>], vector<16xf32>,
          tpu.vector_store_idx %arg11[%iota3A, %broadcast_in_dim3A_425], %gather3A_430 : memref<16x128xf32, #tpu.memory_space<vmem>>[vector<16xi32>, vector<16xi32>], vector<16xf32>,
          %broadcast_in_dim3A_431 = arith.constant 31 : i32
          %broadcast_in_dim3A_432 = vector.broadcast %broadcast_in_dim3A_431 : i32 to vector<16xi32>
          %gather3A_433 = arith.constant 0 : i32
          %gather3A_434 = arith.constant 0 : i32
          %gather3A_435 = tpu.memref_slice %arg9[%while3A_154, %gather3A_433, %gather3A_434] : memref<1x32x1024xf32, #tpu.memory_space<vmem>> -> memref<1x32x1024xf32, #tpu.memory_space<vmem>>
          %gather3A_436 = tpu.memref_squeeze %gather3A_435 : memref<1x32x1024xf32, #tpu.memory_space<vmem>> -> memref<32x1024xf32, #tpu.memory_space<vmem>>
          %gather3A_437 = tpu.vector_load_idx %gather3A_436[%broadcast_in_dim3A_432, %select_n3A_214] : memref<32x1024xf32, #tpu.memory_space<vmem>>[vector<16xi32>, vector<16xi32>], vector<16xf32>,
          tpu.vector_store_idx %arg11[%iota3A, %broadcast_in_dim3A_432], %gather3A_437 : memref<16x128xf32, #tpu.memory_space<vmem>>[vector<16xi32>, vector<16xi32>], vector<16xf32>,
          %jit3A_438 = arith.constant -1 : i32
          %broadcast_in_dim3A_439 = vector.broadcast %jit3A_438 : i32 to vector<16xi32>
          %select_n3A_440 = arith.select %and3A_195, %get3A_191, %broadcast_in_dim3A_439 : vector<16xi1>, vector<16xi32>
          %dma_start3A_441 = arith.constant 0 : i32
          %dma_start3A_442 = arith.constant 0 : i32
          %dma_start3A_443 = tpu.memref_slice %arg5[%dma_start3A_441, %dma_start3A_442] : memref<16384x128xf32, #tpu.memory_space<hbm>> -> memref<16384x128xf32, #tpu.memory_space<hbm>>
          %dma_start3A_444 = arith.constant -1 : i32
          tpu.enqueue_indirect_dma source(%arg11 : memref<16x128xf32, #tpu.memory_space<vmem>>) target(%dma_start3A_443 : memref<16384x128xf32, #tpu.memory_space<hbm>>) offsets(%select_n3A_440 : vector<16xi32>) offset_filter(%dma_start3A_444) semaphore(%arg13 : memref<!tpu.dma_semaphore, #tpu.memory_space<semaphore_mem>>)
          %dma_wait3A = arith.constant 0 : i32
          %dma_wait3A_445 = arith.constant 0 : i32
          %dma_wait3A_446 = tpu.memref_slice %arg5[%dma_wait3A, %dma_wait3A_445] : memref<16384x128xf32, #tpu.memory_space<hbm>> -> memref<16384x128xf32, #tpu.memory_space<hbm>>
          tpu.wait_indirect_dma semaphore(%arg13 : memref<!tpu.dma_semaphore, #tpu.memory_space<semaphore_mem>>) src(%arg11 : memref<16x128xf32, #tpu.memory_space<vmem>>) dst(%dma_wait3A_446 : memref<16384x128xf32, #tpu.memory_space<hbm>>)
        } else {
        }
        %while3A_209 = arith.constant 0 : i32
        scf.yield %while3A_209 : i32
      }
      %run_scoped3A_167 = arith.constant 0 : i32
      "tpu.region"() ({
        %run_scoped3A_183 = tpu.sem_alloc : memref<!tpu.dma_semaphore, #tpu.memory_space<semaphore_mem>>
        %dma_start3A_184 = arith.constant 0 : i32
        %dma_start3A_185 = arith.constant 0 : i32
        %dma_start3A_186 = tpu.memref_slice %arg9[%run_scoped3A_167, %dma_start3A_184, %dma_start3A_185] : memref<1x32x1024xf32, #tpu.memory_space<vmem>> -> memref<1x32x1024xf32, #tpu.memory_space<vmem>>
        %dma_start3A_187 = tpu.memref_squeeze %dma_start3A_186 : memref<1x32x1024xf32, #tpu.memory_space<vmem>> -> memref<32x1024xf32, #tpu.memory_space<vmem>>
        %dma_start3A_188 = arith.constant 0 : i32
        %dma_start3A_189 = arith.constant 0 : i32
        %dma_start3A_190 = tpu.memref_slice %dma_start3A_187[%dma_start3A_188, %dma_start3A_189] : memref<32x1024xf32, #tpu.memory_space<vmem>> -> memref<32x128xf32, #tpu.memory_space<vmem>>
        %dma_start3A_191 = arith.constant 0 : i32
        %dma_start3A_192 = arith.constant 0 : i32
        %dma_start3A_193 = tpu.memref_slice %arg9[%run_scoped3A_167, %dma_start3A_191, %dma_start3A_192] : memref<1x32x1024xf32, #tpu.memory_space<vmem>> -> memref<1x32x1024xf32, #tpu.memory_space<vmem>>
        %dma_start3A_194 = tpu.memref_squeeze %dma_start3A_193 : memref<1x32x1024xf32, #tpu.memory_space<vmem>> -> memref<32x1024xf32, #tpu.memory_space<vmem>>
        %dma_start3A_195 = arith.constant 0 : i32
        %dma_start3A_196 = arith.constant 0 : i32
        %dma_start3A_197 = tpu.memref_slice %dma_start3A_194[%dma_start3A_195, %dma_start3A_196] : memref<32x1024xf32, #tpu.memory_space<vmem>> -> memref<32x128xf32, #tpu.memory_space<vmem>>
        tpu.enqueue_dma source(%arg4 : memref<32x128xf32, #tpu.memory_space<hbm>>) target(%dma_start3A_197 : memref<32x128xf32, #tpu.memory_space<vmem>>) target_semaphore(%run_scoped3A_183 : memref<!tpu.dma_semaphore, #tpu.memory_space<semaphore_mem>>)
        %dma_wait3A = arith.constant 0 : i32
        %dma_wait3A_198 = arith.constant 0 : i32
        %dma_wait3A_199 = tpu.memref_slice %arg9[%run_scoped3A_167, %dma_wait3A, %dma_wait3A_198] : memref<1x32x1024xf32, #tpu.memory_space<vmem>> -> memref<1x32x1024xf32, #tpu.memory_space<vmem>>
        %dma_wait3A_200 = tpu.memref_squeeze %dma_wait3A_199 : memref<1x32x1024xf32, #tpu.memory_space<vmem>> -> memref<32x1024xf32, #tpu.memory_space<vmem>>
        %dma_wait3A_201 = arith.constant 0 : i32
        %dma_wait3A_202 = arith.constant 0 : i32
        %dma_wait3A_203 = tpu.memref_slice %dma_wait3A_200[%dma_wait3A_201, %dma_wait3A_202] : memref<32x1024xf32, #tpu.memory_space<vmem>> -> memref<32x128xf32, #tpu.memory_space<vmem>>
        %dma_wait3A_204 = arith.constant 0 : i32
        %dma_wait3A_205 = arith.constant 0 : i32
        %dma_wait3A_206 = tpu.memref_slice %arg9[%run_scoped3A_167, %dma_wait3A_204, %dma_wait3A_205] : memref<1x32x1024xf32, #tpu.memory_space<vmem>> -> memref<1x32x1024xf32, #tpu.memory_space<vmem>>
        %dma_wait3A_207 = tpu.memref_squeeze %dma_wait3A_206 : memref<1x32x1024xf32, #tpu.memory_space<vmem>> -> memref<32x1024xf32, #tpu.memory_space<vmem>>
        %dma_wait3A_208 = arith.constant 0 : i32
        %dma_wait3A_209 = arith.constant 0 : i32
        %dma_wait3A_210 = tpu.memref_slice %dma_wait3A_207[%dma_wait3A_208, %dma_wait3A_209] : memref<32x1024xf32, #tpu.memory_space<vmem>> -> memref<32x128xf32, #tpu.memory_space<vmem>>
        tpu.wait_dma2 semaphore(%run_scoped3A_183 : memref<!tpu.dma_semaphore, #tpu.memory_space<semaphore_mem>>) src(%arg4 : memref<32x128xf32, #tpu.memory_space<hbm>>) dst(%dma_wait3A_210 : memref<32x128xf32, #tpu.memory_space<vmem>>)
        tpu.yield
      }) : () -> ()
      %while3A_168 = arith.constant 999936 : i32
      %while3A_169 = arith.constant 64 : i32
      %while3A_170 = arith.constant 0 : i32
      %while3A_171 = arith.constant 0 : i32
      %while3A_172 = arith.constant 0 : i32
      %while3A_173 = arith.subi %select_n3A, %while3A_171 : i32
      %while3A_174 = arith.addi %while3A_171, %while3A_173 : i32
      %while3A_175 = arith.constant 1 : i32
      %while3A_176 = arith.divsi %while3A_173, %while3A_175 : i32
      %while3A_177 = arith.muli %while3A_176, %while3A_175 : i32
      %while3A_178 = arith.addi %while3A_171, %while3A_177 : i32
      %while3A_179 = arith.constant 1 : i32
      %while3A_180 = scf.for %while3A_183 = %while3A_171 to %while3A_178 step %while3A_179 iter_args(%while3A_184 = %while3A_172) -> (i32)  : i32 {
        %mul3A_185 = arith.constant 16 : i32
        %mul3A_186 = arith.muli %while3A_183, %mul3A_185 : i32
        %get3A = arith.index_cast %mul3A_186 : i32 to index
        %get3A_187 = tpu.vector_load %arg7[%get3A] {strides = array<i32>} : memref<16400xi32, #tpu.memory_space<vmem>>, vector<16xi32>,
        %mul3A_188 = arith.constant 16 : i32
        %mul3A_189 = arith.muli %while3A_183, %mul3A_188 : i32
        %get3A_190 = arith.index_cast %mul3A_189 : i32 to index
        %get3A_191 = tpu.vector_load %arg8[%get3A_190] {strides = array<i32>} : memref<16384xi32, #tpu.memory_space<vmem>>, vector<16xi32>,
        %ge3A = vector.broadcast %while3A_168 : i32 to vector<16xi32>
        %ge3A_192 = arith.cmpi sge, %get3A_187, %ge3A : vector<16xi32>
        %add3A_193 = arith.addi %while3A_168, %while3A_169 : i32
        %lt3A = vector.broadcast %add3A_193 : i32 to vector<16xi32>
        %lt3A_194 = arith.cmpi slt, %get3A_187, %lt3A : vector<16xi32>
        %and3A_195 = arith.andi %ge3A_192, %lt3A_194 : vector<16xi1>
        %reduce_or3A = arith.constant 1.000000e+00 : f32
        %reduce_or3A_196 = arith.constant 0.000000e+00 : f32
        %reduce_or3A_197 = vector.broadcast %reduce_or3A : f32 to vector<16xf32>
        %reduce_or3A_198 = vector.broadcast %reduce_or3A_196 : f32 to vector<16xf32>
        %reduce_or3A_199 = arith.select %and3A_195, %reduce_or3A_197, %reduce_or3A_198 : vector<16xi1>, vector<16xf32>
        %reduce_or3A_200 = arith.constant true
        %reduce_or3A_201 = vector.broadcast %reduce_or3A_200 : i1 to vector<16xi1>
        %reduce_or3A_202 = tpu.scan <max>, %reduce_or3A_199 masked %reduce_or3A_201 : vector<16xf32>, vector<16xi1> -> vector<16xf32>
        %reduce_or3A_203 = vector.extract %reduce_or3A_202[15] : f32 from vector<16xf32>
        %reduce_or3A_204 = arith.constant 0.000000e+00 : f32
        %reduce_or3A_205 = arith.cmpf ogt, %reduce_or3A_203, %reduce_or3A_204 : f32
        %convert_element_type3A_206 = arith.extui %reduce_or3A_205 : i1 to i32
        %cond3A_207 = arith.constant 0 : i32
        %cond3A_208 = arith.cmpi ne, %convert_element_type3A_206, %cond3A_207 : i32
        scf.if %cond3A_208 {
          %sub3A_210 = vector.broadcast %while3A_168 : i32 to vector<16xi32>
          %sub3A_211 = arith.subi %get3A_187, %sub3A_210 : vector<16xi32>
          %jit3A_212 = arith.constant 0 : i32
          %broadcast_in_dim3A_213 = vector.broadcast %jit3A_212 : i32 to vector<16xi32>
          %select_n3A_214 = arith.select %and3A_195, %sub3A_211, %broadcast_in_dim3A_213 : vector<16xi1>, vector<16xi32>
          %broadcast_in_dim3A_215 = arith.constant 0 : i32
          %broadcast_in_dim3A_216 = vector.broadcast %broadcast_in_dim3A_215 : i32 to vector<16xi32>
          %gather3A = arith.constant 0 : i32
          %gather3A_217 = arith.constant 0 : i32
          %gather3A_218 = tpu.memref_slice %arg9[%while3A_170, %gather3A, %gather3A_217] : memref<1x32x1024xf32, #tpu.memory_space<vmem>> -> memref<1x32x1024xf32, #tpu.memory_space<vmem>>
          %gather3A_219 = tpu.memref_squeeze %gather3A_218 : memref<1x32x1024xf32, #tpu.memory_space<vmem>> -> memref<32x1024xf32, #tpu.memory_space<vmem>>
          %gather3A_220 = tpu.vector_load_idx %gather3A_219[%broadcast_in_dim3A_216, %select_n3A_214] : memref<32x1024xf32, #tpu.memory_space<vmem>>[vector<16xi32>, vector<16xi32>], vector<16xf32>,
          tpu.vector_store_idx %arg11[%iota3A, %broadcast_in_dim3A_216], %gather3A_220 : memref<16x128xf32, #tpu.memory_space<vmem>>[vector<16xi32>, vector<16xi32>], vector<16xf32>,
          %broadcast_in_dim3A_221 = arith.constant 1 : i32
          %broadcast_in_dim3A_222 = vector.broadcast %broadcast_in_dim3A_221 : i32 to vector<16xi32>
          %gather3A_223 = arith.constant 0 : i32
          %gather3A_224 = arith.constant 0 : i32
          %gather3A_225 = tpu.memref_slice %arg9[%while3A_170, %gather3A_223, %gather3A_224] : memref<1x32x1024xf32, #tpu.memory_space<vmem>> -> memref<1x32x1024xf32, #tpu.memory_space<vmem>>
          %gather3A_226 = tpu.memref_squeeze %gather3A_225 : memref<1x32x1024xf32, #tpu.memory_space<vmem>> -> memref<32x1024xf32, #tpu.memory_space<vmem>>
          %gather3A_227 = tpu.vector_load_idx %gather3A_226[%broadcast_in_dim3A_222, %select_n3A_214] : memref<32x1024xf32, #tpu.memory_space<vmem>>[vector<16xi32>, vector<16xi32>], vector<16xf32>,
          tpu.vector_store_idx %arg11[%iota3A, %broadcast_in_dim3A_222], %gather3A_227 : memref<16x128xf32, #tpu.memory_space<vmem>>[vector<16xi32>, vector<16xi32>], vector<16xf32>,
          %broadcast_in_dim3A_228 = arith.constant 2 : i32
          %broadcast_in_dim3A_229 = vector.broadcast %broadcast_in_dim3A_228 : i32 to vector<16xi32>
          %gather3A_230 = arith.constant 0 : i32
          %gather3A_231 = arith.constant 0 : i32
          %gather3A_232 = tpu.memref_slice %arg9[%while3A_170, %gather3A_230, %gather3A_231] : memref<1x32x1024xf32, #tpu.memory_space<vmem>> -> memref<1x32x1024xf32, #tpu.memory_space<vmem>>
          %gather3A_233 = tpu.memref_squeeze %gather3A_232 : memref<1x32x1024xf32, #tpu.memory_space<vmem>> -> memref<32x1024xf32, #tpu.memory_space<vmem>>
          %gather3A_234 = tpu.vector_load_idx %gather3A_233[%broadcast_in_dim3A_229, %select_n3A_214] : memref<32x1024xf32, #tpu.memory_space<vmem>>[vector<16xi32>, vector<16xi32>], vector<16xf32>,
          tpu.vector_store_idx %arg11[%iota3A, %broadcast_in_dim3A_229], %gather3A_234 : memref<16x128xf32, #tpu.memory_space<vmem>>[vector<16xi32>, vector<16xi32>], vector<16xf32>,
          %broadcast_in_dim3A_235 = arith.constant 3 : i32
          %broadcast_in_dim3A_236 = vector.broadcast %broadcast_in_dim3A_235 : i32 to vector<16xi32>
          %gather3A_237 = arith.constant 0 : i32
          %gather3A_238 = arith.constant 0 : i32
          %gather3A_239 = tpu.memref_slice %arg9[%while3A_170, %gather3A_237, %gather3A_238] : memref<1x32x1024xf32, #tpu.memory_space<vmem>> -> memref<1x32x1024xf32, #tpu.memory_space<vmem>>
          %gather3A_240 = tpu.memref_squeeze %gather3A_239 : memref<1x32x1024xf32, #tpu.memory_space<vmem>> -> memref<32x1024xf32, #tpu.memory_space<vmem>>
          %gather3A_241 = tpu.vector_load_idx %gather3A_240[%broadcast_in_dim3A_236, %select_n3A_214] : memref<32x1024xf32, #tpu.memory_space<vmem>>[vector<16xi32>, vector<16xi32>], vector<16xf32>,
          tpu.vector_store_idx %arg11[%iota3A, %broadcast_in_dim3A_236], %gather3A_241 : memref<16x128xf32, #tpu.memory_space<vmem>>[vector<16xi32>, vector<16xi32>], vector<16xf32>,
          %broadcast_in_dim3A_242 = arith.constant 4 : i32
          %broadcast_in_dim3A_243 = vector.broadcast %broadcast_in_dim3A_242 : i32 to vector<16xi32>
          %gather3A_244 = arith.constant 0 : i32
          %gather3A_245 = arith.constant 0 : i32
          %gather3A_246 = tpu.memref_slice %arg9[%while3A_170, %gather3A_244, %gather3A_245] : memref<1x32x1024xf32, #tpu.memory_space<vmem>> -> memref<1x32x1024xf32, #tpu.memory_space<vmem>>
          %gather3A_247 = tpu.memref_squeeze %gather3A_246 : memref<1x32x1024xf32, #tpu.memory_space<vmem>> -> memref<32x1024xf32, #tpu.memory_space<vmem>>
          %gather3A_248 = tpu.vector_load_idx %gather3A_247[%broadcast_in_dim3A_243, %select_n3A_214] : memref<32x1024xf32, #tpu.memory_space<vmem>>[vector<16xi32>, vector<16xi32>], vector<16xf32>,
          tpu.vector_store_idx %arg11[%iota3A, %broadcast_in_dim3A_243], %gather3A_248 : memref<16x128xf32, #tpu.memory_space<vmem>>[vector<16xi32>, vector<16xi32>], vector<16xf32>,
          %broadcast_in_dim3A_249 = arith.constant 5 : i32
          %broadcast_in_dim3A_250 = vector.broadcast %broadcast_in_dim3A_249 : i32 to vector<16xi32>
          %gather3A_251 = arith.constant 0 : i32
          %gather3A_252 = arith.constant 0 : i32
          %gather3A_253 = tpu.memref_slice %arg9[%while3A_170, %gather3A_251, %gather3A_252] : memref<1x32x1024xf32, #tpu.memory_space<vmem>> -> memref<1x32x1024xf32, #tpu.memory_space<vmem>>
          %gather3A_254 = tpu.memref_squeeze %gather3A_253 : memref<1x32x1024xf32, #tpu.memory_space<vmem>> -> memref<32x1024xf32, #tpu.memory_space<vmem>>
          %gather3A_255 = tpu.vector_load_idx %gather3A_254[%broadcast_in_dim3A_250, %select_n3A_214] : memref<32x1024xf32, #tpu.memory_space<vmem>>[vector<16xi32>, vector<16xi32>], vector<16xf32>,
          tpu.vector_store_idx %arg11[%iota3A, %broadcast_in_dim3A_250], %gather3A_255 : memref<16x128xf32, #tpu.memory_space<vmem>>[vector<16xi32>, vector<16xi32>], vector<16xf32>,
          %broadcast_in_dim3A_256 = arith.constant 6 : i32
          %broadcast_in_dim3A_257 = vector.broadcast %broadcast_in_dim3A_256 : i32 to vector<16xi32>
          %gather3A_258 = arith.constant 0 : i32
          %gather3A_259 = arith.constant 0 : i32
          %gather3A_260 = tpu.memref_slice %arg9[%while3A_170, %gather3A_258, %gather3A_259] : memref<1x32x1024xf32, #tpu.memory_space<vmem>> -> memref<1x32x1024xf32, #tpu.memory_space<vmem>>
          %gather3A_261 = tpu.memref_squeeze %gather3A_260 : memref<1x32x1024xf32, #tpu.memory_space<vmem>> -> memref<32x1024xf32, #tpu.memory_space<vmem>>
          %gather3A_262 = tpu.vector_load_idx %gather3A_261[%broadcast_in_dim3A_257, %select_n3A_214] : memref<32x1024xf32, #tpu.memory_space<vmem>>[vector<16xi32>, vector<16xi32>], vector<16xf32>,
          tpu.vector_store_idx %arg11[%iota3A, %broadcast_in_dim3A_257], %gather3A_262 : memref<16x128xf32, #tpu.memory_space<vmem>>[vector<16xi32>, vector<16xi32>], vector<16xf32>,
          %broadcast_in_dim3A_263 = arith.constant 7 : i32
          %broadcast_in_dim3A_264 = vector.broadcast %broadcast_in_dim3A_263 : i32 to vector<16xi32>
          %gather3A_265 = arith.constant 0 : i32
          %gather3A_266 = arith.constant 0 : i32
          %gather3A_267 = tpu.memref_slice %arg9[%while3A_170, %gather3A_265, %gather3A_266] : memref<1x32x1024xf32, #tpu.memory_space<vmem>> -> memref<1x32x1024xf32, #tpu.memory_space<vmem>>
          %gather3A_268 = tpu.memref_squeeze %gather3A_267 : memref<1x32x1024xf32, #tpu.memory_space<vmem>> -> memref<32x1024xf32, #tpu.memory_space<vmem>>
          %gather3A_269 = tpu.vector_load_idx %gather3A_268[%broadcast_in_dim3A_264, %select_n3A_214] : memref<32x1024xf32, #tpu.memory_space<vmem>>[vector<16xi32>, vector<16xi32>], vector<16xf32>,
          tpu.vector_store_idx %arg11[%iota3A, %broadcast_in_dim3A_264], %gather3A_269 : memref<16x128xf32, #tpu.memory_space<vmem>>[vector<16xi32>, vector<16xi32>], vector<16xf32>,
          %broadcast_in_dim3A_270 = arith.constant 8 : i32
          %broadcast_in_dim3A_271 = vector.broadcast %broadcast_in_dim3A_270 : i32 to vector<16xi32>
          %gather3A_272 = arith.constant 0 : i32
          %gather3A_273 = arith.constant 0 : i32
          %gather3A_274 = tpu.memref_slice %arg9[%while3A_170, %gather3A_272, %gather3A_273] : memref<1x32x1024xf32, #tpu.memory_space<vmem>> -> memref<1x32x1024xf32, #tpu.memory_space<vmem>>
          %gather3A_275 = tpu.memref_squeeze %gather3A_274 : memref<1x32x1024xf32, #tpu.memory_space<vmem>> -> memref<32x1024xf32, #tpu.memory_space<vmem>>
          %gather3A_276 = tpu.vector_load_idx %gather3A_275[%broadcast_in_dim3A_271, %select_n3A_214] : memref<32x1024xf32, #tpu.memory_space<vmem>>[vector<16xi32>, vector<16xi32>], vector<16xf32>,
          tpu.vector_store_idx %arg11[%iota3A, %broadcast_in_dim3A_271], %gather3A_276 : memref<16x128xf32, #tpu.memory_space<vmem>>[vector<16xi32>, vector<16xi32>], vector<16xf32>,
          %broadcast_in_dim3A_277 = arith.constant 9 : i32
          %broadcast_in_dim3A_278 = vector.broadcast %broadcast_in_dim3A_277 : i32 to vector<16xi32>
          %gather3A_279 = arith.constant 0 : i32
          %gather3A_280 = arith.constant 0 : i32
          %gather3A_281 = tpu.memref_slice %arg9[%while3A_170, %gather3A_279, %gather3A_280] : memref<1x32x1024xf32, #tpu.memory_space<vmem>> -> memref<1x32x1024xf32, #tpu.memory_space<vmem>>
          %gather3A_282 = tpu.memref_squeeze %gather3A_281 : memref<1x32x1024xf32, #tpu.memory_space<vmem>> -> memref<32x1024xf32, #tpu.memory_space<vmem>>
          %gather3A_283 = tpu.vector_load_idx %gather3A_282[%broadcast_in_dim3A_278, %select_n3A_214] : memref<32x1024xf32, #tpu.memory_space<vmem>>[vector<16xi32>, vector<16xi32>], vector<16xf32>,
          tpu.vector_store_idx %arg11[%iota3A, %broadcast_in_dim3A_278], %gather3A_283 : memref<16x128xf32, #tpu.memory_space<vmem>>[vector<16xi32>, vector<16xi32>], vector<16xf32>,
          %broadcast_in_dim3A_284 = arith.constant 10 : i32
          %broadcast_in_dim3A_285 = vector.broadcast %broadcast_in_dim3A_284 : i32 to vector<16xi32>
          %gather3A_286 = arith.constant 0 : i32
          %gather3A_287 = arith.constant 0 : i32
          %gather3A_288 = tpu.memref_slice %arg9[%while3A_170, %gather3A_286, %gather3A_287] : memref<1x32x1024xf32, #tpu.memory_space<vmem>> -> memref<1x32x1024xf32, #tpu.memory_space<vmem>>
          %gather3A_289 = tpu.memref_squeeze %gather3A_288 : memref<1x32x1024xf32, #tpu.memory_space<vmem>> -> memref<32x1024xf32, #tpu.memory_space<vmem>>
          %gather3A_290 = tpu.vector_load_idx %gather3A_289[%broadcast_in_dim3A_285, %select_n3A_214] : memref<32x1024xf32, #tpu.memory_space<vmem>>[vector<16xi32>, vector<16xi32>], vector<16xf32>,
          tpu.vector_store_idx %arg11[%iota3A, %broadcast_in_dim3A_285], %gather3A_290 : memref<16x128xf32, #tpu.memory_space<vmem>>[vector<16xi32>, vector<16xi32>], vector<16xf32>,
          %broadcast_in_dim3A_291 = arith.constant 11 : i32
          %broadcast_in_dim3A_292 = vector.broadcast %broadcast_in_dim3A_291 : i32 to vector<16xi32>
          %gather3A_293 = arith.constant 0 : i32
          %gather3A_294 = arith.constant 0 : i32
          %gather3A_295 = tpu.memref_slice %arg9[%while3A_170, %gather3A_293, %gather3A_294] : memref<1x32x1024xf32, #tpu.memory_space<vmem>> -> memref<1x32x1024xf32, #tpu.memory_space<vmem>>
          %gather3A_296 = tpu.memref_squeeze %gather3A_295 : memref<1x32x1024xf32, #tpu.memory_space<vmem>> -> memref<32x1024xf32, #tpu.memory_space<vmem>>
          %gather3A_297 = tpu.vector_load_idx %gather3A_296[%broadcast_in_dim3A_292, %select_n3A_214] : memref<32x1024xf32, #tpu.memory_space<vmem>>[vector<16xi32>, vector<16xi32>], vector<16xf32>,
          tpu.vector_store_idx %arg11[%iota3A, %broadcast_in_dim3A_292], %gather3A_297 : memref<16x128xf32, #tpu.memory_space<vmem>>[vector<16xi32>, vector<16xi32>], vector<16xf32>,
          %broadcast_in_dim3A_298 = arith.constant 12 : i32
          %broadcast_in_dim3A_299 = vector.broadcast %broadcast_in_dim3A_298 : i32 to vector<16xi32>
          %gather3A_300 = arith.constant 0 : i32
          %gather3A_301 = arith.constant 0 : i32
          %gather3A_302 = tpu.memref_slice %arg9[%while3A_170, %gather3A_300, %gather3A_301] : memref<1x32x1024xf32, #tpu.memory_space<vmem>> -> memref<1x32x1024xf32, #tpu.memory_space<vmem>>
          %gather3A_303 = tpu.memref_squeeze %gather3A_302 : memref<1x32x1024xf32, #tpu.memory_space<vmem>> -> memref<32x1024xf32, #tpu.memory_space<vmem>>
          %gather3A_304 = tpu.vector_load_idx %gather3A_303[%broadcast_in_dim3A_299, %select_n3A_214] : memref<32x1024xf32, #tpu.memory_space<vmem>>[vector<16xi32>, vector<16xi32>], vector<16xf32>,
          tpu.vector_store_idx %arg11[%iota3A, %broadcast_in_dim3A_299], %gather3A_304 : memref<16x128xf32, #tpu.memory_space<vmem>>[vector<16xi32>, vector<16xi32>], vector<16xf32>,
          %broadcast_in_dim3A_305 = arith.constant 13 : i32
          %broadcast_in_dim3A_306 = vector.broadcast %broadcast_in_dim3A_305 : i32 to vector<16xi32>
          %gather3A_307 = arith.constant 0 : i32
          %gather3A_308 = arith.constant 0 : i32
          %gather3A_309 = tpu.memref_slice %arg9[%while3A_170, %gather3A_307, %gather3A_308] : memref<1x32x1024xf32, #tpu.memory_space<vmem>> -> memref<1x32x1024xf32, #tpu.memory_space<vmem>>
          %gather3A_310 = tpu.memref_squeeze %gather3A_309 : memref<1x32x1024xf32, #tpu.memory_space<vmem>> -> memref<32x1024xf32, #tpu.memory_space<vmem>>
          %gather3A_311 = tpu.vector_load_idx %gather3A_310[%broadcast_in_dim3A_306, %select_n3A_214] : memref<32x1024xf32, #tpu.memory_space<vmem>>[vector<16xi32>, vector<16xi32>], vector<16xf32>,
          tpu.vector_store_idx %arg11[%iota3A, %broadcast_in_dim3A_306], %gather3A_311 : memref<16x128xf32, #tpu.memory_space<vmem>>[vector<16xi32>, vector<16xi32>], vector<16xf32>,
          %broadcast_in_dim3A_312 = arith.constant 14 : i32
          %broadcast_in_dim3A_313 = vector.broadcast %broadcast_in_dim3A_312 : i32 to vector<16xi32>
          %gather3A_314 = arith.constant 0 : i32
          %gather3A_315 = arith.constant 0 : i32
          %gather3A_316 = tpu.memref_slice %arg9[%while3A_170, %gather3A_314, %gather3A_315] : memref<1x32x1024xf32, #tpu.memory_space<vmem>> -> memref<1x32x1024xf32, #tpu.memory_space<vmem>>
          %gather3A_317 = tpu.memref_squeeze %gather3A_316 : memref<1x32x1024xf32, #tpu.memory_space<vmem>> -> memref<32x1024xf32, #tpu.memory_space<vmem>>
          %gather3A_318 = tpu.vector_load_idx %gather3A_317[%broadcast_in_dim3A_313, %select_n3A_214] : memref<32x1024xf32, #tpu.memory_space<vmem>>[vector<16xi32>, vector<16xi32>], vector<16xf32>,
          tpu.vector_store_idx %arg11[%iota3A, %broadcast_in_dim3A_313], %gather3A_318 : memref<16x128xf32, #tpu.memory_space<vmem>>[vector<16xi32>, vector<16xi32>], vector<16xf32>,
          %broadcast_in_dim3A_319 = arith.constant 15 : i32
          %broadcast_in_dim3A_320 = vector.broadcast %broadcast_in_dim3A_319 : i32 to vector<16xi32>
          %gather3A_321 = arith.constant 0 : i32
          %gather3A_322 = arith.constant 0 : i32
          %gather3A_323 = tpu.memref_slice %arg9[%while3A_170, %gather3A_321, %gather3A_322] : memref<1x32x1024xf32, #tpu.memory_space<vmem>> -> memref<1x32x1024xf32, #tpu.memory_space<vmem>>
          %gather3A_324 = tpu.memref_squeeze %gather3A_323 : memref<1x32x1024xf32, #tpu.memory_space<vmem>> -> memref<32x1024xf32, #tpu.memory_space<vmem>>
          %gather3A_325 = tpu.vector_load_idx %gather3A_324[%broadcast_in_dim3A_320, %select_n3A_214] : memref<32x1024xf32, #tpu.memory_space<vmem>>[vector<16xi32>, vector<16xi32>], vector<16xf32>,
          tpu.vector_store_idx %arg11[%iota3A, %broadcast_in_dim3A_320], %gather3A_325 : memref<16x128xf32, #tpu.memory_space<vmem>>[vector<16xi32>, vector<16xi32>], vector<16xf32>,
          %broadcast_in_dim3A_326 = arith.constant 16 : i32
          %broadcast_in_dim3A_327 = vector.broadcast %broadcast_in_dim3A_326 : i32 to vector<16xi32>
          %gather3A_328 = arith.constant 0 : i32
          %gather3A_329 = arith.constant 0 : i32
          %gather3A_330 = tpu.memref_slice %arg9[%while3A_170, %gather3A_328, %gather3A_329] : memref<1x32x1024xf32, #tpu.memory_space<vmem>> -> memref<1x32x1024xf32, #tpu.memory_space<vmem>>
          %gather3A_331 = tpu.memref_squeeze %gather3A_330 : memref<1x32x1024xf32, #tpu.memory_space<vmem>> -> memref<32x1024xf32, #tpu.memory_space<vmem>>
          %gather3A_332 = tpu.vector_load_idx %gather3A_331[%broadcast_in_dim3A_327, %select_n3A_214] : memref<32x1024xf32, #tpu.memory_space<vmem>>[vector<16xi32>, vector<16xi32>], vector<16xf32>,
          tpu.vector_store_idx %arg11[%iota3A, %broadcast_in_dim3A_327], %gather3A_332 : memref<16x128xf32, #tpu.memory_space<vmem>>[vector<16xi32>, vector<16xi32>], vector<16xf32>,
          %broadcast_in_dim3A_333 = arith.constant 17 : i32
          %broadcast_in_dim3A_334 = vector.broadcast %broadcast_in_dim3A_333 : i32 to vector<16xi32>
          %gather3A_335 = arith.constant 0 : i32
          %gather3A_336 = arith.constant 0 : i32
          %gather3A_337 = tpu.memref_slice %arg9[%while3A_170, %gather3A_335, %gather3A_336] : memref<1x32x1024xf32, #tpu.memory_space<vmem>> -> memref<1x32x1024xf32, #tpu.memory_space<vmem>>
          %gather3A_338 = tpu.memref_squeeze %gather3A_337 : memref<1x32x1024xf32, #tpu.memory_space<vmem>> -> memref<32x1024xf32, #tpu.memory_space<vmem>>
          %gather3A_339 = tpu.vector_load_idx %gather3A_338[%broadcast_in_dim3A_334, %select_n3A_214] : memref<32x1024xf32, #tpu.memory_space<vmem>>[vector<16xi32>, vector<16xi32>], vector<16xf32>,
          tpu.vector_store_idx %arg11[%iota3A, %broadcast_in_dim3A_334], %gather3A_339 : memref<16x128xf32, #tpu.memory_space<vmem>>[vector<16xi32>, vector<16xi32>], vector<16xf32>,
          %broadcast_in_dim3A_340 = arith.constant 18 : i32
          %broadcast_in_dim3A_341 = vector.broadcast %broadcast_in_dim3A_340 : i32 to vector<16xi32>
          %gather3A_342 = arith.constant 0 : i32
          %gather3A_343 = arith.constant 0 : i32
          %gather3A_344 = tpu.memref_slice %arg9[%while3A_170, %gather3A_342, %gather3A_343] : memref<1x32x1024xf32, #tpu.memory_space<vmem>> -> memref<1x32x1024xf32, #tpu.memory_space<vmem>>
          %gather3A_345 = tpu.memref_squeeze %gather3A_344 : memref<1x32x1024xf32, #tpu.memory_space<vmem>> -> memref<32x1024xf32, #tpu.memory_space<vmem>>
          %gather3A_346 = tpu.vector_load_idx %gather3A_345[%broadcast_in_dim3A_341, %select_n3A_214] : memref<32x1024xf32, #tpu.memory_space<vmem>>[vector<16xi32>, vector<16xi32>], vector<16xf32>,
          tpu.vector_store_idx %arg11[%iota3A, %broadcast_in_dim3A_341], %gather3A_346 : memref<16x128xf32, #tpu.memory_space<vmem>>[vector<16xi32>, vector<16xi32>], vector<16xf32>,
          %broadcast_in_dim3A_347 = arith.constant 19 : i32
          %broadcast_in_dim3A_348 = vector.broadcast %broadcast_in_dim3A_347 : i32 to vector<16xi32>
          %gather3A_349 = arith.constant 0 : i32
          %gather3A_350 = arith.constant 0 : i32
          %gather3A_351 = tpu.memref_slice %arg9[%while3A_170, %gather3A_349, %gather3A_350] : memref<1x32x1024xf32, #tpu.memory_space<vmem>> -> memref<1x32x1024xf32, #tpu.memory_space<vmem>>
          %gather3A_352 = tpu.memref_squeeze %gather3A_351 : memref<1x32x1024xf32, #tpu.memory_space<vmem>> -> memref<32x1024xf32, #tpu.memory_space<vmem>>
          %gather3A_353 = tpu.vector_load_idx %gather3A_352[%broadcast_in_dim3A_348, %select_n3A_214] : memref<32x1024xf32, #tpu.memory_space<vmem>>[vector<16xi32>, vector<16xi32>], vector<16xf32>,
          tpu.vector_store_idx %arg11[%iota3A, %broadcast_in_dim3A_348], %gather3A_353 : memref<16x128xf32, #tpu.memory_space<vmem>>[vector<16xi32>, vector<16xi32>], vector<16xf32>,
          %broadcast_in_dim3A_354 = arith.constant 20 : i32
          %broadcast_in_dim3A_355 = vector.broadcast %broadcast_in_dim3A_354 : i32 to vector<16xi32>
          %gather3A_356 = arith.constant 0 : i32
          %gather3A_357 = arith.constant 0 : i32
          %gather3A_358 = tpu.memref_slice %arg9[%while3A_170, %gather3A_356, %gather3A_357] : memref<1x32x1024xf32, #tpu.memory_space<vmem>> -> memref<1x32x1024xf32, #tpu.memory_space<vmem>>
          %gather3A_359 = tpu.memref_squeeze %gather3A_358 : memref<1x32x1024xf32, #tpu.memory_space<vmem>> -> memref<32x1024xf32, #tpu.memory_space<vmem>>
          %gather3A_360 = tpu.vector_load_idx %gather3A_359[%broadcast_in_dim3A_355, %select_n3A_214] : memref<32x1024xf32, #tpu.memory_space<vmem>>[vector<16xi32>, vector<16xi32>], vector<16xf32>,
          tpu.vector_store_idx %arg11[%iota3A, %broadcast_in_dim3A_355], %gather3A_360 : memref<16x128xf32, #tpu.memory_space<vmem>>[vector<16xi32>, vector<16xi32>], vector<16xf32>,
          %broadcast_in_dim3A_361 = arith.constant 21 : i32
          %broadcast_in_dim3A_362 = vector.broadcast %broadcast_in_dim3A_361 : i32 to vector<16xi32>
          %gather3A_363 = arith.constant 0 : i32
          %gather3A_364 = arith.constant 0 : i32
          %gather3A_365 = tpu.memref_slice %arg9[%while3A_170, %gather3A_363, %gather3A_364] : memref<1x32x1024xf32, #tpu.memory_space<vmem>> -> memref<1x32x1024xf32, #tpu.memory_space<vmem>>
          %gather3A_366 = tpu.memref_squeeze %gather3A_365 : memref<1x32x1024xf32, #tpu.memory_space<vmem>> -> memref<32x1024xf32, #tpu.memory_space<vmem>>
          %gather3A_367 = tpu.vector_load_idx %gather3A_366[%broadcast_in_dim3A_362, %select_n3A_214] : memref<32x1024xf32, #tpu.memory_space<vmem>>[vector<16xi32>, vector<16xi32>], vector<16xf32>,
          tpu.vector_store_idx %arg11[%iota3A, %broadcast_in_dim3A_362], %gather3A_367 : memref<16x128xf32, #tpu.memory_space<vmem>>[vector<16xi32>, vector<16xi32>], vector<16xf32>,
          %broadcast_in_dim3A_368 = arith.constant 22 : i32
          %broadcast_in_dim3A_369 = vector.broadcast %broadcast_in_dim3A_368 : i32 to vector<16xi32>
          %gather3A_370 = arith.constant 0 : i32
          %gather3A_371 = arith.constant 0 : i32
          %gather3A_372 = tpu.memref_slice %arg9[%while3A_170, %gather3A_370, %gather3A_371] : memref<1x32x1024xf32, #tpu.memory_space<vmem>> -> memref<1x32x1024xf32, #tpu.memory_space<vmem>>
          %gather3A_373 = tpu.memref_squeeze %gather3A_372 : memref<1x32x1024xf32, #tpu.memory_space<vmem>> -> memref<32x1024xf32, #tpu.memory_space<vmem>>
          %gather3A_374 = tpu.vector_load_idx %gather3A_373[%broadcast_in_dim3A_369, %select_n3A_214] : memref<32x1024xf32, #tpu.memory_space<vmem>>[vector<16xi32>, vector<16xi32>], vector<16xf32>,
          tpu.vector_store_idx %arg11[%iota3A, %broadcast_in_dim3A_369], %gather3A_374 : memref<16x128xf32, #tpu.memory_space<vmem>>[vector<16xi32>, vector<16xi32>], vector<16xf32>,
          %broadcast_in_dim3A_375 = arith.constant 23 : i32
          %broadcast_in_dim3A_376 = vector.broadcast %broadcast_in_dim3A_375 : i32 to vector<16xi32>
          %gather3A_377 = arith.constant 0 : i32
          %gather3A_378 = arith.constant 0 : i32
          %gather3A_379 = tpu.memref_slice %arg9[%while3A_170, %gather3A_377, %gather3A_378] : memref<1x32x1024xf32, #tpu.memory_space<vmem>> -> memref<1x32x1024xf32, #tpu.memory_space<vmem>>
          %gather3A_380 = tpu.memref_squeeze %gather3A_379 : memref<1x32x1024xf32, #tpu.memory_space<vmem>> -> memref<32x1024xf32, #tpu.memory_space<vmem>>
          %gather3A_381 = tpu.vector_load_idx %gather3A_380[%broadcast_in_dim3A_376, %select_n3A_214] : memref<32x1024xf32, #tpu.memory_space<vmem>>[vector<16xi32>, vector<16xi32>], vector<16xf32>,
          tpu.vector_store_idx %arg11[%iota3A, %broadcast_in_dim3A_376], %gather3A_381 : memref<16x128xf32, #tpu.memory_space<vmem>>[vector<16xi32>, vector<16xi32>], vector<16xf32>,
          %broadcast_in_dim3A_382 = arith.constant 24 : i32
          %broadcast_in_dim3A_383 = vector.broadcast %broadcast_in_dim3A_382 : i32 to vector<16xi32>
          %gather3A_384 = arith.constant 0 : i32
          %gather3A_385 = arith.constant 0 : i32
          %gather3A_386 = tpu.memref_slice %arg9[%while3A_170, %gather3A_384, %gather3A_385] : memref<1x32x1024xf32, #tpu.memory_space<vmem>> -> memref<1x32x1024xf32, #tpu.memory_space<vmem>>
          %gather3A_387 = tpu.memref_squeeze %gather3A_386 : memref<1x32x1024xf32, #tpu.memory_space<vmem>> -> memref<32x1024xf32, #tpu.memory_space<vmem>>
          %gather3A_388 = tpu.vector_load_idx %gather3A_387[%broadcast_in_dim3A_383, %select_n3A_214] : memref<32x1024xf32, #tpu.memory_space<vmem>>[vector<16xi32>, vector<16xi32>], vector<16xf32>,
          tpu.vector_store_idx %arg11[%iota3A, %broadcast_in_dim3A_383], %gather3A_388 : memref<16x128xf32, #tpu.memory_space<vmem>>[vector<16xi32>, vector<16xi32>], vector<16xf32>,
          %broadcast_in_dim3A_389 = arith.constant 25 : i32
          %broadcast_in_dim3A_390 = vector.broadcast %broadcast_in_dim3A_389 : i32 to vector<16xi32>
          %gather3A_391 = arith.constant 0 : i32
          %gather3A_392 = arith.constant 0 : i32
          %gather3A_393 = tpu.memref_slice %arg9[%while3A_170, %gather3A_391, %gather3A_392] : memref<1x32x1024xf32, #tpu.memory_space<vmem>> -> memref<1x32x1024xf32, #tpu.memory_space<vmem>>
          %gather3A_394 = tpu.memref_squeeze %gather3A_393 : memref<1x32x1024xf32, #tpu.memory_space<vmem>> -> memref<32x1024xf32, #tpu.memory_space<vmem>>
          %gather3A_395 = tpu.vector_load_idx %gather3A_394[%broadcast_in_dim3A_390, %select_n3A_214] : memref<32x1024xf32, #tpu.memory_space<vmem>>[vector<16xi32>, vector<16xi32>], vector<16xf32>,
          tpu.vector_store_idx %arg11[%iota3A, %broadcast_in_dim3A_390], %gather3A_395 : memref<16x128xf32, #tpu.memory_space<vmem>>[vector<16xi32>, vector<16xi32>], vector<16xf32>,
          %broadcast_in_dim3A_396 = arith.constant 26 : i32
          %broadcast_in_dim3A_397 = vector.broadcast %broadcast_in_dim3A_396 : i32 to vector<16xi32>
          %gather3A_398 = arith.constant 0 : i32
          %gather3A_399 = arith.constant 0 : i32
          %gather3A_400 = tpu.memref_slice %arg9[%while3A_170, %gather3A_398, %gather3A_399] : memref<1x32x1024xf32, #tpu.memory_space<vmem>> -> memref<1x32x1024xf32, #tpu.memory_space<vmem>>
          %gather3A_401 = tpu.memref_squeeze %gather3A_400 : memref<1x32x1024xf32, #tpu.memory_space<vmem>> -> memref<32x1024xf32, #tpu.memory_space<vmem>>
          %gather3A_402 = tpu.vector_load_idx %gather3A_401[%broadcast_in_dim3A_397, %select_n3A_214] : memref<32x1024xf32, #tpu.memory_space<vmem>>[vector<16xi32>, vector<16xi32>], vector<16xf32>,
          tpu.vector_store_idx %arg11[%iota3A, %broadcast_in_dim3A_397], %gather3A_402 : memref<16x128xf32, #tpu.memory_space<vmem>>[vector<16xi32>, vector<16xi32>], vector<16xf32>,
          %broadcast_in_dim3A_403 = arith.constant 27 : i32
          %broadcast_in_dim3A_404 = vector.broadcast %broadcast_in_dim3A_403 : i32 to vector<16xi32>
          %gather3A_405 = arith.constant 0 : i32
          %gather3A_406 = arith.constant 0 : i32
          %gather3A_407 = tpu.memref_slice %arg9[%while3A_170, %gather3A_405, %gather3A_406] : memref<1x32x1024xf32, #tpu.memory_space<vmem>> -> memref<1x32x1024xf32, #tpu.memory_space<vmem>>
          %gather3A_408 = tpu.memref_squeeze %gather3A_407 : memref<1x32x1024xf32, #tpu.memory_space<vmem>> -> memref<32x1024xf32, #tpu.memory_space<vmem>>
          %gather3A_409 = tpu.vector_load_idx %gather3A_408[%broadcast_in_dim3A_404, %select_n3A_214] : memref<32x1024xf32, #tpu.memory_space<vmem>>[vector<16xi32>, vector<16xi32>], vector<16xf32>,
          tpu.vector_store_idx %arg11[%iota3A, %broadcast_in_dim3A_404], %gather3A_409 : memref<16x128xf32, #tpu.memory_space<vmem>>[vector<16xi32>, vector<16xi32>], vector<16xf32>,
          %broadcast_in_dim3A_410 = arith.constant 28 : i32
          %broadcast_in_dim3A_411 = vector.broadcast %broadcast_in_dim3A_410 : i32 to vector<16xi32>
          %gather3A_412 = arith.constant 0 : i32
          %gather3A_413 = arith.constant 0 : i32
          %gather3A_414 = tpu.memref_slice %arg9[%while3A_170, %gather3A_412, %gather3A_413] : memref<1x32x1024xf32, #tpu.memory_space<vmem>> -> memref<1x32x1024xf32, #tpu.memory_space<vmem>>
          %gather3A_415 = tpu.memref_squeeze %gather3A_414 : memref<1x32x1024xf32, #tpu.memory_space<vmem>> -> memref<32x1024xf32, #tpu.memory_space<vmem>>
          %gather3A_416 = tpu.vector_load_idx %gather3A_415[%broadcast_in_dim3A_411, %select_n3A_214] : memref<32x1024xf32, #tpu.memory_space<vmem>>[vector<16xi32>, vector<16xi32>], vector<16xf32>,
          tpu.vector_store_idx %arg11[%iota3A, %broadcast_in_dim3A_411], %gather3A_416 : memref<16x128xf32, #tpu.memory_space<vmem>>[vector<16xi32>, vector<16xi32>], vector<16xf32>,
          %broadcast_in_dim3A_417 = arith.constant 29 : i32
          %broadcast_in_dim3A_418 = vector.broadcast %broadcast_in_dim3A_417 : i32 to vector<16xi32>
          %gather3A_419 = arith.constant 0 : i32
          %gather3A_420 = arith.constant 0 : i32
          %gather3A_421 = tpu.memref_slice %arg9[%while3A_170, %gather3A_419, %gather3A_420] : memref<1x32x1024xf32, #tpu.memory_space<vmem>> -> memref<1x32x1024xf32, #tpu.memory_space<vmem>>
          %gather3A_422 = tpu.memref_squeeze %gather3A_421 : memref<1x32x1024xf32, #tpu.memory_space<vmem>> -> memref<32x1024xf32, #tpu.memory_space<vmem>>
          %gather3A_423 = tpu.vector_load_idx %gather3A_422[%broadcast_in_dim3A_418, %select_n3A_214] : memref<32x1024xf32, #tpu.memory_space<vmem>>[vector<16xi32>, vector<16xi32>], vector<16xf32>,
          tpu.vector_store_idx %arg11[%iota3A, %broadcast_in_dim3A_418], %gather3A_423 : memref<16x128xf32, #tpu.memory_space<vmem>>[vector<16xi32>, vector<16xi32>], vector<16xf32>,
          %broadcast_in_dim3A_424 = arith.constant 30 : i32
          %broadcast_in_dim3A_425 = vector.broadcast %broadcast_in_dim3A_424 : i32 to vector<16xi32>
          %gather3A_426 = arith.constant 0 : i32
          %gather3A_427 = arith.constant 0 : i32
          %gather3A_428 = tpu.memref_slice %arg9[%while3A_170, %gather3A_426, %gather3A_427] : memref<1x32x1024xf32, #tpu.memory_space<vmem>> -> memref<1x32x1024xf32, #tpu.memory_space<vmem>>
          %gather3A_429 = tpu.memref_squeeze %gather3A_428 : memref<1x32x1024xf32, #tpu.memory_space<vmem>> -> memref<32x1024xf32, #tpu.memory_space<vmem>>
          %gather3A_430 = tpu.vector_load_idx %gather3A_429[%broadcast_in_dim3A_425, %select_n3A_214] : memref<32x1024xf32, #tpu.memory_space<vmem>>[vector<16xi32>, vector<16xi32>], vector<16xf32>,
          tpu.vector_store_idx %arg11[%iota3A, %broadcast_in_dim3A_425], %gather3A_430 : memref<16x128xf32, #tpu.memory_space<vmem>>[vector<16xi32>, vector<16xi32>], vector<16xf32>,
          %broadcast_in_dim3A_431 = arith.constant 31 : i32
          %broadcast_in_dim3A_432 = vector.broadcast %broadcast_in_dim3A_431 : i32 to vector<16xi32>
          %gather3A_433 = arith.constant 0 : i32
          %gather3A_434 = arith.constant 0 : i32
          %gather3A_435 = tpu.memref_slice %arg9[%while3A_170, %gather3A_433, %gather3A_434] : memref<1x32x1024xf32, #tpu.memory_space<vmem>> -> memref<1x32x1024xf32, #tpu.memory_space<vmem>>
          %gather3A_436 = tpu.memref_squeeze %gather3A_435 : memref<1x32x1024xf32, #tpu.memory_space<vmem>> -> memref<32x1024xf32, #tpu.memory_space<vmem>>
          %gather3A_437 = tpu.vector_load_idx %gather3A_436[%broadcast_in_dim3A_432, %select_n3A_214] : memref<32x1024xf32, #tpu.memory_space<vmem>>[vector<16xi32>, vector<16xi32>], vector<16xf32>,
          tpu.vector_store_idx %arg11[%iota3A, %broadcast_in_dim3A_432], %gather3A_437 : memref<16x128xf32, #tpu.memory_space<vmem>>[vector<16xi32>, vector<16xi32>], vector<16xf32>,
          %jit3A_438 = arith.constant -1 : i32
          %broadcast_in_dim3A_439 = vector.broadcast %jit3A_438 : i32 to vector<16xi32>
          %select_n3A_440 = arith.select %and3A_195, %get3A_191, %broadcast_in_dim3A_439 : vector<16xi1>, vector<16xi32>
          %dma_start3A_441 = arith.constant 0 : i32
          %dma_start3A_442 = arith.constant 0 : i32
          %dma_start3A_443 = tpu.memref_slice %arg5[%dma_start3A_441, %dma_start3A_442] : memref<16384x128xf32, #tpu.memory_space<hbm>> -> memref<16384x128xf32, #tpu.memory_space<hbm>>
          %dma_start3A_444 = arith.constant -1 : i32
          tpu.enqueue_indirect_dma source(%arg11 : memref<16x128xf32, #tpu.memory_space<vmem>>) target(%dma_start3A_443 : memref<16384x128xf32, #tpu.memory_space<hbm>>) offsets(%select_n3A_440 : vector<16xi32>) offset_filter(%dma_start3A_444) semaphore(%arg13 : memref<!tpu.dma_semaphore, #tpu.memory_space<semaphore_mem>>)
          %dma_wait3A = arith.constant 0 : i32
          %dma_wait3A_445 = arith.constant 0 : i32
          %dma_wait3A_446 = tpu.memref_slice %arg5[%dma_wait3A, %dma_wait3A_445] : memref<16384x128xf32, #tpu.memory_space<hbm>> -> memref<16384x128xf32, #tpu.memory_space<hbm>>
          tpu.wait_indirect_dma semaphore(%arg13 : memref<!tpu.dma_semaphore, #tpu.memory_space<semaphore_mem>>) src(%arg11 : memref<16x128xf32, #tpu.memory_space<vmem>>) dst(%dma_wait3A_446 : memref<16384x128xf32, #tpu.memory_space<hbm>>)
        } else {
        }
        %while3A_209 = arith.constant 0 : i32
        scf.yield %while3A_209 : i32
      }
      %while3A_181 = arith.constant 1 : i32
      %while3A_182 = scf.for %while3A_183 = %while3A_178 to %while3A_174 step %while3A_181 iter_args(%while3A_184 = %while3A_180) -> (i32)  : i32 {
        %mul3A_185 = arith.constant 16 : i32
        %mul3A_186 = arith.muli %while3A_183, %mul3A_185 : i32
        %get3A = arith.index_cast %mul3A_186 : i32 to index
        %get3A_187 = tpu.vector_load %arg7[%get3A] {strides = array<i32>} : memref<16400xi32, #tpu.memory_space<vmem>>, vector<16xi32>,
        %mul3A_188 = arith.constant 16 : i32
        %mul3A_189 = arith.muli %while3A_183, %mul3A_188 : i32
        %get3A_190 = arith.index_cast %mul3A_189 : i32 to index
        %get3A_191 = tpu.vector_load %arg8[%get3A_190] {strides = array<i32>} : memref<16384xi32, #tpu.memory_space<vmem>>, vector<16xi32>,
        %ge3A = vector.broadcast %while3A_168 : i32 to vector<16xi32>
        %ge3A_192 = arith.cmpi sge, %get3A_187, %ge3A : vector<16xi32>
        %add3A_193 = arith.addi %while3A_168, %while3A_169 : i32
        %lt3A = vector.broadcast %add3A_193 : i32 to vector<16xi32>
        %lt3A_194 = arith.cmpi slt, %get3A_187, %lt3A : vector<16xi32>
        %and3A_195 = arith.andi %ge3A_192, %lt3A_194 : vector<16xi1>
        %reduce_or3A = arith.constant 1.000000e+00 : f32
        %reduce_or3A_196 = arith.constant 0.000000e+00 : f32
        %reduce_or3A_197 = vector.broadcast %reduce_or3A : f32 to vector<16xf32>
        %reduce_or3A_198 = vector.broadcast %reduce_or3A_196 : f32 to vector<16xf32>
        %reduce_or3A_199 = arith.select %and3A_195, %reduce_or3A_197, %reduce_or3A_198 : vector<16xi1>, vector<16xf32>
        %reduce_or3A_200 = arith.constant true
        %reduce_or3A_201 = vector.broadcast %reduce_or3A_200 : i1 to vector<16xi1>
        %reduce_or3A_202 = tpu.scan <max>, %reduce_or3A_199 masked %reduce_or3A_201 : vector<16xf32>, vector<16xi1> -> vector<16xf32>
        %reduce_or3A_203 = vector.extract %reduce_or3A_202[15] : f32 from vector<16xf32>
        %reduce_or3A_204 = arith.constant 0.000000e+00 : f32
        %reduce_or3A_205 = arith.cmpf ogt, %reduce_or3A_203, %reduce_or3A_204 : f32
        %convert_element_type3A_206 = arith.extui %reduce_or3A_205 : i1 to i32
        %cond3A_207 = arith.constant 0 : i32
        %cond3A_208 = arith.cmpi ne, %convert_element_type3A_206, %cond3A_207 : i32
        scf.if %cond3A_208 {
          %sub3A_210 = vector.broadcast %while3A_168 : i32 to vector<16xi32>
          %sub3A_211 = arith.subi %get3A_187, %sub3A_210 : vector<16xi32>
          %jit3A_212 = arith.constant 0 : i32
          %broadcast_in_dim3A_213 = vector.broadcast %jit3A_212 : i32 to vector<16xi32>
          %select_n3A_214 = arith.select %and3A_195, %sub3A_211, %broadcast_in_dim3A_213 : vector<16xi1>, vector<16xi32>
          %broadcast_in_dim3A_215 = arith.constant 0 : i32
          %broadcast_in_dim3A_216 = vector.broadcast %broadcast_in_dim3A_215 : i32 to vector<16xi32>
          %gather3A = arith.constant 0 : i32
          %gather3A_217 = arith.constant 0 : i32
          %gather3A_218 = tpu.memref_slice %arg9[%while3A_170, %gather3A, %gather3A_217] : memref<1x32x1024xf32, #tpu.memory_space<vmem>> -> memref<1x32x1024xf32, #tpu.memory_space<vmem>>
          %gather3A_219 = tpu.memref_squeeze %gather3A_218 : memref<1x32x1024xf32, #tpu.memory_space<vmem>> -> memref<32x1024xf32, #tpu.memory_space<vmem>>
          %gather3A_220 = tpu.vector_load_idx %gather3A_219[%broadcast_in_dim3A_216, %select_n3A_214] : memref<32x1024xf32, #tpu.memory_space<vmem>>[vector<16xi32>, vector<16xi32>], vector<16xf32>,
          tpu.vector_store_idx %arg11[%iota3A, %broadcast_in_dim3A_216], %gather3A_220 : memref<16x128xf32, #tpu.memory_space<vmem>>[vector<16xi32>, vector<16xi32>], vector<16xf32>,
          %broadcast_in_dim3A_221 = arith.constant 1 : i32
          %broadcast_in_dim3A_222 = vector.broadcast %broadcast_in_dim3A_221 : i32 to vector<16xi32>
          %gather3A_223 = arith.constant 0 : i32
          %gather3A_224 = arith.constant 0 : i32
          %gather3A_225 = tpu.memref_slice %arg9[%while3A_170, %gather3A_223, %gather3A_224] : memref<1x32x1024xf32, #tpu.memory_space<vmem>> -> memref<1x32x1024xf32, #tpu.memory_space<vmem>>
          %gather3A_226 = tpu.memref_squeeze %gather3A_225 : memref<1x32x1024xf32, #tpu.memory_space<vmem>> -> memref<32x1024xf32, #tpu.memory_space<vmem>>
          %gather3A_227 = tpu.vector_load_idx %gather3A_226[%broadcast_in_dim3A_222, %select_n3A_214] : memref<32x1024xf32, #tpu.memory_space<vmem>>[vector<16xi32>, vector<16xi32>], vector<16xf32>,
          tpu.vector_store_idx %arg11[%iota3A, %broadcast_in_dim3A_222], %gather3A_227 : memref<16x128xf32, #tpu.memory_space<vmem>>[vector<16xi32>, vector<16xi32>], vector<16xf32>,
          %broadcast_in_dim3A_228 = arith.constant 2 : i32
          %broadcast_in_dim3A_229 = vector.broadcast %broadcast_in_dim3A_228 : i32 to vector<16xi32>
          %gather3A_230 = arith.constant 0 : i32
          %gather3A_231 = arith.constant 0 : i32
          %gather3A_232 = tpu.memref_slice %arg9[%while3A_170, %gather3A_230, %gather3A_231] : memref<1x32x1024xf32, #tpu.memory_space<vmem>> -> memref<1x32x1024xf32, #tpu.memory_space<vmem>>
          %gather3A_233 = tpu.memref_squeeze %gather3A_232 : memref<1x32x1024xf32, #tpu.memory_space<vmem>> -> memref<32x1024xf32, #tpu.memory_space<vmem>>
          %gather3A_234 = tpu.vector_load_idx %gather3A_233[%broadcast_in_dim3A_229, %select_n3A_214] : memref<32x1024xf32, #tpu.memory_space<vmem>>[vector<16xi32>, vector<16xi32>], vector<16xf32>,
          tpu.vector_store_idx %arg11[%iota3A, %broadcast_in_dim3A_229], %gather3A_234 : memref<16x128xf32, #tpu.memory_space<vmem>>[vector<16xi32>, vector<16xi32>], vector<16xf32>,
          %broadcast_in_dim3A_235 = arith.constant 3 : i32
          %broadcast_in_dim3A_236 = vector.broadcast %broadcast_in_dim3A_235 : i32 to vector<16xi32>
          %gather3A_237 = arith.constant 0 : i32
          %gather3A_238 = arith.constant 0 : i32
          %gather3A_239 = tpu.memref_slice %arg9[%while3A_170, %gather3A_237, %gather3A_238] : memref<1x32x1024xf32, #tpu.memory_space<vmem>> -> memref<1x32x1024xf32, #tpu.memory_space<vmem>>
          %gather3A_240 = tpu.memref_squeeze %gather3A_239 : memref<1x32x1024xf32, #tpu.memory_space<vmem>> -> memref<32x1024xf32, #tpu.memory_space<vmem>>
          %gather3A_241 = tpu.vector_load_idx %gather3A_240[%broadcast_in_dim3A_236, %select_n3A_214] : memref<32x1024xf32, #tpu.memory_space<vmem>>[vector<16xi32>, vector<16xi32>], vector<16xf32>,
          tpu.vector_store_idx %arg11[%iota3A, %broadcast_in_dim3A_236], %gather3A_241 : memref<16x128xf32, #tpu.memory_space<vmem>>[vector<16xi32>, vector<16xi32>], vector<16xf32>,
          %broadcast_in_dim3A_242 = arith.constant 4 : i32
          %broadcast_in_dim3A_243 = vector.broadcast %broadcast_in_dim3A_242 : i32 to vector<16xi32>
          %gather3A_244 = arith.constant 0 : i32
          %gather3A_245 = arith.constant 0 : i32
          %gather3A_246 = tpu.memref_slice %arg9[%while3A_170, %gather3A_244, %gather3A_245] : memref<1x32x1024xf32, #tpu.memory_space<vmem>> -> memref<1x32x1024xf32, #tpu.memory_space<vmem>>
          %gather3A_247 = tpu.memref_squeeze %gather3A_246 : memref<1x32x1024xf32, #tpu.memory_space<vmem>> -> memref<32x1024xf32, #tpu.memory_space<vmem>>
          %gather3A_248 = tpu.vector_load_idx %gather3A_247[%broadcast_in_dim3A_243, %select_n3A_214] : memref<32x1024xf32, #tpu.memory_space<vmem>>[vector<16xi32>, vector<16xi32>], vector<16xf32>,
          tpu.vector_store_idx %arg11[%iota3A, %broadcast_in_dim3A_243], %gather3A_248 : memref<16x128xf32, #tpu.memory_space<vmem>>[vector<16xi32>, vector<16xi32>], vector<16xf32>,
          %broadcast_in_dim3A_249 = arith.constant 5 : i32
          %broadcast_in_dim3A_250 = vector.broadcast %broadcast_in_dim3A_249 : i32 to vector<16xi32>
          %gather3A_251 = arith.constant 0 : i32
          %gather3A_252 = arith.constant 0 : i32
          %gather3A_253 = tpu.memref_slice %arg9[%while3A_170, %gather3A_251, %gather3A_252] : memref<1x32x1024xf32, #tpu.memory_space<vmem>> -> memref<1x32x1024xf32, #tpu.memory_space<vmem>>
          %gather3A_254 = tpu.memref_squeeze %gather3A_253 : memref<1x32x1024xf32, #tpu.memory_space<vmem>> -> memref<32x1024xf32, #tpu.memory_space<vmem>>
          %gather3A_255 = tpu.vector_load_idx %gather3A_254[%broadcast_in_dim3A_250, %select_n3A_214] : memref<32x1024xf32, #tpu.memory_space<vmem>>[vector<16xi32>, vector<16xi32>], vector<16xf32>,
          tpu.vector_store_idx %arg11[%iota3A, %broadcast_in_dim3A_250], %gather3A_255 : memref<16x128xf32, #tpu.memory_space<vmem>>[vector<16xi32>, vector<16xi32>], vector<16xf32>,
          %broadcast_in_dim3A_256 = arith.constant 6 : i32
          %broadcast_in_dim3A_257 = vector.broadcast %broadcast_in_dim3A_256 : i32 to vector<16xi32>
          %gather3A_258 = arith.constant 0 : i32
          %gather3A_259 = arith.constant 0 : i32
          %gather3A_260 = tpu.memref_slice %arg9[%while3A_170, %gather3A_258, %gather3A_259] : memref<1x32x1024xf32, #tpu.memory_space<vmem>> -> memref<1x32x1024xf32, #tpu.memory_space<vmem>>
          %gather3A_261 = tpu.memref_squeeze %gather3A_260 : memref<1x32x1024xf32, #tpu.memory_space<vmem>> -> memref<32x1024xf32, #tpu.memory_space<vmem>>
          %gather3A_262 = tpu.vector_load_idx %gather3A_261[%broadcast_in_dim3A_257, %select_n3A_214] : memref<32x1024xf32, #tpu.memory_space<vmem>>[vector<16xi32>, vector<16xi32>], vector<16xf32>,
          tpu.vector_store_idx %arg11[%iota3A, %broadcast_in_dim3A_257], %gather3A_262 : memref<16x128xf32, #tpu.memory_space<vmem>>[vector<16xi32>, vector<16xi32>], vector<16xf32>,
          %broadcast_in_dim3A_263 = arith.constant 7 : i32
          %broadcast_in_dim3A_264 = vector.broadcast %broadcast_in_dim3A_263 : i32 to vector<16xi32>
          %gather3A_265 = arith.constant 0 : i32
          %gather3A_266 = arith.constant 0 : i32
          %gather3A_267 = tpu.memref_slice %arg9[%while3A_170, %gather3A_265, %gather3A_266] : memref<1x32x1024xf32, #tpu.memory_space<vmem>> -> memref<1x32x1024xf32, #tpu.memory_space<vmem>>
          %gather3A_268 = tpu.memref_squeeze %gather3A_267 : memref<1x32x1024xf32, #tpu.memory_space<vmem>> -> memref<32x1024xf32, #tpu.memory_space<vmem>>
          %gather3A_269 = tpu.vector_load_idx %gather3A_268[%broadcast_in_dim3A_264, %select_n3A_214] : memref<32x1024xf32, #tpu.memory_space<vmem>>[vector<16xi32>, vector<16xi32>], vector<16xf32>,
          tpu.vector_store_idx %arg11[%iota3A, %broadcast_in_dim3A_264], %gather3A_269 : memref<16x128xf32, #tpu.memory_space<vmem>>[vector<16xi32>, vector<16xi32>], vector<16xf32>,
          %broadcast_in_dim3A_270 = arith.constant 8 : i32
          %broadcast_in_dim3A_271 = vector.broadcast %broadcast_in_dim3A_270 : i32 to vector<16xi32>
          %gather3A_272 = arith.constant 0 : i32
          %gather3A_273 = arith.constant 0 : i32
          %gather3A_274 = tpu.memref_slice %arg9[%while3A_170, %gather3A_272, %gather3A_273] : memref<1x32x1024xf32, #tpu.memory_space<vmem>> -> memref<1x32x1024xf32, #tpu.memory_space<vmem>>
          %gather3A_275 = tpu.memref_squeeze %gather3A_274 : memref<1x32x1024xf32, #tpu.memory_space<vmem>> -> memref<32x1024xf32, #tpu.memory_space<vmem>>
          %gather3A_276 = tpu.vector_load_idx %gather3A_275[%broadcast_in_dim3A_271, %select_n3A_214] : memref<32x1024xf32, #tpu.memory_space<vmem>>[vector<16xi32>, vector<16xi32>], vector<16xf32>,
          tpu.vector_store_idx %arg11[%iota3A, %broadcast_in_dim3A_271], %gather3A_276 : memref<16x128xf32, #tpu.memory_space<vmem>>[vector<16xi32>, vector<16xi32>], vector<16xf32>,
          %broadcast_in_dim3A_277 = arith.constant 9 : i32
          %broadcast_in_dim3A_278 = vector.broadcast %broadcast_in_dim3A_277 : i32 to vector<16xi32>
          %gather3A_279 = arith.constant 0 : i32
          %gather3A_280 = arith.constant 0 : i32
          %gather3A_281 = tpu.memref_slice %arg9[%while3A_170, %gather3A_279, %gather3A_280] : memref<1x32x1024xf32, #tpu.memory_space<vmem>> -> memref<1x32x1024xf32, #tpu.memory_space<vmem>>
          %gather3A_282 = tpu.memref_squeeze %gather3A_281 : memref<1x32x1024xf32, #tpu.memory_space<vmem>> -> memref<32x1024xf32, #tpu.memory_space<vmem>>
          %gather3A_283 = tpu.vector_load_idx %gather3A_282[%broadcast_in_dim3A_278, %select_n3A_214] : memref<32x1024xf32, #tpu.memory_space<vmem>>[vector<16xi32>, vector<16xi32>], vector<16xf32>,
          tpu.vector_store_idx %arg11[%iota3A, %broadcast_in_dim3A_278], %gather3A_283 : memref<16x128xf32, #tpu.memory_space<vmem>>[vector<16xi32>, vector<16xi32>], vector<16xf32>,
          %broadcast_in_dim3A_284 = arith.constant 10 : i32
          %broadcast_in_dim3A_285 = vector.broadcast %broadcast_in_dim3A_284 : i32 to vector<16xi32>
          %gather3A_286 = arith.constant 0 : i32
          %gather3A_287 = arith.constant 0 : i32
          %gather3A_288 = tpu.memref_slice %arg9[%while3A_170, %gather3A_286, %gather3A_287] : memref<1x32x1024xf32, #tpu.memory_space<vmem>> -> memref<1x32x1024xf32, #tpu.memory_space<vmem>>
          %gather3A_289 = tpu.memref_squeeze %gather3A_288 : memref<1x32x1024xf32, #tpu.memory_space<vmem>> -> memref<32x1024xf32, #tpu.memory_space<vmem>>
          %gather3A_290 = tpu.vector_load_idx %gather3A_289[%broadcast_in_dim3A_285, %select_n3A_214] : memref<32x1024xf32, #tpu.memory_space<vmem>>[vector<16xi32>, vector<16xi32>], vector<16xf32>,
          tpu.vector_store_idx %arg11[%iota3A, %broadcast_in_dim3A_285], %gather3A_290 : memref<16x128xf32, #tpu.memory_space<vmem>>[vector<16xi32>, vector<16xi32>], vector<16xf32>,
          %broadcast_in_dim3A_291 = arith.constant 11 : i32
          %broadcast_in_dim3A_292 = vector.broadcast %broadcast_in_dim3A_291 : i32 to vector<16xi32>
          %gather3A_293 = arith.constant 0 : i32
          %gather3A_294 = arith.constant 0 : i32
          %gather3A_295 = tpu.memref_slice %arg9[%while3A_170, %gather3A_293, %gather3A_294] : memref<1x32x1024xf32, #tpu.memory_space<vmem>> -> memref<1x32x1024xf32, #tpu.memory_space<vmem>>
          %gather3A_296 = tpu.memref_squeeze %gather3A_295 : memref<1x32x1024xf32, #tpu.memory_space<vmem>> -> memref<32x1024xf32, #tpu.memory_space<vmem>>
          %gather3A_297 = tpu.vector_load_idx %gather3A_296[%broadcast_in_dim3A_292, %select_n3A_214] : memref<32x1024xf32, #tpu.memory_space<vmem>>[vector<16xi32>, vector<16xi32>], vector<16xf32>,
          tpu.vector_store_idx %arg11[%iota3A, %broadcast_in_dim3A_292], %gather3A_297 : memref<16x128xf32, #tpu.memory_space<vmem>>[vector<16xi32>, vector<16xi32>], vector<16xf32>,
          %broadcast_in_dim3A_298 = arith.constant 12 : i32
          %broadcast_in_dim3A_299 = vector.broadcast %broadcast_in_dim3A_298 : i32 to vector<16xi32>
          %gather3A_300 = arith.constant 0 : i32
          %gather3A_301 = arith.constant 0 : i32
          %gather3A_302 = tpu.memref_slice %arg9[%while3A_170, %gather3A_300, %gather3A_301] : memref<1x32x1024xf32, #tpu.memory_space<vmem>> -> memref<1x32x1024xf32, #tpu.memory_space<vmem>>
          %gather3A_303 = tpu.memref_squeeze %gather3A_302 : memref<1x32x1024xf32, #tpu.memory_space<vmem>> -> memref<32x1024xf32, #tpu.memory_space<vmem>>
          %gather3A_304 = tpu.vector_load_idx %gather3A_303[%broadcast_in_dim3A_299, %select_n3A_214] : memref<32x1024xf32, #tpu.memory_space<vmem>>[vector<16xi32>, vector<16xi32>], vector<16xf32>,
          tpu.vector_store_idx %arg11[%iota3A, %broadcast_in_dim3A_299], %gather3A_304 : memref<16x128xf32, #tpu.memory_space<vmem>>[vector<16xi32>, vector<16xi32>], vector<16xf32>,
          %broadcast_in_dim3A_305 = arith.constant 13 : i32
          %broadcast_in_dim3A_306 = vector.broadcast %broadcast_in_dim3A_305 : i32 to vector<16xi32>
          %gather3A_307 = arith.constant 0 : i32
          %gather3A_308 = arith.constant 0 : i32
          %gather3A_309 = tpu.memref_slice %arg9[%while3A_170, %gather3A_307, %gather3A_308] : memref<1x32x1024xf32, #tpu.memory_space<vmem>> -> memref<1x32x1024xf32, #tpu.memory_space<vmem>>
          %gather3A_310 = tpu.memref_squeeze %gather3A_309 : memref<1x32x1024xf32, #tpu.memory_space<vmem>> -> memref<32x1024xf32, #tpu.memory_space<vmem>>
          %gather3A_311 = tpu.vector_load_idx %gather3A_310[%broadcast_in_dim3A_306, %select_n3A_214] : memref<32x1024xf32, #tpu.memory_space<vmem>>[vector<16xi32>, vector<16xi32>], vector<16xf32>,
          tpu.vector_store_idx %arg11[%iota3A, %broadcast_in_dim3A_306], %gather3A_311 : memref<16x128xf32, #tpu.memory_space<vmem>>[vector<16xi32>, vector<16xi32>], vector<16xf32>,
          %broadcast_in_dim3A_312 = arith.constant 14 : i32
          %broadcast_in_dim3A_313 = vector.broadcast %broadcast_in_dim3A_312 : i32 to vector<16xi32>
          %gather3A_314 = arith.constant 0 : i32
          %gather3A_315 = arith.constant 0 : i32
          %gather3A_316 = tpu.memref_slice %arg9[%while3A_170, %gather3A_314, %gather3A_315] : memref<1x32x1024xf32, #tpu.memory_space<vmem>> -> memref<1x32x1024xf32, #tpu.memory_space<vmem>>
          %gather3A_317 = tpu.memref_squeeze %gather3A_316 : memref<1x32x1024xf32, #tpu.memory_space<vmem>> -> memref<32x1024xf32, #tpu.memory_space<vmem>>
          %gather3A_318 = tpu.vector_load_idx %gather3A_317[%broadcast_in_dim3A_313, %select_n3A_214] : memref<32x1024xf32, #tpu.memory_space<vmem>>[vector<16xi32>, vector<16xi32>], vector<16xf32>,
          tpu.vector_store_idx %arg11[%iota3A, %broadcast_in_dim3A_313], %gather3A_318 : memref<16x128xf32, #tpu.memory_space<vmem>>[vector<16xi32>, vector<16xi32>], vector<16xf32>,
          %broadcast_in_dim3A_319 = arith.constant 15 : i32
          %broadcast_in_dim3A_320 = vector.broadcast %broadcast_in_dim3A_319 : i32 to vector<16xi32>
          %gather3A_321 = arith.constant 0 : i32
          %gather3A_322 = arith.constant 0 : i32
          %gather3A_323 = tpu.memref_slice %arg9[%while3A_170, %gather3A_321, %gather3A_322] : memref<1x32x1024xf32, #tpu.memory_space<vmem>> -> memref<1x32x1024xf32, #tpu.memory_space<vmem>>
          %gather3A_324 = tpu.memref_squeeze %gather3A_323 : memref<1x32x1024xf32, #tpu.memory_space<vmem>> -> memref<32x1024xf32, #tpu.memory_space<vmem>>
          %gather3A_325 = tpu.vector_load_idx %gather3A_324[%broadcast_in_dim3A_320, %select_n3A_214] : memref<32x1024xf32, #tpu.memory_space<vmem>>[vector<16xi32>, vector<16xi32>], vector<16xf32>,
          tpu.vector_store_idx %arg11[%iota3A, %broadcast_in_dim3A_320], %gather3A_325 : memref<16x128xf32, #tpu.memory_space<vmem>>[vector<16xi32>, vector<16xi32>], vector<16xf32>,
          %broadcast_in_dim3A_326 = arith.constant 16 : i32
          %broadcast_in_dim3A_327 = vector.broadcast %broadcast_in_dim3A_326 : i32 to vector<16xi32>
          %gather3A_328 = arith.constant 0 : i32
          %gather3A_329 = arith.constant 0 : i32
          %gather3A_330 = tpu.memref_slice %arg9[%while3A_170, %gather3A_328, %gather3A_329] : memref<1x32x1024xf32, #tpu.memory_space<vmem>> -> memref<1x32x1024xf32, #tpu.memory_space<vmem>>
          %gather3A_331 = tpu.memref_squeeze %gather3A_330 : memref<1x32x1024xf32, #tpu.memory_space<vmem>> -> memref<32x1024xf32, #tpu.memory_space<vmem>>
          %gather3A_332 = tpu.vector_load_idx %gather3A_331[%broadcast_in_dim3A_327, %select_n3A_214] : memref<32x1024xf32, #tpu.memory_space<vmem>>[vector<16xi32>, vector<16xi32>], vector<16xf32>,
          tpu.vector_store_idx %arg11[%iota3A, %broadcast_in_dim3A_327], %gather3A_332 : memref<16x128xf32, #tpu.memory_space<vmem>>[vector<16xi32>, vector<16xi32>], vector<16xf32>,
          %broadcast_in_dim3A_333 = arith.constant 17 : i32
          %broadcast_in_dim3A_334 = vector.broadcast %broadcast_in_dim3A_333 : i32 to vector<16xi32>
          %gather3A_335 = arith.constant 0 : i32
          %gather3A_336 = arith.constant 0 : i32
          %gather3A_337 = tpu.memref_slice %arg9[%while3A_170, %gather3A_335, %gather3A_336] : memref<1x32x1024xf32, #tpu.memory_space<vmem>> -> memref<1x32x1024xf32, #tpu.memory_space<vmem>>
          %gather3A_338 = tpu.memref_squeeze %gather3A_337 : memref<1x32x1024xf32, #tpu.memory_space<vmem>> -> memref<32x1024xf32, #tpu.memory_space<vmem>>
          %gather3A_339 = tpu.vector_load_idx %gather3A_338[%broadcast_in_dim3A_334, %select_n3A_214] : memref<32x1024xf32, #tpu.memory_space<vmem>>[vector<16xi32>, vector<16xi32>], vector<16xf32>,
          tpu.vector_store_idx %arg11[%iota3A, %broadcast_in_dim3A_334], %gather3A_339 : memref<16x128xf32, #tpu.memory_space<vmem>>[vector<16xi32>, vector<16xi32>], vector<16xf32>,
          %broadcast_in_dim3A_340 = arith.constant 18 : i32
          %broadcast_in_dim3A_341 = vector.broadcast %broadcast_in_dim3A_340 : i32 to vector<16xi32>
          %gather3A_342 = arith.constant 0 : i32
          %gather3A_343 = arith.constant 0 : i32
          %gather3A_344 = tpu.memref_slice %arg9[%while3A_170, %gather3A_342, %gather3A_343] : memref<1x32x1024xf32, #tpu.memory_space<vmem>> -> memref<1x32x1024xf32, #tpu.memory_space<vmem>>
          %gather3A_345 = tpu.memref_squeeze %gather3A_344 : memref<1x32x1024xf32, #tpu.memory_space<vmem>> -> memref<32x1024xf32, #tpu.memory_space<vmem>>
          %gather3A_346 = tpu.vector_load_idx %gather3A_345[%broadcast_in_dim3A_341, %select_n3A_214] : memref<32x1024xf32, #tpu.memory_space<vmem>>[vector<16xi32>, vector<16xi32>], vector<16xf32>,
          tpu.vector_store_idx %arg11[%iota3A, %broadcast_in_dim3A_341], %gather3A_346 : memref<16x128xf32, #tpu.memory_space<vmem>>[vector<16xi32>, vector<16xi32>], vector<16xf32>,
          %broadcast_in_dim3A_347 = arith.constant 19 : i32
          %broadcast_in_dim3A_348 = vector.broadcast %broadcast_in_dim3A_347 : i32 to vector<16xi32>
          %gather3A_349 = arith.constant 0 : i32
          %gather3A_350 = arith.constant 0 : i32
          %gather3A_351 = tpu.memref_slice %arg9[%while3A_170, %gather3A_349, %gather3A_350] : memref<1x32x1024xf32, #tpu.memory_space<vmem>> -> memref<1x32x1024xf32, #tpu.memory_space<vmem>>
          %gather3A_352 = tpu.memref_squeeze %gather3A_351 : memref<1x32x1024xf32, #tpu.memory_space<vmem>> -> memref<32x1024xf32, #tpu.memory_space<vmem>>
          %gather3A_353 = tpu.vector_load_idx %gather3A_352[%broadcast_in_dim3A_348, %select_n3A_214] : memref<32x1024xf32, #tpu.memory_space<vmem>>[vector<16xi32>, vector<16xi32>], vector<16xf32>,
          tpu.vector_store_idx %arg11[%iota3A, %broadcast_in_dim3A_348], %gather3A_353 : memref<16x128xf32, #tpu.memory_space<vmem>>[vector<16xi32>, vector<16xi32>], vector<16xf32>,
          %broadcast_in_dim3A_354 = arith.constant 20 : i32
          %broadcast_in_dim3A_355 = vector.broadcast %broadcast_in_dim3A_354 : i32 to vector<16xi32>
          %gather3A_356 = arith.constant 0 : i32
          %gather3A_357 = arith.constant 0 : i32
          %gather3A_358 = tpu.memref_slice %arg9[%while3A_170, %gather3A_356, %gather3A_357] : memref<1x32x1024xf32, #tpu.memory_space<vmem>> -> memref<1x32x1024xf32, #tpu.memory_space<vmem>>
          %gather3A_359 = tpu.memref_squeeze %gather3A_358 : memref<1x32x1024xf32, #tpu.memory_space<vmem>> -> memref<32x1024xf32, #tpu.memory_space<vmem>>
          %gather3A_360 = tpu.vector_load_idx %gather3A_359[%broadcast_in_dim3A_355, %select_n3A_214] : memref<32x1024xf32, #tpu.memory_space<vmem>>[vector<16xi32>, vector<16xi32>], vector<16xf32>,
          tpu.vector_store_idx %arg11[%iota3A, %broadcast_in_dim3A_355], %gather3A_360 : memref<16x128xf32, #tpu.memory_space<vmem>>[vector<16xi32>, vector<16xi32>], vector<16xf32>,
          %broadcast_in_dim3A_361 = arith.constant 21 : i32
          %broadcast_in_dim3A_362 = vector.broadcast %broadcast_in_dim3A_361 : i32 to vector<16xi32>
          %gather3A_363 = arith.constant 0 : i32
          %gather3A_364 = arith.constant 0 : i32
          %gather3A_365 = tpu.memref_slice %arg9[%while3A_170, %gather3A_363, %gather3A_364] : memref<1x32x1024xf32, #tpu.memory_space<vmem>> -> memref<1x32x1024xf32, #tpu.memory_space<vmem>>
          %gather3A_366 = tpu.memref_squeeze %gather3A_365 : memref<1x32x1024xf32, #tpu.memory_space<vmem>> -> memref<32x1024xf32, #tpu.memory_space<vmem>>
          %gather3A_367 = tpu.vector_load_idx %gather3A_366[%broadcast_in_dim3A_362, %select_n3A_214] : memref<32x1024xf32, #tpu.memory_space<vmem>>[vector<16xi32>, vector<16xi32>], vector<16xf32>,
          tpu.vector_store_idx %arg11[%iota3A, %broadcast_in_dim3A_362], %gather3A_367 : memref<16x128xf32, #tpu.memory_space<vmem>>[vector<16xi32>, vector<16xi32>], vector<16xf32>,
          %broadcast_in_dim3A_368 = arith.constant 22 : i32
          %broadcast_in_dim3A_369 = vector.broadcast %broadcast_in_dim3A_368 : i32 to vector<16xi32>
          %gather3A_370 = arith.constant 0 : i32
          %gather3A_371 = arith.constant 0 : i32
          %gather3A_372 = tpu.memref_slice %arg9[%while3A_170, %gather3A_370, %gather3A_371] : memref<1x32x1024xf32, #tpu.memory_space<vmem>> -> memref<1x32x1024xf32, #tpu.memory_space<vmem>>
          %gather3A_373 = tpu.memref_squeeze %gather3A_372 : memref<1x32x1024xf32, #tpu.memory_space<vmem>> -> memref<32x1024xf32, #tpu.memory_space<vmem>>
          %gather3A_374 = tpu.vector_load_idx %gather3A_373[%broadcast_in_dim3A_369, %select_n3A_214] : memref<32x1024xf32, #tpu.memory_space<vmem>>[vector<16xi32>, vector<16xi32>], vector<16xf32>,
          tpu.vector_store_idx %arg11[%iota3A, %broadcast_in_dim3A_369], %gather3A_374 : memref<16x128xf32, #tpu.memory_space<vmem>>[vector<16xi32>, vector<16xi32>], vector<16xf32>,
          %broadcast_in_dim3A_375 = arith.constant 23 : i32
          %broadcast_in_dim3A_376 = vector.broadcast %broadcast_in_dim3A_375 : i32 to vector<16xi32>
          %gather3A_377 = arith.constant 0 : i32
          %gather3A_378 = arith.constant 0 : i32
          %gather3A_379 = tpu.memref_slice %arg9[%while3A_170, %gather3A_377, %gather3A_378] : memref<1x32x1024xf32, #tpu.memory_space<vmem>> -> memref<1x32x1024xf32, #tpu.memory_space<vmem>>
          %gather3A_380 = tpu.memref_squeeze %gather3A_379 : memref<1x32x1024xf32, #tpu.memory_space<vmem>> -> memref<32x1024xf32, #tpu.memory_space<vmem>>
          %gather3A_381 = tpu.vector_load_idx %gather3A_380[%broadcast_in_dim3A_376, %select_n3A_214] : memref<32x1024xf32, #tpu.memory_space<vmem>>[vector<16xi32>, vector<16xi32>], vector<16xf32>,
          tpu.vector_store_idx %arg11[%iota3A, %broadcast_in_dim3A_376], %gather3A_381 : memref<16x128xf32, #tpu.memory_space<vmem>>[vector<16xi32>, vector<16xi32>], vector<16xf32>,
          %broadcast_in_dim3A_382 = arith.constant 24 : i32
          %broadcast_in_dim3A_383 = vector.broadcast %broadcast_in_dim3A_382 : i32 to vector<16xi32>
          %gather3A_384 = arith.constant 0 : i32
          %gather3A_385 = arith.constant 0 : i32
          %gather3A_386 = tpu.memref_slice %arg9[%while3A_170, %gather3A_384, %gather3A_385] : memref<1x32x1024xf32, #tpu.memory_space<vmem>> -> memref<1x32x1024xf32, #tpu.memory_space<vmem>>
          %gather3A_387 = tpu.memref_squeeze %gather3A_386 : memref<1x32x1024xf32, #tpu.memory_space<vmem>> -> memref<32x1024xf32, #tpu.memory_space<vmem>>
          %gather3A_388 = tpu.vector_load_idx %gather3A_387[%broadcast_in_dim3A_383, %select_n3A_214] : memref<32x1024xf32, #tpu.memory_space<vmem>>[vector<16xi32>, vector<16xi32>], vector<16xf32>,
          tpu.vector_store_idx %arg11[%iota3A, %broadcast_in_dim3A_383], %gather3A_388 : memref<16x128xf32, #tpu.memory_space<vmem>>[vector<16xi32>, vector<16xi32>], vector<16xf32>,
          %broadcast_in_dim3A_389 = arith.constant 25 : i32
          %broadcast_in_dim3A_390 = vector.broadcast %broadcast_in_dim3A_389 : i32 to vector<16xi32>
          %gather3A_391 = arith.constant 0 : i32
          %gather3A_392 = arith.constant 0 : i32
          %gather3A_393 = tpu.memref_slice %arg9[%while3A_170, %gather3A_391, %gather3A_392] : memref<1x32x1024xf32, #tpu.memory_space<vmem>> -> memref<1x32x1024xf32, #tpu.memory_space<vmem>>
          %gather3A_394 = tpu.memref_squeeze %gather3A_393 : memref<1x32x1024xf32, #tpu.memory_space<vmem>> -> memref<32x1024xf32, #tpu.memory_space<vmem>>
          %gather3A_395 = tpu.vector_load_idx %gather3A_394[%broadcast_in_dim3A_390, %select_n3A_214] : memref<32x1024xf32, #tpu.memory_space<vmem>>[vector<16xi32>, vector<16xi32>], vector<16xf32>,
          tpu.vector_store_idx %arg11[%iota3A, %broadcast_in_dim3A_390], %gather3A_395 : memref<16x128xf32, #tpu.memory_space<vmem>>[vector<16xi32>, vector<16xi32>], vector<16xf32>,
          %broadcast_in_dim3A_396 = arith.constant 26 : i32
          %broadcast_in_dim3A_397 = vector.broadcast %broadcast_in_dim3A_396 : i32 to vector<16xi32>
          %gather3A_398 = arith.constant 0 : i32
          %gather3A_399 = arith.constant 0 : i32
          %gather3A_400 = tpu.memref_slice %arg9[%while3A_170, %gather3A_398, %gather3A_399] : memref<1x32x1024xf32, #tpu.memory_space<vmem>> -> memref<1x32x1024xf32, #tpu.memory_space<vmem>>
          %gather3A_401 = tpu.memref_squeeze %gather3A_400 : memref<1x32x1024xf32, #tpu.memory_space<vmem>> -> memref<32x1024xf32, #tpu.memory_space<vmem>>
          %gather3A_402 = tpu.vector_load_idx %gather3A_401[%broadcast_in_dim3A_397, %select_n3A_214] : memref<32x1024xf32, #tpu.memory_space<vmem>>[vector<16xi32>, vector<16xi32>], vector<16xf32>,
          tpu.vector_store_idx %arg11[%iota3A, %broadcast_in_dim3A_397], %gather3A_402 : memref<16x128xf32, #tpu.memory_space<vmem>>[vector<16xi32>, vector<16xi32>], vector<16xf32>,
          %broadcast_in_dim3A_403 = arith.constant 27 : i32
          %broadcast_in_dim3A_404 = vector.broadcast %broadcast_in_dim3A_403 : i32 to vector<16xi32>
          %gather3A_405 = arith.constant 0 : i32
          %gather3A_406 = arith.constant 0 : i32
          %gather3A_407 = tpu.memref_slice %arg9[%while3A_170, %gather3A_405, %gather3A_406] : memref<1x32x1024xf32, #tpu.memory_space<vmem>> -> memref<1x32x1024xf32, #tpu.memory_space<vmem>>
          %gather3A_408 = tpu.memref_squeeze %gather3A_407 : memref<1x32x1024xf32, #tpu.memory_space<vmem>> -> memref<32x1024xf32, #tpu.memory_space<vmem>>
          %gather3A_409 = tpu.vector_load_idx %gather3A_408[%broadcast_in_dim3A_404, %select_n3A_214] : memref<32x1024xf32, #tpu.memory_space<vmem>>[vector<16xi32>, vector<16xi32>], vector<16xf32>,
          tpu.vector_store_idx %arg11[%iota3A, %broadcast_in_dim3A_404], %gather3A_409 : memref<16x128xf32, #tpu.memory_space<vmem>>[vector<16xi32>, vector<16xi32>], vector<16xf32>,
          %broadcast_in_dim3A_410 = arith.constant 28 : i32
          %broadcast_in_dim3A_411 = vector.broadcast %broadcast_in_dim3A_410 : i32 to vector<16xi32>
          %gather3A_412 = arith.constant 0 : i32
          %gather3A_413 = arith.constant 0 : i32
          %gather3A_414 = tpu.memref_slice %arg9[%while3A_170, %gather3A_412, %gather3A_413] : memref<1x32x1024xf32, #tpu.memory_space<vmem>> -> memref<1x32x1024xf32, #tpu.memory_space<vmem>>
          %gather3A_415 = tpu.memref_squeeze %gather3A_414 : memref<1x32x1024xf32, #tpu.memory_space<vmem>> -> memref<32x1024xf32, #tpu.memory_space<vmem>>
          %gather3A_416 = tpu.vector_load_idx %gather3A_415[%broadcast_in_dim3A_411, %select_n3A_214] : memref<32x1024xf32, #tpu.memory_space<vmem>>[vector<16xi32>, vector<16xi32>], vector<16xf32>,
          tpu.vector_store_idx %arg11[%iota3A, %broadcast_in_dim3A_411], %gather3A_416 : memref<16x128xf32, #tpu.memory_space<vmem>>[vector<16xi32>, vector<16xi32>], vector<16xf32>,
          %broadcast_in_dim3A_417 = arith.constant 29 : i32
          %broadcast_in_dim3A_418 = vector.broadcast %broadcast_in_dim3A_417 : i32 to vector<16xi32>
          %gather3A_419 = arith.constant 0 : i32
          %gather3A_420 = arith.constant 0 : i32
          %gather3A_421 = tpu.memref_slice %arg9[%while3A_170, %gather3A_419, %gather3A_420] : memref<1x32x1024xf32, #tpu.memory_space<vmem>> -> memref<1x32x1024xf32, #tpu.memory_space<vmem>>
          %gather3A_422 = tpu.memref_squeeze %gather3A_421 : memref<1x32x1024xf32, #tpu.memory_space<vmem>> -> memref<32x1024xf32, #tpu.memory_space<vmem>>
          %gather3A_423 = tpu.vector_load_idx %gather3A_422[%broadcast_in_dim3A_418, %select_n3A_214] : memref<32x1024xf32, #tpu.memory_space<vmem>>[vector<16xi32>, vector<16xi32>], vector<16xf32>,
          tpu.vector_store_idx %arg11[%iota3A, %broadcast_in_dim3A_418], %gather3A_423 : memref<16x128xf32, #tpu.memory_space<vmem>>[vector<16xi32>, vector<16xi32>], vector<16xf32>,
          %broadcast_in_dim3A_424 = arith.constant 30 : i32
          %broadcast_in_dim3A_425 = vector.broadcast %broadcast_in_dim3A_424 : i32 to vector<16xi32>
          %gather3A_426 = arith.constant 0 : i32
          %gather3A_427 = arith.constant 0 : i32
          %gather3A_428 = tpu.memref_slice %arg9[%while3A_170, %gather3A_426, %gather3A_427] : memref<1x32x1024xf32, #tpu.memory_space<vmem>> -> memref<1x32x1024xf32, #tpu.memory_space<vmem>>
          %gather3A_429 = tpu.memref_squeeze %gather3A_428 : memref<1x32x1024xf32, #tpu.memory_space<vmem>> -> memref<32x1024xf32, #tpu.memory_space<vmem>>
          %gather3A_430 = tpu.vector_load_idx %gather3A_429[%broadcast_in_dim3A_425, %select_n3A_214] : memref<32x1024xf32, #tpu.memory_space<vmem>>[vector<16xi32>, vector<16xi32>], vector<16xf32>,
          tpu.vector_store_idx %arg11[%iota3A, %broadcast_in_dim3A_425], %gather3A_430 : memref<16x128xf32, #tpu.memory_space<vmem>>[vector<16xi32>, vector<16xi32>], vector<16xf32>,
          %broadcast_in_dim3A_431 = arith.constant 31 : i32
          %broadcast_in_dim3A_432 = vector.broadcast %broadcast_in_dim3A_431 : i32 to vector<16xi32>
          %gather3A_433 = arith.constant 0 : i32
          %gather3A_434 = arith.constant 0 : i32
          %gather3A_435 = tpu.memref_slice %arg9[%while3A_170, %gather3A_433, %gather3A_434] : memref<1x32x1024xf32, #tpu.memory_space<vmem>> -> memref<1x32x1024xf32, #tpu.memory_space<vmem>>
          %gather3A_436 = tpu.memref_squeeze %gather3A_435 : memref<1x32x1024xf32, #tpu.memory_space<vmem>> -> memref<32x1024xf32, #tpu.memory_space<vmem>>
          %gather3A_437 = tpu.vector_load_idx %gather3A_436[%broadcast_in_dim3A_432, %select_n3A_214] : memref<32x1024xf32, #tpu.memory_space<vmem>>[vector<16xi32>, vector<16xi32>], vector<16xf32>,
          tpu.vector_store_idx %arg11[%iota3A, %broadcast_in_dim3A_432], %gather3A_437 : memref<16x128xf32, #tpu.memory_space<vmem>>[vector<16xi32>, vector<16xi32>], vector<16xf32>,
          %jit3A_438 = arith.constant -1 : i32
          %broadcast_in_dim3A_439 = vector.broadcast %jit3A_438 : i32 to vector<16xi32>
          %select_n3A_440 = arith.select %and3A_195, %get3A_191, %broadcast_in_dim3A_439 : vector<16xi1>, vector<16xi32>
          %dma_start3A_441 = arith.constant 0 : i32
          %dma_start3A_442 = arith.constant 0 : i32
          %dma_start3A_443 = tpu.memref_slice %arg5[%dma_start3A_441, %dma_start3A_442] : memref<16384x128xf32, #tpu.memory_space<hbm>> -> memref<16384x128xf32, #tpu.memory_space<hbm>>
          %dma_start3A_444 = arith.constant -1 : i32
          tpu.enqueue_indirect_dma source(%arg11 : memref<16x128xf32, #tpu.memory_space<vmem>>) target(%dma_start3A_443 : memref<16384x128xf32, #tpu.memory_space<hbm>>) offsets(%select_n3A_440 : vector<16xi32>) offset_filter(%dma_start3A_444) semaphore(%arg13 : memref<!tpu.dma_semaphore, #tpu.memory_space<semaphore_mem>>)
          %dma_wait3A = arith.constant 0 : i32
          %dma_wait3A_445 = arith.constant 0 : i32
          %dma_wait3A_446 = tpu.memref_slice %arg5[%dma_wait3A, %dma_wait3A_445] : memref<16384x128xf32, #tpu.memory_space<hbm>> -> memref<16384x128xf32, #tpu.memory_space<hbm>>
          tpu.wait_indirect_dma semaphore(%arg13 : memref<!tpu.dma_semaphore, #tpu.memory_space<semaphore_mem>>) src(%arg11 : memref<16x128xf32, #tpu.memory_space<vmem>>) dst(%dma_wait3A_446 : memref<16384x128xf32, #tpu.memory_space<hbm>>)
        } else {
        }
        %while3A_209 = arith.constant 0 : i32
        scf.yield %while3A_209 : i32
      }
    } else {
    }
    return
  }
}

</mosaic_0001>

<sc_bundles>
// kernel: kernel.3.cloned.1.call-start
scs
__scs_entry_jumppad:
0x0: {  	(pc) =	sbr.rel $0x88, $3  }
0x1: {  	(tag) =	ssettag $0x0;
	lr =	simm.s32 $0x1  }
0x2: {  	[smem:$0x3F9F] =	sst lr;
	_ =	strace $0xD0000000  }
0x3: {  	_ = 	snop  }
0x4: {  	_ = 	snop  }
0x5: {  	_ = 	snop  }
0x6: {  	_ = 	snop  }
0x7: {  	_ = 	snop  }
__scs_overlays_trampoline_lowered:
0x8: {  	[smem:$0x3FAE] =	sst s0  }
0x9: {  	[smem:$0x3FAF] =	sst s1  }
0xa: {  	[smem:$0x3FB0] =	sst s2  }
0xb: {  	[smem:$0x3FB1] =	sst s3  }
0xc: {  	[smem:$0x3FB2] =	sst s4  }
0xd: {  	[smem:$0x3FB3] =	sst s5  }
0xe: {  	[smem:$0x3FB4] =	sst s6  }
0xf: {  	[smem:$0x3FB5] =	sst s7  }
0x10: {  	[smem:$0x3FB6] =	sst s8  }
0x11: {  	[smem:$0x3FB7] =	sst s9;
	s0 =	simm.s32 @!p0 $0x0  }
0x12: {  	s1 =	sld [smem:$0x3F9D];
	s0 =	simm.s32 @p0 $0x1  }
0x13: {  	[smem:$0x3FB8] =	sst s0;
	s0 =	simm.s32 @!p1 $0x0  }
0x14: {  	s2 =	sld [smem:$0x3F9C];
	s0 =	simm.s32 @p1 $0x1  }
0x15: {  	[smem:$0x3FB9] =	sst s0;
	s0 =	simm.s32 @!p2 $0x0  }
0x16: {  	s3 =	sld [smem:$0x3FDB];
	s0 =	simm.s32 @p2 $0x1  }
0x17: {  	s4 =	simm.s32 $0x1BF5;
	[smem:$0x3FBB] =	sst s0  }
0x18: {  	s0 =	sld [smem:$0x3F9E];
	_ =	swait.ge [sflag:s4], $0x0  }
0x19: {  	s7 =	sld [smem:$0x3F9F]  }
0x1a: {  	s8 =	sadd.s32 $0xFFFFE003, lr  }
0x1b: {  	s9 =	sadd.s32 $0xFFFFFEF7, lr;
	s5 =	simm.s32 $0xFFFFFFFF;
	p2 =	slt.u32 s8, $0xFFFFF086  }
0x1c: {  	p1 =	slt.u32 s9, $0xF7A;
	s5 =	simm.s32 @!p2 $0x0  }
0x1d: {  	s5 =	simm.s32 @p1 $0x1;
	p0 =	seq.s32 s7, s2  }
0x1e: {  	s7 =	smul.u32 @!p0 $0xF7A, s2;
	p2 =	seq.s32 @!p0 s5, $0x0  }
0x1f: {  	s9 =	smul.u32 $0xF7A, s1;
	s8 =	simm.s32 @!p0 $0x1BF5;
	p2 =	por !p2, p0  }
0x20: {  	[sflag:s8] =	ssyncset.s32 @!p0 $0xFFFFF086;
	s6 =	sadd.s32 @!p0 s3, s7;
	s7 =	simm.s32 @!p0 $0x108  }
0x21: {  	s3 =	sadd.s32 s3, s9;
	s6 =	sadd.s32 @!p0 $0x88, s6;
	s7 =	simm.s32 @p2 $0x1082  }
0x22: {  	[simem:s7], [sflag:s8] =	dma.local @!p0 [hbm:s6], $0xF7A  }
0x23: {  	s9 =	sor.u32 $0xD0000000, s2;
	s6 =	simm.s32 $0x108;
	_ =	swait.ge @!p0 [sflag:s8], $0x0  }
0x24: {  	s3 =	sadd.s32 $0x88, s3;
	s6 =	simm.s32 @!p1 $0x1082;
	[sflag:s4] =	ssyncset.s32 $0xFFFFF086  }
0x25: {  	[simem:s6], [sflag:s4] =	dma.local [hbm:s3], $0xF7A  }
0x26: {  	[smem:$0x3F9F] =	sst s1;
	(tag) =	ssettag s2;
	_ =	strace s9  }
0x27: {  	s1 =	sld [smem:$0x3FAF]  }
0x28: {  	s2 =	sld [smem:$0x3FB0]  }
0x29: {  	s4 =	sld [smem:$0x3FB2]  }
0x2a: {  	p0 =	seq.s32 s5, $0x0;
	s5 =	sld [smem:$0x3FB3]  }
0x2b: {  	s6 =	sld [smem:$0x3FB4]  }
0x2c: {  	s7 =	sld [smem:$0x3FB5]  }
0x2d: {  	s3 =	simm.s32 $0x108;
	s8 =	sld [smem:$0x3FB6]  }
0x2e: {  	s3 =	simm.s32 @!p0 $0x1082;
	s9 =	sld [smem:$0x3FB7]  }
0x2f: {  	lr =	sadd.s32 s0, s3;
	s0 =	sld [smem:$0x3FAE]  }
0x30: {  	s3 =	sld [smem:$0x3FB1]  }
0x31: {  	[smem:$0x3FBA] =	sst s10  }
0x32: {  	s10 =	sld [smem:$0x3FB8];
	_ =	sdelay $0x3  }
0x33: {  	p0 =	seq.s32 s10, $0x1;
	s10 =	sld [smem:$0x3FBA];
	_ =	sdelay $0x3  }
0x34: {  	[smem:$0x3FBA] =	sst s10  }
0x35: {  	s10 =	sld [smem:$0x3FB9];
	_ =	sdelay $0x3  }
0x36: {  	p1 =	seq.s32 s10, $0x1;
	s10 =	sld [smem:$0x3FBA];
	_ =	sdelay $0x3  }
0x37: {  	[smem:$0x3FBA] =	sst s10  }
0x38: {  	s10 =	sld [smem:$0x3FBB]  }
0x39: {  	_ = 	snop;
	(pc) =	sbr.ind lr, $3  }
0x3a: {  	_ = 	snop  }
0x3b: {  	_ = 	snop  }
0x3c: {  	p2 =	seq.s32 s10, $0x1;
	s10 =	sld [smem:$0x3FBA]  }
0x3d: {  	_ =	shalt  }
0x3e: {  	_ =	shalt  }
0x3f: {  	_ =	shalt  }
0x40: {  	_ =	shalt  }
0x41: {  	_ =	shalt  }
0x42: {  	_ =	shalt  }
0x43: {  	_ =	shalt  }
0x44: {  	_ =	shalt  }
0x45: {  	_ =	shalt  }
0x46: {  	_ =	shalt  }
0x47: {  	_ =	shalt  }
0x48: {  	_ =	shalt  }
0x49: {  	_ =	shalt  }
0x4a: {  	_ =	shalt  }
0x4b: {  	_ =	shalt  }
0x4c: {  	_ =	shalt  }
0x4d: {  	_ =	shalt  }
0x4e: {  	_ =	shalt  }
0x4f: {  	_ =	shalt  }
0x50: {  	_ =	shalt  }
0x51: {  	_ =	shalt  }
0x52: {  	_ =	shalt  }
0x53: {  	_ =	shalt  }
0x54: {  	_ =	shalt  }
0x55: {  	_ =	shalt  }
0x56: {  	_ =	shalt  }
0x57: {  	_ =	shalt  }
0x58: {  	_ =	shalt  }
0x59: {  	_ =	shalt  }
0x5a: {  	_ =	shalt  }
0x5b: {  	_ =	shalt  }
0x5c: {  	_ =	shalt  }
0x5d: {  	_ =	shalt  }
0x5e: {  	_ =	shalt  }
0x5f: {  	_ =	shalt  }
0x60: {  	_ =	shalt  }
0x61: {  	_ =	shalt  }
0x62: {  	_ =	shalt  }
0x63: {  	_ =	shalt  }
0x64: {  	_ =	shalt  }
0x65: {  	_ =	shalt  }
0x66: {  	_ =	shalt  }
0x67: {  	_ =	shalt  }
0x68: {  	_ =	shalt  }
0x69: {  	_ =	shalt  }
0x6a: {  	_ =	shalt  }
0x6b: {  	_ =	shalt  }
0x6c: {  	_ =	shalt  }
0x6d: {  	_ =	shalt  }
0x6e: {  	_ =	shalt  }
0x6f: {  	_ =	shalt  }
0x70: {  	_ =	shalt  }
0x71: {  	_ =	shalt  }
0x72: {  	_ =	shalt  }
0x73: {  	_ =	shalt  }
0x74: {  	_ =	shalt  }
0x75: {  	_ =	shalt  }
0x76: {  	_ =	shalt  }
0x77: {  	_ =	shalt  }
0x78: {  	_ =	shalt  }
0x79: {  	_ =	shalt  }
0x7a: {  	_ =	shalt  }
0x7b: {  	_ =	shalt  }
0x7c: {  	_ =	shalt  }
0x7d: {  	_ =	shalt  }
0x7e: {  	_ =	shalt  }
0x7f: {  	_ =	shalt  }
0x80: {  	_ =	shalt  }
0x81: {  	_ =	shalt  }
0x82: {  	_ =	shalt  }
0x83: {  	_ =	shalt  }
0x84: {  	_ =	shalt  }
0x85: {  	_ =	shalt  }
0x86: {  	_ =	shalt  }
0x87: {  	_ =	shalt  }
.Lfunc_end0:
.L_simem_size_0:
called_computation_lowered:
.L_overlay_start_0:
0x88: {  	s2 =	sld [smem:$0x3FD9]  }
0x89: {  	s3 =	sld [smem:$0x3FFE];
	_ =	sdelay $0x1  }
0x8a: {  	s1 =	srdreg.scid  }
0x8b: {  	s0 =	sand.u32 $0x1, s1  }
0x8c: {  	s17 =	sshll.u32 s0, $0xA;
	s2 =	sadd.s32 s3, s2  }
0x8d: {  	s2 =	sadd.s32 s2, s17  }
0x8e: {  	[smem:$0x3FC6] =	sst s2  }
0x8f: {  	_ = 	snop  }
0x90: {  	s2 =	sld [smem:$0x3FC9]  }
0x91: {  	s18 =	sld [smem:$0x3FC8]  }
0x92: {  	s4 =	sld [smem:$0x3FD0];
	(tm) =	ssettm $0x1  }
0x93: {  	s5 =	sld [smem:$0x3FFB];
	_ =	sdelay $0x3  }
0x94: {  	_ =	strace s5  }
0x95: {  	s5 =	sld [smem:$0x3FFC];
	_ =	sdelay $0x3  }
0x96: {  	_ =	strace s5  }
0x97: {  	s5 =	sld [smem:$0x3FFD];
	_ =	sdelay $0x3  }
0x98: {  	_ =	strace s5  }
0x99: {  	_ =	strace $0x8FFFFFFF  }
0x9a: {  	s19 =	sld [smem:$0x3FDB];
	_ =	sdelay $0x1  }
0x9b: {  	s6 =	simm.s32 $_scs_section_size  }
0x9c: {  	s7 =	simm.s32 $_size__tile_overlayer_lowered;
	s8 =	simm.s32 $_tile_overlayer_lowered  }
0x9d: {  	s22 =	simm.s32 $0x1BFF;
	s21 =	sshll.u32 s8, $0x1;
	s5 =	sadd.s32 s6, s19  }
0x9e: {  	s9 =	simm.s32 $0x0;
	s20 =	sshll.u32 s7, $0x1;
	s7 =	sadd.s32 s21, s5  }
0x9f: {  	[timem:s9], [sflag:s22] =	dma.local [hbm:s7], s20  }
0xa0: {  	_ =	swait.ge [sflag:s22], s20  }
0xa1: {  	s6 =	ssub.s32 $0x0, s20;
	[sflag:s22] =	ssyncset.done $0x0  }
0xa2: {  	[sflag:s22] =	ssyncadd.s32 s6;
	_ =	sdelay $0x1  }
0xa3: {  	s23 =	simm.s32 $0x1B8B  }
0xa4: {  	_ =	swait.ge [sflag:s23], $0x1  }
0xa5: {  	[sflag:s23] =	ssyncset.done $0x0  }
0xa6: {  	s25 =	simm.s32 $0x1B8E;
	s24 =	sld [smem:$0x3FFE];
	[sflag:s23] =	ssyncadd.s32 $0xFFFFFFFF  }
0xa7: {  	s26 =	simm.s32 $execute0_lowered;
	[smem:$0x3FD2] =	sst s25  }
0xa8: {  	s7 =	sshll.u32 s26, $0x1;
	_ =	strace $0x80000046;
	[dreg:$0x1] =	wrdreg $0xFFFFFFFF  }
0xa9: {  	s28 =	simm.s32 $_size_execute0_lowered;
	s5 =	sadd.s32 s5, s7;
	[dreg:$0x0] =	wrdreg $0x0  }
0xaa: {  	s7 =	sshll.u32 s28, $0x1;
	[dreg:$0x2] =	wrdreg s5  }
0xab: {  	[dreg:$0x3] =	wrdreg s7  }
0xac: {  	[dreg:$0x4] =	wrdreg $0xC0  }
0xad: {  	_ =	task [dreg:s9], $0x5FFFF  }
0xae: {  	[dreg:$0x1] =	wrdreg $0xFFFFFFFF  }
0xaf: {  	[dreg:$0x0] =	wrdreg $0x60  }
0xb0: {  	[dreg:$0x2] =	wrdreg s2  }
0xb1: {  	[dreg:$0x3] =	wrdreg s18  }
0xb2: {  	[dreg:$0x4] =	wrdreg s4  }
0xb3: {  	[dreg:$0x5] =	wrdreg s24  }
0xb4: {  	[dreg:$0x6] =	wrdreg $0x140800  }
0xb5: {  	[dreg:$0x7] =	wrdreg $0x9  }
0xb6: {  	_ =	task.clear_ibuf [dreg:s9], $0x8FFFF;
	_ =	strace $0x90000046  }
0xb7: {  	s29 =	simm.s32 $0x9;
	_ =	strace $0x80000048  }
0xb8: {  	_ =	swait.ge [sflag:s29], $0x1  }
0xb9: {  	[sflag:s29] =	ssyncadd.s32 $0xFFFFFFFF  }
0xba: {  	_ =	strace $0x90000048  }
0xbb: {  	_ =	sfence  }
0xbc: {  	s30 =	sld [smem:$0x0];
	_ =	sdelay $0x2  }
0xbd: {  	s31 =	sshll.u32 s1, $0xD;
	s1 =	sshrl.u32 s1, $0x2  }
0xbe: {  	s3 =	sand.u32 $0x4000, s31;
	s1 =	sadd.s32 s1, s30  }
0xbf: {  	s0 =	sor.u32 s3, s0;
	s1 =	sshll.u32 s1, $0x11  }
0xc0: {  	s0 =	sor.u32 s1, s0  }
0xc1: {  	s0 =	sadd.s32 $0x8F2B, s0  }
0xc2: {  	[sflag:s0] =	ssyncadd.remote.s32 $0x1  }
0xc3: {  	_ =	sfence.sel $0xFFFF  }
0xc4: {  	[dreg:$0x0] =	wrdreg $0xFFFFFFFF;
	(pc) =	sbr.abs _section_cstart, $3  }
0xc5: {  	[dreg:$0x1] =	wrdreg $0xFFFFFFFF  }
0xc6: {  	_ =	task.clear_ibuf [dreg:s9], $0x2FFFF;
	_ =	strace $0x9FFFFFFF  }
0xc7: {  	(tm) =	ssettm $0x7FFFFFFF  }
tec
execute0_lowered:
.L_overlay_start_1:
0x0: {  	(tag) =	ssettag $0x1  }
0x1: {  	s2 =	rddreg [dreg:$0x1]  }
0x2: {  	s10 =	rddreg [dreg:$0x2]  }
0x3: {  	s0 =	rddreg [dreg:$0x3]  }
0x4: {  	s1 =	rddreg [dreg:$0x4];
	s5 =	simm.s32 $0x0  }
0x5: {  	s3 =	srdreg.scid;
	s9 =	stileid.u32;
	s28 =	simm.s32 $0x3  }
0x6: {  	s29 =	simm.s32 $0x4000;
	s30 =	simm.s32 $0x8080;
	s31 =	simm.s32 $0x1  }
0x7: {  	[smem:$0x7FF] =	sst s5;
	s3 =	sand.u32 $0x1, s3;
	s4 =	sshll.u32 s9, $0x1  }
0x8: {  	v0 =	vlaneseq.u32;
	s7 =	sadd.s32 $0x400, s0;
	s17 =	sshll.u32 s9, $0xF;
	s24 =	sadd.s32 $0x80, s10  }
0x9: {  	v1 =	vmul.u32 $0x80, v0;
	s25 =	sadd.s32 $0x100, s10;
	s26 =	sadd.s32 $0x180, s10;
	_ =	strace $0x80000047  }
0xa: {  	v3 =	vimm.s32 $0x40000000;
	v4 =	vimm.s32 $0x0;
	v5 =	vimm.f32 $0.0e+00;
	s8 =	ssub.s32 $0x2, s3;
	s6 =	sor.u32 s3, s4;
	s9 =	sadd.s32 s17, s1  }
0xb: {  	vm0 =	vmmov $0xffff;
	[dreg:$0xc] =	wrdreg s24;
	s16 =	sshrl.u32 s8, $0x1;
	v2 =	vmov s6;
	s3 =	sshll.u32 s6, $0xA;
	v6 =	vor.u32 $0x1, v1  }
0xc: {  	[dreg:$0xd] =	wrdreg s25;
	v7 =	vor.u32 $0x2, v1;
	v8 =	vor.u32 $0x3, v1;
	v9 =	vor.u32 $0x4, v1;
	s0 =	ssub.s32 s8, s16;
	s8 =	sadd.s32 s2, s3  }
0xd: {  	[dreg:$0xe] =	wrdreg s26;
	s1 =	simm.s32 $0x2;
	v10 =	vor.u32 $0x5, v1;
	v11 =	vor.u32 $0x6, v1;
	v12 =	vor.u32 $0x7, v1;
	s18 =	sadd.s32 $0xF4280, s8  }
0xe: {  	s25 =	simm.s32 $0x0;
	v13 =	vor.u32 $0x8, v1;
	v14 =	vor.u32 $0x9, v1;
	v15 =	vor.u32 $0xA, v1;
	s19 =	sadd.s32 $0x1E8500, s8;
	[dreg:$0x6] =	wrdreg s18  }
0xf: {  	s12 =	sadd.s32 $0x2000, s9;
	v16 =	vor.u32 $0xB, v1;
	v17 =	vor.u32 $0xC, v1;
	v18 =	vor.u32 $0xD, v1;
	s20 =	sadd.s32 $0x2DC780, s8;
	[dreg:$0x7] =	wrdreg s19  }
0x10: {  	s13 =	sadd.s32 $0x4000, s9;
	v19 =	vor.u32 $0xE, v1;
	v20 =	vor.u32 $0xF, v1;
	v21 =	vor.u32 $0x10, v1;
	s21 =	sadd.s32 $0x8000, s8;
	[dreg:$0x8] =	wrdreg s20  }
.Ltmp0:
0x11: {  	v22 =	vor.u32 $0x11, v1;
	v23 =	vor.u32 $0x12, v1;
	v24 =	vor.u32 $0x13, v1;
	s22 =	sadd.s32 $0x1F0500, s8;
	[dreg:$0x9] =	wrdreg s21;
	(pc) =	sbr.rel .LBB2_1-.Ltmp0, $4  }
0x12: {  	s15 =	sadd.s32 $0x6000, s9;
	v25 =	vor.u32 $0x14, v1;
	v26 =	vor.u32 $0x15, v1;
	v27 =	vor.u32 $0x16, v1;
	s23 =	sadd.s32 $0xFC280, s8;
	[dreg:$0xa] =	wrdreg s22  }
0x13: {  	p0 =	sne.s32 s6, $0x10;
	v28 =	vor.u32 $0x17, v1;
	v29 =	vor.u32 $0x18, v1;
	v30 =	vor.u32 $0x19, v1;
	s3 =	simm.s32 $0x1C080;
	[dreg:$0xb] =	wrdreg s23  }
0x14: {  	v31 =	vor.u32 $0x1A, v1;
	v32 =	vor.u32 $0x1B, v1;
	v33 =	vor.u32 $0x1C, v1;
	s19 =	sadd.s32 $0x2E4780, s8;
	s20 =	sor.u32 $0x40, s6;
	s21 =	sor.u32 $0x60, s6  }
0x15: {  	v34 =	vor.u32 $0x1D, v1;
	v35 =	vor.u32 $0x1E, v1;
	v36 =	vor.u32 $0x1F, v1;
	s22 =	sadd.s32 $0xF4000, s2;
	s23 =	smax.u32 s0, $0x1;
	s0 =	simm.s32 $0xC080  }
.LBB2_30:
0x16: {  	s25 =	sadd.s32 $0x1, s25  }
0x17: {  	p1 =	sne.s32 s25, s23  }
.Ltmp1:
0x18: {  	_ = 	snop;
	(pc) =	sbr.rel @!p1 .LBB2_31-.Ltmp1, $1  }
0x19: {  	_ =	sdelay $0x3  }
.LBB2_1:
0x1a: {  	s4 =	rddreg [dreg:$0x0]  }
0x1b: {  	[tilespmem:s5], [sflag:$0x3] =	stream.linear.gather [hbm4b:s4+s5], $0x4000, $0x38;
	[tilespmem:$0x1C880] =	vst v63  }
0x1c: {  	_ =	swait.ge [sflag:s28], $0x4000  }
0x1d: {  	[sflag:s28] =	ssyncset.done $0x0  }
0x1e: {  	[sflag:s28] =	ssyncadd.s32 $0xFFFFC000  }
0x1f: {  	[tilespmem:v0+s29+$0x0] =	vst.idx.msk $0xffff, v3  }
0x20: {  	v38 =	vld [tilespmem:s5+$0x0];
	_ =	sdelay $0x4  }
0x21: {  	v37 =	vshrl.u32 v38, $0xA  }
0x22: {  	v37 =	vand.u32 $0x1F, v37  }
0x23: {  	vm1 =	veq.s32 v37, v2  }
0x24: {  	v37 =	vsel vm1, $0x1, v4  }
0x25: {  	(xrf0) =	vadd.scan.msk.s32 $0xffff, v37;
	_ =	sdelay $0x5  }
0x26: {  	v37, _, _ =	vpop (xrf0)  }
0x27: {  	v37 =	vadd.s32 v37, v4  }
0x28: {  	v39 =	vadd.s32 $0xFFFFFFFF, v37;
	_ =	sdelay $0x1  }
0x29: {  	v63 =	vmpcnt.ones.xlane vm1;
	_ =	sdelay $0x1  }
0x2a: {  	v37 =	vadd.s32 v4, v63  }
0x2b: {  	[tilespmem:v39+s29+$0x0] =	vst.idx.msk vm1, v38;
	v38 =	vadd.s32 v0, v37;
	_ =	sdelay $0x1  }
0x2c: {  	v40 =	vor.u32 s5, v0  }
0x2d: {  	s10 =	simm.s32 $0x0;
	s4 =	simm.s32 $0x10;
	[tilespmem:v39+s30+$0x0] =	vst.idx.msk vm1, v40  }
.LBB2_2:
0x2e: {  	p1 =	sne.s32 s4, $0x3FF0  }
0x2f: {  	[tilespmem:v38+s29+$0x0] =	vst.idx.msk $0xffff, v3;
	s10 =	sadd.s32 $0x10, s10;
	v38 =	vmov v37;
	s11 =	smov.u32 s4;
	s4 =	sadd.s32 $0x10, s4  }
0x30: {  	v39 =	vld [tilespmem:s10+$0x0];
	_ =	sdelay $0x4  }
0x31: {  	v40 =	vshrl.u32 v39, $0xA  }
0x32: {  	v40 =	vand.u32 $0x1F, v40  }
0x33: {  	vm1 =	veq.s32 v40, v2  }
0x34: {  	v40 =	vsel vm1, $0x1, v4;
	v41 =	vmpcnt.ones.xlane vm1  }
0x35: {  	(xrf0) =	vadd.scan.msk.s32 $0xffff, v40  }
0x36: {  	v37 =	vadd.s32 v37, v41;
	_ =	sdelay $0x4  }
0x37: {  	v40, _, _ =	vpop (xrf0)  }
0x38: {  	v38 =	vadd.s32 v40, v38  }
0x39: {  	v40 =	vadd.s32 $0xFFFFFFFF, v38;
	_ =	sdelay $0x1  }
.Ltmp2:
0x3a: {  	v38 =	vadd.s32 v0, v37;
	(pc) =	sbr.rel @p1 .LBB2_2-.Ltmp2, $3  }
0x3b: {  	_ =	sdelay $0x1  }
0x3c: {  	[tilespmem:v40+s29+$0x0] =	vst.idx.msk vm1, v39;
	v39 =	vor.u32 s11, v0  }
0x3d: {  	[tilespmem:v40+s30+$0x0] =	vst.idx.msk vm1, v39  }
0x3e: {  	v37 =	vxor.u32 $0x80000000, v37  }
0x3f: {  	(xrf0) =	vmax.scan.msk.u32 $0xffff, v37;
	_ =	sdelay $0x5  }
0x40: {  	v37, _, _ =	vpop (xrf0)  }
0x41: {  	(v2sf) =	vpush v37, $0xF;
	_ =	sdelay $0xc  }
0x42: {  	s4 =	stileid.u32  }
0x43: {  	s4 =	sshll.u32 s4, $0x6  }
0x44: {  	[tilespmem:v38+s29+$0x0] =	vst.idx.msk $0xffff, v3;
	s26 =	sshrl.u32 s9, $0x3;
	s24 =	sor.u32 $0x1C01, s4;
	s10 =	spop (v2sf)  }
0x45: {  	[spmem:s26], [sflag:s24] =	dma.local [hbm:s8], $0x400  }
0x46: {  	s11 =	sshrl.u32 s12, $0x3;
	s14 =	rddreg [dreg:$0x6]  }
0x47: {  	[spmem:s11], [sflag:s24] =	dma.local [hbm:s14], $0x400  }
0x48: {  	s14 =	sshrl.u32 s13, $0x3;
	s16 =	rddreg [dreg:$0x7]  }
0x49: {  	[spmem:s14], [sflag:s24] =	dma.local [hbm:s16], $0x400  }
0x4a: {  	s16 =	sshrl.u32 s15, $0x3;
	s17 =	rddreg [dreg:$0x8]  }
0x4b: {  	[spmem:s16], [sflag:s24] =	dma.local [hbm:s17], $0x400  }
0x4c: {  	s10 =	sadd.s32 $0x8000000F, s10;
	s17 =	rddreg [dreg:$0x9]  }
0x4d: {  	[spmem:s26], [sflag:s24] =	dma.local [hbm:s17], $0x400  }
0x4e: {  	s18 =	sand.u32 $0xF, s10;
	s26 =	sshra.s32 s10, $0x1F  }
0x4f: {  	p2 =	slt.s32 s10, $0x1;
	p1 =	sne.s32 s18, $0x0;
	s4 =	sshrl.u32 s26, $0x1C  }
0x50: {  	p1 =	por !p2, !p1;
	s17 =	rddreg [dreg:$0xb];
	s4 =	sadd.s32 s4, s10  }
0x51: {  	[spmem:s11], [sflag:s24] =	dma.local [hbm:s17], $0x400  }
0x52: {  	p1 =	por !p1, !p1;
	s10 =	simm.s32 $0x1;
	s4 =	sshra.s32 s4, $0x4  }
.Ltmp3:
0x53: {  	s10 =	simm.s32 @!p1 $0x0;
	s11 =	rddreg [dreg:$0xa];
	(pc) =	sbr.rel .LBB2_4-.Ltmp3, $4  }
0x54: {  	[spmem:s14], [sflag:s24] =	dma.local [hbm:s11], $0x400  }
0x55: {  	s17 =	ssub.s32 s4, s10  }
0x56: {  	[spmem:s16], [sflag:s24] =	dma.local [hbm:s19], $0x400  }
0x57: {  	s26 =	simm.s32 $0x0;
	p1 =	slt.s32 s17, $0x1  }
.LBB2_17:
0x58: {  	s4 =	sadd.s32 s21, s10  }
0x59: {  	p2 =	sgt.u32 s4, $0x3CF  }
0x5a: {  	s4 =	sshll.u32 @!p2 s4, $0xA  }
0x5b: {  	s11 =	sshrl.u32 @!p2 s9, $0x3;
	s10 =	sadd.s32 @!p2 s2, s4;
	s4 =	sand.u32 @!p2 $0x1FFFFC00, s4  }
0x5c: {  	[spmem:s11], [sflag:s24] =	dma.local @!p2 [hbm:s10], $0x400  }
0x5d: {  	s4 =	sadd.s32 @!p2 s2, s4  }
0x5e: {  	s11 =	sshrl.u32 @!p2 s12, $0x3;
	s10 =	sadd.s32 @!p2 $0xF4280, s4  }
0x5f: {  	[spmem:s11], [sflag:s24] =	dma.local @!p2 [hbm:s10], $0x400  }
0x60: {  	s10 =	sadd.s32 @!p2 $0x1E8500, s4;
	s11 =	sshrl.u32 @!p2 s13, $0x3  }
0x61: {  	[spmem:s11], [sflag:s24] =	dma.local @!p2 [hbm:s10], $0x400  }
0x62: {  	s4 =	sadd.s32 @!p2 $0x2DC780, s4;
	s10 =	sshrl.u32 @!p2 s15, $0x3  }
0x63: {  	[spmem:s10], [sflag:s24] =	dma.local @!p2 [hbm:s4], $0x400  }
.LBB2_18:
0x64: {  	s26 =	sadd.s32 $0x1, s26  }
0x65: {  	p2 =	sne.s32 s26, $0x10  }
.Ltmp4:
0x66: {  	_ = 	snop;
	(pc) =	sbr.rel @!p2 .LBB2_19-.Ltmp4, $1  }
0x67: {  	_ =	sdelay $0x3  }
.LBB2_4:
0x68: {  	s10 =	sshll.u32 s26, $0x6  }
0x69: {  	s11 =	sor.u32 s6, s10  }
0x6a: {  	p2 =	sgt.u32 s11, $0x3CF  }
.Ltmp5:
0x6b: {  	_ = 	snop;
	(pc) =	sbr.rel @p2 .LBB2_11-.Ltmp5, $1  }
0x6c: {  	_ =	sdelay $0x3  }
0x6d: {  	_ =	swait.ge [sflag:s31], $0x400  }
0x6e: {  	[sflag:s31] =	ssyncset.done $0x0  }
0x6f: {  	[sflag:s31] =	ssyncadd.s32 $0xFFFFFC00  }
0x70: {  	_ =	swait.ge [sflag:s31], $0x400  }
0x71: {  	[sflag:s31] =	ssyncset.done $0x0  }
0x72: {  	[sflag:s31] =	ssyncadd.s32 $0xFFFFFC00  }
0x73: {  	_ =	swait.ge [sflag:s31], $0x400  }
.Ltmp6:
0x74: {  	[sflag:s31] =	ssyncset.done $0x0;
	(pc) =	sbr.rel @p1 .LBB2_10-.Ltmp6, $4  }
0x75: {  	[sflag:s31] =	ssyncadd.s32 $0xFFFFFC00  }
0x76: {  	_ =	swait.ge [sflag:s31], $0x400  }
0x77: {  	[sflag:s31] =	ssyncset.done $0x0  }
0x78: {  	[sflag:s31] =	ssyncadd.s32 $0xFFFFFC00  }
.Ltmp7:
0x79: {  	(pc) =	sbr.rel .LBB2_7-.Ltmp7, $4  }
0x7a: {  	_ = 	snop  }
0x7b: {  	s4 =	sshll.u32 s11, $0xA  }
0x7c: {  	s14 =	sadd.s32 $0x400, s4  }
0x7d: {  	s16 =	simm.s32 $0x8080;
	v37 =	vmov s4;
	s4 =	smov.u32 s17;
	v38 =	vmov s14;
	s14 =	simm.s32 $0x4000  }
.LBB2_9:
0x7e: {  	s4 =	sadd.s32 $0xFFFFFFFF, s4  }
0x7f: {  	p2 =	sne.s32 s4, $0x0  }
.Ltmp8:
0x80: {  	_ = 	snop;
	(pc) =	sbr.rel @!p2 .LBB2_10-.Ltmp8, $2  }
0x81: {  	_ =	sdelay $0x2  }
0x82: {  	s14 =	sadd.s32 $0x10, s14;
	s16 =	sadd.s32 $0x10, s16  }
.LBB2_7:
0x83: {  	v39 =	vld [tilespmem:s14+$0x0];
	_ =	sdelay $0x4  }
0x84: {  	vm1 =	vge.s32 v39, v37;
	vm2 =	vlt.s32 v39, v38  }
0x85: {  	vm1 =	vmand vm1, vm2  }
0x86: {  	v40 =	vsel vm1, $0x3F800000, v5  }
0x87: {  	(xrf0) =	vmax.scan.msk.f32 $0xffff, v40;
	_ =	sdelay $0x5  }
0x88: {  	v40, _, _ =	vpop (xrf0)  }
0x89: {  	(v2sf) =	vpush v40, $0xF;
	_ =	sdelay $0xe  }
0x8a: {  	s18 =	spop (v2sf)  }
0x8b: {  	p2 =	sgt.f32 s18, $0.0e+00  }
.Ltmp9:
0x8c: {  	_ = 	snop;
	(pc) =	sbr.rel @!p2 .LBB2_9-.Ltmp9, $1  }
0x8d: {  	_ =	sdelay $0x3  }
0x8e: {  	v39 =	vsub.s32 v39, v37  }
0x8f: {  	v39 =	vnsel vm1, $0x0, v39  }
0x90: {  	v40 =	vshll.u32 v39, $0x3  }
0x91: {  	v39 =	vand.u32 $0x7F, v39;
	v40 =	vand.u32 $0xFFFFFC00, v40  }
0x92: {  	v39 =	vor.u32 v39, v40;
	_ =	sdelay $0x4  }
0x93: {  	v40 =	vld.idx.msk [tilespmem:v39+s0+$0x0], $0xffff  }
0x94: {  	v41 =	vor.u32 $0x80, v39;
	_ =	sdelay $0x3  }
0x95: {  	v42 =	vld [tilespmem:s16+$0x0];
	[tilespmem:v1+s3+$0x0] =	vst.idx.msk $0xffff, v40  }
0x96: {  	v40 =	vld.idx.msk [tilespmem:v41+s0+$0x0], $0xffff  }
0x97: {  	v54 =	vor.u32 $0x100, v39;
	_ =	sdelay $0x3  }
0x98: {  	[tilespmem:v6+s3+$0x0] =	vst.idx.msk $0xffff, v40  }
0x99: {  	v40 =	vld.idx.msk [tilespmem:v54+s0+$0x0], $0xffff  }
0x9a: {  	v55 =	vor.u32 $0x180, v39;
	_ =	sdelay $0x3  }
0x9b: {  	[tilespmem:v7+s3+$0x0] =	vst.idx.msk $0xffff, v40  }
0x9c: {  	v40 =	vld.idx.msk [tilespmem:v55+s0+$0x0], $0xffff  }
0x9d: {  	v56 =	vor.u32 $0x200, v39;
	_ =	sdelay $0x3  }
0x9e: {  	[tilespmem:v8+s3+$0x0] =	vst.idx.msk $0xffff, v40  }
0x9f: {  	v40 =	vld.idx.msk [tilespmem:v56+s0+$0x0], $0xffff  }
0xa0: {  	v57 =	vor.u32 $0x280, v39;
	_ =	sdelay $0x3  }
0xa1: {  	[tilespmem:v9+s3+$0x0] =	vst.idx.msk $0xffff, v40  }
0xa2: {  	v40 =	vld.idx.msk [tilespmem:v57+s0+$0x0], $0xffff  }
0xa3: {  	v58 =	vor.u32 $0x300, v39;
	_ =	sdelay $0x3  }
0xa4: {  	[tilespmem:v10+s3+$0x0] =	vst.idx.msk $0xffff, v40  }
0xa5: {  	v40 =	vld.idx.msk [tilespmem:v58+s0+$0x0], $0xffff  }
0xa6: {  	v59 =	vor.u32 $0x380, v39;
	_ =	sdelay $0x3  }
0xa7: {  	[tilespmem:v11+s3+$0x0] =	vst.idx.msk $0xffff, v40  }
0xa8: {  	v40 =	vld.idx.msk [tilespmem:v59+s0+$0x0], $0xffff  }
0xa9: {  	v60 =	vadd.s32 $0x2000, v39;
	_ =	sdelay $0x3  }
0xaa: {  	[tilespmem:v12+s3+$0x0] =	vst.idx.msk $0xffff, v40  }
0xab: {  	v40 =	vld.idx.msk [tilespmem:v60+s0+$0x0], $0xffff  }
0xac: {  	v61 =	vadd.s32 $0x2080, v39;
	_ =	sdelay $0x3  }
0xad: {  	[tilespmem:v13+s3+$0x0] =	vst.idx.msk $0xffff, v40  }
0xae: {  	v40 =	vld.idx.msk [tilespmem:v61+s0+$0x0], $0xffff  }
0xaf: {  	v62 =	vadd.s32 $0x2100, v39;
	_ =	sdelay $0x3  }
0xb0: {  	[tilespmem:v14+s3+$0x0] =	vst.idx.msk $0xffff, v40  }
0xb1: {  	v40 =	vld.idx.msk [tilespmem:v62+s0+$0x0], $0xffff  }
0xb2: {  	v63 =	vadd.s32 $0x2180, v39;
	_ =	sdelay $0x3  }
0xb3: {  	[tilespmem:v15+s3+$0x0] =	vst.idx.msk $0xffff, v40  }
0xb4: {  	v40 =	vld.idx.msk [tilespmem:v63+s0+$0x0], $0xffff  }
0xb5: {  	v44 =	vadd.s32 $0x2200, v39;
	_ =	sdelay $0x3  }
0xb6: {  	[tilespmem:v16+s3+$0x0] =	vst.idx.msk $0xffff, v40  }
0xb7: {  	v40 =	vld.idx.msk [tilespmem:v44+s0+$0x0], $0xffff  }
0xb8: {  	v45 =	vadd.s32 $0x2280, v39;
	_ =	sdelay $0x3  }
0xb9: {  	[tilespmem:v17+s3+$0x0] =	vst.idx.msk $0xffff, v40  }
0xba: {  	v40 =	vld.idx.msk [tilespmem:v45+s0+$0x0], $0xffff  }
0xbb: {  	v46 =	vadd.s32 $0x2300, v39;
	_ =	sdelay $0x3  }
0xbc: {  	[tilespmem:v18+s3+$0x0] =	vst.idx.msk $0xffff, v40  }
0xbd: {  	v40 =	vld.idx.msk [tilespmem:v46+s0+$0x0], $0xffff  }
0xbe: {  	v47 =	vadd.s32 $0x2380, v39;
	_ =	sdelay $0x3  }
0xbf: {  	[tilespmem:v19+s3+$0x0] =	vst.idx.msk $0xffff, v40  }
0xc0: {  	v40 =	vld.idx.msk [tilespmem:v47+s0+$0x0], $0xffff  }
0xc1: {  	v48 =	vadd.s32 $0x4000, v39;
	_ =	sdelay $0x3  }
0xc2: {  	[tilespmem:v20+s3+$0x0] =	vst.idx.msk $0xffff, v40  }
0xc3: {  	v40 =	vld.idx.msk [tilespmem:v48+s0+$0x0], $0xffff  }
0xc4: {  	v49 =	vadd.s32 $0x4080, v39;
	_ =	sdelay $0x3  }
0xc5: {  	[tilespmem:v21+s3+$0x0] =	vst.idx.msk $0xffff, v40  }
0xc6: {  	v40 =	vld.idx.msk [tilespmem:v49+s0+$0x0], $0xffff  }
0xc7: {  	v50 =	vadd.s32 $0x4100, v39;
	_ =	sdelay $0x3  }
0xc8: {  	[tilespmem:v22+s3+$0x0] =	vst.idx.msk $0xffff, v40  }
0xc9: {  	v40 =	vld.idx.msk [tilespmem:v50+s0+$0x0], $0xffff  }
0xca: {  	v51 =	vadd.s32 $0x4180, v39;
	_ =	sdelay $0x3  }
0xcb: {  	[tilespmem:v23+s3+$0x0] =	vst.idx.msk $0xffff, v40  }
0xcc: {  	v40 =	vld.idx.msk [tilespmem:v51+s0+$0x0], $0xffff  }
0xcd: {  	v52 =	vadd.s32 $0x4200, v39;
	_ =	sdelay $0x3  }
0xce: {  	[tilespmem:v24+s3+$0x0] =	vst.idx.msk $0xffff, v40  }
0xcf: {  	v40 =	vld.idx.msk [tilespmem:v52+s0+$0x0], $0xffff  }
0xd0: {  	v53 =	vadd.s32 $0x4280, v39;
	_ =	sdelay $0x3  }
0xd1: {  	[tilespmem:v25+s3+$0x0] =	vst.idx.msk $0xffff, v40  }
0xd2: {  	v40 =	vld.idx.msk [tilespmem:v53+s0+$0x0], $0xffff  }
0xd3: {  	v54 =	vadd.s32 $0x4300, v39;
	_ =	sdelay $0x3  }
0xd4: {  	[tilespmem:v26+s3+$0x0] =	vst.idx.msk $0xffff, v40  }
0xd5: {  	v40 =	vld.idx.msk [tilespmem:v54+s0+$0x0], $0xffff  }
0xd6: {  	v55 =	vadd.s32 $0x4380, v39;
	_ =	sdelay $0x3  }
0xd7: {  	[tilespmem:v27+s3+$0x0] =	vst.idx.msk $0xffff, v40  }
0xd8: {  	v40 =	vld.idx.msk [tilespmem:v55+s0+$0x0], $0xffff  }
0xd9: {  	v56 =	vadd.s32 $0x6000, v39;
	_ =	sdelay $0x3  }
0xda: {  	[tilespmem:v28+s3+$0x0] =	vst.idx.msk $0xffff, v40  }
0xdb: {  	v40 =	vld.idx.msk [tilespmem:v56+s0+$0x0], $0xffff  }
0xdc: {  	v57 =	vadd.s32 $0x6080, v39;
	_ =	sdelay $0x3  }
0xdd: {  	[tilespmem:v29+s3+$0x0] =	vst.idx.msk $0xffff, v40  }
0xde: {  	v40 =	vld.idx.msk [tilespmem:v57+s0+$0x0], $0xffff  }
0xdf: {  	v58 =	vadd.s32 $0x6100, v39;
	_ =	sdelay $0x3  }
0xe0: {  	[tilespmem:v30+s3+$0x0] =	vst.idx.msk $0xffff, v40  }
0xe1: {  	v40 =	vld.idx.msk [tilespmem:v58+s0+$0x0], $0xffff  }
0xe2: {  	v59 =	vadd.s32 $0x6180, v39;
	_ =	sdelay $0x3  }
0xe3: {  	[tilespmem:v31+s3+$0x0] =	vst.idx.msk $0xffff, v40  }
0xe4: {  	v40 =	vld.idx.msk [tilespmem:v59+s0+$0x0], $0xffff  }
0xe5: {  	v60 =	vadd.s32 $0x6200, v39;
	_ =	sdelay $0x3  }
0xe6: {  	[tilespmem:v32+s3+$0x0] =	vst.idx.msk $0xffff, v40  }
0xe7: {  	v40 =	vld.idx.msk [tilespmem:v60+s0+$0x0], $0xffff  }
0xe8: {  	v61 =	vadd.s32 $0x6280, v39;
	_ =	sdelay $0x3  }
0xe9: {  	[tilespmem:v33+s3+$0x0] =	vst.idx.msk $0xffff, v40  }
0xea: {  	v40 =	vld.idx.msk [tilespmem:v61+s0+$0x0], $0xffff  }
0xeb: {  	v62 =	vadd.s32 $0x6300, v39;
	_ =	sdelay $0x3  }
0xec: {  	[tilespmem:v34+s3+$0x0] =	vst.idx.msk $0xffff, v40  }
0xed: {  	v40 =	vld.idx.msk [tilespmem:v62+s0+$0x0], $0xffff  }
0xee: {  	v39 =	vadd.s32 $0x6380, v39;
	_ =	sdelay $0x3  }
0xef: {  	[tilespmem:v35+s3+$0x0] =	vst.idx.msk $0xffff, v40  }
0xf0: {  	v39 =	vld.idx.msk [tilespmem:v39+s0+$0x0], $0xffff;
	_ =	sdelay $0x1  }
0xf1: {  	v63 =	vnsel vm1, $0xFFFFFFFF, v42;
	_ =	sdelay $0x2  }
0xf2: {  	[tilespmem:v36+s3+$0x0] =	vst.idx.msk $0xffff, v39;
	(ifvalue) =	ssetifvalue $0xFFFFFFFF  }
.Ltmp10:
0xf3: {  	(ifvalue) =	ssetifvalue $0xFFFFFFFF;
	(pc) =	sbr.rel .LBB2_9-.Ltmp10, $4  }
0xf4: {  	[hbm4b:s7+s5] =	stream.indirect_vreg.scatter [tilespmem:s3], [sflag:$0x2], $0x80, v63, vm0, $0x40b8;
	[tilespmem:$0x1C880] =	vst v63  }
0xf5: {  	_ =	swait.ge [sflag:s1], $0x800  }
0xf6: {  	[sflag:s1] =	ssyncset.done $0x0  }
0xf7: {  	[sflag:s1] =	ssyncadd.s32 $0xFFFFF800  }
.LBB2_10:
0xf8: {  	s4 =	sadd.s32 s20, s10  }
0xf9: {  	p2 =	sgt.u32 s4, $0x3CF  }
0xfa: {  	s4 =	sshll.u32 @!p2 s4, $0xA  }
0xfb: {  	s16 =	sshrl.u32 @!p2 s9, $0x3;
	s14 =	sadd.s32 @!p2 s2, s4;
	s4 =	sand.u32 @!p2 $0x1FFFFC00, s4  }
0xfc: {  	[spmem:s16], [sflag:s24] =	dma.local @!p2 [hbm:s14], $0x400  }
0xfd: {  	s4 =	sadd.s32 @!p2 s2, s4  }
0xfe: {  	s16 =	sshrl.u32 @!p2 s12, $0x3;
	s14 =	sadd.s32 @!p2 $0xF4280, s4  }
0xff: {  	[spmem:s16], [sflag:s24] =	dma.local @!p2 [hbm:s14], $0x400  }
0x100: {  	s14 =	sadd.s32 @!p2 $0x1E8500, s4;
	s16 =	sshrl.u32 @!p2 s13, $0x3  }
0x101: {  	[spmem:s16], [sflag:s24] =	dma.local @!p2 [hbm:s14], $0x400  }
0x102: {  	s4 =	sadd.s32 @!p2 $0x2DC780, s4;
	s14 =	sshrl.u32 @!p2 s15, $0x3  }
0x103: {  	[spmem:s14], [sflag:s24] =	dma.local @!p2 [hbm:s4], $0x400  }
.LBB2_11:
0x104: {  	s4 =	sor.u32 $0x20, s11  }
0x105: {  	p2 =	sgt.u32 s4, $0x3CF  }
.Ltmp11:
0x106: {  	_ = 	snop;
	(pc) =	sbr.rel @p2 .LBB2_18-.Ltmp11, $1  }
0x107: {  	_ =	sdelay $0x3  }
0x108: {  	_ =	swait.ge [sflag:s31], $0x400  }
0x109: {  	[sflag:s31] =	ssyncset.done $0x0  }
0x10a: {  	[sflag:s31] =	ssyncadd.s32 $0xFFFFFC00  }
0x10b: {  	_ =	swait.ge [sflag:s31], $0x400  }
0x10c: {  	[sflag:s31] =	ssyncset.done $0x0  }
0x10d: {  	[sflag:s31] =	ssyncadd.s32 $0xFFFFFC00  }
0x10e: {  	_ =	swait.ge [sflag:s31], $0x400  }
.Ltmp12:
0x10f: {  	[sflag:s31] =	ssyncset.done $0x0;
	(pc) =	sbr.rel @p1 .LBB2_17-.Ltmp12, $4  }
0x110: {  	[sflag:s31] =	ssyncadd.s32 $0xFFFFFC00  }
0x111: {  	_ =	swait.ge [sflag:s31], $0x400  }
0x112: {  	[sflag:s31] =	ssyncset.done $0x0  }
0x113: {  	[sflag:s31] =	ssyncadd.s32 $0xFFFFFC00  }
.Ltmp13:
0x114: {  	(pc) =	sbr.rel .LBB2_14-.Ltmp13, $4  }
0x115: {  	_ = 	snop  }
0x116: {  	s4 =	sshll.u32 s4, $0xA  }
0x117: {  	s11 =	sadd.s32 $0x400, s4  }
0x118: {  	s14 =	simm.s32 $0x8080;
	v37 =	vmov s4;
	s4 =	smov.u32 s17;
	v38 =	vmov s11;
	s11 =	simm.s32 $0x4000  }
.LBB2_16:
0x119: {  	s4 =	sadd.s32 $0xFFFFFFFF, s4  }
0x11a: {  	p2 =	sne.s32 s4, $0x0  }
.Ltmp14:
0x11b: {  	_ = 	snop;
	(pc) =	sbr.rel @!p2 .LBB2_17-.Ltmp14, $2  }
0x11c: {  	_ =	sdelay $0x2  }
0x11d: {  	s11 =	sadd.s32 $0x10, s11;
	s14 =	sadd.s32 $0x10, s14  }
.LBB2_14:
0x11e: {  	v39 =	vld [tilespmem:s11+$0x0];
	_ =	sdelay $0x4  }
0x11f: {  	vm1 =	vge.s32 v39, v37;
	vm2 =	vlt.s32 v39, v38  }
0x120: {  	vm1 =	vmand vm1, vm2  }
0x121: {  	v40 =	vsel vm1, $0x3F800000, v5  }
0x122: {  	(xrf0) =	vmax.scan.msk.f32 $0xffff, v40;
	_ =	sdelay $0x5  }
0x123: {  	v40, _, _ =	vpop (xrf0)  }
0x124: {  	(v2sf) =	vpush v40, $0xF;
	_ =	sdelay $0xe  }
0x125: {  	s16 =	spop (v2sf)  }
0x126: {  	p2 =	sgt.f32 s16, $0.0e+00  }
.Ltmp15:
0x127: {  	_ = 	snop;
	(pc) =	sbr.rel @!p2 .LBB2_16-.Ltmp15, $1  }
0x128: {  	_ =	sdelay $0x3  }
0x129: {  	v39 =	vsub.s32 v39, v37  }
0x12a: {  	v39 =	vnsel vm1, $0x0, v39  }
0x12b: {  	v40 =	vshll.u32 v39, $0x3  }
0x12c: {  	v39 =	vand.u32 $0x7F, v39;
	v40 =	vand.u32 $0xFFFFFC00, v40  }
0x12d: {  	v39 =	vor.u32 v39, v40;
	_ =	sdelay $0x4  }
0x12e: {  	v40 =	vld.idx.msk [tilespmem:v39+s0+$0x0], $0xffff  }
0x12f: {  	v41 =	vor.u32 $0x80, v39;
	_ =	sdelay $0x3  }
0x130: {  	v42 =	vld [tilespmem:s14+$0x0];
	[tilespmem:v1+s3+$0x0] =	vst.idx.msk $0xffff, v40  }
0x131: {  	v40 =	vld.idx.msk [tilespmem:v41+s0+$0x0], $0xffff  }
0x132: {  	v54 =	vor.u32 $0x100, v39;
	_ =	sdelay $0x3  }
0x133: {  	[tilespmem:v6+s3+$0x0] =	vst.idx.msk $0xffff, v40  }
0x134: {  	v40 =	vld.idx.msk [tilespmem:v54+s0+$0x0], $0xffff  }
0x135: {  	v55 =	vor.u32 $0x180, v39;
	_ =	sdelay $0x3  }
0x136: {  	[tilespmem:v7+s3+$0x0] =	vst.idx.msk $0xffff, v40  }
0x137: {  	v40 =	vld.idx.msk [tilespmem:v55+s0+$0x0], $0xffff  }
0x138: {  	v56 =	vor.u32 $0x200, v39;
	_ =	sdelay $0x3  }
0x139: {  	[tilespmem:v8+s3+$0x0] =	vst.idx.msk $0xffff, v40  }
0x13a: {  	v40 =	vld.idx.msk [tilespmem:v56+s0+$0x0], $0xffff  }
0x13b: {  	v57 =	vor.u32 $0x280, v39;
	_ =	sdelay $0x3  }
0x13c: {  	[tilespmem:v9+s3+$0x0] =	vst.idx.msk $0xffff, v40  }
0x13d: {  	v40 =	vld.idx.msk [tilespmem:v57+s0+$0x0], $0xffff  }
0x13e: {  	v58 =	vor.u32 $0x300, v39;
	_ =	sdelay $0x3  }
0x13f: {  	[tilespmem:v10+s3+$0x0] =	vst.idx.msk $0xffff, v40  }
0x140: {  	v40 =	vld.idx.msk [tilespmem:v58+s0+$0x0], $0xffff  }
0x141: {  	v59 =	vor.u32 $0x380, v39;
	_ =	sdelay $0x3  }
0x142: {  	[tilespmem:v11+s3+$0x0] =	vst.idx.msk $0xffff, v40  }
0x143: {  	v40 =	vld.idx.msk [tilespmem:v59+s0+$0x0], $0xffff  }
0x144: {  	v60 =	vadd.s32 $0x2000, v39;
	_ =	sdelay $0x3  }
0x145: {  	[tilespmem:v12+s3+$0x0] =	vst.idx.msk $0xffff, v40  }
0x146: {  	v40 =	vld.idx.msk [tilespmem:v60+s0+$0x0], $0xffff  }
0x147: {  	v61 =	vadd.s32 $0x2080, v39;
	_ =	sdelay $0x3  }
0x148: {  	[tilespmem:v13+s3+$0x0] =	vst.idx.msk $0xffff, v40  }
0x149: {  	v40 =	vld.idx.msk [tilespmem:v61+s0+$0x0], $0xffff  }
0x14a: {  	v62 =	vadd.s32 $0x2100, v39;
	_ =	sdelay $0x3  }
0x14b: {  	[tilespmem:v14+s3+$0x0] =	vst.idx.msk $0xffff, v40  }
0x14c: {  	v40 =	vld.idx.msk [tilespmem:v62+s0+$0x0], $0xffff  }
0x14d: {  	v63 =	vadd.s32 $0x2180, v39;
	_ =	sdelay $0x3  }
0x14e: {  	[tilespmem:v15+s3+$0x0] =	vst.idx.msk $0xffff, v40  }
0x14f: {  	v40 =	vld.idx.msk [tilespmem:v63+s0+$0x0], $0xffff  }
0x150: {  	v44 =	vadd.s32 $0x2200, v39;
	_ =	sdelay $0x3  }
0x151: {  	[tilespmem:v16+s3+$0x0] =	vst.idx.msk $0xffff, v40  }
0x152: {  	v40 =	vld.idx.msk [tilespmem:v44+s0+$0x0], $0xffff  }
0x153: {  	v45 =	vadd.s32 $0x2280, v39;
	_ =	sdelay $0x3  }
0x154: {  	[tilespmem:v17+s3+$0x0] =	vst.idx.msk $0xffff, v40  }
0x155: {  	v40 =	vld.idx.msk [tilespmem:v45+s0+$0x0], $0xffff  }
0x156: {  	v46 =	vadd.s32 $0x2300, v39;
	_ =	sdelay $0x3  }
0x157: {  	[tilespmem:v18+s3+$0x0] =	vst.idx.msk $0xffff, v40  }
0x158: {  	v40 =	vld.idx.msk [tilespmem:v46+s0+$0x0], $0xffff  }
0x159: {  	v47 =	vadd.s32 $0x2380, v39;
	_ =	sdelay $0x3  }
0x15a: {  	[tilespmem:v19+s3+$0x0] =	vst.idx.msk $0xffff, v40  }
0x15b: {  	v40 =	vld.idx.msk [tilespmem:v47+s0+$0x0], $0xffff  }
0x15c: {  	v48 =	vadd.s32 $0x4000, v39;
	_ =	sdelay $0x3  }
0x15d: {  	[tilespmem:v20+s3+$0x0] =	vst.idx.msk $0xffff, v40  }
0x15e: {  	v40 =	vld.idx.msk [tilespmem:v48+s0+$0x0], $0xffff  }
0x15f: {  	v49 =	vadd.s32 $0x4080, v39;
	_ =	sdelay $0x3  }
0x160: {  	[tilespmem:v21+s3+$0x0] =	vst.idx.msk $0xffff, v40  }
0x161: {  	v40 =	vld.idx.msk [tilespmem:v49+s0+$0x0], $0xffff  }
0x162: {  	v50 =	vadd.s32 $0x4100, v39;
	_ =	sdelay $0x3  }
0x163: {  	[tilespmem:v22+s3+$0x0] =	vst.idx.msk $0xffff, v40  }
0x164: {  	v40 =	vld.idx.msk [tilespmem:v50+s0+$0x0], $0xffff  }
0x165: {  	v51 =	vadd.s32 $0x4180, v39;
	_ =	sdelay $0x3  }
0x166: {  	[tilespmem:v23+s3+$0x0] =	vst.idx.msk $0xffff, v40  }
0x167: {  	v40 =	vld.idx.msk [tilespmem:v51+s0+$0x0], $0xffff  }
0x168: {  	v52 =	vadd.s32 $0x4200, v39;
	_ =	sdelay $0x3  }
0x169: {  	[tilespmem:v24+s3+$0x0] =	vst.idx.msk $0xffff, v40  }
0x16a: {  	v40 =	vld.idx.msk [tilespmem:v52+s0+$0x0], $0xffff  }
0x16b: {  	v53 =	vadd.s32 $0x4280, v39;
	_ =	sdelay $0x3  }
0x16c: {  	[tilespmem:v25+s3+$0x0] =	vst.idx.msk $0xffff, v40  }
0x16d: {  	v40 =	vld.idx.msk [tilespmem:v53+s0+$0x0], $0xffff  }
0x16e: {  	v54 =	vadd.s32 $0x4300, v39;
	_ =	sdelay $0x3  }
0x16f: {  	[tilespmem:v26+s3+$0x0] =	vst.idx.msk $0xffff, v40  }
0x170: {  	v40 =	vld.idx.msk [tilespmem:v54+s0+$0x0], $0xffff  }
0x171: {  	v55 =	vadd.s32 $0x4380, v39;
	_ =	sdelay $0x3  }
0x172: {  	[tilespmem:v27+s3+$0x0] =	vst.idx.msk $0xffff, v40  }
0x173: {  	v40 =	vld.idx.msk [tilespmem:v55+s0+$0x0], $0xffff  }
0x174: {  	v56 =	vadd.s32 $0x6000, v39;
	_ =	sdelay $0x3  }
0x175: {  	[tilespmem:v28+s3+$0x0] =	vst.idx.msk $0xffff, v40  }
0x176: {  	v40 =	vld.idx.msk [tilespmem:v56+s0+$0x0], $0xffff  }
0x177: {  	v57 =	vadd.s32 $0x6080, v39;
	_ =	sdelay $0x3  }
0x178: {  	[tilespmem:v29+s3+$0x0] =	vst.idx.msk $0xffff, v40  }
0x179: {  	v40 =	vld.idx.msk [tilespmem:v57+s0+$0x0], $0xffff  }
0x17a: {  	v58 =	vadd.s32 $0x6100, v39;
	_ =	sdelay $0x3  }
0x17b: {  	[tilespmem:v30+s3+$0x0] =	vst.idx.msk $0xffff, v40  }
0x17c: {  	v40 =	vld.idx.msk [tilespmem:v58+s0+$0x0], $0xffff  }
0x17d: {  	v59 =	vadd.s32 $0x6180, v39;
	_ =	sdelay $0x3  }
0x17e: {  	[tilespmem:v31+s3+$0x0] =	vst.idx.msk $0xffff, v40  }
0x17f: {  	v40 =	vld.idx.msk [tilespmem:v59+s0+$0x0], $0xffff  }
0x180: {  	v60 =	vadd.s32 $0x6200, v39;
	_ =	sdelay $0x3  }
0x181: {  	[tilespmem:v32+s3+$0x0] =	vst.idx.msk $0xffff, v40  }
0x182: {  	v40 =	vld.idx.msk [tilespmem:v60+s0+$0x0], $0xffff  }
0x183: {  	v61 =	vadd.s32 $0x6280, v39;
	_ =	sdelay $0x3  }
0x184: {  	[tilespmem:v33+s3+$0x0] =	vst.idx.msk $0xffff, v40  }
0x185: {  	v40 =	vld.idx.msk [tilespmem:v61+s0+$0x0], $0xffff  }
0x186: {  	v62 =	vadd.s32 $0x6300, v39;
	_ =	sdelay $0x3  }
0x187: {  	[tilespmem:v34+s3+$0x0] =	vst.idx.msk $0xffff, v40  }
0x188: {  	v40 =	vld.idx.msk [tilespmem:v62+s0+$0x0], $0xffff  }
0x189: {  	v39 =	vadd.s32 $0x6380, v39;
	_ =	sdelay $0x3  }
0x18a: {  	[tilespmem:v35+s3+$0x0] =	vst.idx.msk $0xffff, v40  }
0x18b: {  	v39 =	vld.idx.msk [tilespmem:v39+s0+$0x0], $0xffff;
	_ =	sdelay $0x1  }
0x18c: {  	v63 =	vnsel vm1, $0xFFFFFFFF, v42;
	_ =	sdelay $0x2  }
0x18d: {  	[tilespmem:v36+s3+$0x0] =	vst.idx.msk $0xffff, v39;
	(ifvalue) =	ssetifvalue $0xFFFFFFFF  }
.Ltmp16:
0x18e: {  	(ifvalue) =	ssetifvalue $0xFFFFFFFF;
	(pc) =	sbr.rel .LBB2_16-.Ltmp16, $4  }
0x18f: {  	[hbm4b:s7+s5] =	stream.indirect_vreg.scatter [tilespmem:s3], [sflag:$0x2], $0x80, v63, vm0, $0x40b8;
	[tilespmem:$0x1C880] =	vst v63  }
0x190: {  	_ =	swait.ge [sflag:s1], $0x800  }
0x191: {  	[sflag:s1] =	ssyncset.done $0x0  }
0x192: {  	[sflag:s1] =	ssyncadd.s32 $0xFFFFF800  }
.LBB2_19:
.Ltmp17:
0x193: {  	(pc) =	sbr.rel @p0 .LBB2_30-.Ltmp17, $1  }
0x194: {  	_ =	sdelay $0x3  }
0x195: {  	[tilespmem:s0], [sflag:$0x3] =	stream.linear.gather [hbm4b:s22+s5], $0x1000, $0x38;
	[tilespmem:$0x1C880] =	vst v63  }
0x196: {  	s4 =	sadd.s32 $0xF4280, s22;
	s10 =	simm.s32 $0xE080  }
0x197: {  	[tilespmem:s10], [sflag:$0x3] =	stream.linear.gather [hbm4b:s4+s5], $0x1000, $0x38;
	[tilespmem:$0x1C880] =	vst v63  }
0x198: {  	s16 =	sadd.s32 $0x1E8500, s22;
	s18 =	simm.s32 $0x10080;
	p1 =	sgt.s32 s17, $0x0  }
0x199: {  	[tilespmem:s18], [sflag:$0x3] =	stream.linear.gather [hbm4b:s16+s5], $0x1000, $0x38;
	[tilespmem:$0x1C880] =	vst v63  }
.Ltmp18:
0x19a: {  	s24 =	sadd.s32 $0x2DC780, s22;
	s26 =	simm.s32 $0x12080;
	(pc) =	sbr.rel @!p1 .LBB2_25-.Ltmp18, $4  }
0x19b: {  	[tilespmem:s26], [sflag:$0x3] =	stream.linear.gather [hbm4b:s24+s5], $0x1000, $0x38;
	[tilespmem:$0x1C880] =	vst v63  }
0x19c: {  	_ =	swait.ge [sflag:s28], $0x4000  }
0x19d: {  	[sflag:s28] =	ssyncset.done $0x0  }
0x19e: {  	[sflag:s28] =	ssyncadd.s32 $0xFFFFC000  }
.Ltmp19:
0x19f: {  	(pc) =	sbr.rel .LBB2_22-.Ltmp19, $2  }
0x1a0: {  	_ =	sdelay $0x2  }
0x1a1: {  	s10 =	simm.s32 $0x4000;
	s11 =	simm.s32 $0x8080;
	s4 =	smov.u32 s17  }
.LBB2_24:
0x1a2: {  	s4 =	sadd.s32 $0xFFFFFFFF, s4  }
0x1a3: {  	p2 =	seq.s32 s4, $0x0  }
.Ltmp20:
0x1a4: {  	_ = 	snop;
	(pc) =	sbr.rel @p2 .LBB2_25-.Ltmp20, $2  }
0x1a5: {  	_ =	sdelay $0x2  }
0x1a6: {  	s10 =	sadd.s32 $0x10, s10;
	s11 =	sadd.s32 $0x10, s11  }
.LBB2_22:
0x1a7: {  	v37 =	vld [tilespmem:s10+$0x0];
	_ =	sdelay $0x4  }
0x1a8: {  	v38 =	vand.u32 $0xFFFFFE00, v37  }
0x1a9: {  	vm1 =	veq.s32 v38, $0xF4000  }
0x1aa: {  	v38 =	vsel vm1, $0x3F800000, v5  }
0x1ab: {  	(xrf0) =	vmax.scan.msk.f32 $0xffff, v38;
	_ =	sdelay $0x5  }
0x1ac: {  	v38, _, _ =	vpop (xrf0)  }
0x1ad: {  	(v2sf) =	vpush v38, $0xF;
	_ =	sdelay $0xe  }
0x1ae: {  	s14 =	spop (v2sf)  }
0x1af: {  	p2 =	sgt.f32 s14, $0.0e+00  }
.Ltmp21:
0x1b0: {  	_ = 	snop;
	(pc) =	sbr.rel @!p2 .LBB2_24-.Ltmp21, $1  }
0x1b1: {  	_ =	sdelay $0x3  }
0x1b2: {  	v37 =	vadd.s32 $0xFFF0C000, v37  }
0x1b3: {  	v37 =	vnsel vm1, $0x0, v37  }
0x1b4: {  	v38 =	vshll.u32 v37, $0x3  }
0x1b5: {  	v37 =	vand.u32 $0x7F, v37;
	v38 =	vand.u32 $0xFFFFFC00, v38  }
0x1b6: {  	v37 =	vor.u32 v37, v38;
	_ =	sdelay $0x4  }
0x1b7: {  	v38 =	vld.idx.msk [tilespmem:v37+s0+$0x0], $0xffff  }
0x1b8: {  	v39 =	vor.u32 $0x80, v37;
	_ =	sdelay $0x3  }
0x1b9: {  	v40 =	vld [tilespmem:s11+$0x0];
	[tilespmem:v1+s3+$0x0] =	vst.idx.msk $0xffff, v38  }
0x1ba: {  	v38 =	vld.idx.msk [tilespmem:v39+s0+$0x0], $0xffff  }
0x1bb: {  	v56 =	vor.u32 $0x100, v37;
	_ =	sdelay $0x3  }
0x1bc: {  	[tilespmem:v6+s3+$0x0] =	vst.idx.msk $0xffff, v38  }
0x1bd: {  	v38 =	vld.idx.msk [tilespmem:v56+s0+$0x0], $0xffff  }
0x1be: {  	v57 =	vor.u32 $0x180, v37;
	_ =	sdelay $0x3  }
0x1bf: {  	[tilespmem:v7+s3+$0x0] =	vst.idx.msk $0xffff, v38  }
0x1c0: {  	v38 =	vld.idx.msk [tilespmem:v57+s0+$0x0], $0xffff  }
0x1c1: {  	v58 =	vor.u32 $0x200, v37;
	_ =	sdelay $0x3  }
0x1c2: {  	[tilespmem:v8+s3+$0x0] =	vst.idx.msk $0xffff, v38  }
0x1c3: {  	v38 =	vld.idx.msk [tilespmem:v58+s0+$0x0], $0xffff  }
0x1c4: {  	v59 =	vor.u32 $0x280, v37;
	_ =	sdelay $0x3  }
0x1c5: {  	[tilespmem:v9+s3+$0x0] =	vst.idx.msk $0xffff, v38  }
0x1c6: {  	v38 =	vld.idx.msk [tilespmem:v59+s0+$0x0], $0xffff  }
0x1c7: {  	v60 =	vor.u32 $0x300, v37;
	_ =	sdelay $0x3  }
0x1c8: {  	[tilespmem:v10+s3+$0x0] =	vst.idx.msk $0xffff, v38  }
0x1c9: {  	v38 =	vld.idx.msk [tilespmem:v60+s0+$0x0], $0xffff  }
0x1ca: {  	v61 =	vor.u32 $0x380, v37;
	_ =	sdelay $0x3  }
0x1cb: {  	[tilespmem:v11+s3+$0x0] =	vst.idx.msk $0xffff, v38  }
0x1cc: {  	v38 =	vld.idx.msk [tilespmem:v61+s0+$0x0], $0xffff  }
0x1cd: {  	v62 =	vadd.s32 $0x2000, v37;
	_ =	sdelay $0x3  }
0x1ce: {  	[tilespmem:v12+s3+$0x0] =	vst.idx.msk $0xffff, v38  }
0x1cf: {  	v38 =	vld.idx.msk [tilespmem:v62+s0+$0x0], $0xffff  }
0x1d0: {  	v63 =	vadd.s32 $0x2080, v37;
	_ =	sdelay $0x3  }
0x1d1: {  	[tilespmem:v13+s3+$0x0] =	vst.idx.msk $0xffff, v38  }
0x1d2: {  	v38 =	vld.idx.msk [tilespmem:v63+s0+$0x0], $0xffff  }
0x1d3: {  	v42 =	vadd.s32 $0x2100, v37;
	_ =	sdelay $0x3  }
0x1d4: {  	[tilespmem:v14+s3+$0x0] =	vst.idx.msk $0xffff, v38  }
0x1d5: {  	v38 =	vld.idx.msk [tilespmem:v42+s0+$0x0], $0xffff  }
0x1d6: {  	v43 =	vadd.s32 $0x2180, v37;
	_ =	sdelay $0x3  }
0x1d7: {  	[tilespmem:v15+s3+$0x0] =	vst.idx.msk $0xffff, v38  }
0x1d8: {  	v38 =	vld.idx.msk [tilespmem:v43+s0+$0x0], $0xffff  }
0x1d9: {  	v44 =	vadd.s32 $0x2200, v37;
	_ =	sdelay $0x3  }
0x1da: {  	[tilespmem:v16+s3+$0x0] =	vst.idx.msk $0xffff, v38  }
0x1db: {  	v38 =	vld.idx.msk [tilespmem:v44+s0+$0x0], $0xffff  }
0x1dc: {  	v45 =	vadd.s32 $0x2280, v37;
	_ =	sdelay $0x3  }
0x1dd: {  	[tilespmem:v17+s3+$0x0] =	vst.idx.msk $0xffff, v38  }
0x1de: {  	v38 =	vld.idx.msk [tilespmem:v45+s0+$0x0], $0xffff  }
0x1df: {  	v46 =	vadd.s32 $0x2300, v37;
	_ =	sdelay $0x3  }
0x1e0: {  	[tilespmem:v18+s3+$0x0] =	vst.idx.msk $0xffff, v38  }
0x1e1: {  	v38 =	vld.idx.msk [tilespmem:v46+s0+$0x0], $0xffff  }
0x1e2: {  	v47 =	vadd.s32 $0x2380, v37;
	_ =	sdelay $0x3  }
0x1e3: {  	[tilespmem:v19+s3+$0x0] =	vst.idx.msk $0xffff, v38  }
0x1e4: {  	v38 =	vld.idx.msk [tilespmem:v47+s0+$0x0], $0xffff  }
0x1e5: {  	v48 =	vadd.s32 $0x4000, v37;
	_ =	sdelay $0x3  }
0x1e6: {  	[tilespmem:v20+s3+$0x0] =	vst.idx.msk $0xffff, v38  }
0x1e7: {  	v38 =	vld.idx.msk [tilespmem:v48+s0+$0x0], $0xffff  }
0x1e8: {  	v49 =	vadd.s32 $0x4080, v37;
	_ =	sdelay $0x3  }
0x1e9: {  	[tilespmem:v21+s3+$0x0] =	vst.idx.msk $0xffff, v38  }
0x1ea: {  	v38 =	vld.idx.msk [tilespmem:v49+s0+$0x0], $0xffff  }
0x1eb: {  	v50 =	vadd.s32 $0x4100, v37;
	_ =	sdelay $0x3  }
0x1ec: {  	[tilespmem:v22+s3+$0x0] =	vst.idx.msk $0xffff, v38  }
0x1ed: {  	v38 =	vld.idx.msk [tilespmem:v50+s0+$0x0], $0xffff  }
0x1ee: {  	v51 =	vadd.s32 $0x4180, v37;
	_ =	sdelay $0x3  }
0x1ef: {  	[tilespmem:v23+s3+$0x0] =	vst.idx.msk $0xffff, v38  }
0x1f0: {  	v38 =	vld.idx.msk [tilespmem:v51+s0+$0x0], $0xffff  }
0x1f1: {  	v52 =	vadd.s32 $0x4200, v37;
	_ =	sdelay $0x3  }
0x1f2: {  	[tilespmem:v24+s3+$0x0] =	vst.idx.msk $0xffff, v38  }
0x1f3: {  	v38 =	vld.idx.msk [tilespmem:v52+s0+$0x0], $0xffff  }
0x1f4: {  	v53 =	vadd.s32 $0x4280, v37;
	_ =	sdelay $0x3  }
0x1f5: {  	[tilespmem:v25+s3+$0x0] =	vst.idx.msk $0xffff, v38  }
0x1f6: {  	v38 =	vld.idx.msk [tilespmem:v53+s0+$0x0], $0xffff  }
0x1f7: {  	v54 =	vadd.s32 $0x4300, v37;
	_ =	sdelay $0x3  }
0x1f8: {  	[tilespmem:v26+s3+$0x0] =	vst.idx.msk $0xffff, v38  }
0x1f9: {  	v38 =	vld.idx.msk [tilespmem:v54+s0+$0x0], $0xffff  }
0x1fa: {  	v55 =	vadd.s32 $0x4380, v37;
	_ =	sdelay $0x3  }
0x1fb: {  	[tilespmem:v27+s3+$0x0] =	vst.idx.msk $0xffff, v38  }
0x1fc: {  	v38 =	vld.idx.msk [tilespmem:v55+s0+$0x0], $0xffff  }
0x1fd: {  	v56 =	vadd.s32 $0x6000, v37;
	_ =	sdelay $0x3  }
0x1fe: {  	[tilespmem:v28+s3+$0x0] =	vst.idx.msk $0xffff, v38  }
0x1ff: {  	v38 =	vld.idx.msk [tilespmem:v56+s0+$0x0], $0xffff  }
0x200: {  	v57 =	vadd.s32 $0x6080, v37;
	_ =	sdelay $0x3  }
0x201: {  	[tilespmem:v29+s3+$0x0] =	vst.idx.msk $0xffff, v38  }
0x202: {  	v38 =	vld.idx.msk [tilespmem:v57+s0+$0x0], $0xffff  }
0x203: {  	v58 =	vadd.s32 $0x6100, v37;
	_ =	sdelay $0x3  }
0x204: {  	[tilespmem:v30+s3+$0x0] =	vst.idx.msk $0xffff, v38  }
0x205: {  	v38 =	vld.idx.msk [tilespmem:v58+s0+$0x0], $0xffff  }
0x206: {  	v59 =	vadd.s32 $0x6180, v37;
	_ =	sdelay $0x3  }
0x207: {  	[tilespmem:v31+s3+$0x0] =	vst.idx.msk $0xffff, v38  }
0x208: {  	v38 =	vld.idx.msk [tilespmem:v59+s0+$0x0], $0xffff  }
0x209: {  	v60 =	vadd.s32 $0x6200, v37;
	_ =	sdelay $0x3  }
0x20a: {  	[tilespmem:v32+s3+$0x0] =	vst.idx.msk $0xffff, v38  }
0x20b: {  	v38 =	vld.idx.msk [tilespmem:v60+s0+$0x0], $0xffff  }
0x20c: {  	v61 =	vadd.s32 $0x6280, v37;
	_ =	sdelay $0x3  }
0x20d: {  	[tilespmem:v33+s3+$0x0] =	vst.idx.msk $0xffff, v38  }
0x20e: {  	v38 =	vld.idx.msk [tilespmem:v61+s0+$0x0], $0xffff  }
0x20f: {  	v62 =	vadd.s32 $0x6300, v37;
	_ =	sdelay $0x3  }
0x210: {  	[tilespmem:v34+s3+$0x0] =	vst.idx.msk $0xffff, v38  }
0x211: {  	v38 =	vld.idx.msk [tilespmem:v62+s0+$0x0], $0xffff  }
0x212: {  	v37 =	vadd.s32 $0x6380, v37;
	_ =	sdelay $0x3  }
0x213: {  	[tilespmem:v35+s3+$0x0] =	vst.idx.msk $0xffff, v38  }
0x214: {  	v37 =	vld.idx.msk [tilespmem:v37+s0+$0x0], $0xffff;
	_ =	sdelay $0x1  }
0x215: {  	v63 =	vnsel vm1, $0xFFFFFFFF, v40;
	_ =	sdelay $0x2  }
0x216: {  	[tilespmem:v36+s3+$0x0] =	vst.idx.msk $0xffff, v37;
	(ifvalue) =	ssetifvalue $0xFFFFFFFF  }
.Ltmp22:
0x217: {  	(ifvalue) =	ssetifvalue $0xFFFFFFFF;
	(pc) =	sbr.rel .LBB2_24-.Ltmp22, $4  }
0x218: {  	[hbm4b:s7+s5] =	stream.indirect_vreg.scatter [tilespmem:s3], [sflag:$0x2], $0x80, v63, vm0, $0x40b8;
	[tilespmem:$0x1C880] =	vst v63  }
0x219: {  	_ =	swait.ge [sflag:s1], $0x800  }
0x21a: {  	[sflag:s1] =	ssyncset.done $0x0  }
0x21b: {  	[sflag:s1] =	ssyncadd.s32 $0xFFFFF800  }
.LBB2_25:
0x21c: {  	s4 =	rddreg [dreg:$0x2]  }
0x21d: {  	[tilespmem:s0], [sflag:$0x3] =	stream.linear.gather [hbm4b:s4+s5], $0x400, $0x38;
	[tilespmem:$0x1C880] =	vst v63  }
0x21e: {  	s14 =	rddreg [dreg:$0xc];
	s10 =	simm.s32 $0xE080  }
0x21f: {  	[tilespmem:s10], [sflag:$0x3] =	stream.linear.gather [hbm4b:s14+s5], $0x400, $0x38;
	[tilespmem:$0x1C880] =	vst v63  }
0x220: {  	s16 =	rddreg [dreg:$0xd];
	s18 =	simm.s32 $0x10080  }
0x221: {  	[tilespmem:s18], [sflag:$0x3] =	stream.linear.gather [hbm4b:s16+s5], $0x400, $0x38;
	[tilespmem:$0x1C880] =	vst v63  }
.Ltmp23:
0x222: {  	s24 =	rddreg [dreg:$0xe];
	s26 =	simm.s32 $0x12080;
	(pc) =	sbr.rel @!p1 .LBB2_30-.Ltmp23, $4  }
0x223: {  	[tilespmem:s26], [sflag:$0x3] =	stream.linear.gather [hbm4b:s24+s5], $0x400, $0x38;
	[tilespmem:$0x1C880] =	vst v63  }
0x224: {  	_ =	swait.ge [sflag:s28], $0x1000  }
0x225: {  	[sflag:s28] =	ssyncset.done $0x0  }
0x226: {  	[sflag:s28] =	ssyncadd.s32 $0xFFFFF000  }
.Ltmp24:
0x227: {  	(pc) =	sbr.rel .LBB2_27-.Ltmp24, $2  }
0x228: {  	_ =	sdelay $0x2  }
0x229: {  	s10 =	simm.s32 $0x4000;
	s4 =	simm.s32 $0x8080  }
.LBB2_29:
0x22a: {  	s17 =	sadd.s32 $0xFFFFFFFF, s17  }
0x22b: {  	p1 =	sne.s32 s17, $0x0  }
.Ltmp25:
0x22c: {  	_ = 	snop;
	(pc) =	sbr.rel @!p1 .LBB2_30-.Ltmp25, $2  }
0x22d: {  	_ =	sdelay $0x2  }
0x22e: {  	s10 =	sadd.s32 $0x10, s10;
	s4 =	sadd.s32 $0x10, s4  }
.LBB2_27:
0x22f: {  	v37 =	vld [tilespmem:s10+$0x0];
	_ =	sdelay $0x4  }
0x230: {  	v38 =	vand.u32 $0xFFFFFFC0, v37  }
0x231: {  	vm1 =	veq.s32 v38, $0xF4200  }
0x232: {  	v38 =	vsel vm1, $0x3F800000, v5  }
0x233: {  	(xrf0) =	vmax.scan.msk.f32 $0xffff, v38;
	_ =	sdelay $0x5  }
0x234: {  	v38, _, _ =	vpop (xrf0)  }
0x235: {  	(v2sf) =	vpush v38, $0xF;
	_ =	sdelay $0xe  }
0x236: {  	s11 =	spop (v2sf)  }
0x237: {  	p1 =	sgt.f32 s11, $0.0e+00  }
.Ltmp26:
0x238: {  	_ = 	snop;
	(pc) =	sbr.rel @!p1 .LBB2_29-.Ltmp26, $1  }
0x239: {  	_ =	sdelay $0x3  }
0x23a: {  	v37 =	vadd.s32 $0xFFF0BE00, v37  }
0x23b: {  	v37 =	vnsel vm1, $0x0, v37  }
0x23c: {  	v38 =	vshll.u32 v37, $0x3  }
0x23d: {  	v37 =	vand.u32 $0x7F, v37;
	v38 =	vand.u32 $0xFFFFFC00, v38  }
0x23e: {  	v37 =	vor.u32 v37, v38;
	_ =	sdelay $0x4  }
0x23f: {  	v38 =	vld.idx.msk [tilespmem:v37+s0+$0x0], $0xffff  }
0x240: {  	v39 =	vor.u32 $0x80, v37;
	_ =	sdelay $0x3  }
0x241: {  	v40 =	vld [tilespmem:s4+$0x0];
	[tilespmem:v1+s3+$0x0] =	vst.idx.msk $0xffff, v38  }
0x242: {  	v38 =	vld.idx.msk [tilespmem:v39+s0+$0x0], $0xffff  }
0x243: {  	v56 =	vor.u32 $0x100, v37;
	_ =	sdelay $0x3  }
0x244: {  	[tilespmem:v6+s3+$0x0] =	vst.idx.msk $0xffff, v38  }
0x245: {  	v38 =	vld.idx.msk [tilespmem:v56+s0+$0x0], $0xffff  }
0x246: {  	v57 =	vor.u32 $0x180, v37;
	_ =	sdelay $0x3  }
0x247: {  	[tilespmem:v7+s3+$0x0] =	vst.idx.msk $0xffff, v38  }
0x248: {  	v38 =	vld.idx.msk [tilespmem:v57+s0+$0x0], $0xffff  }
0x249: {  	v58 =	vor.u32 $0x200, v37;
	_ =	sdelay $0x3  }
0x24a: {  	[tilespmem:v8+s3+$0x0] =	vst.idx.msk $0xffff, v38  }
0x24b: {  	v38 =	vld.idx.msk [tilespmem:v58+s0+$0x0], $0xffff  }
0x24c: {  	v59 =	vor.u32 $0x280, v37;
	_ =	sdelay $0x3  }
0x24d: {  	[tilespmem:v9+s3+$0x0] =	vst.idx.msk $0xffff, v38  }
0x24e: {  	v38 =	vld.idx.msk [tilespmem:v59+s0+$0x0], $0xffff  }
0x24f: {  	v60 =	vor.u32 $0x300, v37;
	_ =	sdelay $0x3  }
0x250: {  	[tilespmem:v10+s3+$0x0] =	vst.idx.msk $0xffff, v38  }
0x251: {  	v38 =	vld.idx.msk [tilespmem:v60+s0+$0x0], $0xffff  }
0x252: {  	v61 =	vor.u32 $0x380, v37;
	_ =	sdelay $0x3  }
0x253: {  	[tilespmem:v11+s3+$0x0] =	vst.idx.msk $0xffff, v38  }
0x254: {  	v38 =	vld.idx.msk [tilespmem:v61+s0+$0x0], $0xffff  }
0x255: {  	v62 =	vadd.s32 $0x2000, v37;
	_ =	sdelay $0x3  }
0x256: {  	[tilespmem:v12+s3+$0x0] =	vst.idx.msk $0xffff, v38  }
0x257: {  	v38 =	vld.idx.msk [tilespmem:v62+s0+$0x0], $0xffff  }
0x258: {  	v63 =	vadd.s32 $0x2080, v37;
	_ =	sdelay $0x3  }
0x259: {  	[tilespmem:v13+s3+$0x0] =	vst.idx.msk $0xffff, v38  }
0x25a: {  	v38 =	vld.idx.msk [tilespmem:v63+s0+$0x0], $0xffff  }
0x25b: {  	v42 =	vadd.s32 $0x2100, v37;
	_ =	sdelay $0x3  }
0x25c: {  	[tilespmem:v14+s3+$0x0] =	vst.idx.msk $0xffff, v38  }
0x25d: {  	v38 =	vld.idx.msk [tilespmem:v42+s0+$0x0], $0xffff  }
0x25e: {  	v43 =	vadd.s32 $0x2180, v37;
	_ =	sdelay $0x3  }
0x25f: {  	[tilespmem:v15+s3+$0x0] =	vst.idx.msk $0xffff, v38  }
0x260: {  	v38 =	vld.idx.msk [tilespmem:v43+s0+$0x0], $0xffff  }
0x261: {  	v44 =	vadd.s32 $0x2200, v37;
	_ =	sdelay $0x3  }
0x262: {  	[tilespmem:v16+s3+$0x0] =	vst.idx.msk $0xffff, v38  }
0x263: {  	v38 =	vld.idx.msk [tilespmem:v44+s0+$0x0], $0xffff  }
0x264: {  	v45 =	vadd.s32 $0x2280, v37;
	_ =	sdelay $0x3  }
0x265: {  	[tilespmem:v17+s3+$0x0] =	vst.idx.msk $0xffff, v38  }
0x266: {  	v38 =	vld.idx.msk [tilespmem:v45+s0+$0x0], $0xffff  }
0x267: {  	v46 =	vadd.s32 $0x2300, v37;
	_ =	sdelay $0x3  }
0x268: {  	[tilespmem:v18+s3+$0x0] =	vst.idx.msk $0xffff, v38  }
0x269: {  	v38 =	vld.idx.msk [tilespmem:v46+s0+$0x0], $0xffff  }
0x26a: {  	v47 =	vadd.s32 $0x2380, v37;
	_ =	sdelay $0x3  }
0x26b: {  	[tilespmem:v19+s3+$0x0] =	vst.idx.msk $0xffff, v38  }
0x26c: {  	v38 =	vld.idx.msk [tilespmem:v47+s0+$0x0], $0xffff  }
0x26d: {  	v48 =	vadd.s32 $0x4000, v37;
	_ =	sdelay $0x3  }
0x26e: {  	[tilespmem:v20+s3+$0x0] =	vst.idx.msk $0xffff, v38  }
0x26f: {  	v38 =	vld.idx.msk [tilespmem:v48+s0+$0x0], $0xffff  }
0x270: {  	v49 =	vadd.s32 $0x4080, v37;
	_ =	sdelay $0x3  }
0x271: {  	[tilespmem:v21+s3+$0x0] =	vst.idx.msk $0xffff, v38  }
0x272: {  	v38 =	vld.idx.msk [tilespmem:v49+s0+$0x0], $0xffff  }
0x273: {  	v50 =	vadd.s32 $0x4100, v37;
	_ =	sdelay $0x3  }
0x274: {  	[tilespmem:v22+s3+$0x0] =	vst.idx.msk $0xffff, v38  }
0x275: {  	v38 =	vld.idx.msk [tilespmem:v50+s0+$0x0], $0xffff  }
0x276: {  	v51 =	vadd.s32 $0x4180, v37;
	_ =	sdelay $0x3  }
0x277: {  	[tilespmem:v23+s3+$0x0] =	vst.idx.msk $0xffff, v38  }
0x278: {  	v38 =	vld.idx.msk [tilespmem:v51+s0+$0x0], $0xffff  }
0x279: {  	v52 =	vadd.s32 $0x4200, v37;
	_ =	sdelay $0x3  }
0x27a: {  	[tilespmem:v24+s3+$0x0] =	vst.idx.msk $0xffff, v38  }
0x27b: {  	v38 =	vld.idx.msk [tilespmem:v52+s0+$0x0], $0xffff  }
0x27c: {  	v53 =	vadd.s32 $0x4280, v37;
	_ =	sdelay $0x3  }
0x27d: {  	[tilespmem:v25+s3+$0x0] =	vst.idx.msk $0xffff, v38  }
0x27e: {  	v38 =	vld.idx.msk [tilespmem:v53+s0+$0x0], $0xffff  }
0x27f: {  	v54 =	vadd.s32 $0x4300, v37;
	_ =	sdelay $0x3  }
0x280: {  	[tilespmem:v26+s3+$0x0] =	vst.idx.msk $0xffff, v38  }
0x281: {  	v38 =	vld.idx.msk [tilespmem:v54+s0+$0x0], $0xffff  }
0x282: {  	v55 =	vadd.s32 $0x4380, v37;
	_ =	sdelay $0x3  }
0x283: {  	[tilespmem:v27+s3+$0x0] =	vst.idx.msk $0xffff, v38  }
0x284: {  	v38 =	vld.idx.msk [tilespmem:v55+s0+$0x0], $0xffff  }
0x285: {  	v56 =	vadd.s32 $0x6000, v37;
	_ =	sdelay $0x3  }
0x286: {  	[tilespmem:v28+s3+$0x0] =	vst.idx.msk $0xffff, v38  }
0x287: {  	v38 =	vld.idx.msk [tilespmem:v56+s0+$0x0], $0xffff  }
0x288: {  	v57 =	vadd.s32 $0x6080, v37;
	_ =	sdelay $0x3  }
0x289: {  	[tilespmem:v29+s3+$0x0] =	vst.idx.msk $0xffff, v38  }
0x28a: {  	v38 =	vld.idx.msk [tilespmem:v57+s0+$0x0], $0xffff  }
0x28b: {  	v58 =	vadd.s32 $0x6100, v37;
	_ =	sdelay $0x3  }
0x28c: {  	[tilespmem:v30+s3+$0x0] =	vst.idx.msk $0xffff, v38  }
0x28d: {  	v38 =	vld.idx.msk [tilespmem:v58+s0+$0x0], $0xffff  }
0x28e: {  	v59 =	vadd.s32 $0x6180, v37;
	_ =	sdelay $0x3  }
0x28f: {  	[tilespmem:v31+s3+$0x0] =	vst.idx.msk $0xffff, v38  }
0x290: {  	v38 =	vld.idx.msk [tilespmem:v59+s0+$0x0], $0xffff  }
0x291: {  	v60 =	vadd.s32 $0x6200, v37;
	_ =	sdelay $0x3  }
0x292: {  	[tilespmem:v32+s3+$0x0] =	vst.idx.msk $0xffff, v38  }
0x293: {  	v38 =	vld.idx.msk [tilespmem:v60+s0+$0x0], $0xffff  }
0x294: {  	v61 =	vadd.s32 $0x6280, v37;
	_ =	sdelay $0x3  }
0x295: {  	[tilespmem:v33+s3+$0x0] =	vst.idx.msk $0xffff, v38  }
0x296: {  	v38 =	vld.idx.msk [tilespmem:v61+s0+$0x0], $0xffff  }
0x297: {  	v62 =	vadd.s32 $0x6300, v37;
	_ =	sdelay $0x3  }
0x298: {  	[tilespmem:v34+s3+$0x0] =	vst.idx.msk $0xffff, v38  }
0x299: {  	v38 =	vld.idx.msk [tilespmem:v62+s0+$0x0], $0xffff  }
0x29a: {  	v37 =	vadd.s32 $0x6380, v37;
	_ =	sdelay $0x3  }
0x29b: {  	[tilespmem:v35+s3+$0x0] =	vst.idx.msk $0xffff, v38  }
0x29c: {  	v37 =	vld.idx.msk [tilespmem:v37+s0+$0x0], $0xffff;
	_ =	sdelay $0x1  }
0x29d: {  	v63 =	vnsel vm1, $0xFFFFFFFF, v40;
	_ =	sdelay $0x2  }
0x29e: {  	[tilespmem:v36+s3+$0x0] =	vst.idx.msk $0xffff, v37;
	(ifvalue) =	ssetifvalue $0xFFFFFFFF  }
.Ltmp27:
0x29f: {  	(ifvalue) =	ssetifvalue $0xFFFFFFFF;
	(pc) =	sbr.rel .LBB2_29-.Ltmp27, $4  }
0x2a0: {  	[hbm4b:s7+s5] =	stream.indirect_vreg.scatter [tilespmem:s3], [sflag:$0x2], $0x80, v63, vm0, $0x40b8;
	[tilespmem:$0x1C880] =	vst v63  }
0x2a1: {  	_ =	swait.ge [sflag:s1], $0x800  }
0x2a2: {  	[sflag:s1] =	ssyncset.done $0x0  }
0x2a3: {  	[sflag:s1] =	ssyncadd.s32 $0xFFFFF800  }
.LBB2_31:
0x2a4: {  	_ =	sfence.sel $0x180000  }
0x2a5: {  	[bflag:$0x0] =	sbarrier.arrive $0xFFFF  }
0x2a6: {  	_ =	strace $0x90000047  }
0x2a7: {  	s0 =	stileid.u32;
	[bflag:$0x2] =	sbarrier.arrive $0xFFFF  }
0x2a8: {  	p0 =	sne.s32 s0, $0x0;
	s0 =	rddreg [dreg:$0x5]  }
0x2a9: {  	s0 =	sadd.s32 @!p0 $0x100000, s0  }
0x2aa: {  	[sflag:s0] =	ssyncadd.tile.s32 @!p0 $0x1;
	_ =	shalt  }
.Lfunc_end2:
_tile_overlayer_lowered:
.L_overlay_start_2:
0x2ab: {  	(tag) =	ssettag $0x2  }
0x2ac: {  	s0 =	rddreg [dreg:$0x0];
	s2 =	stileid.u32  }
0x2ad: {  	s1 =	rddreg [dreg:$0x1];
	p0 =	sne.s32 s2, $0x0  }
0x2ae: {  	s3 =	rddreg [dreg:$0x2];
	[bflag:$0x3] =	sbarrier.arrive $0xFFFF;
	s2 =	simm.s32 @!p0 $0x1C03  }
0x2af: {  	[timem:s3], [sflag:s2] =	dma.local @!p0 [hbm:s0], s1  }
0x2b0: {  	s0 =	simm.s32 @!p0 $0x3  }
0x2b1: {  	_ =	swait.ge @!p0 [sflag:s0], s1  }
0x2b2: {  	s1 =	ssub.s32 @!p0 $0x0, s1;
	[sflag:s0] =	ssyncset.done @!p0 $0x0  }
0x2b3: {  	[sflag:s0] =	ssyncadd.s32 @!p0 s1  }
0x2b4: {  	[bflag:$0x3] =	sbarrier.arrive $0xFFFF  }
0x2b5: {  	_ =	shalt  }

</sc_bundles>
